<compile_context>
chip_gen: v7x
topology: tpu7x:2x2x1
jax: 0.10.2.dev20260603
libtpu: 0.0.44.dev20260713+nightly
codegen_flags: <defaults>
</compile_context>

<pallas_src>
import functools

import jax
import jax.numpy as jnp
from jax import lax
from jax.experimental import pallas as pl
from jax.experimental.pallas import tpu as pltpu
from jax.experimental.pallas import tpu_sc as plsc

N_NODES = 10000
N_PAD = 10016
N_EDGES = 160000
E_PAD = 163840
NUM_THETAS = 16
BUMP_STEPS = 16
NUM_GRAPHS = 32
SB = BUMP_STEPS * NUM_THETAS
SCALE = 500.0

NW = 32
EW = E_PAD // NW
CHUNK = 1280
NROUND = EW // CHUNK
BE = 8192
BEP = BE * 16 // 128
JP = 128 // NUM_THETAS
SBJ = SB * JP


def _repeat_mat():
    row = lax.broadcasted_iota(jnp.int32, (NUM_THETAS, SB), 0)
    col = lax.broadcasted_iota(jnp.int32, (NUM_THETAS, SB), 1)
    return (col % NUM_THETAS == row).astype(jnp.float32)


def _node_body(x_ref, v_ref, b_ref, lin_ref, nh_ref, acc_ref, st_ref):
    nh = jnp.dot(x_ref[...], v_ref[...], preferred_element_type=jnp.float32)
    nh_ref[0:N_NODES, :] = nh
    nh_ref[N_NODES:N_PAD, :] = jnp.zeros((N_PAD - N_NODES, NUM_THETAS),
                                         jnp.float32)
    vals = jnp.dot(nh, _repeat_mat(),
                   preferred_element_type=jnp.float32)
    sig = 1.0 / (1.0 + jnp.exp(SCALE * (vals - lin_ref[...])))
    iota_g = lax.broadcasted_iota(jnp.int32, (1, NUM_GRAPHS), 1)
    oh = (b_ref[...] == iota_g).astype(jnp.float32)
    acc_ref[...] = lax.dot_general(
        oh, sig, (((0,), (0,)), ((), ())),
        preferred_element_type=jnp.float32)
    le = (b_ref[...] <= iota_g).astype(jnp.float32)
    ends = jnp.sum(le, axis=0, keepdims=True)
    counts = jnp.sum(oh, axis=0, keepdims=True)
    st_ref[...] = jnp.concatenate([ends - counts, ends], axis=0)


@functools.cache
def _build_sc_gather():
    mesh = plsc.VectorSubcoreMesh(core_axis_name="c", subcore_axis_name="s")

    @functools.partial(
        pl.kernel,
        mesh=mesh,
        compiler_params=pltpu.CompilerParams(use_tc_tiling_on_sc=False),
        out_type=jax.ShapeDtypeStruct((E_PAD // JP, 128), jnp.float32),
        scratch_types=[
            pltpu.VMEM((2, CHUNK), jnp.int32),
            pltpu.VMEM((2, CHUNK), jnp.int32),
            pltpu.VMEM((2, CHUNK, 16), jnp.float32),
            pltpu.VMEM((2, CHUNK, 16), jnp.float32),
            pltpu.VMEM((CHUNK // JP, 128), jnp.float32),
            pltpu.SemaphoreType.DMA,
            pltpu.SemaphoreType.DMA,
            pltpu.SemaphoreType.DMA,
            pltpu.SemaphoreType.DMA,
        ],
    )
    def _sc_gather(u_hbm, w_hbm, nh_hbm, eh_hbm,
                   iu_v, iw_v, ru_v, rw_v, fl_v, su0, sw0, su1, sw1):
        cid = lax.axis_index("c")
        sid = lax.axis_index("s")
        sems = ((su0, sw0), (su1, sw1))

        def run(base, nround):
            def fire(r, slot):
                off = base + r * CHUNK
                pltpu.sync_copy(u_hbm.at[pl.ds(off, CHUNK)], iu_v.at[slot])
                pltpu.sync_copy(w_hbm.at[pl.ds(off, CHUNK)], iw_v.at[slot])
                cu = pltpu.async_copy(nh_hbm.at[iu_v.at[slot]],
                                      ru_v.at[slot], sems[slot][0])
                cw = pltpu.async_copy(nh_hbm.at[iw_v.at[slot]],
                                      rw_v.at[slot], sems[slot][1])
                return cu, cw

            pend = fire(0, 0)
            for r in range(nround):
                slot = r % 2
                cu, cw = pend
                if r + 1 < nround:
                    nxt = fire(r + 1, (r + 1) % 2)
                cu.wait()
                cw.wait()

                def _mx(i, c, _slot=slot):
                    for k in range(JP):
                        j = i * JP + k
                        fl_v[i, pl.ds(k * NUM_THETAS, NUM_THETAS)] = (
                            jnp.maximum(ru_v[_slot, j], rw_v[_slot, j]))
                    return c

                lax.fori_loop(0, CHUNK // JP, _mx, 0)
                row = (base + r * CHUNK) // JP
                pltpu.sync_copy(fl_v, eh_hbm.at[pl.ds(row, CHUNK // JP)])
                if r + 1 < nround:
                    pend = nxt

        pair = sid * (2 * EW)

        @pl.when(cid == 0)
        def _():
            run(pair, 2 * NROUND - 2)

        @pl.when(cid != 0)
        def _():
            run(pair + (2 * NROUND - 2) * CHUNK, 2)

    return _sc_gather


def _edge_body(nacc_ref, eh_ref, u8_ref, stp_ref, lin16_ref, out_ref,
               acc_ref):
    i32 = jnp.int32
    f32 = jnp.float32
    m2 = eh_ref[...]
    pieces = [
        1.0 / (1.0 + jnp.exp(SCALE * (m2 - lin16_ref[0, s])))
        for s in range(BUMP_STEPS)
    ]
    sigP = jnp.concatenate(pieces, axis=1)
    u8f = u8_ref[...]
    st0 = stp_ref[0:1, 0:NUM_GRAPHS]
    st1 = stp_ref[1:2, 0:NUM_GRAPHS]
    ohs = []
    for j in range(JP):
        uj = u8f[:, j:j + 1]
        ohs.append(((uj >= st0 - 0.5) & (uj < st1 - 0.5)).astype(f32))
    ohp = jnp.concatenate(ohs, axis=1)
    c = lax.dot_general(ohp, sigP, (((0,), (0,)), ((), ())),
                        preferred_element_type=f32)

    @pl.when(pl.program_id(0) == 0)
    def _():
        acc_ref[...] = c

    @pl.when(pl.program_id(0) != 0)
    def _():
        acc_ref[...] = acc_ref[...] + c

    @pl.when(pl.program_id(0) == pl.num_programs(0) - 1)
    def _():
        cols = []
        for s in range(BUMP_STEPS):
            blk = acc_ref[0:NUM_GRAPHS,
                          s * 128:s * 128 + NUM_THETAS]
            for j in range(1, JP):
                blk = blk + acc_ref[j * NUM_GRAPHS:(j + 1) * NUM_GRAPHS,
                                    s * 128 + j * NUM_THETAS:
                                    s * 128 + (j + 1) * NUM_THETAS]
            cols.append(blk)
        out_ref[...] = nacc_ref[...] - jnp.concatenate(cols, axis=1)


def kernel(x, edge_index, batch, v, lin):
    f32 = jnp.float32
    i32 = jnp.int32
    ei_pad = jnp.concatenate(
        [edge_index.astype(i32),
         jnp.full((2, E_PAD - N_EDGES), N_NODES, i32)], axis=1)
    u_flat = ei_pad[0]
    w_flat = ei_pad[1]
    linrep = jnp.repeat(lin.reshape(BUMP_STEPS).astype(f32),
                        NUM_THETAS).reshape(1, SB)
    lin_p = jnp.concatenate([linrep] * JP, axis=1)

    nh_ext, nodeacc, st = pl.pallas_call(
        _node_body,
        out_shape=[
            jax.ShapeDtypeStruct((N_PAD, NUM_THETAS), f32),
            jax.ShapeDtypeStruct((NUM_GRAPHS, SB), f32),
            jax.ShapeDtypeStruct((2, NUM_GRAPHS), f32),
        ],
    )(x, v, batch.reshape(N_NODES, 1), linrep)

    eh = _build_sc_gather()(u_flat, w_flat, nh_ext)

    u8 = u_flat.astype(f32).reshape(E_PAD // JP, JP)
    stp = jnp.tile(st, (1, JP))
    lin16 = lin.reshape(1, BUMP_STEPS).astype(f32)
    out = pl.pallas_call(
        _edge_body,
        grid=(E_PAD // BE,),
        in_specs=[
            pl.BlockSpec((NUM_GRAPHS, SB), lambda i: (0, 0)),
            pl.BlockSpec((BEP, 128), lambda i: (i, 0)),
            pl.BlockSpec((BE // JP, JP), lambda i: (i, 0)),
            pl.BlockSpec((2, SB), lambda i: (0, 0)),
            pl.BlockSpec((1, BUMP_STEPS), lambda i: (0, 0)),
        ],
        out_specs=pl.BlockSpec((NUM_GRAPHS, SB), lambda i: (0, 0)),
        out_shape=jax.ShapeDtypeStruct((NUM_GRAPHS, SB), f32),
        scratch_shapes=[pltpu.VMEM((JP * NUM_GRAPHS, SBJ), f32)],
    )(nodeacc, eh, u8, stp, lin16)

    return out.reshape(NUM_GRAPHS, BUMP_STEPS, NUM_THETAS)

# --- scband reference (transcript-rebuilt; emitter-appended) ---
"""Pipeline reference for scband-ect-layer-39994735461117 (READ-ONLY COPY).

The authoritative reference and input builder live on the scoring server;
editing this copy changes nothing except your own understanding.
"""

import jax, jax.numpy as jnp
import numpy as np

N_NODES = 10000
N_EDGES = 160000
NUM_FEATURES = 128
NUM_THETAS = 16
BUMP_STEPS = 16
NUM_GRAPHS = 32
R = 1.0

def setup_inputs(seed: int = 0) -> dict:
    key = jax.random.key(seed)
    k1, k2, k3, k4 = jax.random.split(key, 4)
    x = jax.random.normal(k1, (N_NODES, NUM_FEATURES), dtype=jnp.float32)
    edge_index = jax.random.randint(k2, (2, N_EDGES), 0, N_NODES, dtype=jnp.int32)
    batch = jnp.sort(jax.random.randint(k3, (N_NODES,), 0, NUM_GRAPHS, dtype=jnp.int32))
    # learned/buffer params sized per init_kwargs, matching torch init exactly
    v = jax.random.uniform(k4, (NUM_FEATURES, NUM_THETAS), dtype=jnp.float32) - 0.5
    v = v / jnp.sqrt(jnp.sum(v * v, axis=0, keepdims=True))  # columns (directions) normalized, as in torch
    lin = jnp.linspace(-R, R, BUMP_STEPS, dtype=jnp.float32).reshape(-1, 1, 1)
    return {"x": x, "edge_index": edge_index, "batch": batch, "v": v, "lin": lin}

def compute_ecc(nh, index, lin, out):
    # lin: [S,1,1], nh: [M,T] -> ecc: [S,M,T]; scatter-add along graph axis (dim 1 of out)
    ecc = jax.nn.sigmoid(500.0 * (lin - nh))
    return jnp.moveaxis(out.at[:, index, :].add(ecc), 0, 1)

def reference(x, edge_index, batch, v, lin):
    # ect_type == 'edges', normalized == False
    num_graphs = NUM_GRAPHS
    out = jnp.zeros((BUMP_STEPS, num_graphs, NUM_THETAS), dtype=jnp.float32)
    nh = x @ v                                  # [N, T]
    eh = jnp.max(nh[edge_index], axis=0)        # gather [2,E,T] -> max over endpoints -> [E, T]
    ecc_nodes = compute_ecc(nh, batch, lin, out)
    ecc_edges = compute_ecc(eh, batch[edge_index[0]], lin, out)
    return ecc_nodes - ecc_edges

if __name__ == "__main__":
    import jax
    _d = setup_inputs()
    print(jax.jit(kernel)(*tuple(_d.values())))

</pallas_src>

<mosaic_0001>
#map = affine_map<(d0, d1) -> (0)>
#map1 = affine_map<(d0, d1) -> (0, 0)>
module attributes {stable_mosaic.version = 14 : i64} {
  func.func @_sc_gather(%arg0: i32, %arg1: i32, %arg2: memref<163840xi32, #tpu.memory_space<hbm>>, %arg3: memref<163840xi32, #tpu.memory_space<hbm>>, %arg4: memref<10016x16xf32, #tpu.memory_space<hbm>>, %arg5: memref<20480x128xf32, #tpu.memory_space<hbm>>, %arg6: memref<2x1280xi32, #tpu.memory_space<vmem>>, %arg7: memref<2x1280xi32, #tpu.memory_space<vmem>>, %arg8: memref<2x1280x16xf32, #tpu.memory_space<vmem>>, %arg9: memref<2x1280x16xf32, #tpu.memory_space<vmem>>, %arg10: memref<160x128xf32, #tpu.memory_space<vmem>>, %arg11: memref<!tpu.dma_semaphore, #tpu.memory_space<semaphore_mem>>, %arg12: memref<!tpu.dma_semaphore, #tpu.memory_space<semaphore_mem>>, %arg13: memref<!tpu.dma_semaphore, #tpu.memory_space<semaphore_mem>>, %arg14: memref<!tpu.dma_semaphore, #tpu.memory_space<semaphore_mem>>) attributes {dimension_semantics = [#tpu.dimension_semantics<core_parallel>, #tpu.dimension_semantics<subcore_parallel>], iteration_bounds = array<i64: 2, 16>, scalar_prefetch = 0 : i64, scratch_operands = 9 : i64, tpu.core_type = #tpu.core_type<sc_vector_subcore>, window_params = [{transform_indices = #map}, {transform_indices = #map}, {transform_indices = #map1}, {transform_indices = #map1}]} {
    %mul3A = arith.constant 10240 : i32
    %mul3A_0 = arith.muli %arg1, %mul3A : i32
    %eq3A = arith.constant 0 : i32
    %eq3A_1 = arith.cmpi eq, %arg0, %eq3A : i32
    %convert_element_type3A = arith.extui %eq3A_1 : i1 to i32
    %cond3A = arith.constant 0 : i32
    %cond3A_2 = arith.cmpi ne, %convert_element_type3A, %cond3A : i32
    scf.if %cond3A_2 {
      %add3A = arith.constant 0 : i32
      %add3A_7 = arith.addi %mul3A_0, %add3A : i32
      %run_scoped3A = arith.constant 0 : i32
      "tpu.region"() ({
        %run_scoped3A_499 = tpu.sem_alloc : memref<!tpu.dma_semaphore, #tpu.memory_space<semaphore_mem>>
        %dma_start3A_500 = arith.constant 0 : i32
        %dma_start3A_501 = tpu.memref_slice %arg6[%run_scoped3A, %dma_start3A_500] : memref<2x1280xi32, #tpu.memory_space<vmem>> -> memref<1x1280xi32, #tpu.memory_space<vmem>>
        %dma_start3A_502 = tpu.memref_squeeze %dma_start3A_501 : memref<1x1280xi32, #tpu.memory_space<vmem>> -> memref<1280xi32, #tpu.memory_space<vmem>>
        %dma_start3A_503 = tpu.memref_slice %arg2[%add3A_7] : memref<163840xi32, #tpu.memory_space<hbm>> -> memref<1280xi32, #tpu.memory_space<hbm>>
        %dma_start3A_504 = arith.constant 0 : i32
        %dma_start3A_505 = tpu.memref_slice %arg6[%run_scoped3A, %dma_start3A_504] : memref<2x1280xi32, #tpu.memory_space<vmem>> -> memref<1x1280xi32, #tpu.memory_space<vmem>>
        %dma_start3A_506 = tpu.memref_squeeze %dma_start3A_505 : memref<1x1280xi32, #tpu.memory_space<vmem>> -> memref<1280xi32, #tpu.memory_space<vmem>>
        %dma_start3A_507 = tpu.memref_slice %arg2[%add3A_7] : memref<163840xi32, #tpu.memory_space<hbm>> -> memref<1280xi32, #tpu.memory_space<hbm>>
        tpu.enqueue_dma source(%dma_start3A_507 : memref<1280xi32, #tpu.memory_space<hbm>>) target(%dma_start3A_506 : memref<1280xi32, #tpu.memory_space<vmem>>) target_semaphore(%run_scoped3A_499 : memref<!tpu.dma_semaphore, #tpu.memory_space<semaphore_mem>>)
        %dma_wait3A_508 = arith.constant 0 : i32
        %dma_wait3A_509 = tpu.memref_slice %arg6[%run_scoped3A, %dma_wait3A_508] : memref<2x1280xi32, #tpu.memory_space<vmem>> -> memref<1x1280xi32, #tpu.memory_space<vmem>>
        %dma_wait3A_510 = tpu.memref_squeeze %dma_wait3A_509 : memref<1x1280xi32, #tpu.memory_space<vmem>> -> memref<1280xi32, #tpu.memory_space<vmem>>
        %dma_wait3A_511 = tpu.memref_slice %arg2[%add3A_7] : memref<163840xi32, #tpu.memory_space<hbm>> -> memref<1280xi32, #tpu.memory_space<hbm>>
        %dma_wait3A_512 = arith.constant 0 : i32
        %dma_wait3A_513 = tpu.memref_slice %arg6[%run_scoped3A, %dma_wait3A_512] : memref<2x1280xi32, #tpu.memory_space<vmem>> -> memref<1x1280xi32, #tpu.memory_space<vmem>>
        %dma_wait3A_514 = tpu.memref_squeeze %dma_wait3A_513 : memref<1x1280xi32, #tpu.memory_space<vmem>> -> memref<1280xi32, #tpu.memory_space<vmem>>
        %dma_wait3A_515 = tpu.memref_slice %arg2[%add3A_7] : memref<163840xi32, #tpu.memory_space<hbm>> -> memref<1280xi32, #tpu.memory_space<hbm>>
        tpu.wait_dma2 semaphore(%run_scoped3A_499 : memref<!tpu.dma_semaphore, #tpu.memory_space<semaphore_mem>>) src(%dma_wait3A_515 : memref<1280xi32, #tpu.memory_space<hbm>>) dst(%dma_wait3A_514 : memref<1280xi32, #tpu.memory_space<vmem>>)
        tpu.yield
      }) : () -> ()
      %run_scoped3A_8 = arith.constant 0 : i32
      "tpu.region"() ({
        %run_scoped3A_499 = tpu.sem_alloc : memref<!tpu.dma_semaphore, #tpu.memory_space<semaphore_mem>>
        %dma_start3A_500 = arith.constant 0 : i32
        %dma_start3A_501 = tpu.memref_slice %arg7[%run_scoped3A_8, %dma_start3A_500] : memref<2x1280xi32, #tpu.memory_space<vmem>> -> memref<1x1280xi32, #tpu.memory_space<vmem>>
        %dma_start3A_502 = tpu.memref_squeeze %dma_start3A_501 : memref<1x1280xi32, #tpu.memory_space<vmem>> -> memref<1280xi32, #tpu.memory_space<vmem>>
        %dma_start3A_503 = tpu.memref_slice %arg3[%add3A_7] : memref<163840xi32, #tpu.memory_space<hbm>> -> memref<1280xi32, #tpu.memory_space<hbm>>
        %dma_start3A_504 = arith.constant 0 : i32
        %dma_start3A_505 = tpu.memref_slice %arg7[%run_scoped3A_8, %dma_start3A_504] : memref<2x1280xi32, #tpu.memory_space<vmem>> -> memref<1x1280xi32, #tpu.memory_space<vmem>>
        %dma_start3A_506 = tpu.memref_squeeze %dma_start3A_505 : memref<1x1280xi32, #tpu.memory_space<vmem>> -> memref<1280xi32, #tpu.memory_space<vmem>>
        %dma_start3A_507 = tpu.memref_slice %arg3[%add3A_7] : memref<163840xi32, #tpu.memory_space<hbm>> -> memref<1280xi32, #tpu.memory_space<hbm>>
        tpu.enqueue_dma source(%dma_start3A_507 : memref<1280xi32, #tpu.memory_space<hbm>>) target(%dma_start3A_506 : memref<1280xi32, #tpu.memory_space<vmem>>) target_semaphore(%run_scoped3A_499 : memref<!tpu.dma_semaphore, #tpu.memory_space<semaphore_mem>>)
        %dma_wait3A_508 = arith.constant 0 : i32
        %dma_wait3A_509 = tpu.memref_slice %arg7[%run_scoped3A_8, %dma_wait3A_508] : memref<2x1280xi32, #tpu.memory_space<vmem>> -> memref<1x1280xi32, #tpu.memory_space<vmem>>
        %dma_wait3A_510 = tpu.memref_squeeze %dma_wait3A_509 : memref<1x1280xi32, #tpu.memory_space<vmem>> -> memref<1280xi32, #tpu.memory_space<vmem>>
        %dma_wait3A_511 = tpu.memref_slice %arg3[%add3A_7] : memref<163840xi32, #tpu.memory_space<hbm>> -> memref<1280xi32, #tpu.memory_space<hbm>>
        %dma_wait3A_512 = arith.constant 0 : i32
        %dma_wait3A_513 = tpu.memref_slice %arg7[%run_scoped3A_8, %dma_wait3A_512] : memref<2x1280xi32, #tpu.memory_space<vmem>> -> memref<1x1280xi32, #tpu.memory_space<vmem>>
        %dma_wait3A_514 = tpu.memref_squeeze %dma_wait3A_513 : memref<1x1280xi32, #tpu.memory_space<vmem>> -> memref<1280xi32, #tpu.memory_space<vmem>>
        %dma_wait3A_515 = tpu.memref_slice %arg3[%add3A_7] : memref<163840xi32, #tpu.memory_space<hbm>> -> memref<1280xi32, #tpu.memory_space<hbm>>
        tpu.wait_dma2 semaphore(%run_scoped3A_499 : memref<!tpu.dma_semaphore, #tpu.memory_space<semaphore_mem>>) src(%dma_wait3A_515 : memref<1280xi32, #tpu.memory_space<hbm>>) dst(%dma_wait3A_514 : memref<1280xi32, #tpu.memory_space<vmem>>)
        tpu.yield
      }) : () -> ()
      %dma_start3A = arith.constant 0 : i32
      %dma_start3A_9 = arith.constant 0 : i32
      %dma_start3A_10 = arith.constant 0 : i32
      %dma_start3A_11 = arith.constant 0 : i32
      %dma_start3A_12 = tpu.memref_slice %arg8[%dma_start3A_9, %dma_start3A_10, %dma_start3A_11] : memref<2x1280x16xf32, #tpu.memory_space<vmem>> -> memref<1x1280x16xf32, #tpu.memory_space<vmem>>
      %dma_start3A_13 = tpu.memref_squeeze %dma_start3A_12 : memref<1x1280x16xf32, #tpu.memory_space<vmem>> -> memref<1280x16xf32, #tpu.memory_space<vmem>>
      %dma_start3A_14 = arith.constant 0 : i32
      %dma_start3A_15 = tpu.memref_slice %arg6[%dma_start3A, %dma_start3A_14] : memref<2x1280xi32, #tpu.memory_space<vmem>> -> memref<1x1280xi32, #tpu.memory_space<vmem>>
      %dma_start3A_16 = tpu.memref_squeeze %dma_start3A_15 : memref<1x1280xi32, #tpu.memory_space<vmem>> -> memref<1280xi32, #tpu.memory_space<vmem>>
      %dma_start3A_17 = arith.constant 0 : i32
      %dma_start3A_18 = arith.constant 0 : i32
      %dma_start3A_19 = tpu.memref_slice %arg4[%dma_start3A_17, %dma_start3A_18] : memref<10016x16xf32, #tpu.memory_space<hbm>> -> memref<10016x16xf32, #tpu.memory_space<hbm>>
      tpu.enqueue_indirect_dma source(%dma_start3A_19 : memref<10016x16xf32, #tpu.memory_space<hbm>>) target(%dma_start3A_13 : memref<1280x16xf32, #tpu.memory_space<vmem>>) offsets(%dma_start3A_16 : memref<1280xi32, #tpu.memory_space<vmem>>) semaphore(%arg11 : memref<!tpu.dma_semaphore, #tpu.memory_space<semaphore_mem>>)
      %dma_start3A_20 = arith.constant 0 : i32
      %dma_start3A_21 = arith.constant 0 : i32
      %dma_start3A_22 = arith.constant 0 : i32
      %dma_start3A_23 = arith.constant 0 : i32
      %dma_start3A_24 = tpu.memref_slice %arg9[%dma_start3A_21, %dma_start3A_22, %dma_start3A_23] : memref<2x1280x16xf32, #tpu.memory_space<vmem>> -> memref<1x1280x16xf32, #tpu.memory_space<vmem>>
      %dma_start3A_25 = tpu.memref_squeeze %dma_start3A_24 : memref<1x1280x16xf32, #tpu.memory_space<vmem>> -> memref<1280x16xf32, #tpu.memory_space<vmem>>
      %dma_start3A_26 = arith.constant 0 : i32
      %dma_start3A_27 = tpu.memref_slice %arg7[%dma_start3A_20, %dma_start3A_26] : memref<2x1280xi32, #tpu.memory_space<vmem>> -> memref<1x1280xi32, #tpu.memory_space<vmem>>
      %dma_start3A_28 = tpu.memref_squeeze %dma_start3A_27 : memref<1x1280xi32, #tpu.memory_space<vmem>> -> memref<1280xi32, #tpu.memory_space<vmem>>
      %dma_start3A_29 = arith.constant 0 : i32
      %dma_start3A_30 = arith.constant 0 : i32
      %dma_start3A_31 = tpu.memref_slice %arg4[%dma_start3A_29, %dma_start3A_30] : memref<10016x16xf32, #tpu.memory_space<hbm>> -> memref<10016x16xf32, #tpu.memory_space<hbm>>
      tpu.enqueue_indirect_dma source(%dma_start3A_31 : memref<10016x16xf32, #tpu.memory_space<hbm>>) target(%dma_start3A_25 : memref<1280x16xf32, #tpu.memory_space<vmem>>) offsets(%dma_start3A_28 : memref<1280xi32, #tpu.memory_space<vmem>>) semaphore(%arg12 : memref<!tpu.dma_semaphore, #tpu.memory_space<semaphore_mem>>)
      %add3A_32 = arith.constant 1280 : i32
      %add3A_33 = arith.addi %mul3A_0, %add3A_32 : i32
      %run_scoped3A_34 = arith.constant 1 : i32
      "tpu.region"() ({
        %run_scoped3A_499 = tpu.sem_alloc : memref<!tpu.dma_semaphore, #tpu.memory_space<semaphore_mem>>
        %dma_start3A_500 = arith.constant 0 : i32
        %dma_start3A_501 = tpu.memref_slice %arg6[%run_scoped3A_34, %dma_start3A_500] : memref<2x1280xi32, #tpu.memory_space<vmem>> -> memref<1x1280xi32, #tpu.memory_space<vmem>>
        %dma_start3A_502 = tpu.memref_squeeze %dma_start3A_501 : memref<1x1280xi32, #tpu.memory_space<vmem>> -> memref<1280xi32, #tpu.memory_space<vmem>>
        %dma_start3A_503 = tpu.memref_slice %arg2[%add3A_33] : memref<163840xi32, #tpu.memory_space<hbm>> -> memref<1280xi32, #tpu.memory_space<hbm>>
        %dma_start3A_504 = arith.constant 0 : i32
        %dma_start3A_505 = tpu.memref_slice %arg6[%run_scoped3A_34, %dma_start3A_504] : memref<2x1280xi32, #tpu.memory_space<vmem>> -> memref<1x1280xi32, #tpu.memory_space<vmem>>
        %dma_start3A_506 = tpu.memref_squeeze %dma_start3A_505 : memref<1x1280xi32, #tpu.memory_space<vmem>> -> memref<1280xi32, #tpu.memory_space<vmem>>
        %dma_start3A_507 = tpu.memref_slice %arg2[%add3A_33] : memref<163840xi32, #tpu.memory_space<hbm>> -> memref<1280xi32, #tpu.memory_space<hbm>>
        tpu.enqueue_dma source(%dma_start3A_507 : memref<1280xi32, #tpu.memory_space<hbm>>) target(%dma_start3A_506 : memref<1280xi32, #tpu.memory_space<vmem>>) target_semaphore(%run_scoped3A_499 : memref<!tpu.dma_semaphore, #tpu.memory_space<semaphore_mem>>)
        %dma_wait3A_508 = arith.constant 0 : i32
        %dma_wait3A_509 = tpu.memref_slice %arg6[%run_scoped3A_34, %dma_wait3A_508] : memref<2x1280xi32, #tpu.memory_space<vmem>> -> memref<1x1280xi32, #tpu.memory_space<vmem>>
        %dma_wait3A_510 = tpu.memref_squeeze %dma_wait3A_509 : memref<1x1280xi32, #tpu.memory_space<vmem>> -> memref<1280xi32, #tpu.memory_space<vmem>>
        %dma_wait3A_511 = tpu.memref_slice %arg2[%add3A_33] : memref<163840xi32, #tpu.memory_space<hbm>> -> memref<1280xi32, #tpu.memory_space<hbm>>
        %dma_wait3A_512 = arith.constant 0 : i32
        %dma_wait3A_513 = tpu.memref_slice %arg6[%run_scoped3A_34, %dma_wait3A_512] : memref<2x1280xi32, #tpu.memory_space<vmem>> -> memref<1x1280xi32, #tpu.memory_space<vmem>>
        %dma_wait3A_514 = tpu.memref_squeeze %dma_wait3A_513 : memref<1x1280xi32, #tpu.memory_space<vmem>> -> memref<1280xi32, #tpu.memory_space<vmem>>
        %dma_wait3A_515 = tpu.memref_slice %arg2[%add3A_33] : memref<163840xi32, #tpu.memory_space<hbm>> -> memref<1280xi32, #tpu.memory_space<hbm>>
        tpu.wait_dma2 semaphore(%run_scoped3A_499 : memref<!tpu.dma_semaphore, #tpu.memory_space<semaphore_mem>>) src(%dma_wait3A_515 : memref<1280xi32, #tpu.memory_space<hbm>>) dst(%dma_wait3A_514 : memref<1280xi32, #tpu.memory_space<vmem>>)
        tpu.yield
      }) : () -> ()
      %run_scoped3A_35 = arith.constant 1 : i32
      "tpu.region"() ({
        %run_scoped3A_499 = tpu.sem_alloc : memref<!tpu.dma_semaphore, #tpu.memory_space<semaphore_mem>>
        %dma_start3A_500 = arith.constant 0 : i32
        %dma_start3A_501 = tpu.memref_slice %arg7[%run_scoped3A_35, %dma_start3A_500] : memref<2x1280xi32, #tpu.memory_space<vmem>> -> memref<1x1280xi32, #tpu.memory_space<vmem>>
        %dma_start3A_502 = tpu.memref_squeeze %dma_start3A_501 : memref<1x1280xi32, #tpu.memory_space<vmem>> -> memref<1280xi32, #tpu.memory_space<vmem>>
        %dma_start3A_503 = tpu.memref_slice %arg3[%add3A_33] : memref<163840xi32, #tpu.memory_space<hbm>> -> memref<1280xi32, #tpu.memory_space<hbm>>
        %dma_start3A_504 = arith.constant 0 : i32
        %dma_start3A_505 = tpu.memref_slice %arg7[%run_scoped3A_35, %dma_start3A_504] : memref<2x1280xi32, #tpu.memory_space<vmem>> -> memref<1x1280xi32, #tpu.memory_space<vmem>>
        %dma_start3A_506 = tpu.memref_squeeze %dma_start3A_505 : memref<1x1280xi32, #tpu.memory_space<vmem>> -> memref<1280xi32, #tpu.memory_space<vmem>>
        %dma_start3A_507 = tpu.memref_slice %arg3[%add3A_33] : memref<163840xi32, #tpu.memory_space<hbm>> -> memref<1280xi32, #tpu.memory_space<hbm>>
        tpu.enqueue_dma source(%dma_start3A_507 : memref<1280xi32, #tpu.memory_space<hbm>>) target(%dma_start3A_506 : memref<1280xi32, #tpu.memory_space<vmem>>) target_semaphore(%run_scoped3A_499 : memref<!tpu.dma_semaphore, #tpu.memory_space<semaphore_mem>>)
        %dma_wait3A_508 = arith.constant 0 : i32
        %dma_wait3A_509 = tpu.memref_slice %arg7[%run_scoped3A_35, %dma_wait3A_508] : memref<2x1280xi32, #tpu.memory_space<vmem>> -> memref<1x1280xi32, #tpu.memory_space<vmem>>
        %dma_wait3A_510 = tpu.memref_squeeze %dma_wait3A_509 : memref<1x1280xi32, #tpu.memory_space<vmem>> -> memref<1280xi32, #tpu.memory_space<vmem>>
        %dma_wait3A_511 = tpu.memref_slice %arg3[%add3A_33] : memref<163840xi32, #tpu.memory_space<hbm>> -> memref<1280xi32, #tpu.memory_space<hbm>>
        %dma_wait3A_512 = arith.constant 0 : i32
        %dma_wait3A_513 = tpu.memref_slice %arg7[%run_scoped3A_35, %dma_wait3A_512] : memref<2x1280xi32, #tpu.memory_space<vmem>> -> memref<1x1280xi32, #tpu.memory_space<vmem>>
        %dma_wait3A_514 = tpu.memref_squeeze %dma_wait3A_513 : memref<1x1280xi32, #tpu.memory_space<vmem>> -> memref<1280xi32, #tpu.memory_space<vmem>>
        %dma_wait3A_515 = tpu.memref_slice %arg3[%add3A_33] : memref<163840xi32, #tpu.memory_space<hbm>> -> memref<1280xi32, #tpu.memory_space<hbm>>
        tpu.wait_dma2 semaphore(%run_scoped3A_499 : memref<!tpu.dma_semaphore, #tpu.memory_space<semaphore_mem>>) src(%dma_wait3A_515 : memref<1280xi32, #tpu.memory_space<hbm>>) dst(%dma_wait3A_514 : memref<1280xi32, #tpu.memory_space<vmem>>)
        tpu.yield
      }) : () -> ()
      %dma_start3A_36 = arith.constant 1 : i32
      %dma_start3A_37 = arith.constant 1 : i32
      %dma_start3A_38 = arith.constant 0 : i32
      %dma_start3A_39 = arith.constant 0 : i32
      %dma_start3A_40 = tpu.memref_slice %arg8[%dma_start3A_37, %dma_start3A_38, %dma_start3A_39] : memref<2x1280x16xf32, #tpu.memory_space<vmem>> -> memref<1x1280x16xf32, #tpu.memory_space<vmem>>
      %dma_start3A_41 = tpu.memref_squeeze %dma_start3A_40 : memref<1x1280x16xf32, #tpu.memory_space<vmem>> -> memref<1280x16xf32, #tpu.memory_space<vmem>>
      %dma_start3A_42 = arith.constant 0 : i32
      %dma_start3A_43 = tpu.memref_slice %arg6[%dma_start3A_36, %dma_start3A_42] : memref<2x1280xi32, #tpu.memory_space<vmem>> -> memref<1x1280xi32, #tpu.memory_space<vmem>>
      %dma_start3A_44 = tpu.memref_squeeze %dma_start3A_43 : memref<1x1280xi32, #tpu.memory_space<vmem>> -> memref<1280xi32, #tpu.memory_space<vmem>>
      %dma_start3A_45 = arith.constant 0 : i32
      %dma_start3A_46 = arith.constant 0 : i32
      %dma_start3A_47 = tpu.memref_slice %arg4[%dma_start3A_45, %dma_start3A_46] : memref<10016x16xf32, #tpu.memory_space<hbm>> -> memref<10016x16xf32, #tpu.memory_space<hbm>>
      tpu.enqueue_indirect_dma source(%dma_start3A_47 : memref<10016x16xf32, #tpu.memory_space<hbm>>) target(%dma_start3A_41 : memref<1280x16xf32, #tpu.memory_space<vmem>>) offsets(%dma_start3A_44 : memref<1280xi32, #tpu.memory_space<vmem>>) semaphore(%arg13 : memref<!tpu.dma_semaphore, #tpu.memory_space<semaphore_mem>>)
      %dma_start3A_48 = arith.constant 1 : i32
      %dma_start3A_49 = arith.constant 1 : i32
      %dma_start3A_50 = arith.constant 0 : i32
      %dma_start3A_51 = arith.constant 0 : i32
      %dma_start3A_52 = tpu.memref_slice %arg9[%dma_start3A_49, %dma_start3A_50, %dma_start3A_51] : memref<2x1280x16xf32, #tpu.memory_space<vmem>> -> memref<1x1280x16xf32, #tpu.memory_space<vmem>>
      %dma_start3A_53 = tpu.memref_squeeze %dma_start3A_52 : memref<1x1280x16xf32, #tpu.memory_space<vmem>> -> memref<1280x16xf32, #tpu.memory_space<vmem>>
      %dma_start3A_54 = arith.constant 0 : i32
      %dma_start3A_55 = tpu.memref_slice %arg7[%dma_start3A_48, %dma_start3A_54] : memref<2x1280xi32, #tpu.memory_space<vmem>> -> memref<1x1280xi32, #tpu.memory_space<vmem>>
      %dma_start3A_56 = tpu.memref_squeeze %dma_start3A_55 : memref<1x1280xi32, #tpu.memory_space<vmem>> -> memref<1280xi32, #tpu.memory_space<vmem>>
      %dma_start3A_57 = arith.constant 0 : i32
      %dma_start3A_58 = arith.constant 0 : i32
      %dma_start3A_59 = tpu.memref_slice %arg4[%dma_start3A_57, %dma_start3A_58] : memref<10016x16xf32, #tpu.memory_space<hbm>> -> memref<10016x16xf32, #tpu.memory_space<hbm>>
      tpu.enqueue_indirect_dma source(%dma_start3A_59 : memref<10016x16xf32, #tpu.memory_space<hbm>>) target(%dma_start3A_53 : memref<1280x16xf32, #tpu.memory_space<vmem>>) offsets(%dma_start3A_56 : memref<1280xi32, #tpu.memory_space<vmem>>) semaphore(%arg14 : memref<!tpu.dma_semaphore, #tpu.memory_space<semaphore_mem>>)
      %dma_wait3A = arith.constant 0 : i32
      %dma_wait3A_60 = arith.constant 0 : i32
      %dma_wait3A_61 = arith.constant 0 : i32
      %dma_wait3A_62 = arith.constant 0 : i32
      %dma_wait3A_63 = tpu.memref_slice %arg8[%dma_wait3A_60, %dma_wait3A_61, %dma_wait3A_62] : memref<2x1280x16xf32, #tpu.memory_space<vmem>> -> memref<1x1280x16xf32, #tpu.memory_space<vmem>>
      %dma_wait3A_64 = tpu.memref_squeeze %dma_wait3A_63 : memref<1x1280x16xf32, #tpu.memory_space<vmem>> -> memref<1280x16xf32, #tpu.memory_space<vmem>>
      %dma_wait3A_65 = arith.constant 0 : i32
      %dma_wait3A_66 = tpu.memref_slice %arg6[%dma_wait3A, %dma_wait3A_65] : memref<2x1280xi32, #tpu.memory_space<vmem>> -> memref<1x1280xi32, #tpu.memory_space<vmem>>
      %dma_wait3A_67 = tpu.memref_squeeze %dma_wait3A_66 : memref<1x1280xi32, #tpu.memory_space<vmem>> -> memref<1280xi32, #tpu.memory_space<vmem>>
      %dma_wait3A_68 = arith.constant 0 : i32
      %dma_wait3A_69 = arith.constant 0 : i32
      %dma_wait3A_70 = tpu.memref_slice %arg4[%dma_wait3A_68, %dma_wait3A_69] : memref<10016x16xf32, #tpu.memory_space<hbm>> -> memref<10016x16xf32, #tpu.memory_space<hbm>>
      tpu.wait_indirect_dma semaphore(%arg11 : memref<!tpu.dma_semaphore, #tpu.memory_space<semaphore_mem>>) src(%dma_wait3A_70 : memref<10016x16xf32, #tpu.memory_space<hbm>>) dst(%dma_wait3A_64 : memref<1280x16xf32, #tpu.memory_space<vmem>>)
      %dma_wait3A_71 = arith.constant 0 : i32
      %dma_wait3A_72 = arith.constant 0 : i32
      %dma_wait3A_73 = arith.constant 0 : i32
      %dma_wait3A_74 = arith.constant 0 : i32
      %dma_wait3A_75 = tpu.memref_slice %arg9[%dma_wait3A_72, %dma_wait3A_73, %dma_wait3A_74] : memref<2x1280x16xf32, #tpu.memory_space<vmem>> -> memref<1x1280x16xf32, #tpu.memory_space<vmem>>
      %dma_wait3A_76 = tpu.memref_squeeze %dma_wait3A_75 : memref<1x1280x16xf32, #tpu.memory_space<vmem>> -> memref<1280x16xf32, #tpu.memory_space<vmem>>
      %dma_wait3A_77 = arith.constant 0 : i32
      %dma_wait3A_78 = tpu.memref_slice %arg7[%dma_wait3A_71, %dma_wait3A_77] : memref<2x1280xi32, #tpu.memory_space<vmem>> -> memref<1x1280xi32, #tpu.memory_space<vmem>>
      %dma_wait3A_79 = tpu.memref_squeeze %dma_wait3A_78 : memref<1x1280xi32, #tpu.memory_space<vmem>> -> memref<1280xi32, #tpu.memory_space<vmem>>
      %dma_wait3A_80 = arith.constant 0 : i32
      %dma_wait3A_81 = arith.constant 0 : i32
      %dma_wait3A_82 = tpu.memref_slice %arg4[%dma_wait3A_80, %dma_wait3A_81] : memref<10016x16xf32, #tpu.memory_space<hbm>> -> memref<10016x16xf32, #tpu.memory_space<hbm>>
      tpu.wait_indirect_dma semaphore(%arg12 : memref<!tpu.dma_semaphore, #tpu.memory_space<semaphore_mem>>) src(%dma_wait3A_82 : memref<10016x16xf32, #tpu.memory_space<hbm>>) dst(%dma_wait3A_76 : memref<1280x16xf32, #tpu.memory_space<vmem>>)
      %scan3A = arith.constant 0 : i32
      %scan3A_83 = arith.constant 0 : i32
      %scan3A_84 = arith.constant 160 : i32
      %scan3A_85 = arith.addi %scan3A_83, %scan3A_84 : i32
      %scan3A_86 = arith.constant 1 : i32
      scf.for %scan3A_499 = %scan3A_83 to %scan3A_85 step %scan3A_86  : i32 {
        %mul3A_500 = arith.constant 8 : i32
        %mul3A_501 = arith.muli %scan3A_499, %mul3A_500 : i32
        %add3A_502 = arith.constant 0 : i32
        %add3A_503 = arith.addi %mul3A_501, %add3A_502 : i32
        %get3A = arith.constant 0 : i32
        %get3A_504 = arith.index_cast %get3A : i32 to index
        %get3A_505 = arith.index_cast %add3A_503 : i32 to index
        %get3A_506 = arith.constant 0 : index
        %get3A_507 = tpu.vector_load %arg8[%get3A_504, %get3A_505, %get3A_506] {strides = array<i32>} : memref<2x1280x16xf32, #tpu.memory_space<vmem>>, vector<1x1x16xf32>,
        %get3A_508 = vector.shape_cast %get3A_507 : vector<1x1x16xf32> to vector<16xf32>
        %get3A_509 = arith.constant 0 : i32
        %get3A_510 = arith.index_cast %get3A_509 : i32 to index
        %get3A_511 = arith.index_cast %add3A_503 : i32 to index
        %get3A_512 = arith.constant 0 : index
        %get3A_513 = tpu.vector_load %arg9[%get3A_510, %get3A_511, %get3A_512] {strides = array<i32>} : memref<2x1280x16xf32, #tpu.memory_space<vmem>>, vector<1x1x16xf32>,
        %get3A_514 = vector.shape_cast %get3A_513 : vector<1x1x16xf32> to vector<16xf32>
        %max3A = arith.maximumf %get3A_508, %get3A_514 : vector<16xf32>
        %swap3A = arith.index_cast %scan3A_499 : i32 to index
        %swap3A_515 = arith.constant 0 : index
        %swap3A_516 = tpu.vector_load %arg10[%swap3A, %swap3A_515] {strides = array<i32>} : memref<160x128xf32, #tpu.memory_space<vmem>>, vector<1x16xf32>,
        %swap3A_517 = vector.shape_cast %swap3A_516 : vector<1x16xf32> to vector<16xf32>
        %swap3A_518 = vector.shape_cast %max3A : vector<16xf32> to vector<1x16xf32>
        tpu.vector_store %arg10[%swap3A, %swap3A_515], %swap3A_518 {strides = array<i32>} : memref<160x128xf32, #tpu.memory_space<vmem>>, vector<1x16xf32>,
        %mul3A_519 = arith.constant 8 : i32
        %mul3A_520 = arith.muli %scan3A_499, %mul3A_519 : i32
        %add3A_521 = arith.constant 1 : i32
        %add3A_522 = arith.addi %mul3A_520, %add3A_521 : i32
        %get3A_523 = arith.constant 0 : i32
        %get3A_524 = arith.index_cast %get3A_523 : i32 to index
        %get3A_525 = arith.index_cast %add3A_522 : i32 to index
        %get3A_526 = arith.constant 0 : index
        %get3A_527 = tpu.vector_load %arg8[%get3A_524, %get3A_525, %get3A_526] {strides = array<i32>} : memref<2x1280x16xf32, #tpu.memory_space<vmem>>, vector<1x1x16xf32>,
        %get3A_528 = vector.shape_cast %get3A_527 : vector<1x1x16xf32> to vector<16xf32>
        %get3A_529 = arith.constant 0 : i32
        %get3A_530 = arith.index_cast %get3A_529 : i32 to index
        %get3A_531 = arith.index_cast %add3A_522 : i32 to index
        %get3A_532 = arith.constant 0 : index
        %get3A_533 = tpu.vector_load %arg9[%get3A_530, %get3A_531, %get3A_532] {strides = array<i32>} : memref<2x1280x16xf32, #tpu.memory_space<vmem>>, vector<1x1x16xf32>,
        %get3A_534 = vector.shape_cast %get3A_533 : vector<1x1x16xf32> to vector<16xf32>
        %max3A_535 = arith.maximumf %get3A_528, %get3A_534 : vector<16xf32>
        %swap3A_536 = arith.index_cast %scan3A_499 : i32 to index
        %swap3A_537 = arith.constant 16 : index
        %swap3A_538 = tpu.vector_load %arg10[%swap3A_536, %swap3A_537] {strides = array<i32>} : memref<160x128xf32, #tpu.memory_space<vmem>>, vector<1x16xf32>,
        %swap3A_539 = vector.shape_cast %swap3A_538 : vector<1x16xf32> to vector<16xf32>
        %swap3A_540 = vector.shape_cast %max3A_535 : vector<16xf32> to vector<1x16xf32>
        tpu.vector_store %arg10[%swap3A_536, %swap3A_537], %swap3A_540 {strides = array<i32>} : memref<160x128xf32, #tpu.memory_space<vmem>>, vector<1x16xf32>,
        %mul3A_541 = arith.constant 8 : i32
        %mul3A_542 = arith.muli %scan3A_499, %mul3A_541 : i32
        %add3A_543 = arith.constant 2 : i32
        %add3A_544 = arith.addi %mul3A_542, %add3A_543 : i32
        %get3A_545 = arith.constant 0 : i32
        %get3A_546 = arith.index_cast %get3A_545 : i32 to index
        %get3A_547 = arith.index_cast %add3A_544 : i32 to index
        %get3A_548 = arith.constant 0 : index
        %get3A_549 = tpu.vector_load %arg8[%get3A_546, %get3A_547, %get3A_548] {strides = array<i32>} : memref<2x1280x16xf32, #tpu.memory_space<vmem>>, vector<1x1x16xf32>,
        %get3A_550 = vector.shape_cast %get3A_549 : vector<1x1x16xf32> to vector<16xf32>
        %get3A_551 = arith.constant 0 : i32
        %get3A_552 = arith.index_cast %get3A_551 : i32 to index
        %get3A_553 = arith.index_cast %add3A_544 : i32 to index
        %get3A_554 = arith.constant 0 : index
        %get3A_555 = tpu.vector_load %arg9[%get3A_552, %get3A_553, %get3A_554] {strides = array<i32>} : memref<2x1280x16xf32, #tpu.memory_space<vmem>>, vector<1x1x16xf32>,
        %get3A_556 = vector.shape_cast %get3A_555 : vector<1x1x16xf32> to vector<16xf32>
        %max3A_557 = arith.maximumf %get3A_550, %get3A_556 : vector<16xf32>
        %swap3A_558 = arith.index_cast %scan3A_499 : i32 to index
        %swap3A_559 = arith.constant 32 : index
        %swap3A_560 = tpu.vector_load %arg10[%swap3A_558, %swap3A_559] {strides = array<i32>} : memref<160x128xf32, #tpu.memory_space<vmem>>, vector<1x16xf32>,
        %swap3A_561 = vector.shape_cast %swap3A_560 : vector<1x16xf32> to vector<16xf32>
        %swap3A_562 = vector.shape_cast %max3A_557 : vector<16xf32> to vector<1x16xf32>
        tpu.vector_store %arg10[%swap3A_558, %swap3A_559], %swap3A_562 {strides = array<i32>} : memref<160x128xf32, #tpu.memory_space<vmem>>, vector<1x16xf32>,
        %mul3A_563 = arith.constant 8 : i32
        %mul3A_564 = arith.muli %scan3A_499, %mul3A_563 : i32
        %add3A_565 = arith.constant 3 : i32
        %add3A_566 = arith.addi %mul3A_564, %add3A_565 : i32
        %get3A_567 = arith.constant 0 : i32
        %get3A_568 = arith.index_cast %get3A_567 : i32 to index
        %get3A_569 = arith.index_cast %add3A_566 : i32 to index
        %get3A_570 = arith.constant 0 : index
        %get3A_571 = tpu.vector_load %arg8[%get3A_568, %get3A_569, %get3A_570] {strides = array<i32>} : memref<2x1280x16xf32, #tpu.memory_space<vmem>>, vector<1x1x16xf32>,
        %get3A_572 = vector.shape_cast %get3A_571 : vector<1x1x16xf32> to vector<16xf32>
        %get3A_573 = arith.constant 0 : i32
        %get3A_574 = arith.index_cast %get3A_573 : i32 to index
        %get3A_575 = arith.index_cast %add3A_566 : i32 to index
        %get3A_576 = arith.constant 0 : index
        %get3A_577 = tpu.vector_load %arg9[%get3A_574, %get3A_575, %get3A_576] {strides = array<i32>} : memref<2x1280x16xf32, #tpu.memory_space<vmem>>, vector<1x1x16xf32>,
        %get3A_578 = vector.shape_cast %get3A_577 : vector<1x1x16xf32> to vector<16xf32>
        %max3A_579 = arith.maximumf %get3A_572, %get3A_578 : vector<16xf32>
        %swap3A_580 = arith.index_cast %scan3A_499 : i32 to index
        %swap3A_581 = arith.constant 48 : index
        %swap3A_582 = tpu.vector_load %arg10[%swap3A_580, %swap3A_581] {strides = array<i32>} : memref<160x128xf32, #tpu.memory_space<vmem>>, vector<1x16xf32>,
        %swap3A_583 = vector.shape_cast %swap3A_582 : vector<1x16xf32> to vector<16xf32>
        %swap3A_584 = vector.shape_cast %max3A_579 : vector<16xf32> to vector<1x16xf32>
        tpu.vector_store %arg10[%swap3A_580, %swap3A_581], %swap3A_584 {strides = array<i32>} : memref<160x128xf32, #tpu.memory_space<vmem>>, vector<1x16xf32>,
        %mul3A_585 = arith.constant 8 : i32
        %mul3A_586 = arith.muli %scan3A_499, %mul3A_585 : i32
        %add3A_587 = arith.constant 4 : i32
        %add3A_588 = arith.addi %mul3A_586, %add3A_587 : i32
        %get3A_589 = arith.constant 0 : i32
        %get3A_590 = arith.index_cast %get3A_589 : i32 to index
        %get3A_591 = arith.index_cast %add3A_588 : i32 to index
        %get3A_592 = arith.constant 0 : index
        %get3A_593 = tpu.vector_load %arg8[%get3A_590, %get3A_591, %get3A_592] {strides = array<i32>} : memref<2x1280x16xf32, #tpu.memory_space<vmem>>, vector<1x1x16xf32>,
        %get3A_594 = vector.shape_cast %get3A_593 : vector<1x1x16xf32> to vector<16xf32>
        %get3A_595 = arith.constant 0 : i32
        %get3A_596 = arith.index_cast %get3A_595 : i32 to index
        %get3A_597 = arith.index_cast %add3A_588 : i32 to index
        %get3A_598 = arith.constant 0 : index
        %get3A_599 = tpu.vector_load %arg9[%get3A_596, %get3A_597, %get3A_598] {strides = array<i32>} : memref<2x1280x16xf32, #tpu.memory_space<vmem>>, vector<1x1x16xf32>,
        %get3A_600 = vector.shape_cast %get3A_599 : vector<1x1x16xf32> to vector<16xf32>
        %max3A_601 = arith.maximumf %get3A_594, %get3A_600 : vector<16xf32>
        %swap3A_602 = arith.index_cast %scan3A_499 : i32 to index
        %swap3A_603 = arith.constant 64 : index
        %swap3A_604 = tpu.vector_load %arg10[%swap3A_602, %swap3A_603] {strides = array<i32>} : memref<160x128xf32, #tpu.memory_space<vmem>>, vector<1x16xf32>,
        %swap3A_605 = vector.shape_cast %swap3A_604 : vector<1x16xf32> to vector<16xf32>
        %swap3A_606 = vector.shape_cast %max3A_601 : vector<16xf32> to vector<1x16xf32>
        tpu.vector_store %arg10[%swap3A_602, %swap3A_603], %swap3A_606 {strides = array<i32>} : memref<160x128xf32, #tpu.memory_space<vmem>>, vector<1x16xf32>,
        %mul3A_607 = arith.constant 8 : i32
        %mul3A_608 = arith.muli %scan3A_499, %mul3A_607 : i32
        %add3A_609 = arith.constant 5 : i32
        %add3A_610 = arith.addi %mul3A_608, %add3A_609 : i32
        %get3A_611 = arith.constant 0 : i32
        %get3A_612 = arith.index_cast %get3A_611 : i32 to index
        %get3A_613 = arith.index_cast %add3A_610 : i32 to index
        %get3A_614 = arith.constant 0 : index
        %get3A_615 = tpu.vector_load %arg8[%get3A_612, %get3A_613, %get3A_614] {strides = array<i32>} : memref<2x1280x16xf32, #tpu.memory_space<vmem>>, vector<1x1x16xf32>,
        %get3A_616 = vector.shape_cast %get3A_615 : vector<1x1x16xf32> to vector<16xf32>
        %get3A_617 = arith.constant 0 : i32
        %get3A_618 = arith.index_cast %get3A_617 : i32 to index
        %get3A_619 = arith.index_cast %add3A_610 : i32 to index
        %get3A_620 = arith.constant 0 : index
        %get3A_621 = tpu.vector_load %arg9[%get3A_618, %get3A_619, %get3A_620] {strides = array<i32>} : memref<2x1280x16xf32, #tpu.memory_space<vmem>>, vector<1x1x16xf32>,
        %get3A_622 = vector.shape_cast %get3A_621 : vector<1x1x16xf32> to vector<16xf32>
        %max3A_623 = arith.maximumf %get3A_616, %get3A_622 : vector<16xf32>
        %swap3A_624 = arith.index_cast %scan3A_499 : i32 to index
        %swap3A_625 = arith.constant 80 : index
        %swap3A_626 = tpu.vector_load %arg10[%swap3A_624, %swap3A_625] {strides = array<i32>} : memref<160x128xf32, #tpu.memory_space<vmem>>, vector<1x16xf32>,
        %swap3A_627 = vector.shape_cast %swap3A_626 : vector<1x16xf32> to vector<16xf32>
        %swap3A_628 = vector.shape_cast %max3A_623 : vector<16xf32> to vector<1x16xf32>
        tpu.vector_store %arg10[%swap3A_624, %swap3A_625], %swap3A_628 {strides = array<i32>} : memref<160x128xf32, #tpu.memory_space<vmem>>, vector<1x16xf32>,
        %mul3A_629 = arith.constant 8 : i32
        %mul3A_630 = arith.muli %scan3A_499, %mul3A_629 : i32
        %add3A_631 = arith.constant 6 : i32
        %add3A_632 = arith.addi %mul3A_630, %add3A_631 : i32
        %get3A_633 = arith.constant 0 : i32
        %get3A_634 = arith.index_cast %get3A_633 : i32 to index
        %get3A_635 = arith.index_cast %add3A_632 : i32 to index
        %get3A_636 = arith.constant 0 : index
        %get3A_637 = tpu.vector_load %arg8[%get3A_634, %get3A_635, %get3A_636] {strides = array<i32>} : memref<2x1280x16xf32, #tpu.memory_space<vmem>>, vector<1x1x16xf32>,
        %get3A_638 = vector.shape_cast %get3A_637 : vector<1x1x16xf32> to vector<16xf32>
        %get3A_639 = arith.constant 0 : i32
        %get3A_640 = arith.index_cast %get3A_639 : i32 to index
        %get3A_641 = arith.index_cast %add3A_632 : i32 to index
        %get3A_642 = arith.constant 0 : index
        %get3A_643 = tpu.vector_load %arg9[%get3A_640, %get3A_641, %get3A_642] {strides = array<i32>} : memref<2x1280x16xf32, #tpu.memory_space<vmem>>, vector<1x1x16xf32>,
        %get3A_644 = vector.shape_cast %get3A_643 : vector<1x1x16xf32> to vector<16xf32>
        %max3A_645 = arith.maximumf %get3A_638, %get3A_644 : vector<16xf32>
        %swap3A_646 = arith.index_cast %scan3A_499 : i32 to index
        %swap3A_647 = arith.constant 96 : index
        %swap3A_648 = tpu.vector_load %arg10[%swap3A_646, %swap3A_647] {strides = array<i32>} : memref<160x128xf32, #tpu.memory_space<vmem>>, vector<1x16xf32>,
        %swap3A_649 = vector.shape_cast %swap3A_648 : vector<1x16xf32> to vector<16xf32>
        %swap3A_650 = vector.shape_cast %max3A_645 : vector<16xf32> to vector<1x16xf32>
        tpu.vector_store %arg10[%swap3A_646, %swap3A_647], %swap3A_650 {strides = array<i32>} : memref<160x128xf32, #tpu.memory_space<vmem>>, vector<1x16xf32>,
        %mul3A_651 = arith.constant 8 : i32
        %mul3A_652 = arith.muli %scan3A_499, %mul3A_651 : i32
        %add3A_653 = arith.constant 7 : i32
        %add3A_654 = arith.addi %mul3A_652, %add3A_653 : i32
        %get3A_655 = arith.constant 0 : i32
        %get3A_656 = arith.index_cast %get3A_655 : i32 to index
        %get3A_657 = arith.index_cast %add3A_654 : i32 to index
        %get3A_658 = arith.constant 0 : index
        %get3A_659 = tpu.vector_load %arg8[%get3A_656, %get3A_657, %get3A_658] {strides = array<i32>} : memref<2x1280x16xf32, #tpu.memory_space<vmem>>, vector<1x1x16xf32>,
        %get3A_660 = vector.shape_cast %get3A_659 : vector<1x1x16xf32> to vector<16xf32>
        %get3A_661 = arith.constant 0 : i32
        %get3A_662 = arith.index_cast %get3A_661 : i32 to index
        %get3A_663 = arith.index_cast %add3A_654 : i32 to index
        %get3A_664 = arith.constant 0 : index
        %get3A_665 = tpu.vector_load %arg9[%get3A_662, %get3A_663, %get3A_664] {strides = array<i32>} : memref<2x1280x16xf32, #tpu.memory_space<vmem>>, vector<1x1x16xf32>,
        %get3A_666 = vector.shape_cast %get3A_665 : vector<1x1x16xf32> to vector<16xf32>
        %max3A_667 = arith.maximumf %get3A_660, %get3A_666 : vector<16xf32>
        %swap3A_668 = arith.index_cast %scan3A_499 : i32 to index
        %swap3A_669 = arith.constant 112 : index
        %swap3A_670 = tpu.vector_load %arg10[%swap3A_668, %swap3A_669] {strides = array<i32>} : memref<160x128xf32, #tpu.memory_space<vmem>>, vector<1x16xf32>,
        %swap3A_671 = vector.shape_cast %swap3A_670 : vector<1x16xf32> to vector<16xf32>
        %swap3A_672 = vector.shape_cast %max3A_667 : vector<16xf32> to vector<1x16xf32>
        tpu.vector_store %arg10[%swap3A_668, %swap3A_669], %swap3A_672 {strides = array<i32>} : memref<160x128xf32, #tpu.memory_space<vmem>>, vector<1x16xf32>,
      }
      %scan3A_87 = arith.constant 160 : i32
      %add3A_88 = arith.constant 0 : i32
      %add3A_89 = arith.addi %mul3A_0, %add3A_88 : i32
      %jit3A = arith.constant 8 : i32
      %div3A = arith.divsi %add3A_89, %jit3A : i32
      %sign3A = arith.constant 0 : i32
      %sign3A_90 = arith.cmpi sgt, %add3A_89, %sign3A : i32
      %sign3A_91 = arith.extui %sign3A_90 : i1 to i32
      %sign3A_92 = arith.constant 0 : i32
      %sign3A_93 = arith.cmpi slt, %add3A_89, %sign3A_92 : i32
      %sign3A_94 = arith.extui %sign3A_93 : i1 to i32
      %sign3A_95 = arith.subi %sign3A_91, %sign3A_94 : i32
      %sign3A_96 = arith.constant 0 : i32
      %sign3A_97 = arith.cmpi sgt, %jit3A, %sign3A_96 : i32
      %sign3A_98 = arith.extui %sign3A_97 : i1 to i32
      %sign3A_99 = arith.constant 0 : i32
      %sign3A_100 = arith.cmpi slt, %jit3A, %sign3A_99 : i32
      %sign3A_101 = arith.extui %sign3A_100 : i1 to i32
      %sign3A_102 = arith.subi %sign3A_98, %sign3A_101 : i32
      %ne3A_103 = arith.cmpi ne, %sign3A_95, %sign3A_102 : i32
      %rem3A = arith.remsi %add3A_89, %jit3A : i32
      %ne3A_104 = arith.constant 0 : i32
      %ne3A_105 = arith.cmpi ne, %rem3A, %ne3A_104 : i32
      %and3A = arith.andi %ne3A_103, %ne3A_105 : i1
      %sub3A = arith.constant 1 : i32
      %sub3A_106 = arith.subi %div3A, %sub3A : i32
      %select_n3A = arith.select %and3A, %sub3A_106, %div3A : i32
      "tpu.region"() ({
        %run_scoped3A_499 = tpu.sem_alloc : memref<!tpu.dma_semaphore, #tpu.memory_space<semaphore_mem>>
        %dma_start3A_500 = arith.constant 0 : i32
        %dma_start3A_501 = tpu.memref_slice %arg5[%select_n3A, %dma_start3A_500] : memref<20480x128xf32, #tpu.memory_space<hbm>> -> memref<160x128xf32, #tpu.memory_space<hbm>>
        %dma_start3A_502 = arith.constant 0 : i32
        %dma_start3A_503 = tpu.memref_slice %arg5[%select_n3A, %dma_start3A_502] : memref<20480x128xf32, #tpu.memory_space<hbm>> -> memref<160x128xf32, #tpu.memory_space<hbm>>
        tpu.enqueue_dma source(%arg10 : memref<160x128xf32, #tpu.memory_space<vmem>>) target(%dma_start3A_503 : memref<160x128xf32, #tpu.memory_space<hbm>>) target_semaphore(%run_scoped3A_499 : memref<!tpu.dma_semaphore, #tpu.memory_space<semaphore_mem>>)
        %dma_wait3A_504 = arith.constant 0 : i32
        %dma_wait3A_505 = tpu.memref_slice %arg5[%select_n3A, %dma_wait3A_504] : memref<20480x128xf32, #tpu.memory_space<hbm>> -> memref<160x128xf32, #tpu.memory_space<hbm>>
        %dma_wait3A_506 = arith.constant 0 : i32
        %dma_wait3A_507 = tpu.memref_slice %arg5[%select_n3A, %dma_wait3A_506] : memref<20480x128xf32, #tpu.memory_space<hbm>> -> memref<160x128xf32, #tpu.memory_space<hbm>>
        tpu.wait_dma2 semaphore(%run_scoped3A_499 : memref<!tpu.dma_semaphore, #tpu.memory_space<semaphore_mem>>) src(%arg10 : memref<160x128xf32, #tpu.memory_space<vmem>>) dst(%dma_wait3A_507 : memref<160x128xf32, #tpu.memory_space<hbm>>)
        tpu.yield
      }) : () -> ()
      %add3A_107 = arith.constant 2560 : i32
      %add3A_108 = arith.addi %mul3A_0, %add3A_107 : i32
      %run_scoped3A_109 = arith.constant 0 : i32
      "tpu.region"() ({
        %run_scoped3A_499 = tpu.sem_alloc : memref<!tpu.dma_semaphore, #tpu.memory_space<semaphore_mem>>
        %dma_start3A_500 = arith.constant 0 : i32
        %dma_start3A_501 = tpu.memref_slice %arg6[%run_scoped3A_109, %dma_start3A_500] : memref<2x1280xi32, #tpu.memory_space<vmem>> -> memref<1x1280xi32, #tpu.memory_space<vmem>>
        %dma_start3A_502 = tpu.memref_squeeze %dma_start3A_501 : memref<1x1280xi32, #tpu.memory_space<vmem>> -> memref<1280xi32, #tpu.memory_space<vmem>>
        %dma_start3A_503 = tpu.memref_slice %arg2[%add3A_108] : memref<163840xi32, #tpu.memory_space<hbm>> -> memref<1280xi32, #tpu.memory_space<hbm>>
        %dma_start3A_504 = arith.constant 0 : i32
        %dma_start3A_505 = tpu.memref_slice %arg6[%run_scoped3A_109, %dma_start3A_504] : memref<2x1280xi32, #tpu.memory_space<vmem>> -> memref<1x1280xi32, #tpu.memory_space<vmem>>
        %dma_start3A_506 = tpu.memref_squeeze %dma_start3A_505 : memref<1x1280xi32, #tpu.memory_space<vmem>> -> memref<1280xi32, #tpu.memory_space<vmem>>
        %dma_start3A_507 = tpu.memref_slice %arg2[%add3A_108] : memref<163840xi32, #tpu.memory_space<hbm>> -> memref<1280xi32, #tpu.memory_space<hbm>>
        tpu.enqueue_dma source(%dma_start3A_507 : memref<1280xi32, #tpu.memory_space<hbm>>) target(%dma_start3A_506 : memref<1280xi32, #tpu.memory_space<vmem>>) target_semaphore(%run_scoped3A_499 : memref<!tpu.dma_semaphore, #tpu.memory_space<semaphore_mem>>)
        %dma_wait3A_508 = arith.constant 0 : i32
        %dma_wait3A_509 = tpu.memref_slice %arg6[%run_scoped3A_109, %dma_wait3A_508] : memref<2x1280xi32, #tpu.memory_space<vmem>> -> memref<1x1280xi32, #tpu.memory_space<vmem>>
        %dma_wait3A_510 = tpu.memref_squeeze %dma_wait3A_509 : memref<1x1280xi32, #tpu.memory_space<vmem>> -> memref<1280xi32, #tpu.memory_space<vmem>>
        %dma_wait3A_511 = tpu.memref_slice %arg2[%add3A_108] : memref<163840xi32, #tpu.memory_space<hbm>> -> memref<1280xi32, #tpu.memory_space<hbm>>
        %dma_wait3A_512 = arith.constant 0 : i32
        %dma_wait3A_513 = tpu.memref_slice %arg6[%run_scoped3A_109, %dma_wait3A_512] : memref<2x1280xi32, #tpu.memory_space<vmem>> -> memref<1x1280xi32, #tpu.memory_space<vmem>>
        %dma_wait3A_514 = tpu.memref_squeeze %dma_wait3A_513 : memref<1x1280xi32, #tpu.memory_space<vmem>> -> memref<1280xi32, #tpu.memory_space<vmem>>
        %dma_wait3A_515 = tpu.memref_slice %arg2[%add3A_108] : memref<163840xi32, #tpu.memory_space<hbm>> -> memref<1280xi32, #tpu.memory_space<hbm>>
        tpu.wait_dma2 semaphore(%run_scoped3A_499 : memref<!tpu.dma_semaphore, #tpu.memory_space<semaphore_mem>>) src(%dma_wait3A_515 : memref<1280xi32, #tpu.memory_space<hbm>>) dst(%dma_wait3A_514 : memref<1280xi32, #tpu.memory_space<vmem>>)
        tpu.yield
      }) : () -> ()
      %run_scoped3A_110 = arith.constant 0 : i32
      "tpu.region"() ({
        %run_scoped3A_499 = tpu.sem_alloc : memref<!tpu.dma_semaphore, #tpu.memory_space<semaphore_mem>>
        %dma_start3A_500 = arith.constant 0 : i32
        %dma_start3A_501 = tpu.memref_slice %arg7[%run_scoped3A_110, %dma_start3A_500] : memref<2x1280xi32, #tpu.memory_space<vmem>> -> memref<1x1280xi32, #tpu.memory_space<vmem>>
        %dma_start3A_502 = tpu.memref_squeeze %dma_start3A_501 : memref<1x1280xi32, #tpu.memory_space<vmem>> -> memref<1280xi32, #tpu.memory_space<vmem>>
        %dma_start3A_503 = tpu.memref_slice %arg3[%add3A_108] : memref<163840xi32, #tpu.memory_space<hbm>> -> memref<1280xi32, #tpu.memory_space<hbm>>
        %dma_start3A_504 = arith.constant 0 : i32
        %dma_start3A_505 = tpu.memref_slice %arg7[%run_scoped3A_110, %dma_start3A_504] : memref<2x1280xi32, #tpu.memory_space<vmem>> -> memref<1x1280xi32, #tpu.memory_space<vmem>>
        %dma_start3A_506 = tpu.memref_squeeze %dma_start3A_505 : memref<1x1280xi32, #tpu.memory_space<vmem>> -> memref<1280xi32, #tpu.memory_space<vmem>>
        %dma_start3A_507 = tpu.memref_slice %arg3[%add3A_108] : memref<163840xi32, #tpu.memory_space<hbm>> -> memref<1280xi32, #tpu.memory_space<hbm>>
        tpu.enqueue_dma source(%dma_start3A_507 : memref<1280xi32, #tpu.memory_space<hbm>>) target(%dma_start3A_506 : memref<1280xi32, #tpu.memory_space<vmem>>) target_semaphore(%run_scoped3A_499 : memref<!tpu.dma_semaphore, #tpu.memory_space<semaphore_mem>>)
        %dma_wait3A_508 = arith.constant 0 : i32
        %dma_wait3A_509 = tpu.memref_slice %arg7[%run_scoped3A_110, %dma_wait3A_508] : memref<2x1280xi32, #tpu.memory_space<vmem>> -> memref<1x1280xi32, #tpu.memory_space<vmem>>
        %dma_wait3A_510 = tpu.memref_squeeze %dma_wait3A_509 : memref<1x1280xi32, #tpu.memory_space<vmem>> -> memref<1280xi32, #tpu.memory_space<vmem>>
        %dma_wait3A_511 = tpu.memref_slice %arg3[%add3A_108] : memref<163840xi32, #tpu.memory_space<hbm>> -> memref<1280xi32, #tpu.memory_space<hbm>>
        %dma_wait3A_512 = arith.constant 0 : i32
        %dma_wait3A_513 = tpu.memref_slice %arg7[%run_scoped3A_110, %dma_wait3A_512] : memref<2x1280xi32, #tpu.memory_space<vmem>> -> memref<1x1280xi32, #tpu.memory_space<vmem>>
        %dma_wait3A_514 = tpu.memref_squeeze %dma_wait3A_513 : memref<1x1280xi32, #tpu.memory_space<vmem>> -> memref<1280xi32, #tpu.memory_space<vmem>>
        %dma_wait3A_515 = tpu.memref_slice %arg3[%add3A_108] : memref<163840xi32, #tpu.memory_space<hbm>> -> memref<1280xi32, #tpu.memory_space<hbm>>
        tpu.wait_dma2 semaphore(%run_scoped3A_499 : memref<!tpu.dma_semaphore, #tpu.memory_space<semaphore_mem>>) src(%dma_wait3A_515 : memref<1280xi32, #tpu.memory_space<hbm>>) dst(%dma_wait3A_514 : memref<1280xi32, #tpu.memory_space<vmem>>)
        tpu.yield
      }) : () -> ()
      %dma_start3A_111 = arith.constant 0 : i32
      %dma_start3A_112 = arith.constant 0 : i32
      %dma_start3A_113 = arith.constant 0 : i32
      %dma_start3A_114 = arith.constant 0 : i32
      %dma_start3A_115 = tpu.memref_slice %arg8[%dma_start3A_112, %dma_start3A_113, %dma_start3A_114] : memref<2x1280x16xf32, #tpu.memory_space<vmem>> -> memref<1x1280x16xf32, #tpu.memory_space<vmem>>
      %dma_start3A_116 = tpu.memref_squeeze %dma_start3A_115 : memref<1x1280x16xf32, #tpu.memory_space<vmem>> -> memref<1280x16xf32, #tpu.memory_space<vmem>>
      %dma_start3A_117 = arith.constant 0 : i32
      %dma_start3A_118 = tpu.memref_slice %arg6[%dma_start3A_111, %dma_start3A_117] : memref<2x1280xi32, #tpu.memory_space<vmem>> -> memref<1x1280xi32, #tpu.memory_space<vmem>>
      %dma_start3A_119 = tpu.memref_squeeze %dma_start3A_118 : memref<1x1280xi32, #tpu.memory_space<vmem>> -> memref<1280xi32, #tpu.memory_space<vmem>>
      %dma_start3A_120 = arith.constant 0 : i32
      %dma_start3A_121 = arith.constant 0 : i32
      %dma_start3A_122 = tpu.memref_slice %arg4[%dma_start3A_120, %dma_start3A_121] : memref<10016x16xf32, #tpu.memory_space<hbm>> -> memref<10016x16xf32, #tpu.memory_space<hbm>>
      tpu.enqueue_indirect_dma source(%dma_start3A_122 : memref<10016x16xf32, #tpu.memory_space<hbm>>) target(%dma_start3A_116 : memref<1280x16xf32, #tpu.memory_space<vmem>>) offsets(%dma_start3A_119 : memref<1280xi32, #tpu.memory_space<vmem>>) semaphore(%arg11 : memref<!tpu.dma_semaphore, #tpu.memory_space<semaphore_mem>>)
      %dma_start3A_123 = arith.constant 0 : i32
      %dma_start3A_124 = arith.constant 0 : i32
      %dma_start3A_125 = arith.constant 0 : i32
      %dma_start3A_126 = arith.constant 0 : i32
      %dma_start3A_127 = tpu.memref_slice %arg9[%dma_start3A_124, %dma_start3A_125, %dma_start3A_126] : memref<2x1280x16xf32, #tpu.memory_space<vmem>> -> memref<1x1280x16xf32, #tpu.memory_space<vmem>>
      %dma_start3A_128 = tpu.memref_squeeze %dma_start3A_127 : memref<1x1280x16xf32, #tpu.memory_space<vmem>> -> memref<1280x16xf32, #tpu.memory_space<vmem>>
      %dma_start3A_129 = arith.constant 0 : i32
      %dma_start3A_130 = tpu.memref_slice %arg7[%dma_start3A_123, %dma_start3A_129] : memref<2x1280xi32, #tpu.memory_space<vmem>> -> memref<1x1280xi32, #tpu.memory_space<vmem>>
      %dma_start3A_131 = tpu.memref_squeeze %dma_start3A_130 : memref<1x1280xi32, #tpu.memory_space<vmem>> -> memref<1280xi32, #tpu.memory_space<vmem>>
      %dma_start3A_132 = arith.constant 0 : i32
      %dma_start3A_133 = arith.constant 0 : i32
      %dma_start3A_134 = tpu.memref_slice %arg4[%dma_start3A_132, %dma_start3A_133] : memref<10016x16xf32, #tpu.memory_space<hbm>> -> memref<10016x16xf32, #tpu.memory_space<hbm>>
      tpu.enqueue_indirect_dma source(%dma_start3A_134 : memref<10016x16xf32, #tpu.memory_space<hbm>>) target(%dma_start3A_128 : memref<1280x16xf32, #tpu.memory_space<vmem>>) offsets(%dma_start3A_131 : memref<1280xi32, #tpu.memory_space<vmem>>) semaphore(%arg12 : memref<!tpu.dma_semaphore, #tpu.memory_space<semaphore_mem>>)
      %dma_wait3A_135 = arith.constant 1 : i32
      %dma_wait3A_136 = arith.constant 1 : i32
      %dma_wait3A_137 = arith.constant 0 : i32
      %dma_wait3A_138 = arith.constant 0 : i32
      %dma_wait3A_139 = tpu.memref_slice %arg8[%dma_wait3A_136, %dma_wait3A_137, %dma_wait3A_138] : memref<2x1280x16xf32, #tpu.memory_space<vmem>> -> memref<1x1280x16xf32, #tpu.memory_space<vmem>>
      %dma_wait3A_140 = tpu.memref_squeeze %dma_wait3A_139 : memref<1x1280x16xf32, #tpu.memory_space<vmem>> -> memref<1280x16xf32, #tpu.memory_space<vmem>>
      %dma_wait3A_141 = arith.constant 0 : i32
      %dma_wait3A_142 = tpu.memref_slice %arg6[%dma_wait3A_135, %dma_wait3A_141] : memref<2x1280xi32, #tpu.memory_space<vmem>> -> memref<1x1280xi32, #tpu.memory_space<vmem>>
      %dma_wait3A_143 = tpu.memref_squeeze %dma_wait3A_142 : memref<1x1280xi32, #tpu.memory_space<vmem>> -> memref<1280xi32, #tpu.memory_space<vmem>>
      %dma_wait3A_144 = arith.constant 0 : i32
      %dma_wait3A_145 = arith.constant 0 : i32
      %dma_wait3A_146 = tpu.memref_slice %arg4[%dma_wait3A_144, %dma_wait3A_145] : memref<10016x16xf32, #tpu.memory_space<hbm>> -> memref<10016x16xf32, #tpu.memory_space<hbm>>
      tpu.wait_indirect_dma semaphore(%arg13 : memref<!tpu.dma_semaphore, #tpu.memory_space<semaphore_mem>>) src(%dma_wait3A_146 : memref<10016x16xf32, #tpu.memory_space<hbm>>) dst(%dma_wait3A_140 : memref<1280x16xf32, #tpu.memory_space<vmem>>)
      %dma_wait3A_147 = arith.constant 1 : i32
      %dma_wait3A_148 = arith.constant 1 : i32
      %dma_wait3A_149 = arith.constant 0 : i32
      %dma_wait3A_150 = arith.constant 0 : i32
      %dma_wait3A_151 = tpu.memref_slice %arg9[%dma_wait3A_148, %dma_wait3A_149, %dma_wait3A_150] : memref<2x1280x16xf32, #tpu.memory_space<vmem>> -> memref<1x1280x16xf32, #tpu.memory_space<vmem>>
      %dma_wait3A_152 = tpu.memref_squeeze %dma_wait3A_151 : memref<1x1280x16xf32, #tpu.memory_space<vmem>> -> memref<1280x16xf32, #tpu.memory_space<vmem>>
      %dma_wait3A_153 = arith.constant 0 : i32
      %dma_wait3A_154 = tpu.memref_slice %arg7[%dma_wait3A_147, %dma_wait3A_153] : memref<2x1280xi32, #tpu.memory_space<vmem>> -> memref<1x1280xi32, #tpu.memory_space<vmem>>
      %dma_wait3A_155 = tpu.memref_squeeze %dma_wait3A_154 : memref<1x1280xi32, #tpu.memory_space<vmem>> -> memref<1280xi32, #tpu.memory_space<vmem>>
      %dma_wait3A_156 = arith.constant 0 : i32
      %dma_wait3A_157 = arith.constant 0 : i32
      %dma_wait3A_158 = tpu.memref_slice %arg4[%dma_wait3A_156, %dma_wait3A_157] : memref<10016x16xf32, #tpu.memory_space<hbm>> -> memref<10016x16xf32, #tpu.memory_space<hbm>>
      tpu.wait_indirect_dma semaphore(%arg14 : memref<!tpu.dma_semaphore, #tpu.memory_space<semaphore_mem>>) src(%dma_wait3A_158 : memref<10016x16xf32, #tpu.memory_space<hbm>>) dst(%dma_wait3A_152 : memref<1280x16xf32, #tpu.memory_space<vmem>>)
      %scan3A_159 = arith.constant 0 : i32
      %scan3A_160 = arith.constant 0 : i32
      %scan3A_161 = arith.constant 160 : i32
      %scan3A_162 = arith.addi %scan3A_160, %scan3A_161 : i32
      %scan3A_163 = arith.constant 1 : i32
      scf.for %scan3A_499 = %scan3A_160 to %scan3A_162 step %scan3A_163  : i32 {
        %mul3A_500 = arith.constant 8 : i32
        %mul3A_501 = arith.muli %scan3A_499, %mul3A_500 : i32
        %add3A_502 = arith.constant 0 : i32
        %add3A_503 = arith.addi %mul3A_501, %add3A_502 : i32
        %get3A = arith.constant 1 : i32
        %get3A_504 = arith.index_cast %get3A : i32 to index
        %get3A_505 = arith.index_cast %add3A_503 : i32 to index
        %get3A_506 = arith.constant 0 : index
        %get3A_507 = tpu.vector_load %arg8[%get3A_504, %get3A_505, %get3A_506] {strides = array<i32>} : memref<2x1280x16xf32, #tpu.memory_space<vmem>>, vector<1x1x16xf32>,
        %get3A_508 = vector.shape_cast %get3A_507 : vector<1x1x16xf32> to vector<16xf32>
        %get3A_509 = arith.constant 1 : i32
        %get3A_510 = arith.index_cast %get3A_509 : i32 to index
        %get3A_511 = arith.index_cast %add3A_503 : i32 to index
        %get3A_512 = arith.constant 0 : index
        %get3A_513 = tpu.vector_load %arg9[%get3A_510, %get3A_511, %get3A_512] {strides = array<i32>} : memref<2x1280x16xf32, #tpu.memory_space<vmem>>, vector<1x1x16xf32>,
        %get3A_514 = vector.shape_cast %get3A_513 : vector<1x1x16xf32> to vector<16xf32>
        %max3A = arith.maximumf %get3A_508, %get3A_514 : vector<16xf32>
        %swap3A = arith.index_cast %scan3A_499 : i32 to index
        %swap3A_515 = arith.constant 0 : index
        %swap3A_516 = tpu.vector_load %arg10[%swap3A, %swap3A_515] {strides = array<i32>} : memref<160x128xf32, #tpu.memory_space<vmem>>, vector<1x16xf32>,
        %swap3A_517 = vector.shape_cast %swap3A_516 : vector<1x16xf32> to vector<16xf32>
        %swap3A_518 = vector.shape_cast %max3A : vector<16xf32> to vector<1x16xf32>
        tpu.vector_store %arg10[%swap3A, %swap3A_515], %swap3A_518 {strides = array<i32>} : memref<160x128xf32, #tpu.memory_space<vmem>>, vector<1x16xf32>,
        %mul3A_519 = arith.constant 8 : i32
        %mul3A_520 = arith.muli %scan3A_499, %mul3A_519 : i32
        %add3A_521 = arith.constant 1 : i32
        %add3A_522 = arith.addi %mul3A_520, %add3A_521 : i32
        %get3A_523 = arith.constant 1 : i32
        %get3A_524 = arith.index_cast %get3A_523 : i32 to index
        %get3A_525 = arith.index_cast %add3A_522 : i32 to index
        %get3A_526 = arith.constant 0 : index
        %get3A_527 = tpu.vector_load %arg8[%get3A_524, %get3A_525, %get3A_526] {strides = array<i32>} : memref<2x1280x16xf32, #tpu.memory_space<vmem>>, vector<1x1x16xf32>,
        %get3A_528 = vector.shape_cast %get3A_527 : vector<1x1x16xf32> to vector<16xf32>
        %get3A_529 = arith.constant 1 : i32
        %get3A_530 = arith.index_cast %get3A_529 : i32 to index
        %get3A_531 = arith.index_cast %add3A_522 : i32 to index
        %get3A_532 = arith.constant 0 : index
        %get3A_533 = tpu.vector_load %arg9[%get3A_530, %get3A_531, %get3A_532] {strides = array<i32>} : memref<2x1280x16xf32, #tpu.memory_space<vmem>>, vector<1x1x16xf32>,
        %get3A_534 = vector.shape_cast %get3A_533 : vector<1x1x16xf32> to vector<16xf32>
        %max3A_535 = arith.maximumf %get3A_528, %get3A_534 : vector<16xf32>
        %swap3A_536 = arith.index_cast %scan3A_499 : i32 to index
        %swap3A_537 = arith.constant 16 : index
        %swap3A_538 = tpu.vector_load %arg10[%swap3A_536, %swap3A_537] {strides = array<i32>} : memref<160x128xf32, #tpu.memory_space<vmem>>, vector<1x16xf32>,
        %swap3A_539 = vector.shape_cast %swap3A_538 : vector<1x16xf32> to vector<16xf32>
        %swap3A_540 = vector.shape_cast %max3A_535 : vector<16xf32> to vector<1x16xf32>
        tpu.vector_store %arg10[%swap3A_536, %swap3A_537], %swap3A_540 {strides = array<i32>} : memref<160x128xf32, #tpu.memory_space<vmem>>, vector<1x16xf32>,
        %mul3A_541 = arith.constant 8 : i32
        %mul3A_542 = arith.muli %scan3A_499, %mul3A_541 : i32
        %add3A_543 = arith.constant 2 : i32
        %add3A_544 = arith.addi %mul3A_542, %add3A_543 : i32
        %get3A_545 = arith.constant 1 : i32
        %get3A_546 = arith.index_cast %get3A_545 : i32 to index
        %get3A_547 = arith.index_cast %add3A_544 : i32 to index
        %get3A_548 = arith.constant 0 : index
        %get3A_549 = tpu.vector_load %arg8[%get3A_546, %get3A_547, %get3A_548] {strides = array<i32>} : memref<2x1280x16xf32, #tpu.memory_space<vmem>>, vector<1x1x16xf32>,
        %get3A_550 = vector.shape_cast %get3A_549 : vector<1x1x16xf32> to vector<16xf32>
        %get3A_551 = arith.constant 1 : i32
        %get3A_552 = arith.index_cast %get3A_551 : i32 to index
        %get3A_553 = arith.index_cast %add3A_544 : i32 to index
        %get3A_554 = arith.constant 0 : index
        %get3A_555 = tpu.vector_load %arg9[%get3A_552, %get3A_553, %get3A_554] {strides = array<i32>} : memref<2x1280x16xf32, #tpu.memory_space<vmem>>, vector<1x1x16xf32>,
        %get3A_556 = vector.shape_cast %get3A_555 : vector<1x1x16xf32> to vector<16xf32>
        %max3A_557 = arith.maximumf %get3A_550, %get3A_556 : vector<16xf32>
        %swap3A_558 = arith.index_cast %scan3A_499 : i32 to index
        %swap3A_559 = arith.constant 32 : index
        %swap3A_560 = tpu.vector_load %arg10[%swap3A_558, %swap3A_559] {strides = array<i32>} : memref<160x128xf32, #tpu.memory_space<vmem>>, vector<1x16xf32>,
        %swap3A_561 = vector.shape_cast %swap3A_560 : vector<1x16xf32> to vector<16xf32>
        %swap3A_562 = vector.shape_cast %max3A_557 : vector<16xf32> to vector<1x16xf32>
        tpu.vector_store %arg10[%swap3A_558, %swap3A_559], %swap3A_562 {strides = array<i32>} : memref<160x128xf32, #tpu.memory_space<vmem>>, vector<1x16xf32>,
        %mul3A_563 = arith.constant 8 : i32
        %mul3A_564 = arith.muli %scan3A_499, %mul3A_563 : i32
        %add3A_565 = arith.constant 3 : i32
        %add3A_566 = arith.addi %mul3A_564, %add3A_565 : i32
        %get3A_567 = arith.constant 1 : i32
        %get3A_568 = arith.index_cast %get3A_567 : i32 to index
        %get3A_569 = arith.index_cast %add3A_566 : i32 to index
        %get3A_570 = arith.constant 0 : index
        %get3A_571 = tpu.vector_load %arg8[%get3A_568, %get3A_569, %get3A_570] {strides = array<i32>} : memref<2x1280x16xf32, #tpu.memory_space<vmem>>, vector<1x1x16xf32>,
        %get3A_572 = vector.shape_cast %get3A_571 : vector<1x1x16xf32> to vector<16xf32>
        %get3A_573 = arith.constant 1 : i32
        %get3A_574 = arith.index_cast %get3A_573 : i32 to index
        %get3A_575 = arith.index_cast %add3A_566 : i32 to index
        %get3A_576 = arith.constant 0 : index
        %get3A_577 = tpu.vector_load %arg9[%get3A_574, %get3A_575, %get3A_576] {strides = array<i32>} : memref<2x1280x16xf32, #tpu.memory_space<vmem>>, vector<1x1x16xf32>,
        %get3A_578 = vector.shape_cast %get3A_577 : vector<1x1x16xf32> to vector<16xf32>
        %max3A_579 = arith.maximumf %get3A_572, %get3A_578 : vector<16xf32>
        %swap3A_580 = arith.index_cast %scan3A_499 : i32 to index
        %swap3A_581 = arith.constant 48 : index
        %swap3A_582 = tpu.vector_load %arg10[%swap3A_580, %swap3A_581] {strides = array<i32>} : memref<160x128xf32, #tpu.memory_space<vmem>>, vector<1x16xf32>,
        %swap3A_583 = vector.shape_cast %swap3A_582 : vector<1x16xf32> to vector<16xf32>
        %swap3A_584 = vector.shape_cast %max3A_579 : vector<16xf32> to vector<1x16xf32>
        tpu.vector_store %arg10[%swap3A_580, %swap3A_581], %swap3A_584 {strides = array<i32>} : memref<160x128xf32, #tpu.memory_space<vmem>>, vector<1x16xf32>,
        %mul3A_585 = arith.constant 8 : i32
        %mul3A_586 = arith.muli %scan3A_499, %mul3A_585 : i32
        %add3A_587 = arith.constant 4 : i32
        %add3A_588 = arith.addi %mul3A_586, %add3A_587 : i32
        %get3A_589 = arith.constant 1 : i32
        %get3A_590 = arith.index_cast %get3A_589 : i32 to index
        %get3A_591 = arith.index_cast %add3A_588 : i32 to index
        %get3A_592 = arith.constant 0 : index
        %get3A_593 = tpu.vector_load %arg8[%get3A_590, %get3A_591, %get3A_592] {strides = array<i32>} : memref<2x1280x16xf32, #tpu.memory_space<vmem>>, vector<1x1x16xf32>,
        %get3A_594 = vector.shape_cast %get3A_593 : vector<1x1x16xf32> to vector<16xf32>
        %get3A_595 = arith.constant 1 : i32
        %get3A_596 = arith.index_cast %get3A_595 : i32 to index
        %get3A_597 = arith.index_cast %add3A_588 : i32 to index
        %get3A_598 = arith.constant 0 : index
        %get3A_599 = tpu.vector_load %arg9[%get3A_596, %get3A_597, %get3A_598] {strides = array<i32>} : memref<2x1280x16xf32, #tpu.memory_space<vmem>>, vector<1x1x16xf32>,
        %get3A_600 = vector.shape_cast %get3A_599 : vector<1x1x16xf32> to vector<16xf32>
        %max3A_601 = arith.maximumf %get3A_594, %get3A_600 : vector<16xf32>
        %swap3A_602 = arith.index_cast %scan3A_499 : i32 to index
        %swap3A_603 = arith.constant 64 : index
        %swap3A_604 = tpu.vector_load %arg10[%swap3A_602, %swap3A_603] {strides = array<i32>} : memref<160x128xf32, #tpu.memory_space<vmem>>, vector<1x16xf32>,
        %swap3A_605 = vector.shape_cast %swap3A_604 : vector<1x16xf32> to vector<16xf32>
        %swap3A_606 = vector.shape_cast %max3A_601 : vector<16xf32> to vector<1x16xf32>
        tpu.vector_store %arg10[%swap3A_602, %swap3A_603], %swap3A_606 {strides = array<i32>} : memref<160x128xf32, #tpu.memory_space<vmem>>, vector<1x16xf32>,
        %mul3A_607 = arith.constant 8 : i32
        %mul3A_608 = arith.muli %scan3A_499, %mul3A_607 : i32
        %add3A_609 = arith.constant 5 : i32
        %add3A_610 = arith.addi %mul3A_608, %add3A_609 : i32
        %get3A_611 = arith.constant 1 : i32
        %get3A_612 = arith.index_cast %get3A_611 : i32 to index
        %get3A_613 = arith.index_cast %add3A_610 : i32 to index
        %get3A_614 = arith.constant 0 : index
        %get3A_615 = tpu.vector_load %arg8[%get3A_612, %get3A_613, %get3A_614] {strides = array<i32>} : memref<2x1280x16xf32, #tpu.memory_space<vmem>>, vector<1x1x16xf32>,
        %get3A_616 = vector.shape_cast %get3A_615 : vector<1x1x16xf32> to vector<16xf32>
        %get3A_617 = arith.constant 1 : i32
        %get3A_618 = arith.index_cast %get3A_617 : i32 to index
        %get3A_619 = arith.index_cast %add3A_610 : i32 to index
        %get3A_620 = arith.constant 0 : index
        %get3A_621 = tpu.vector_load %arg9[%get3A_618, %get3A_619, %get3A_620] {strides = array<i32>} : memref<2x1280x16xf32, #tpu.memory_space<vmem>>, vector<1x1x16xf32>,
        %get3A_622 = vector.shape_cast %get3A_621 : vector<1x1x16xf32> to vector<16xf32>
        %max3A_623 = arith.maximumf %get3A_616, %get3A_622 : vector<16xf32>
        %swap3A_624 = arith.index_cast %scan3A_499 : i32 to index
        %swap3A_625 = arith.constant 80 : index
        %swap3A_626 = tpu.vector_load %arg10[%swap3A_624, %swap3A_625] {strides = array<i32>} : memref<160x128xf32, #tpu.memory_space<vmem>>, vector<1x16xf32>,
        %swap3A_627 = vector.shape_cast %swap3A_626 : vector<1x16xf32> to vector<16xf32>
        %swap3A_628 = vector.shape_cast %max3A_623 : vector<16xf32> to vector<1x16xf32>
        tpu.vector_store %arg10[%swap3A_624, %swap3A_625], %swap3A_628 {strides = array<i32>} : memref<160x128xf32, #tpu.memory_space<vmem>>, vector<1x16xf32>,
        %mul3A_629 = arith.constant 8 : i32
        %mul3A_630 = arith.muli %scan3A_499, %mul3A_629 : i32
        %add3A_631 = arith.constant 6 : i32
        %add3A_632 = arith.addi %mul3A_630, %add3A_631 : i32
        %get3A_633 = arith.constant 1 : i32
        %get3A_634 = arith.index_cast %get3A_633 : i32 to index
        %get3A_635 = arith.index_cast %add3A_632 : i32 to index
        %get3A_636 = arith.constant 0 : index
        %get3A_637 = tpu.vector_load %arg8[%get3A_634, %get3A_635, %get3A_636] {strides = array<i32>} : memref<2x1280x16xf32, #tpu.memory_space<vmem>>, vector<1x1x16xf32>,
        %get3A_638 = vector.shape_cast %get3A_637 : vector<1x1x16xf32> to vector<16xf32>
        %get3A_639 = arith.constant 1 : i32
        %get3A_640 = arith.index_cast %get3A_639 : i32 to index
        %get3A_641 = arith.index_cast %add3A_632 : i32 to index
        %get3A_642 = arith.constant 0 : index
        %get3A_643 = tpu.vector_load %arg9[%get3A_640, %get3A_641, %get3A_642] {strides = array<i32>} : memref<2x1280x16xf32, #tpu.memory_space<vmem>>, vector<1x1x16xf32>,
        %get3A_644 = vector.shape_cast %get3A_643 : vector<1x1x16xf32> to vector<16xf32>
        %max3A_645 = arith.maximumf %get3A_638, %get3A_644 : vector<16xf32>
        %swap3A_646 = arith.index_cast %scan3A_499 : i32 to index
        %swap3A_647 = arith.constant 96 : index
        %swap3A_648 = tpu.vector_load %arg10[%swap3A_646, %swap3A_647] {strides = array<i32>} : memref<160x128xf32, #tpu.memory_space<vmem>>, vector<1x16xf32>,
        %swap3A_649 = vector.shape_cast %swap3A_648 : vector<1x16xf32> to vector<16xf32>
        %swap3A_650 = vector.shape_cast %max3A_645 : vector<16xf32> to vector<1x16xf32>
        tpu.vector_store %arg10[%swap3A_646, %swap3A_647], %swap3A_650 {strides = array<i32>} : memref<160x128xf32, #tpu.memory_space<vmem>>, vector<1x16xf32>,
        %mul3A_651 = arith.constant 8 : i32
        %mul3A_652 = arith.muli %scan3A_499, %mul3A_651 : i32
        %add3A_653 = arith.constant 7 : i32
        %add3A_654 = arith.addi %mul3A_652, %add3A_653 : i32
        %get3A_655 = arith.constant 1 : i32
        %get3A_656 = arith.index_cast %get3A_655 : i32 to index
        %get3A_657 = arith.index_cast %add3A_654 : i32 to index
        %get3A_658 = arith.constant 0 : index
        %get3A_659 = tpu.vector_load %arg8[%get3A_656, %get3A_657, %get3A_658] {strides = array<i32>} : memref<2x1280x16xf32, #tpu.memory_space<vmem>>, vector<1x1x16xf32>,
        %get3A_660 = vector.shape_cast %get3A_659 : vector<1x1x16xf32> to vector<16xf32>
        %get3A_661 = arith.constant 1 : i32
        %get3A_662 = arith.index_cast %get3A_661 : i32 to index
        %get3A_663 = arith.index_cast %add3A_654 : i32 to index
        %get3A_664 = arith.constant 0 : index
        %get3A_665 = tpu.vector_load %arg9[%get3A_662, %get3A_663, %get3A_664] {strides = array<i32>} : memref<2x1280x16xf32, #tpu.memory_space<vmem>>, vector<1x1x16xf32>,
        %get3A_666 = vector.shape_cast %get3A_665 : vector<1x1x16xf32> to vector<16xf32>
        %max3A_667 = arith.maximumf %get3A_660, %get3A_666 : vector<16xf32>
        %swap3A_668 = arith.index_cast %scan3A_499 : i32 to index
        %swap3A_669 = arith.constant 112 : index
        %swap3A_670 = tpu.vector_load %arg10[%swap3A_668, %swap3A_669] {strides = array<i32>} : memref<160x128xf32, #tpu.memory_space<vmem>>, vector<1x16xf32>,
        %swap3A_671 = vector.shape_cast %swap3A_670 : vector<1x16xf32> to vector<16xf32>
        %swap3A_672 = vector.shape_cast %max3A_667 : vector<16xf32> to vector<1x16xf32>
        tpu.vector_store %arg10[%swap3A_668, %swap3A_669], %swap3A_672 {strides = array<i32>} : memref<160x128xf32, #tpu.memory_space<vmem>>, vector<1x16xf32>,
      }
      %scan3A_164 = arith.constant 160 : i32
      %add3A_165 = arith.constant 1280 : i32
      %add3A_166 = arith.addi %mul3A_0, %add3A_165 : i32
      %jit3A_167 = arith.constant 8 : i32
      %div3A_168 = arith.divsi %add3A_166, %jit3A_167 : i32
      %sign3A_169 = arith.constant 0 : i32
      %sign3A_170 = arith.cmpi sgt, %add3A_166, %sign3A_169 : i32
      %sign3A_171 = arith.extui %sign3A_170 : i1 to i32
      %sign3A_172 = arith.constant 0 : i32
      %sign3A_173 = arith.cmpi slt, %add3A_166, %sign3A_172 : i32
      %sign3A_174 = arith.extui %sign3A_173 : i1 to i32
      %sign3A_175 = arith.subi %sign3A_171, %sign3A_174 : i32
      %sign3A_176 = arith.constant 0 : i32
      %sign3A_177 = arith.cmpi sgt, %jit3A_167, %sign3A_176 : i32
      %sign3A_178 = arith.extui %sign3A_177 : i1 to i32
      %sign3A_179 = arith.constant 0 : i32
      %sign3A_180 = arith.cmpi slt, %jit3A_167, %sign3A_179 : i32
      %sign3A_181 = arith.extui %sign3A_180 : i1 to i32
      %sign3A_182 = arith.subi %sign3A_178, %sign3A_181 : i32
      %ne3A_183 = arith.cmpi ne, %sign3A_175, %sign3A_182 : i32
      %rem3A_184 = arith.remsi %add3A_166, %jit3A_167 : i32
      %ne3A_185 = arith.constant 0 : i32
      %ne3A_186 = arith.cmpi ne, %rem3A_184, %ne3A_185 : i32
      %and3A_187 = arith.andi %ne3A_183, %ne3A_186 : i1
      %sub3A_188 = arith.constant 1 : i32
      %sub3A_189 = arith.subi %div3A_168, %sub3A_188 : i32
      %select_n3A_190 = arith.select %and3A_187, %sub3A_189, %div3A_168 : i32
      "tpu.region"() ({
        %run_scoped3A_499 = tpu.sem_alloc : memref<!tpu.dma_semaphore, #tpu.memory_space<semaphore_mem>>
        %dma_start3A_500 = arith.constant 0 : i32
        %dma_start3A_501 = tpu.memref_slice %arg5[%select_n3A_190, %dma_start3A_500] : memref<20480x128xf32, #tpu.memory_space<hbm>> -> memref<160x128xf32, #tpu.memory_space<hbm>>
        %dma_start3A_502 = arith.constant 0 : i32
        %dma_start3A_503 = tpu.memref_slice %arg5[%select_n3A_190, %dma_start3A_502] : memref<20480x128xf32, #tpu.memory_space<hbm>> -> memref<160x128xf32, #tpu.memory_space<hbm>>
        tpu.enqueue_dma source(%arg10 : memref<160x128xf32, #tpu.memory_space<vmem>>) target(%dma_start3A_503 : memref<160x128xf32, #tpu.memory_space<hbm>>) target_semaphore(%run_scoped3A_499 : memref<!tpu.dma_semaphore, #tpu.memory_space<semaphore_mem>>)
        %dma_wait3A_504 = arith.constant 0 : i32
        %dma_wait3A_505 = tpu.memref_slice %arg5[%select_n3A_190, %dma_wait3A_504] : memref<20480x128xf32, #tpu.memory_space<hbm>> -> memref<160x128xf32, #tpu.memory_space<hbm>>
        %dma_wait3A_506 = arith.constant 0 : i32
        %dma_wait3A_507 = tpu.memref_slice %arg5[%select_n3A_190, %dma_wait3A_506] : memref<20480x128xf32, #tpu.memory_space<hbm>> -> memref<160x128xf32, #tpu.memory_space<hbm>>
        tpu.wait_dma2 semaphore(%run_scoped3A_499 : memref<!tpu.dma_semaphore, #tpu.memory_space<semaphore_mem>>) src(%arg10 : memref<160x128xf32, #tpu.memory_space<vmem>>) dst(%dma_wait3A_507 : memref<160x128xf32, #tpu.memory_space<hbm>>)
        tpu.yield
      }) : () -> ()
      %add3A_191 = arith.constant 3840 : i32
      %add3A_192 = arith.addi %mul3A_0, %add3A_191 : i32
      %run_scoped3A_193 = arith.constant 1 : i32
      "tpu.region"() ({
        %run_scoped3A_499 = tpu.sem_alloc : memref<!tpu.dma_semaphore, #tpu.memory_space<semaphore_mem>>
        %dma_start3A_500 = arith.constant 0 : i32
        %dma_start3A_501 = tpu.memref_slice %arg6[%run_scoped3A_193, %dma_start3A_500] : memref<2x1280xi32, #tpu.memory_space<vmem>> -> memref<1x1280xi32, #tpu.memory_space<vmem>>
        %dma_start3A_502 = tpu.memref_squeeze %dma_start3A_501 : memref<1x1280xi32, #tpu.memory_space<vmem>> -> memref<1280xi32, #tpu.memory_space<vmem>>
        %dma_start3A_503 = tpu.memref_slice %arg2[%add3A_192] : memref<163840xi32, #tpu.memory_space<hbm>> -> memref<1280xi32, #tpu.memory_space<hbm>>
        %dma_start3A_504 = arith.constant 0 : i32
        %dma_start3A_505 = tpu.memref_slice %arg6[%run_scoped3A_193, %dma_start3A_504] : memref<2x1280xi32, #tpu.memory_space<vmem>> -> memref<1x1280xi32, #tpu.memory_space<vmem>>
        %dma_start3A_506 = tpu.memref_squeeze %dma_start3A_505 : memref<1x1280xi32, #tpu.memory_space<vmem>> -> memref<1280xi32, #tpu.memory_space<vmem>>
        %dma_start3A_507 = tpu.memref_slice %arg2[%add3A_192] : memref<163840xi32, #tpu.memory_space<hbm>> -> memref<1280xi32, #tpu.memory_space<hbm>>
        tpu.enqueue_dma source(%dma_start3A_507 : memref<1280xi32, #tpu.memory_space<hbm>>) target(%dma_start3A_506 : memref<1280xi32, #tpu.memory_space<vmem>>) target_semaphore(%run_scoped3A_499 : memref<!tpu.dma_semaphore, #tpu.memory_space<semaphore_mem>>)
        %dma_wait3A_508 = arith.constant 0 : i32
        %dma_wait3A_509 = tpu.memref_slice %arg6[%run_scoped3A_193, %dma_wait3A_508] : memref<2x1280xi32, #tpu.memory_space<vmem>> -> memref<1x1280xi32, #tpu.memory_space<vmem>>
        %dma_wait3A_510 = tpu.memref_squeeze %dma_wait3A_509 : memref<1x1280xi32, #tpu.memory_space<vmem>> -> memref<1280xi32, #tpu.memory_space<vmem>>
        %dma_wait3A_511 = tpu.memref_slice %arg2[%add3A_192] : memref<163840xi32, #tpu.memory_space<hbm>> -> memref<1280xi32, #tpu.memory_space<hbm>>
        %dma_wait3A_512 = arith.constant 0 : i32
        %dma_wait3A_513 = tpu.memref_slice %arg6[%run_scoped3A_193, %dma_wait3A_512] : memref<2x1280xi32, #tpu.memory_space<vmem>> -> memref<1x1280xi32, #tpu.memory_space<vmem>>
        %dma_wait3A_514 = tpu.memref_squeeze %dma_wait3A_513 : memref<1x1280xi32, #tpu.memory_space<vmem>> -> memref<1280xi32, #tpu.memory_space<vmem>>
        %dma_wait3A_515 = tpu.memref_slice %arg2[%add3A_192] : memref<163840xi32, #tpu.memory_space<hbm>> -> memref<1280xi32, #tpu.memory_space<hbm>>
        tpu.wait_dma2 semaphore(%run_scoped3A_499 : memref<!tpu.dma_semaphore, #tpu.memory_space<semaphore_mem>>) src(%dma_wait3A_515 : memref<1280xi32, #tpu.memory_space<hbm>>) dst(%dma_wait3A_514 : memref<1280xi32, #tpu.memory_space<vmem>>)
        tpu.yield
      }) : () -> ()
      %run_scoped3A_194 = arith.constant 1 : i32
      "tpu.region"() ({
        %run_scoped3A_499 = tpu.sem_alloc : memref<!tpu.dma_semaphore, #tpu.memory_space<semaphore_mem>>
        %dma_start3A_500 = arith.constant 0 : i32
        %dma_start3A_501 = tpu.memref_slice %arg7[%run_scoped3A_194, %dma_start3A_500] : memref<2x1280xi32, #tpu.memory_space<vmem>> -> memref<1x1280xi32, #tpu.memory_space<vmem>>
        %dma_start3A_502 = tpu.memref_squeeze %dma_start3A_501 : memref<1x1280xi32, #tpu.memory_space<vmem>> -> memref<1280xi32, #tpu.memory_space<vmem>>
        %dma_start3A_503 = tpu.memref_slice %arg3[%add3A_192] : memref<163840xi32, #tpu.memory_space<hbm>> -> memref<1280xi32, #tpu.memory_space<hbm>>
        %dma_start3A_504 = arith.constant 0 : i32
        %dma_start3A_505 = tpu.memref_slice %arg7[%run_scoped3A_194, %dma_start3A_504] : memref<2x1280xi32, #tpu.memory_space<vmem>> -> memref<1x1280xi32, #tpu.memory_space<vmem>>
        %dma_start3A_506 = tpu.memref_squeeze %dma_start3A_505 : memref<1x1280xi32, #tpu.memory_space<vmem>> -> memref<1280xi32, #tpu.memory_space<vmem>>
        %dma_start3A_507 = tpu.memref_slice %arg3[%add3A_192] : memref<163840xi32, #tpu.memory_space<hbm>> -> memref<1280xi32, #tpu.memory_space<hbm>>
        tpu.enqueue_dma source(%dma_start3A_507 : memref<1280xi32, #tpu.memory_space<hbm>>) target(%dma_start3A_506 : memref<1280xi32, #tpu.memory_space<vmem>>) target_semaphore(%run_scoped3A_499 : memref<!tpu.dma_semaphore, #tpu.memory_space<semaphore_mem>>)
        %dma_wait3A_508 = arith.constant 0 : i32
        %dma_wait3A_509 = tpu.memref_slice %arg7[%run_scoped3A_194, %dma_wait3A_508] : memref<2x1280xi32, #tpu.memory_space<vmem>> -> memref<1x1280xi32, #tpu.memory_space<vmem>>
        %dma_wait3A_510 = tpu.memref_squeeze %dma_wait3A_509 : memref<1x1280xi32, #tpu.memory_space<vmem>> -> memref<1280xi32, #tpu.memory_space<vmem>>
        %dma_wait3A_511 = tpu.memref_slice %arg3[%add3A_192] : memref<163840xi32, #tpu.memory_space<hbm>> -> memref<1280xi32, #tpu.memory_space<hbm>>
        %dma_wait3A_512 = arith.constant 0 : i32
        %dma_wait3A_513 = tpu.memref_slice %arg7[%run_scoped3A_194, %dma_wait3A_512] : memref<2x1280xi32, #tpu.memory_space<vmem>> -> memref<1x1280xi32, #tpu.memory_space<vmem>>
        %dma_wait3A_514 = tpu.memref_squeeze %dma_wait3A_513 : memref<1x1280xi32, #tpu.memory_space<vmem>> -> memref<1280xi32, #tpu.memory_space<vmem>>
        %dma_wait3A_515 = tpu.memref_slice %arg3[%add3A_192] : memref<163840xi32, #tpu.memory_space<hbm>> -> memref<1280xi32, #tpu.memory_space<hbm>>
        tpu.wait_dma2 semaphore(%run_scoped3A_499 : memref<!tpu.dma_semaphore, #tpu.memory_space<semaphore_mem>>) src(%dma_wait3A_515 : memref<1280xi32, #tpu.memory_space<hbm>>) dst(%dma_wait3A_514 : memref<1280xi32, #tpu.memory_space<vmem>>)
        tpu.yield
      }) : () -> ()
      %dma_start3A_195 = arith.constant 1 : i32
      %dma_start3A_196 = arith.constant 1 : i32
      %dma_start3A_197 = arith.constant 0 : i32
      %dma_start3A_198 = arith.constant 0 : i32
      %dma_start3A_199 = tpu.memref_slice %arg8[%dma_start3A_196, %dma_start3A_197, %dma_start3A_198] : memref<2x1280x16xf32, #tpu.memory_space<vmem>> -> memref<1x1280x16xf32, #tpu.memory_space<vmem>>
      %dma_start3A_200 = tpu.memref_squeeze %dma_start3A_199 : memref<1x1280x16xf32, #tpu.memory_space<vmem>> -> memref<1280x16xf32, #tpu.memory_space<vmem>>
      %dma_start3A_201 = arith.constant 0 : i32
      %dma_start3A_202 = tpu.memref_slice %arg6[%dma_start3A_195, %dma_start3A_201] : memref<2x1280xi32, #tpu.memory_space<vmem>> -> memref<1x1280xi32, #tpu.memory_space<vmem>>
      %dma_start3A_203 = tpu.memref_squeeze %dma_start3A_202 : memref<1x1280xi32, #tpu.memory_space<vmem>> -> memref<1280xi32, #tpu.memory_space<vmem>>
      %dma_start3A_204 = arith.constant 0 : i32
      %dma_start3A_205 = arith.constant 0 : i32
      %dma_start3A_206 = tpu.memref_slice %arg4[%dma_start3A_204, %dma_start3A_205] : memref<10016x16xf32, #tpu.memory_space<hbm>> -> memref<10016x16xf32, #tpu.memory_space<hbm>>
      tpu.enqueue_indirect_dma source(%dma_start3A_206 : memref<10016x16xf32, #tpu.memory_space<hbm>>) target(%dma_start3A_200 : memref<1280x16xf32, #tpu.memory_space<vmem>>) offsets(%dma_start3A_203 : memref<1280xi32, #tpu.memory_space<vmem>>) semaphore(%arg13 : memref<!tpu.dma_semaphore, #tpu.memory_space<semaphore_mem>>)
      %dma_start3A_207 = arith.constant 1 : i32
      %dma_start3A_208 = arith.constant 1 : i32
      %dma_start3A_209 = arith.constant 0 : i32
      %dma_start3A_210 = arith.constant 0 : i32
      %dma_start3A_211 = tpu.memref_slice %arg9[%dma_start3A_208, %dma_start3A_209, %dma_start3A_210] : memref<2x1280x16xf32, #tpu.memory_space<vmem>> -> memref<1x1280x16xf32, #tpu.memory_space<vmem>>
      %dma_start3A_212 = tpu.memref_squeeze %dma_start3A_211 : memref<1x1280x16xf32, #tpu.memory_space<vmem>> -> memref<1280x16xf32, #tpu.memory_space<vmem>>
      %dma_start3A_213 = arith.constant 0 : i32
      %dma_start3A_214 = tpu.memref_slice %arg7[%dma_start3A_207, %dma_start3A_213] : memref<2x1280xi32, #tpu.memory_space<vmem>> -> memref<1x1280xi32, #tpu.memory_space<vmem>>
      %dma_start3A_215 = tpu.memref_squeeze %dma_start3A_214 : memref<1x1280xi32, #tpu.memory_space<vmem>> -> memref<1280xi32, #tpu.memory_space<vmem>>
      %dma_start3A_216 = arith.constant 0 : i32
      %dma_start3A_217 = arith.constant 0 : i32
      %dma_start3A_218 = tpu.memref_slice %arg4[%dma_start3A_216, %dma_start3A_217] : memref<10016x16xf32, #tpu.memory_space<hbm>> -> memref<10016x16xf32, #tpu.memory_space<hbm>>
      tpu.enqueue_indirect_dma source(%dma_start3A_218 : memref<10016x16xf32, #tpu.memory_space<hbm>>) target(%dma_start3A_212 : memref<1280x16xf32, #tpu.memory_space<vmem>>) offsets(%dma_start3A_215 : memref<1280xi32, #tpu.memory_space<vmem>>) semaphore(%arg14 : memref<!tpu.dma_semaphore, #tpu.memory_space<semaphore_mem>>)
      %dma_wait3A_219 = arith.constant 0 : i32
      %dma_wait3A_220 = arith.constant 0 : i32
      %dma_wait3A_221 = arith.constant 0 : i32
      %dma_wait3A_222 = arith.constant 0 : i32
      %dma_wait3A_223 = tpu.memref_slice %arg8[%dma_wait3A_220, %dma_wait3A_221, %dma_wait3A_222] : memref<2x1280x16xf32, #tpu.memory_space<vmem>> -> memref<1x1280x16xf32, #tpu.memory_space<vmem>>
      %dma_wait3A_224 = tpu.memref_squeeze %dma_wait3A_223 : memref<1x1280x16xf32, #tpu.memory_space<vmem>> -> memref<1280x16xf32, #tpu.memory_space<vmem>>
      %dma_wait3A_225 = arith.constant 0 : i32
      %dma_wait3A_226 = tpu.memref_slice %arg6[%dma_wait3A_219, %dma_wait3A_225] : memref<2x1280xi32, #tpu.memory_space<vmem>> -> memref<1x1280xi32, #tpu.memory_space<vmem>>
      %dma_wait3A_227 = tpu.memref_squeeze %dma_wait3A_226 : memref<1x1280xi32, #tpu.memory_space<vmem>> -> memref<1280xi32, #tpu.memory_space<vmem>>
      %dma_wait3A_228 = arith.constant 0 : i32
      %dma_wait3A_229 = arith.constant 0 : i32
      %dma_wait3A_230 = tpu.memref_slice %arg4[%dma_wait3A_228, %dma_wait3A_229] : memref<10016x16xf32, #tpu.memory_space<hbm>> -> memref<10016x16xf32, #tpu.memory_space<hbm>>
      tpu.wait_indirect_dma semaphore(%arg11 : memref<!tpu.dma_semaphore, #tpu.memory_space<semaphore_mem>>) src(%dma_wait3A_230 : memref<10016x16xf32, #tpu.memory_space<hbm>>) dst(%dma_wait3A_224 : memref<1280x16xf32, #tpu.memory_space<vmem>>)
      %dma_wait3A_231 = arith.constant 0 : i32
      %dma_wait3A_232 = arith.constant 0 : i32
      %dma_wait3A_233 = arith.constant 0 : i32
      %dma_wait3A_234 = arith.constant 0 : i32
      %dma_wait3A_235 = tpu.memref_slice %arg9[%dma_wait3A_232, %dma_wait3A_233, %dma_wait3A_234] : memref<2x1280x16xf32, #tpu.memory_space<vmem>> -> memref<1x1280x16xf32, #tpu.memory_space<vmem>>
      %dma_wait3A_236 = tpu.memref_squeeze %dma_wait3A_235 : memref<1x1280x16xf32, #tpu.memory_space<vmem>> -> memref<1280x16xf32, #tpu.memory_space<vmem>>
      %dma_wait3A_237 = arith.constant 0 : i32
      %dma_wait3A_238 = tpu.memref_slice %arg7[%dma_wait3A_231, %dma_wait3A_237] : memref<2x1280xi32, #tpu.memory_space<vmem>> -> memref<1x1280xi32, #tpu.memory_space<vmem>>
      %dma_wait3A_239 = tpu.memref_squeeze %dma_wait3A_238 : memref<1x1280xi32, #tpu.memory_space<vmem>> -> memref<1280xi32, #tpu.memory_space<vmem>>
      %dma_wait3A_240 = arith.constant 0 : i32
      %dma_wait3A_241 = arith.constant 0 : i32
      %dma_wait3A_242 = tpu.memref_slice %arg4[%dma_wait3A_240, %dma_wait3A_241] : memref<10016x16xf32, #tpu.memory_space<hbm>> -> memref<10016x16xf32, #tpu.memory_space<hbm>>
      tpu.wait_indirect_dma semaphore(%arg12 : memref<!tpu.dma_semaphore, #tpu.memory_space<semaphore_mem>>) src(%dma_wait3A_242 : memref<10016x16xf32, #tpu.memory_space<hbm>>) dst(%dma_wait3A_236 : memref<1280x16xf32, #tpu.memory_space<vmem>>)
      %scan3A_243 = arith.constant 0 : i32
      %scan3A_244 = arith.constant 0 : i32
      %scan3A_245 = arith.constant 160 : i32
      %scan3A_246 = arith.addi %scan3A_244, %scan3A_245 : i32
      %scan3A_247 = arith.constant 1 : i32
      scf.for %scan3A_499 = %scan3A_244 to %scan3A_246 step %scan3A_247  : i32 {
        %mul3A_500 = arith.constant 8 : i32
        %mul3A_501 = arith.muli %scan3A_499, %mul3A_500 : i32
        %add3A_502 = arith.constant 0 : i32
        %add3A_503 = arith.addi %mul3A_501, %add3A_502 : i32
        %get3A = arith.constant 0 : i32
        %get3A_504 = arith.index_cast %get3A : i32 to index
        %get3A_505 = arith.index_cast %add3A_503 : i32 to index
        %get3A_506 = arith.constant 0 : index
        %get3A_507 = tpu.vector_load %arg8[%get3A_504, %get3A_505, %get3A_506] {strides = array<i32>} : memref<2x1280x16xf32, #tpu.memory_space<vmem>>, vector<1x1x16xf32>,
        %get3A_508 = vector.shape_cast %get3A_507 : vector<1x1x16xf32> to vector<16xf32>
        %get3A_509 = arith.constant 0 : i32
        %get3A_510 = arith.index_cast %get3A_509 : i32 to index
        %get3A_511 = arith.index_cast %add3A_503 : i32 to index
        %get3A_512 = arith.constant 0 : index
        %get3A_513 = tpu.vector_load %arg9[%get3A_510, %get3A_511, %get3A_512] {strides = array<i32>} : memref<2x1280x16xf32, #tpu.memory_space<vmem>>, vector<1x1x16xf32>,
        %get3A_514 = vector.shape_cast %get3A_513 : vector<1x1x16xf32> to vector<16xf32>
        %max3A = arith.maximumf %get3A_508, %get3A_514 : vector<16xf32>
        %swap3A = arith.index_cast %scan3A_499 : i32 to index
        %swap3A_515 = arith.constant 0 : index
        %swap3A_516 = tpu.vector_load %arg10[%swap3A, %swap3A_515] {strides = array<i32>} : memref<160x128xf32, #tpu.memory_space<vmem>>, vector<1x16xf32>,
        %swap3A_517 = vector.shape_cast %swap3A_516 : vector<1x16xf32> to vector<16xf32>
        %swap3A_518 = vector.shape_cast %max3A : vector<16xf32> to vector<1x16xf32>
        tpu.vector_store %arg10[%swap3A, %swap3A_515], %swap3A_518 {strides = array<i32>} : memref<160x128xf32, #tpu.memory_space<vmem>>, vector<1x16xf32>,
        %mul3A_519 = arith.constant 8 : i32
        %mul3A_520 = arith.muli %scan3A_499, %mul3A_519 : i32
        %add3A_521 = arith.constant 1 : i32
        %add3A_522 = arith.addi %mul3A_520, %add3A_521 : i32
        %get3A_523 = arith.constant 0 : i32
        %get3A_524 = arith.index_cast %get3A_523 : i32 to index
        %get3A_525 = arith.index_cast %add3A_522 : i32 to index
        %get3A_526 = arith.constant 0 : index
        %get3A_527 = tpu.vector_load %arg8[%get3A_524, %get3A_525, %get3A_526] {strides = array<i32>} : memref<2x1280x16xf32, #tpu.memory_space<vmem>>, vector<1x1x16xf32>,
        %get3A_528 = vector.shape_cast %get3A_527 : vector<1x1x16xf32> to vector<16xf32>
        %get3A_529 = arith.constant 0 : i32
        %get3A_530 = arith.index_cast %get3A_529 : i32 to index
        %get3A_531 = arith.index_cast %add3A_522 : i32 to index
        %get3A_532 = arith.constant 0 : index
        %get3A_533 = tpu.vector_load %arg9[%get3A_530, %get3A_531, %get3A_532] {strides = array<i32>} : memref<2x1280x16xf32, #tpu.memory_space<vmem>>, vector<1x1x16xf32>,
        %get3A_534 = vector.shape_cast %get3A_533 : vector<1x1x16xf32> to vector<16xf32>
        %max3A_535 = arith.maximumf %get3A_528, %get3A_534 : vector<16xf32>
        %swap3A_536 = arith.index_cast %scan3A_499 : i32 to index
        %swap3A_537 = arith.constant 16 : index
        %swap3A_538 = tpu.vector_load %arg10[%swap3A_536, %swap3A_537] {strides = array<i32>} : memref<160x128xf32, #tpu.memory_space<vmem>>, vector<1x16xf32>,
        %swap3A_539 = vector.shape_cast %swap3A_538 : vector<1x16xf32> to vector<16xf32>
        %swap3A_540 = vector.shape_cast %max3A_535 : vector<16xf32> to vector<1x16xf32>
        tpu.vector_store %arg10[%swap3A_536, %swap3A_537], %swap3A_540 {strides = array<i32>} : memref<160x128xf32, #tpu.memory_space<vmem>>, vector<1x16xf32>,
        %mul3A_541 = arith.constant 8 : i32
        %mul3A_542 = arith.muli %scan3A_499, %mul3A_541 : i32
        %add3A_543 = arith.constant 2 : i32
        %add3A_544 = arith.addi %mul3A_542, %add3A_543 : i32
        %get3A_545 = arith.constant 0 : i32
        %get3A_546 = arith.index_cast %get3A_545 : i32 to index
        %get3A_547 = arith.index_cast %add3A_544 : i32 to index
        %get3A_548 = arith.constant 0 : index
        %get3A_549 = tpu.vector_load %arg8[%get3A_546, %get3A_547, %get3A_548] {strides = array<i32>} : memref<2x1280x16xf32, #tpu.memory_space<vmem>>, vector<1x1x16xf32>,
        %get3A_550 = vector.shape_cast %get3A_549 : vector<1x1x16xf32> to vector<16xf32>
        %get3A_551 = arith.constant 0 : i32
        %get3A_552 = arith.index_cast %get3A_551 : i32 to index
        %get3A_553 = arith.index_cast %add3A_544 : i32 to index
        %get3A_554 = arith.constant 0 : index
        %get3A_555 = tpu.vector_load %arg9[%get3A_552, %get3A_553, %get3A_554] {strides = array<i32>} : memref<2x1280x16xf32, #tpu.memory_space<vmem>>, vector<1x1x16xf32>,
        %get3A_556 = vector.shape_cast %get3A_555 : vector<1x1x16xf32> to vector<16xf32>
        %max3A_557 = arith.maximumf %get3A_550, %get3A_556 : vector<16xf32>
        %swap3A_558 = arith.index_cast %scan3A_499 : i32 to index
        %swap3A_559 = arith.constant 32 : index
        %swap3A_560 = tpu.vector_load %arg10[%swap3A_558, %swap3A_559] {strides = array<i32>} : memref<160x128xf32, #tpu.memory_space<vmem>>, vector<1x16xf32>,
        %swap3A_561 = vector.shape_cast %swap3A_560 : vector<1x16xf32> to vector<16xf32>
        %swap3A_562 = vector.shape_cast %max3A_557 : vector<16xf32> to vector<1x16xf32>
        tpu.vector_store %arg10[%swap3A_558, %swap3A_559], %swap3A_562 {strides = array<i32>} : memref<160x128xf32, #tpu.memory_space<vmem>>, vector<1x16xf32>,
        %mul3A_563 = arith.constant 8 : i32
        %mul3A_564 = arith.muli %scan3A_499, %mul3A_563 : i32
        %add3A_565 = arith.constant 3 : i32
        %add3A_566 = arith.addi %mul3A_564, %add3A_565 : i32
        %get3A_567 = arith.constant 0 : i32
        %get3A_568 = arith.index_cast %get3A_567 : i32 to index
        %get3A_569 = arith.index_cast %add3A_566 : i32 to index
        %get3A_570 = arith.constant 0 : index
        %get3A_571 = tpu.vector_load %arg8[%get3A_568, %get3A_569, %get3A_570] {strides = array<i32>} : memref<2x1280x16xf32, #tpu.memory_space<vmem>>, vector<1x1x16xf32>,
        %get3A_572 = vector.shape_cast %get3A_571 : vector<1x1x16xf32> to vector<16xf32>
        %get3A_573 = arith.constant 0 : i32
        %get3A_574 = arith.index_cast %get3A_573 : i32 to index
        %get3A_575 = arith.index_cast %add3A_566 : i32 to index
        %get3A_576 = arith.constant 0 : index
        %get3A_577 = tpu.vector_load %arg9[%get3A_574, %get3A_575, %get3A_576] {strides = array<i32>} : memref<2x1280x16xf32, #tpu.memory_space<vmem>>, vector<1x1x16xf32>,
        %get3A_578 = vector.shape_cast %get3A_577 : vector<1x1x16xf32> to vector<16xf32>
        %max3A_579 = arith.maximumf %get3A_572, %get3A_578 : vector<16xf32>
        %swap3A_580 = arith.index_cast %scan3A_499 : i32 to index
        %swap3A_581 = arith.constant 48 : index
        %swap3A_582 = tpu.vector_load %arg10[%swap3A_580, %swap3A_581] {strides = array<i32>} : memref<160x128xf32, #tpu.memory_space<vmem>>, vector<1x16xf32>,
        %swap3A_583 = vector.shape_cast %swap3A_582 : vector<1x16xf32> to vector<16xf32>
        %swap3A_584 = vector.shape_cast %max3A_579 : vector<16xf32> to vector<1x16xf32>
        tpu.vector_store %arg10[%swap3A_580, %swap3A_581], %swap3A_584 {strides = array<i32>} : memref<160x128xf32, #tpu.memory_space<vmem>>, vector<1x16xf32>,
        %mul3A_585 = arith.constant 8 : i32
        %mul3A_586 = arith.muli %scan3A_499, %mul3A_585 : i32
        %add3A_587 = arith.constant 4 : i32
        %add3A_588 = arith.addi %mul3A_586, %add3A_587 : i32
        %get3A_589 = arith.constant 0 : i32
        %get3A_590 = arith.index_cast %get3A_589 : i32 to index
        %get3A_591 = arith.index_cast %add3A_588 : i32 to index
        %get3A_592 = arith.constant 0 : index
        %get3A_593 = tpu.vector_load %arg8[%get3A_590, %get3A_591, %get3A_592] {strides = array<i32>} : memref<2x1280x16xf32, #tpu.memory_space<vmem>>, vector<1x1x16xf32>,
        %get3A_594 = vector.shape_cast %get3A_593 : vector<1x1x16xf32> to vector<16xf32>
        %get3A_595 = arith.constant 0 : i32
        %get3A_596 = arith.index_cast %get3A_595 : i32 to index
        %get3A_597 = arith.index_cast %add3A_588 : i32 to index
        %get3A_598 = arith.constant 0 : index
        %get3A_599 = tpu.vector_load %arg9[%get3A_596, %get3A_597, %get3A_598] {strides = array<i32>} : memref<2x1280x16xf32, #tpu.memory_space<vmem>>, vector<1x1x16xf32>,
        %get3A_600 = vector.shape_cast %get3A_599 : vector<1x1x16xf32> to vector<16xf32>
        %max3A_601 = arith.maximumf %get3A_594, %get3A_600 : vector<16xf32>
        %swap3A_602 = arith.index_cast %scan3A_499 : i32 to index
        %swap3A_603 = arith.constant 64 : index
        %swap3A_604 = tpu.vector_load %arg10[%swap3A_602, %swap3A_603] {strides = array<i32>} : memref<160x128xf32, #tpu.memory_space<vmem>>, vector<1x16xf32>,
        %swap3A_605 = vector.shape_cast %swap3A_604 : vector<1x16xf32> to vector<16xf32>
        %swap3A_606 = vector.shape_cast %max3A_601 : vector<16xf32> to vector<1x16xf32>
        tpu.vector_store %arg10[%swap3A_602, %swap3A_603], %swap3A_606 {strides = array<i32>} : memref<160x128xf32, #tpu.memory_space<vmem>>, vector<1x16xf32>,
        %mul3A_607 = arith.constant 8 : i32
        %mul3A_608 = arith.muli %scan3A_499, %mul3A_607 : i32
        %add3A_609 = arith.constant 5 : i32
        %add3A_610 = arith.addi %mul3A_608, %add3A_609 : i32
        %get3A_611 = arith.constant 0 : i32
        %get3A_612 = arith.index_cast %get3A_611 : i32 to index
        %get3A_613 = arith.index_cast %add3A_610 : i32 to index
        %get3A_614 = arith.constant 0 : index
        %get3A_615 = tpu.vector_load %arg8[%get3A_612, %get3A_613, %get3A_614] {strides = array<i32>} : memref<2x1280x16xf32, #tpu.memory_space<vmem>>, vector<1x1x16xf32>,
        %get3A_616 = vector.shape_cast %get3A_615 : vector<1x1x16xf32> to vector<16xf32>
        %get3A_617 = arith.constant 0 : i32
        %get3A_618 = arith.index_cast %get3A_617 : i32 to index
        %get3A_619 = arith.index_cast %add3A_610 : i32 to index
        %get3A_620 = arith.constant 0 : index
        %get3A_621 = tpu.vector_load %arg9[%get3A_618, %get3A_619, %get3A_620] {strides = array<i32>} : memref<2x1280x16xf32, #tpu.memory_space<vmem>>, vector<1x1x16xf32>,
        %get3A_622 = vector.shape_cast %get3A_621 : vector<1x1x16xf32> to vector<16xf32>
        %max3A_623 = arith.maximumf %get3A_616, %get3A_622 : vector<16xf32>
        %swap3A_624 = arith.index_cast %scan3A_499 : i32 to index
        %swap3A_625 = arith.constant 80 : index
        %swap3A_626 = tpu.vector_load %arg10[%swap3A_624, %swap3A_625] {strides = array<i32>} : memref<160x128xf32, #tpu.memory_space<vmem>>, vector<1x16xf32>,
        %swap3A_627 = vector.shape_cast %swap3A_626 : vector<1x16xf32> to vector<16xf32>
        %swap3A_628 = vector.shape_cast %max3A_623 : vector<16xf32> to vector<1x16xf32>
        tpu.vector_store %arg10[%swap3A_624, %swap3A_625], %swap3A_628 {strides = array<i32>} : memref<160x128xf32, #tpu.memory_space<vmem>>, vector<1x16xf32>,
        %mul3A_629 = arith.constant 8 : i32
        %mul3A_630 = arith.muli %scan3A_499, %mul3A_629 : i32
        %add3A_631 = arith.constant 6 : i32
        %add3A_632 = arith.addi %mul3A_630, %add3A_631 : i32
        %get3A_633 = arith.constant 0 : i32
        %get3A_634 = arith.index_cast %get3A_633 : i32 to index
        %get3A_635 = arith.index_cast %add3A_632 : i32 to index
        %get3A_636 = arith.constant 0 : index
        %get3A_637 = tpu.vector_load %arg8[%get3A_634, %get3A_635, %get3A_636] {strides = array<i32>} : memref<2x1280x16xf32, #tpu.memory_space<vmem>>, vector<1x1x16xf32>,
        %get3A_638 = vector.shape_cast %get3A_637 : vector<1x1x16xf32> to vector<16xf32>
        %get3A_639 = arith.constant 0 : i32
        %get3A_640 = arith.index_cast %get3A_639 : i32 to index
        %get3A_641 = arith.index_cast %add3A_632 : i32 to index
        %get3A_642 = arith.constant 0 : index
        %get3A_643 = tpu.vector_load %arg9[%get3A_640, %get3A_641, %get3A_642] {strides = array<i32>} : memref<2x1280x16xf32, #tpu.memory_space<vmem>>, vector<1x1x16xf32>,
        %get3A_644 = vector.shape_cast %get3A_643 : vector<1x1x16xf32> to vector<16xf32>
        %max3A_645 = arith.maximumf %get3A_638, %get3A_644 : vector<16xf32>
        %swap3A_646 = arith.index_cast %scan3A_499 : i32 to index
        %swap3A_647 = arith.constant 96 : index
        %swap3A_648 = tpu.vector_load %arg10[%swap3A_646, %swap3A_647] {strides = array<i32>} : memref<160x128xf32, #tpu.memory_space<vmem>>, vector<1x16xf32>,
        %swap3A_649 = vector.shape_cast %swap3A_648 : vector<1x16xf32> to vector<16xf32>
        %swap3A_650 = vector.shape_cast %max3A_645 : vector<16xf32> to vector<1x16xf32>
        tpu.vector_store %arg10[%swap3A_646, %swap3A_647], %swap3A_650 {strides = array<i32>} : memref<160x128xf32, #tpu.memory_space<vmem>>, vector<1x16xf32>,
        %mul3A_651 = arith.constant 8 : i32
        %mul3A_652 = arith.muli %scan3A_499, %mul3A_651 : i32
        %add3A_653 = arith.constant 7 : i32
        %add3A_654 = arith.addi %mul3A_652, %add3A_653 : i32
        %get3A_655 = arith.constant 0 : i32
        %get3A_656 = arith.index_cast %get3A_655 : i32 to index
        %get3A_657 = arith.index_cast %add3A_654 : i32 to index
        %get3A_658 = arith.constant 0 : index
        %get3A_659 = tpu.vector_load %arg8[%get3A_656, %get3A_657, %get3A_658] {strides = array<i32>} : memref<2x1280x16xf32, #tpu.memory_space<vmem>>, vector<1x1x16xf32>,
        %get3A_660 = vector.shape_cast %get3A_659 : vector<1x1x16xf32> to vector<16xf32>
        %get3A_661 = arith.constant 0 : i32
        %get3A_662 = arith.index_cast %get3A_661 : i32 to index
        %get3A_663 = arith.index_cast %add3A_654 : i32 to index
        %get3A_664 = arith.constant 0 : index
        %get3A_665 = tpu.vector_load %arg9[%get3A_662, %get3A_663, %get3A_664] {strides = array<i32>} : memref<2x1280x16xf32, #tpu.memory_space<vmem>>, vector<1x1x16xf32>,
        %get3A_666 = vector.shape_cast %get3A_665 : vector<1x1x16xf32> to vector<16xf32>
        %max3A_667 = arith.maximumf %get3A_660, %get3A_666 : vector<16xf32>
        %swap3A_668 = arith.index_cast %scan3A_499 : i32 to index
        %swap3A_669 = arith.constant 112 : index
        %swap3A_670 = tpu.vector_load %arg10[%swap3A_668, %swap3A_669] {strides = array<i32>} : memref<160x128xf32, #tpu.memory_space<vmem>>, vector<1x16xf32>,
        %swap3A_671 = vector.shape_cast %swap3A_670 : vector<1x16xf32> to vector<16xf32>
        %swap3A_672 = vector.shape_cast %max3A_667 : vector<16xf32> to vector<1x16xf32>
        tpu.vector_store %arg10[%swap3A_668, %swap3A_669], %swap3A_672 {strides = array<i32>} : memref<160x128xf32, #tpu.memory_space<vmem>>, vector<1x16xf32>,
      }
      %scan3A_248 = arith.constant 160 : i32
      %add3A_249 = arith.constant 2560 : i32
      %add3A_250 = arith.addi %mul3A_0, %add3A_249 : i32
      %jit3A_251 = arith.constant 8 : i32
      %div3A_252 = arith.divsi %add3A_250, %jit3A_251 : i32
      %sign3A_253 = arith.constant 0 : i32
      %sign3A_254 = arith.cmpi sgt, %add3A_250, %sign3A_253 : i32
      %sign3A_255 = arith.extui %sign3A_254 : i1 to i32
      %sign3A_256 = arith.constant 0 : i32
      %sign3A_257 = arith.cmpi slt, %add3A_250, %sign3A_256 : i32
      %sign3A_258 = arith.extui %sign3A_257 : i1 to i32
      %sign3A_259 = arith.subi %sign3A_255, %sign3A_258 : i32
      %sign3A_260 = arith.constant 0 : i32
      %sign3A_261 = arith.cmpi sgt, %jit3A_251, %sign3A_260 : i32
      %sign3A_262 = arith.extui %sign3A_261 : i1 to i32
      %sign3A_263 = arith.constant 0 : i32
      %sign3A_264 = arith.cmpi slt, %jit3A_251, %sign3A_263 : i32
      %sign3A_265 = arith.extui %sign3A_264 : i1 to i32
      %sign3A_266 = arith.subi %sign3A_262, %sign3A_265 : i32
      %ne3A_267 = arith.cmpi ne, %sign3A_259, %sign3A_266 : i32
      %rem3A_268 = arith.remsi %add3A_250, %jit3A_251 : i32
      %ne3A_269 = arith.constant 0 : i32
      %ne3A_270 = arith.cmpi ne, %rem3A_268, %ne3A_269 : i32
      %and3A_271 = arith.andi %ne3A_267, %ne3A_270 : i1
      %sub3A_272 = arith.constant 1 : i32
      %sub3A_273 = arith.subi %div3A_252, %sub3A_272 : i32
      %select_n3A_274 = arith.select %and3A_271, %sub3A_273, %div3A_252 : i32
      "tpu.region"() ({
        %run_scoped3A_499 = tpu.sem_alloc : memref<!tpu.dma_semaphore, #tpu.memory_space<semaphore_mem>>
        %dma_start3A_500 = arith.constant 0 : i32
        %dma_start3A_501 = tpu.memref_slice %arg5[%select_n3A_274, %dma_start3A_500] : memref<20480x128xf32, #tpu.memory_space<hbm>> -> memref<160x128xf32, #tpu.memory_space<hbm>>
        %dma_start3A_502 = arith.constant 0 : i32
        %dma_start3A_503 = tpu.memref_slice %arg5[%select_n3A_274, %dma_start3A_502] : memref<20480x128xf32, #tpu.memory_space<hbm>> -> memref<160x128xf32, #tpu.memory_space<hbm>>
        tpu.enqueue_dma source(%arg10 : memref<160x128xf32, #tpu.memory_space<vmem>>) target(%dma_start3A_503 : memref<160x128xf32, #tpu.memory_space<hbm>>) target_semaphore(%run_scoped3A_499 : memref<!tpu.dma_semaphore, #tpu.memory_space<semaphore_mem>>)
        %dma_wait3A_504 = arith.constant 0 : i32
        %dma_wait3A_505 = tpu.memref_slice %arg5[%select_n3A_274, %dma_wait3A_504] : memref<20480x128xf32, #tpu.memory_space<hbm>> -> memref<160x128xf32, #tpu.memory_space<hbm>>
        %dma_wait3A_506 = arith.constant 0 : i32
        %dma_wait3A_507 = tpu.memref_slice %arg5[%select_n3A_274, %dma_wait3A_506] : memref<20480x128xf32, #tpu.memory_space<hbm>> -> memref<160x128xf32, #tpu.memory_space<hbm>>
        tpu.wait_dma2 semaphore(%run_scoped3A_499 : memref<!tpu.dma_semaphore, #tpu.memory_space<semaphore_mem>>) src(%arg10 : memref<160x128xf32, #tpu.memory_space<vmem>>) dst(%dma_wait3A_507 : memref<160x128xf32, #tpu.memory_space<hbm>>)
        tpu.yield
      }) : () -> ()
      %add3A_275 = arith.constant 5120 : i32
      %add3A_276 = arith.addi %mul3A_0, %add3A_275 : i32
      %run_scoped3A_277 = arith.constant 0 : i32
      "tpu.region"() ({
        %run_scoped3A_499 = tpu.sem_alloc : memref<!tpu.dma_semaphore, #tpu.memory_space<semaphore_mem>>
        %dma_start3A_500 = arith.constant 0 : i32
        %dma_start3A_501 = tpu.memref_slice %arg6[%run_scoped3A_277, %dma_start3A_500] : memref<2x1280xi32, #tpu.memory_space<vmem>> -> memref<1x1280xi32, #tpu.memory_space<vmem>>
        %dma_start3A_502 = tpu.memref_squeeze %dma_start3A_501 : memref<1x1280xi32, #tpu.memory_space<vmem>> -> memref<1280xi32, #tpu.memory_space<vmem>>
        %dma_start3A_503 = tpu.memref_slice %arg2[%add3A_276] : memref<163840xi32, #tpu.memory_space<hbm>> -> memref<1280xi32, #tpu.memory_space<hbm>>
        %dma_start3A_504 = arith.constant 0 : i32
        %dma_start3A_505 = tpu.memref_slice %arg6[%run_scoped3A_277, %dma_start3A_504] : memref<2x1280xi32, #tpu.memory_space<vmem>> -> memref<1x1280xi32, #tpu.memory_space<vmem>>
        %dma_start3A_506 = tpu.memref_squeeze %dma_start3A_505 : memref<1x1280xi32, #tpu.memory_space<vmem>> -> memref<1280xi32, #tpu.memory_space<vmem>>
        %dma_start3A_507 = tpu.memref_slice %arg2[%add3A_276] : memref<163840xi32, #tpu.memory_space<hbm>> -> memref<1280xi32, #tpu.memory_space<hbm>>
        tpu.enqueue_dma source(%dma_start3A_507 : memref<1280xi32, #tpu.memory_space<hbm>>) target(%dma_start3A_506 : memref<1280xi32, #tpu.memory_space<vmem>>) target_semaphore(%run_scoped3A_499 : memref<!tpu.dma_semaphore, #tpu.memory_space<semaphore_mem>>)
        %dma_wait3A_508 = arith.constant 0 : i32
        %dma_wait3A_509 = tpu.memref_slice %arg6[%run_scoped3A_277, %dma_wait3A_508] : memref<2x1280xi32, #tpu.memory_space<vmem>> -> memref<1x1280xi32, #tpu.memory_space<vmem>>
        %dma_wait3A_510 = tpu.memref_squeeze %dma_wait3A_509 : memref<1x1280xi32, #tpu.memory_space<vmem>> -> memref<1280xi32, #tpu.memory_space<vmem>>
        %dma_wait3A_511 = tpu.memref_slice %arg2[%add3A_276] : memref<163840xi32, #tpu.memory_space<hbm>> -> memref<1280xi32, #tpu.memory_space<hbm>>
        %dma_wait3A_512 = arith.constant 0 : i32
        %dma_wait3A_513 = tpu.memref_slice %arg6[%run_scoped3A_277, %dma_wait3A_512] : memref<2x1280xi32, #tpu.memory_space<vmem>> -> memref<1x1280xi32, #tpu.memory_space<vmem>>
        %dma_wait3A_514 = tpu.memref_squeeze %dma_wait3A_513 : memref<1x1280xi32, #tpu.memory_space<vmem>> -> memref<1280xi32, #tpu.memory_space<vmem>>
        %dma_wait3A_515 = tpu.memref_slice %arg2[%add3A_276] : memref<163840xi32, #tpu.memory_space<hbm>> -> memref<1280xi32, #tpu.memory_space<hbm>>
        tpu.wait_dma2 semaphore(%run_scoped3A_499 : memref<!tpu.dma_semaphore, #tpu.memory_space<semaphore_mem>>) src(%dma_wait3A_515 : memref<1280xi32, #tpu.memory_space<hbm>>) dst(%dma_wait3A_514 : memref<1280xi32, #tpu.memory_space<vmem>>)
        tpu.yield
      }) : () -> ()
      %run_scoped3A_278 = arith.constant 0 : i32
      "tpu.region"() ({
        %run_scoped3A_499 = tpu.sem_alloc : memref<!tpu.dma_semaphore, #tpu.memory_space<semaphore_mem>>
        %dma_start3A_500 = arith.constant 0 : i32
        %dma_start3A_501 = tpu.memref_slice %arg7[%run_scoped3A_278, %dma_start3A_500] : memref<2x1280xi32, #tpu.memory_space<vmem>> -> memref<1x1280xi32, #tpu.memory_space<vmem>>
        %dma_start3A_502 = tpu.memref_squeeze %dma_start3A_501 : memref<1x1280xi32, #tpu.memory_space<vmem>> -> memref<1280xi32, #tpu.memory_space<vmem>>
        %dma_start3A_503 = tpu.memref_slice %arg3[%add3A_276] : memref<163840xi32, #tpu.memory_space<hbm>> -> memref<1280xi32, #tpu.memory_space<hbm>>
        %dma_start3A_504 = arith.constant 0 : i32
        %dma_start3A_505 = tpu.memref_slice %arg7[%run_scoped3A_278, %dma_start3A_504] : memref<2x1280xi32, #tpu.memory_space<vmem>> -> memref<1x1280xi32, #tpu.memory_space<vmem>>
        %dma_start3A_506 = tpu.memref_squeeze %dma_start3A_505 : memref<1x1280xi32, #tpu.memory_space<vmem>> -> memref<1280xi32, #tpu.memory_space<vmem>>
        %dma_start3A_507 = tpu.memref_slice %arg3[%add3A_276] : memref<163840xi32, #tpu.memory_space<hbm>> -> memref<1280xi32, #tpu.memory_space<hbm>>
        tpu.enqueue_dma source(%dma_start3A_507 : memref<1280xi32, #tpu.memory_space<hbm>>) target(%dma_start3A_506 : memref<1280xi32, #tpu.memory_space<vmem>>) target_semaphore(%run_scoped3A_499 : memref<!tpu.dma_semaphore, #tpu.memory_space<semaphore_mem>>)
        %dma_wait3A_508 = arith.constant 0 : i32
        %dma_wait3A_509 = tpu.memref_slice %arg7[%run_scoped3A_278, %dma_wait3A_508] : memref<2x1280xi32, #tpu.memory_space<vmem>> -> memref<1x1280xi32, #tpu.memory_space<vmem>>
        %dma_wait3A_510 = tpu.memref_squeeze %dma_wait3A_509 : memref<1x1280xi32, #tpu.memory_space<vmem>> -> memref<1280xi32, #tpu.memory_space<vmem>>
        %dma_wait3A_511 = tpu.memref_slice %arg3[%add3A_276] : memref<163840xi32, #tpu.memory_space<hbm>> -> memref<1280xi32, #tpu.memory_space<hbm>>
        %dma_wait3A_512 = arith.constant 0 : i32
        %dma_wait3A_513 = tpu.memref_slice %arg7[%run_scoped3A_278, %dma_wait3A_512] : memref<2x1280xi32, #tpu.memory_space<vmem>> -> memref<1x1280xi32, #tpu.memory_space<vmem>>
        %dma_wait3A_514 = tpu.memref_squeeze %dma_wait3A_513 : memref<1x1280xi32, #tpu.memory_space<vmem>> -> memref<1280xi32, #tpu.memory_space<vmem>>
        %dma_wait3A_515 = tpu.memref_slice %arg3[%add3A_276] : memref<163840xi32, #tpu.memory_space<hbm>> -> memref<1280xi32, #tpu.memory_space<hbm>>
        tpu.wait_dma2 semaphore(%run_scoped3A_499 : memref<!tpu.dma_semaphore, #tpu.memory_space<semaphore_mem>>) src(%dma_wait3A_515 : memref<1280xi32, #tpu.memory_space<hbm>>) dst(%dma_wait3A_514 : memref<1280xi32, #tpu.memory_space<vmem>>)
        tpu.yield
      }) : () -> ()
      %dma_start3A_279 = arith.constant 0 : i32
      %dma_start3A_280 = arith.constant 0 : i32
      %dma_start3A_281 = arith.constant 0 : i32
      %dma_start3A_282 = arith.constant 0 : i32
      %dma_start3A_283 = tpu.memref_slice %arg8[%dma_start3A_280, %dma_start3A_281, %dma_start3A_282] : memref<2x1280x16xf32, #tpu.memory_space<vmem>> -> memref<1x1280x16xf32, #tpu.memory_space<vmem>>
      %dma_start3A_284 = tpu.memref_squeeze %dma_start3A_283 : memref<1x1280x16xf32, #tpu.memory_space<vmem>> -> memref<1280x16xf32, #tpu.memory_space<vmem>>
      %dma_start3A_285 = arith.constant 0 : i32
      %dma_start3A_286 = tpu.memref_slice %arg6[%dma_start3A_279, %dma_start3A_285] : memref<2x1280xi32, #tpu.memory_space<vmem>> -> memref<1x1280xi32, #tpu.memory_space<vmem>>
      %dma_start3A_287 = tpu.memref_squeeze %dma_start3A_286 : memref<1x1280xi32, #tpu.memory_space<vmem>> -> memref<1280xi32, #tpu.memory_space<vmem>>
      %dma_start3A_288 = arith.constant 0 : i32
      %dma_start3A_289 = arith.constant 0 : i32
      %dma_start3A_290 = tpu.memref_slice %arg4[%dma_start3A_288, %dma_start3A_289] : memref<10016x16xf32, #tpu.memory_space<hbm>> -> memref<10016x16xf32, #tpu.memory_space<hbm>>
      tpu.enqueue_indirect_dma source(%dma_start3A_290 : memref<10016x16xf32, #tpu.memory_space<hbm>>) target(%dma_start3A_284 : memref<1280x16xf32, #tpu.memory_space<vmem>>) offsets(%dma_start3A_287 : memref<1280xi32, #tpu.memory_space<vmem>>) semaphore(%arg11 : memref<!tpu.dma_semaphore, #tpu.memory_space<semaphore_mem>>)
      %dma_start3A_291 = arith.constant 0 : i32
      %dma_start3A_292 = arith.constant 0 : i32
      %dma_start3A_293 = arith.constant 0 : i32
      %dma_start3A_294 = arith.constant 0 : i32
      %dma_start3A_295 = tpu.memref_slice %arg9[%dma_start3A_292, %dma_start3A_293, %dma_start3A_294] : memref<2x1280x16xf32, #tpu.memory_space<vmem>> -> memref<1x1280x16xf32, #tpu.memory_space<vmem>>
      %dma_start3A_296 = tpu.memref_squeeze %dma_start3A_295 : memref<1x1280x16xf32, #tpu.memory_space<vmem>> -> memref<1280x16xf32, #tpu.memory_space<vmem>>
      %dma_start3A_297 = arith.constant 0 : i32
      %dma_start3A_298 = tpu.memref_slice %arg7[%dma_start3A_291, %dma_start3A_297] : memref<2x1280xi32, #tpu.memory_space<vmem>> -> memref<1x1280xi32, #tpu.memory_space<vmem>>
      %dma_start3A_299 = tpu.memref_squeeze %dma_start3A_298 : memref<1x1280xi32, #tpu.memory_space<vmem>> -> memref<1280xi32, #tpu.memory_space<vmem>>
      %dma_start3A_300 = arith.constant 0 : i32
      %dma_start3A_301 = arith.constant 0 : i32
      %dma_start3A_302 = tpu.memref_slice %arg4[%dma_start3A_300, %dma_start3A_301] : memref<10016x16xf32, #tpu.memory_space<hbm>> -> memref<10016x16xf32, #tpu.memory_space<hbm>>
      tpu.enqueue_indirect_dma source(%dma_start3A_302 : memref<10016x16xf32, #tpu.memory_space<hbm>>) target(%dma_start3A_296 : memref<1280x16xf32, #tpu.memory_space<vmem>>) offsets(%dma_start3A_299 : memref<1280xi32, #tpu.memory_space<vmem>>) semaphore(%arg12 : memref<!tpu.dma_semaphore, #tpu.memory_space<semaphore_mem>>)
      %dma_wait3A_303 = arith.constant 1 : i32
      %dma_wait3A_304 = arith.constant 1 : i32
      %dma_wait3A_305 = arith.constant 0 : i32
      %dma_wait3A_306 = arith.constant 0 : i32
      %dma_wait3A_307 = tpu.memref_slice %arg8[%dma_wait3A_304, %dma_wait3A_305, %dma_wait3A_306] : memref<2x1280x16xf32, #tpu.memory_space<vmem>> -> memref<1x1280x16xf32, #tpu.memory_space<vmem>>
      %dma_wait3A_308 = tpu.memref_squeeze %dma_wait3A_307 : memref<1x1280x16xf32, #tpu.memory_space<vmem>> -> memref<1280x16xf32, #tpu.memory_space<vmem>>
      %dma_wait3A_309 = arith.constant 0 : i32
      %dma_wait3A_310 = tpu.memref_slice %arg6[%dma_wait3A_303, %dma_wait3A_309] : memref<2x1280xi32, #tpu.memory_space<vmem>> -> memref<1x1280xi32, #tpu.memory_space<vmem>>
      %dma_wait3A_311 = tpu.memref_squeeze %dma_wait3A_310 : memref<1x1280xi32, #tpu.memory_space<vmem>> -> memref<1280xi32, #tpu.memory_space<vmem>>
      %dma_wait3A_312 = arith.constant 0 : i32
      %dma_wait3A_313 = arith.constant 0 : i32
      %dma_wait3A_314 = tpu.memref_slice %arg4[%dma_wait3A_312, %dma_wait3A_313] : memref<10016x16xf32, #tpu.memory_space<hbm>> -> memref<10016x16xf32, #tpu.memory_space<hbm>>
      tpu.wait_indirect_dma semaphore(%arg13 : memref<!tpu.dma_semaphore, #tpu.memory_space<semaphore_mem>>) src(%dma_wait3A_314 : memref<10016x16xf32, #tpu.memory_space<hbm>>) dst(%dma_wait3A_308 : memref<1280x16xf32, #tpu.memory_space<vmem>>)
      %dma_wait3A_315 = arith.constant 1 : i32
      %dma_wait3A_316 = arith.constant 1 : i32
      %dma_wait3A_317 = arith.constant 0 : i32
      %dma_wait3A_318 = arith.constant 0 : i32
      %dma_wait3A_319 = tpu.memref_slice %arg9[%dma_wait3A_316, %dma_wait3A_317, %dma_wait3A_318] : memref<2x1280x16xf32, #tpu.memory_space<vmem>> -> memref<1x1280x16xf32, #tpu.memory_space<vmem>>
      %dma_wait3A_320 = tpu.memref_squeeze %dma_wait3A_319 : memref<1x1280x16xf32, #tpu.memory_space<vmem>> -> memref<1280x16xf32, #tpu.memory_space<vmem>>
      %dma_wait3A_321 = arith.constant 0 : i32
      %dma_wait3A_322 = tpu.memref_slice %arg7[%dma_wait3A_315, %dma_wait3A_321] : memref<2x1280xi32, #tpu.memory_space<vmem>> -> memref<1x1280xi32, #tpu.memory_space<vmem>>
      %dma_wait3A_323 = tpu.memref_squeeze %dma_wait3A_322 : memref<1x1280xi32, #tpu.memory_space<vmem>> -> memref<1280xi32, #tpu.memory_space<vmem>>
      %dma_wait3A_324 = arith.constant 0 : i32
      %dma_wait3A_325 = arith.constant 0 : i32
      %dma_wait3A_326 = tpu.memref_slice %arg4[%dma_wait3A_324, %dma_wait3A_325] : memref<10016x16xf32, #tpu.memory_space<hbm>> -> memref<10016x16xf32, #tpu.memory_space<hbm>>
      tpu.wait_indirect_dma semaphore(%arg14 : memref<!tpu.dma_semaphore, #tpu.memory_space<semaphore_mem>>) src(%dma_wait3A_326 : memref<10016x16xf32, #tpu.memory_space<hbm>>) dst(%dma_wait3A_320 : memref<1280x16xf32, #tpu.memory_space<vmem>>)
      %scan3A_327 = arith.constant 0 : i32
      %scan3A_328 = arith.constant 0 : i32
      %scan3A_329 = arith.constant 160 : i32
      %scan3A_330 = arith.addi %scan3A_328, %scan3A_329 : i32
      %scan3A_331 = arith.constant 1 : i32
      scf.for %scan3A_499 = %scan3A_328 to %scan3A_330 step %scan3A_331  : i32 {
        %mul3A_500 = arith.constant 8 : i32
        %mul3A_501 = arith.muli %scan3A_499, %mul3A_500 : i32
        %add3A_502 = arith.constant 0 : i32
        %add3A_503 = arith.addi %mul3A_501, %add3A_502 : i32
        %get3A = arith.constant 1 : i32
        %get3A_504 = arith.index_cast %get3A : i32 to index
        %get3A_505 = arith.index_cast %add3A_503 : i32 to index
        %get3A_506 = arith.constant 0 : index
        %get3A_507 = tpu.vector_load %arg8[%get3A_504, %get3A_505, %get3A_506] {strides = array<i32>} : memref<2x1280x16xf32, #tpu.memory_space<vmem>>, vector<1x1x16xf32>,
        %get3A_508 = vector.shape_cast %get3A_507 : vector<1x1x16xf32> to vector<16xf32>
        %get3A_509 = arith.constant 1 : i32
        %get3A_510 = arith.index_cast %get3A_509 : i32 to index
        %get3A_511 = arith.index_cast %add3A_503 : i32 to index
        %get3A_512 = arith.constant 0 : index
        %get3A_513 = tpu.vector_load %arg9[%get3A_510, %get3A_511, %get3A_512] {strides = array<i32>} : memref<2x1280x16xf32, #tpu.memory_space<vmem>>, vector<1x1x16xf32>,
        %get3A_514 = vector.shape_cast %get3A_513 : vector<1x1x16xf32> to vector<16xf32>
        %max3A = arith.maximumf %get3A_508, %get3A_514 : vector<16xf32>
        %swap3A = arith.index_cast %scan3A_499 : i32 to index
        %swap3A_515 = arith.constant 0 : index
        %swap3A_516 = tpu.vector_load %arg10[%swap3A, %swap3A_515] {strides = array<i32>} : memref<160x128xf32, #tpu.memory_space<vmem>>, vector<1x16xf32>,
        %swap3A_517 = vector.shape_cast %swap3A_516 : vector<1x16xf32> to vector<16xf32>
        %swap3A_518 = vector.shape_cast %max3A : vector<16xf32> to vector<1x16xf32>
        tpu.vector_store %arg10[%swap3A, %swap3A_515], %swap3A_518 {strides = array<i32>} : memref<160x128xf32, #tpu.memory_space<vmem>>, vector<1x16xf32>,
        %mul3A_519 = arith.constant 8 : i32
        %mul3A_520 = arith.muli %scan3A_499, %mul3A_519 : i32
        %add3A_521 = arith.constant 1 : i32
        %add3A_522 = arith.addi %mul3A_520, %add3A_521 : i32
        %get3A_523 = arith.constant 1 : i32
        %get3A_524 = arith.index_cast %get3A_523 : i32 to index
        %get3A_525 = arith.index_cast %add3A_522 : i32 to index
        %get3A_526 = arith.constant 0 : index
        %get3A_527 = tpu.vector_load %arg8[%get3A_524, %get3A_525, %get3A_526] {strides = array<i32>} : memref<2x1280x16xf32, #tpu.memory_space<vmem>>, vector<1x1x16xf32>,
        %get3A_528 = vector.shape_cast %get3A_527 : vector<1x1x16xf32> to vector<16xf32>
        %get3A_529 = arith.constant 1 : i32
        %get3A_530 = arith.index_cast %get3A_529 : i32 to index
        %get3A_531 = arith.index_cast %add3A_522 : i32 to index
        %get3A_532 = arith.constant 0 : index
        %get3A_533 = tpu.vector_load %arg9[%get3A_530, %get3A_531, %get3A_532] {strides = array<i32>} : memref<2x1280x16xf32, #tpu.memory_space<vmem>>, vector<1x1x16xf32>,
        %get3A_534 = vector.shape_cast %get3A_533 : vector<1x1x16xf32> to vector<16xf32>
        %max3A_535 = arith.maximumf %get3A_528, %get3A_534 : vector<16xf32>
        %swap3A_536 = arith.index_cast %scan3A_499 : i32 to index
        %swap3A_537 = arith.constant 16 : index
        %swap3A_538 = tpu.vector_load %arg10[%swap3A_536, %swap3A_537] {strides = array<i32>} : memref<160x128xf32, #tpu.memory_space<vmem>>, vector<1x16xf32>,
        %swap3A_539 = vector.shape_cast %swap3A_538 : vector<1x16xf32> to vector<16xf32>
        %swap3A_540 = vector.shape_cast %max3A_535 : vector<16xf32> to vector<1x16xf32>
        tpu.vector_store %arg10[%swap3A_536, %swap3A_537], %swap3A_540 {strides = array<i32>} : memref<160x128xf32, #tpu.memory_space<vmem>>, vector<1x16xf32>,
        %mul3A_541 = arith.constant 8 : i32
        %mul3A_542 = arith.muli %scan3A_499, %mul3A_541 : i32
        %add3A_543 = arith.constant 2 : i32
        %add3A_544 = arith.addi %mul3A_542, %add3A_543 : i32
        %get3A_545 = arith.constant 1 : i32
        %get3A_546 = arith.index_cast %get3A_545 : i32 to index
        %get3A_547 = arith.index_cast %add3A_544 : i32 to index
        %get3A_548 = arith.constant 0 : index
        %get3A_549 = tpu.vector_load %arg8[%get3A_546, %get3A_547, %get3A_548] {strides = array<i32>} : memref<2x1280x16xf32, #tpu.memory_space<vmem>>, vector<1x1x16xf32>,
        %get3A_550 = vector.shape_cast %get3A_549 : vector<1x1x16xf32> to vector<16xf32>
        %get3A_551 = arith.constant 1 : i32
        %get3A_552 = arith.index_cast %get3A_551 : i32 to index
        %get3A_553 = arith.index_cast %add3A_544 : i32 to index
        %get3A_554 = arith.constant 0 : index
        %get3A_555 = tpu.vector_load %arg9[%get3A_552, %get3A_553, %get3A_554] {strides = array<i32>} : memref<2x1280x16xf32, #tpu.memory_space<vmem>>, vector<1x1x16xf32>,
        %get3A_556 = vector.shape_cast %get3A_555 : vector<1x1x16xf32> to vector<16xf32>
        %max3A_557 = arith.maximumf %get3A_550, %get3A_556 : vector<16xf32>
        %swap3A_558 = arith.index_cast %scan3A_499 : i32 to index
        %swap3A_559 = arith.constant 32 : index
        %swap3A_560 = tpu.vector_load %arg10[%swap3A_558, %swap3A_559] {strides = array<i32>} : memref<160x128xf32, #tpu.memory_space<vmem>>, vector<1x16xf32>,
        %swap3A_561 = vector.shape_cast %swap3A_560 : vector<1x16xf32> to vector<16xf32>
        %swap3A_562 = vector.shape_cast %max3A_557 : vector<16xf32> to vector<1x16xf32>
        tpu.vector_store %arg10[%swap3A_558, %swap3A_559], %swap3A_562 {strides = array<i32>} : memref<160x128xf32, #tpu.memory_space<vmem>>, vector<1x16xf32>,
        %mul3A_563 = arith.constant 8 : i32
        %mul3A_564 = arith.muli %scan3A_499, %mul3A_563 : i32
        %add3A_565 = arith.constant 3 : i32
        %add3A_566 = arith.addi %mul3A_564, %add3A_565 : i32
        %get3A_567 = arith.constant 1 : i32
        %get3A_568 = arith.index_cast %get3A_567 : i32 to index
        %get3A_569 = arith.index_cast %add3A_566 : i32 to index
        %get3A_570 = arith.constant 0 : index
        %get3A_571 = tpu.vector_load %arg8[%get3A_568, %get3A_569, %get3A_570] {strides = array<i32>} : memref<2x1280x16xf32, #tpu.memory_space<vmem>>, vector<1x1x16xf32>,
        %get3A_572 = vector.shape_cast %get3A_571 : vector<1x1x16xf32> to vector<16xf32>
        %get3A_573 = arith.constant 1 : i32
        %get3A_574 = arith.index_cast %get3A_573 : i32 to index
        %get3A_575 = arith.index_cast %add3A_566 : i32 to index
        %get3A_576 = arith.constant 0 : index
        %get3A_577 = tpu.vector_load %arg9[%get3A_574, %get3A_575, %get3A_576] {strides = array<i32>} : memref<2x1280x16xf32, #tpu.memory_space<vmem>>, vector<1x1x16xf32>,
        %get3A_578 = vector.shape_cast %get3A_577 : vector<1x1x16xf32> to vector<16xf32>
        %max3A_579 = arith.maximumf %get3A_572, %get3A_578 : vector<16xf32>
        %swap3A_580 = arith.index_cast %scan3A_499 : i32 to index
        %swap3A_581 = arith.constant 48 : index
        %swap3A_582 = tpu.vector_load %arg10[%swap3A_580, %swap3A_581] {strides = array<i32>} : memref<160x128xf32, #tpu.memory_space<vmem>>, vector<1x16xf32>,
        %swap3A_583 = vector.shape_cast %swap3A_582 : vector<1x16xf32> to vector<16xf32>
        %swap3A_584 = vector.shape_cast %max3A_579 : vector<16xf32> to vector<1x16xf32>
        tpu.vector_store %arg10[%swap3A_580, %swap3A_581], %swap3A_584 {strides = array<i32>} : memref<160x128xf32, #tpu.memory_space<vmem>>, vector<1x16xf32>,
        %mul3A_585 = arith.constant 8 : i32
        %mul3A_586 = arith.muli %scan3A_499, %mul3A_585 : i32
        %add3A_587 = arith.constant 4 : i32
        %add3A_588 = arith.addi %mul3A_586, %add3A_587 : i32
        %get3A_589 = arith.constant 1 : i32
        %get3A_590 = arith.index_cast %get3A_589 : i32 to index
        %get3A_591 = arith.index_cast %add3A_588 : i32 to index
        %get3A_592 = arith.constant 0 : index
        %get3A_593 = tpu.vector_load %arg8[%get3A_590, %get3A_591, %get3A_592] {strides = array<i32>} : memref<2x1280x16xf32, #tpu.memory_space<vmem>>, vector<1x1x16xf32>,
        %get3A_594 = vector.shape_cast %get3A_593 : vector<1x1x16xf32> to vector<16xf32>
        %get3A_595 = arith.constant 1 : i32
        %get3A_596 = arith.index_cast %get3A_595 : i32 to index
        %get3A_597 = arith.index_cast %add3A_588 : i32 to index
        %get3A_598 = arith.constant 0 : index
        %get3A_599 = tpu.vector_load %arg9[%get3A_596, %get3A_597, %get3A_598] {strides = array<i32>} : memref<2x1280x16xf32, #tpu.memory_space<vmem>>, vector<1x1x16xf32>,
        %get3A_600 = vector.shape_cast %get3A_599 : vector<1x1x16xf32> to vector<16xf32>
        %max3A_601 = arith.maximumf %get3A_594, %get3A_600 : vector<16xf32>
        %swap3A_602 = arith.index_cast %scan3A_499 : i32 to index
        %swap3A_603 = arith.constant 64 : index
        %swap3A_604 = tpu.vector_load %arg10[%swap3A_602, %swap3A_603] {strides = array<i32>} : memref<160x128xf32, #tpu.memory_space<vmem>>, vector<1x16xf32>,
        %swap3A_605 = vector.shape_cast %swap3A_604 : vector<1x16xf32> to vector<16xf32>
        %swap3A_606 = vector.shape_cast %max3A_601 : vector<16xf32> to vector<1x16xf32>
        tpu.vector_store %arg10[%swap3A_602, %swap3A_603], %swap3A_606 {strides = array<i32>} : memref<160x128xf32, #tpu.memory_space<vmem>>, vector<1x16xf32>,
        %mul3A_607 = arith.constant 8 : i32
        %mul3A_608 = arith.muli %scan3A_499, %mul3A_607 : i32
        %add3A_609 = arith.constant 5 : i32
        %add3A_610 = arith.addi %mul3A_608, %add3A_609 : i32
        %get3A_611 = arith.constant 1 : i32
        %get3A_612 = arith.index_cast %get3A_611 : i32 to index
        %get3A_613 = arith.index_cast %add3A_610 : i32 to index
        %get3A_614 = arith.constant 0 : index
        %get3A_615 = tpu.vector_load %arg8[%get3A_612, %get3A_613, %get3A_614] {strides = array<i32>} : memref<2x1280x16xf32, #tpu.memory_space<vmem>>, vector<1x1x16xf32>,
        %get3A_616 = vector.shape_cast %get3A_615 : vector<1x1x16xf32> to vector<16xf32>
        %get3A_617 = arith.constant 1 : i32
        %get3A_618 = arith.index_cast %get3A_617 : i32 to index
        %get3A_619 = arith.index_cast %add3A_610 : i32 to index
        %get3A_620 = arith.constant 0 : index
        %get3A_621 = tpu.vector_load %arg9[%get3A_618, %get3A_619, %get3A_620] {strides = array<i32>} : memref<2x1280x16xf32, #tpu.memory_space<vmem>>, vector<1x1x16xf32>,
        %get3A_622 = vector.shape_cast %get3A_621 : vector<1x1x16xf32> to vector<16xf32>
        %max3A_623 = arith.maximumf %get3A_616, %get3A_622 : vector<16xf32>
        %swap3A_624 = arith.index_cast %scan3A_499 : i32 to index
        %swap3A_625 = arith.constant 80 : index
        %swap3A_626 = tpu.vector_load %arg10[%swap3A_624, %swap3A_625] {strides = array<i32>} : memref<160x128xf32, #tpu.memory_space<vmem>>, vector<1x16xf32>,
        %swap3A_627 = vector.shape_cast %swap3A_626 : vector<1x16xf32> to vector<16xf32>
        %swap3A_628 = vector.shape_cast %max3A_623 : vector<16xf32> to vector<1x16xf32>
        tpu.vector_store %arg10[%swap3A_624, %swap3A_625], %swap3A_628 {strides = array<i32>} : memref<160x128xf32, #tpu.memory_space<vmem>>, vector<1x16xf32>,
        %mul3A_629 = arith.constant 8 : i32
        %mul3A_630 = arith.muli %scan3A_499, %mul3A_629 : i32
        %add3A_631 = arith.constant 6 : i32
        %add3A_632 = arith.addi %mul3A_630, %add3A_631 : i32
        %get3A_633 = arith.constant 1 : i32
        %get3A_634 = arith.index_cast %get3A_633 : i32 to index
        %get3A_635 = arith.index_cast %add3A_632 : i32 to index
        %get3A_636 = arith.constant 0 : index
        %get3A_637 = tpu.vector_load %arg8[%get3A_634, %get3A_635, %get3A_636] {strides = array<i32>} : memref<2x1280x16xf32, #tpu.memory_space<vmem>>, vector<1x1x16xf32>,
        %get3A_638 = vector.shape_cast %get3A_637 : vector<1x1x16xf32> to vector<16xf32>
        %get3A_639 = arith.constant 1 : i32
        %get3A_640 = arith.index_cast %get3A_639 : i32 to index
        %get3A_641 = arith.index_cast %add3A_632 : i32 to index
        %get3A_642 = arith.constant 0 : index
        %get3A_643 = tpu.vector_load %arg9[%get3A_640, %get3A_641, %get3A_642] {strides = array<i32>} : memref<2x1280x16xf32, #tpu.memory_space<vmem>>, vector<1x1x16xf32>,
        %get3A_644 = vector.shape_cast %get3A_643 : vector<1x1x16xf32> to vector<16xf32>
        %max3A_645 = arith.maximumf %get3A_638, %get3A_644 : vector<16xf32>
        %swap3A_646 = arith.index_cast %scan3A_499 : i32 to index
        %swap3A_647 = arith.constant 96 : index
        %swap3A_648 = tpu.vector_load %arg10[%swap3A_646, %swap3A_647] {strides = array<i32>} : memref<160x128xf32, #tpu.memory_space<vmem>>, vector<1x16xf32>,
        %swap3A_649 = vector.shape_cast %swap3A_648 : vector<1x16xf32> to vector<16xf32>
        %swap3A_650 = vector.shape_cast %max3A_645 : vector<16xf32> to vector<1x16xf32>
        tpu.vector_store %arg10[%swap3A_646, %swap3A_647], %swap3A_650 {strides = array<i32>} : memref<160x128xf32, #tpu.memory_space<vmem>>, vector<1x16xf32>,
        %mul3A_651 = arith.constant 8 : i32
        %mul3A_652 = arith.muli %scan3A_499, %mul3A_651 : i32
        %add3A_653 = arith.constant 7 : i32
        %add3A_654 = arith.addi %mul3A_652, %add3A_653 : i32
        %get3A_655 = arith.constant 1 : i32
        %get3A_656 = arith.index_cast %get3A_655 : i32 to index
        %get3A_657 = arith.index_cast %add3A_654 : i32 to index
        %get3A_658 = arith.constant 0 : index
        %get3A_659 = tpu.vector_load %arg8[%get3A_656, %get3A_657, %get3A_658] {strides = array<i32>} : memref<2x1280x16xf32, #tpu.memory_space<vmem>>, vector<1x1x16xf32>,
        %get3A_660 = vector.shape_cast %get3A_659 : vector<1x1x16xf32> to vector<16xf32>
        %get3A_661 = arith.constant 1 : i32
        %get3A_662 = arith.index_cast %get3A_661 : i32 to index
        %get3A_663 = arith.index_cast %add3A_654 : i32 to index
        %get3A_664 = arith.constant 0 : index
        %get3A_665 = tpu.vector_load %arg9[%get3A_662, %get3A_663, %get3A_664] {strides = array<i32>} : memref<2x1280x16xf32, #tpu.memory_space<vmem>>, vector<1x1x16xf32>,
        %get3A_666 = vector.shape_cast %get3A_665 : vector<1x1x16xf32> to vector<16xf32>
        %max3A_667 = arith.maximumf %get3A_660, %get3A_666 : vector<16xf32>
        %swap3A_668 = arith.index_cast %scan3A_499 : i32 to index
        %swap3A_669 = arith.constant 112 : index
        %swap3A_670 = tpu.vector_load %arg10[%swap3A_668, %swap3A_669] {strides = array<i32>} : memref<160x128xf32, #tpu.memory_space<vmem>>, vector<1x16xf32>,
        %swap3A_671 = vector.shape_cast %swap3A_670 : vector<1x16xf32> to vector<16xf32>
        %swap3A_672 = vector.shape_cast %max3A_667 : vector<16xf32> to vector<1x16xf32>
        tpu.vector_store %arg10[%swap3A_668, %swap3A_669], %swap3A_672 {strides = array<i32>} : memref<160x128xf32, #tpu.memory_space<vmem>>, vector<1x16xf32>,
      }
      %scan3A_332 = arith.constant 160 : i32
      %add3A_333 = arith.constant 3840 : i32
      %add3A_334 = arith.addi %mul3A_0, %add3A_333 : i32
      %jit3A_335 = arith.constant 8 : i32
      %div3A_336 = arith.divsi %add3A_334, %jit3A_335 : i32
      %sign3A_337 = arith.constant 0 : i32
      %sign3A_338 = arith.cmpi sgt, %add3A_334, %sign3A_337 : i32
      %sign3A_339 = arith.extui %sign3A_338 : i1 to i32
      %sign3A_340 = arith.constant 0 : i32
      %sign3A_341 = arith.cmpi slt, %add3A_334, %sign3A_340 : i32
      %sign3A_342 = arith.extui %sign3A_341 : i1 to i32
      %sign3A_343 = arith.subi %sign3A_339, %sign3A_342 : i32
      %sign3A_344 = arith.constant 0 : i32
      %sign3A_345 = arith.cmpi sgt, %jit3A_335, %sign3A_344 : i32
      %sign3A_346 = arith.extui %sign3A_345 : i1 to i32
      %sign3A_347 = arith.constant 0 : i32
      %sign3A_348 = arith.cmpi slt, %jit3A_335, %sign3A_347 : i32
      %sign3A_349 = arith.extui %sign3A_348 : i1 to i32
      %sign3A_350 = arith.subi %sign3A_346, %sign3A_349 : i32
      %ne3A_351 = arith.cmpi ne, %sign3A_343, %sign3A_350 : i32
      %rem3A_352 = arith.remsi %add3A_334, %jit3A_335 : i32
      %ne3A_353 = arith.constant 0 : i32
      %ne3A_354 = arith.cmpi ne, %rem3A_352, %ne3A_353 : i32
      %and3A_355 = arith.andi %ne3A_351, %ne3A_354 : i1
      %sub3A_356 = arith.constant 1 : i32
      %sub3A_357 = arith.subi %div3A_336, %sub3A_356 : i32
      %select_n3A_358 = arith.select %and3A_355, %sub3A_357, %div3A_336 : i32
      "tpu.region"() ({
        %run_scoped3A_499 = tpu.sem_alloc : memref<!tpu.dma_semaphore, #tpu.memory_space<semaphore_mem>>
        %dma_start3A_500 = arith.constant 0 : i32
        %dma_start3A_501 = tpu.memref_slice %arg5[%select_n3A_358, %dma_start3A_500] : memref<20480x128xf32, #tpu.memory_space<hbm>> -> memref<160x128xf32, #tpu.memory_space<hbm>>
        %dma_start3A_502 = arith.constant 0 : i32
        %dma_start3A_503 = tpu.memref_slice %arg5[%select_n3A_358, %dma_start3A_502] : memref<20480x128xf32, #tpu.memory_space<hbm>> -> memref<160x128xf32, #tpu.memory_space<hbm>>
        tpu.enqueue_dma source(%arg10 : memref<160x128xf32, #tpu.memory_space<vmem>>) target(%dma_start3A_503 : memref<160x128xf32, #tpu.memory_space<hbm>>) target_semaphore(%run_scoped3A_499 : memref<!tpu.dma_semaphore, #tpu.memory_space<semaphore_mem>>)
        %dma_wait3A_504 = arith.constant 0 : i32
        %dma_wait3A_505 = tpu.memref_slice %arg5[%select_n3A_358, %dma_wait3A_504] : memref<20480x128xf32, #tpu.memory_space<hbm>> -> memref<160x128xf32, #tpu.memory_space<hbm>>
        %dma_wait3A_506 = arith.constant 0 : i32
        %dma_wait3A_507 = tpu.memref_slice %arg5[%select_n3A_358, %dma_wait3A_506] : memref<20480x128xf32, #tpu.memory_space<hbm>> -> memref<160x128xf32, #tpu.memory_space<hbm>>
        tpu.wait_dma2 semaphore(%run_scoped3A_499 : memref<!tpu.dma_semaphore, #tpu.memory_space<semaphore_mem>>) src(%arg10 : memref<160x128xf32, #tpu.memory_space<vmem>>) dst(%dma_wait3A_507 : memref<160x128xf32, #tpu.memory_space<hbm>>)
        tpu.yield
      }) : () -> ()
      %add3A_359 = arith.constant 6400 : i32
      %add3A_360 = arith.addi %mul3A_0, %add3A_359 : i32
      %run_scoped3A_361 = arith.constant 1 : i32
      "tpu.region"() ({
        %run_scoped3A_499 = tpu.sem_alloc : memref<!tpu.dma_semaphore, #tpu.memory_space<semaphore_mem>>
        %dma_start3A_500 = arith.constant 0 : i32
        %dma_start3A_501 = tpu.memref_slice %arg6[%run_scoped3A_361, %dma_start3A_500] : memref<2x1280xi32, #tpu.memory_space<vmem>> -> memref<1x1280xi32, #tpu.memory_space<vmem>>
        %dma_start3A_502 = tpu.memref_squeeze %dma_start3A_501 : memref<1x1280xi32, #tpu.memory_space<vmem>> -> memref<1280xi32, #tpu.memory_space<vmem>>
        %dma_start3A_503 = tpu.memref_slice %arg2[%add3A_360] : memref<163840xi32, #tpu.memory_space<hbm>> -> memref<1280xi32, #tpu.memory_space<hbm>>
        %dma_start3A_504 = arith.constant 0 : i32
        %dma_start3A_505 = tpu.memref_slice %arg6[%run_scoped3A_361, %dma_start3A_504] : memref<2x1280xi32, #tpu.memory_space<vmem>> -> memref<1x1280xi32, #tpu.memory_space<vmem>>
        %dma_start3A_506 = tpu.memref_squeeze %dma_start3A_505 : memref<1x1280xi32, #tpu.memory_space<vmem>> -> memref<1280xi32, #tpu.memory_space<vmem>>
        %dma_start3A_507 = tpu.memref_slice %arg2[%add3A_360] : memref<163840xi32, #tpu.memory_space<hbm>> -> memref<1280xi32, #tpu.memory_space<hbm>>
        tpu.enqueue_dma source(%dma_start3A_507 : memref<1280xi32, #tpu.memory_space<hbm>>) target(%dma_start3A_506 : memref<1280xi32, #tpu.memory_space<vmem>>) target_semaphore(%run_scoped3A_499 : memref<!tpu.dma_semaphore, #tpu.memory_space<semaphore_mem>>)
        %dma_wait3A_508 = arith.constant 0 : i32
        %dma_wait3A_509 = tpu.memref_slice %arg6[%run_scoped3A_361, %dma_wait3A_508] : memref<2x1280xi32, #tpu.memory_space<vmem>> -> memref<1x1280xi32, #tpu.memory_space<vmem>>
        %dma_wait3A_510 = tpu.memref_squeeze %dma_wait3A_509 : memref<1x1280xi32, #tpu.memory_space<vmem>> -> memref<1280xi32, #tpu.memory_space<vmem>>
        %dma_wait3A_511 = tpu.memref_slice %arg2[%add3A_360] : memref<163840xi32, #tpu.memory_space<hbm>> -> memref<1280xi32, #tpu.memory_space<hbm>>
        %dma_wait3A_512 = arith.constant 0 : i32
        %dma_wait3A_513 = tpu.memref_slice %arg6[%run_scoped3A_361, %dma_wait3A_512] : memref<2x1280xi32, #tpu.memory_space<vmem>> -> memref<1x1280xi32, #tpu.memory_space<vmem>>
        %dma_wait3A_514 = tpu.memref_squeeze %dma_wait3A_513 : memref<1x1280xi32, #tpu.memory_space<vmem>> -> memref<1280xi32, #tpu.memory_space<vmem>>
        %dma_wait3A_515 = tpu.memref_slice %arg2[%add3A_360] : memref<163840xi32, #tpu.memory_space<hbm>> -> memref<1280xi32, #tpu.memory_space<hbm>>
        tpu.wait_dma2 semaphore(%run_scoped3A_499 : memref<!tpu.dma_semaphore, #tpu.memory_space<semaphore_mem>>) src(%dma_wait3A_515 : memref<1280xi32, #tpu.memory_space<hbm>>) dst(%dma_wait3A_514 : memref<1280xi32, #tpu.memory_space<vmem>>)
        tpu.yield
      }) : () -> ()
      %run_scoped3A_362 = arith.constant 1 : i32
      "tpu.region"() ({
        %run_scoped3A_499 = tpu.sem_alloc : memref<!tpu.dma_semaphore, #tpu.memory_space<semaphore_mem>>
        %dma_start3A_500 = arith.constant 0 : i32
        %dma_start3A_501 = tpu.memref_slice %arg7[%run_scoped3A_362, %dma_start3A_500] : memref<2x1280xi32, #tpu.memory_space<vmem>> -> memref<1x1280xi32, #tpu.memory_space<vmem>>
        %dma_start3A_502 = tpu.memref_squeeze %dma_start3A_501 : memref<1x1280xi32, #tpu.memory_space<vmem>> -> memref<1280xi32, #tpu.memory_space<vmem>>
        %dma_start3A_503 = tpu.memref_slice %arg3[%add3A_360] : memref<163840xi32, #tpu.memory_space<hbm>> -> memref<1280xi32, #tpu.memory_space<hbm>>
        %dma_start3A_504 = arith.constant 0 : i32
        %dma_start3A_505 = tpu.memref_slice %arg7[%run_scoped3A_362, %dma_start3A_504] : memref<2x1280xi32, #tpu.memory_space<vmem>> -> memref<1x1280xi32, #tpu.memory_space<vmem>>
        %dma_start3A_506 = tpu.memref_squeeze %dma_start3A_505 : memref<1x1280xi32, #tpu.memory_space<vmem>> -> memref<1280xi32, #tpu.memory_space<vmem>>
        %dma_start3A_507 = tpu.memref_slice %arg3[%add3A_360] : memref<163840xi32, #tpu.memory_space<hbm>> -> memref<1280xi32, #tpu.memory_space<hbm>>
        tpu.enqueue_dma source(%dma_start3A_507 : memref<1280xi32, #tpu.memory_space<hbm>>) target(%dma_start3A_506 : memref<1280xi32, #tpu.memory_space<vmem>>) target_semaphore(%run_scoped3A_499 : memref<!tpu.dma_semaphore, #tpu.memory_space<semaphore_mem>>)
        %dma_wait3A_508 = arith.constant 0 : i32
        %dma_wait3A_509 = tpu.memref_slice %arg7[%run_scoped3A_362, %dma_wait3A_508] : memref<2x1280xi32, #tpu.memory_space<vmem>> -> memref<1x1280xi32, #tpu.memory_space<vmem>>
        %dma_wait3A_510 = tpu.memref_squeeze %dma_wait3A_509 : memref<1x1280xi32, #tpu.memory_space<vmem>> -> memref<1280xi32, #tpu.memory_space<vmem>>
        %dma_wait3A_511 = tpu.memref_slice %arg3[%add3A_360] : memref<163840xi32, #tpu.memory_space<hbm>> -> memref<1280xi32, #tpu.memory_space<hbm>>
        %dma_wait3A_512 = arith.constant 0 : i32
        %dma_wait3A_513 = tpu.memref_slice %arg7[%run_scoped3A_362, %dma_wait3A_512] : memref<2x1280xi32, #tpu.memory_space<vmem>> -> memref<1x1280xi32, #tpu.memory_space<vmem>>
        %dma_wait3A_514 = tpu.memref_squeeze %dma_wait3A_513 : memref<1x1280xi32, #tpu.memory_space<vmem>> -> memref<1280xi32, #tpu.memory_space<vmem>>
        %dma_wait3A_515 = tpu.memref_slice %arg3[%add3A_360] : memref<163840xi32, #tpu.memory_space<hbm>> -> memref<1280xi32, #tpu.memory_space<hbm>>
        tpu.wait_dma2 semaphore(%run_scoped3A_499 : memref<!tpu.dma_semaphore, #tpu.memory_space<semaphore_mem>>) src(%dma_wait3A_515 : memref<1280xi32, #tpu.memory_space<hbm>>) dst(%dma_wait3A_514 : memref<1280xi32, #tpu.memory_space<vmem>>)
        tpu.yield
      }) : () -> ()
      %dma_start3A_363 = arith.constant 1 : i32
      %dma_start3A_364 = arith.constant 1 : i32
      %dma_start3A_365 = arith.constant 0 : i32
      %dma_start3A_366 = arith.constant 0 : i32
      %dma_start3A_367 = tpu.memref_slice %arg8[%dma_start3A_364, %dma_start3A_365, %dma_start3A_366] : memref<2x1280x16xf32, #tpu.memory_space<vmem>> -> memref<1x1280x16xf32, #tpu.memory_space<vmem>>
      %dma_start3A_368 = tpu.memref_squeeze %dma_start3A_367 : memref<1x1280x16xf32, #tpu.memory_space<vmem>> -> memref<1280x16xf32, #tpu.memory_space<vmem>>
      %dma_start3A_369 = arith.constant 0 : i32
      %dma_start3A_370 = tpu.memref_slice %arg6[%dma_start3A_363, %dma_start3A_369] : memref<2x1280xi32, #tpu.memory_space<vmem>> -> memref<1x1280xi32, #tpu.memory_space<vmem>>
      %dma_start3A_371 = tpu.memref_squeeze %dma_start3A_370 : memref<1x1280xi32, #tpu.memory_space<vmem>> -> memref<1280xi32, #tpu.memory_space<vmem>>
      %dma_start3A_372 = arith.constant 0 : i32
      %dma_start3A_373 = arith.constant 0 : i32
      %dma_start3A_374 = tpu.memref_slice %arg4[%dma_start3A_372, %dma_start3A_373] : memref<10016x16xf32, #tpu.memory_space<hbm>> -> memref<10016x16xf32, #tpu.memory_space<hbm>>
      tpu.enqueue_indirect_dma source(%dma_start3A_374 : memref<10016x16xf32, #tpu.memory_space<hbm>>) target(%dma_start3A_368 : memref<1280x16xf32, #tpu.memory_space<vmem>>) offsets(%dma_start3A_371 : memref<1280xi32, #tpu.memory_space<vmem>>) semaphore(%arg13 : memref<!tpu.dma_semaphore, #tpu.memory_space<semaphore_mem>>)
      %dma_start3A_375 = arith.constant 1 : i32
      %dma_start3A_376 = arith.constant 1 : i32
      %dma_start3A_377 = arith.constant 0 : i32
      %dma_start3A_378 = arith.constant 0 : i32
      %dma_start3A_379 = tpu.memref_slice %arg9[%dma_start3A_376, %dma_start3A_377, %dma_start3A_378] : memref<2x1280x16xf32, #tpu.memory_space<vmem>> -> memref<1x1280x16xf32, #tpu.memory_space<vmem>>
      %dma_start3A_380 = tpu.memref_squeeze %dma_start3A_379 : memref<1x1280x16xf32, #tpu.memory_space<vmem>> -> memref<1280x16xf32, #tpu.memory_space<vmem>>
      %dma_start3A_381 = arith.constant 0 : i32
      %dma_start3A_382 = tpu.memref_slice %arg7[%dma_start3A_375, %dma_start3A_381] : memref<2x1280xi32, #tpu.memory_space<vmem>> -> memref<1x1280xi32, #tpu.memory_space<vmem>>
      %dma_start3A_383 = tpu.memref_squeeze %dma_start3A_382 : memref<1x1280xi32, #tpu.memory_space<vmem>> -> memref<1280xi32, #tpu.memory_space<vmem>>
      %dma_start3A_384 = arith.constant 0 : i32
      %dma_start3A_385 = arith.constant 0 : i32
      %dma_start3A_386 = tpu.memref_slice %arg4[%dma_start3A_384, %dma_start3A_385] : memref<10016x16xf32, #tpu.memory_space<hbm>> -> memref<10016x16xf32, #tpu.memory_space<hbm>>
      tpu.enqueue_indirect_dma source(%dma_start3A_386 : memref<10016x16xf32, #tpu.memory_space<hbm>>) target(%dma_start3A_380 : memref<1280x16xf32, #tpu.memory_space<vmem>>) offsets(%dma_start3A_383 : memref<1280xi32, #tpu.memory_space<vmem>>) semaphore(%arg14 : memref<!tpu.dma_semaphore, #tpu.memory_space<semaphore_mem>>)
      %dma_wait3A_387 = arith.constant 0 : i32
      %dma_wait3A_388 = arith.constant 0 : i32
      %dma_wait3A_389 = arith.constant 0 : i32
      %dma_wait3A_390 = arith.constant 0 : i32
      %dma_wait3A_391 = tpu.memref_slice %arg8[%dma_wait3A_388, %dma_wait3A_389, %dma_wait3A_390] : memref<2x1280x16xf32, #tpu.memory_space<vmem>> -> memref<1x1280x16xf32, #tpu.memory_space<vmem>>
      %dma_wait3A_392 = tpu.memref_squeeze %dma_wait3A_391 : memref<1x1280x16xf32, #tpu.memory_space<vmem>> -> memref<1280x16xf32, #tpu.memory_space<vmem>>
      %dma_wait3A_393 = arith.constant 0 : i32
      %dma_wait3A_394 = tpu.memref_slice %arg6[%dma_wait3A_387, %dma_wait3A_393] : memref<2x1280xi32, #tpu.memory_space<vmem>> -> memref<1x1280xi32, #tpu.memory_space<vmem>>
      %dma_wait3A_395 = tpu.memref_squeeze %dma_wait3A_394 : memref<1x1280xi32, #tpu.memory_space<vmem>> -> memref<1280xi32, #tpu.memory_space<vmem>>
      %dma_wait3A_396 = arith.constant 0 : i32
      %dma_wait3A_397 = arith.constant 0 : i32
      %dma_wait3A_398 = tpu.memref_slice %arg4[%dma_wait3A_396, %dma_wait3A_397] : memref<10016x16xf32, #tpu.memory_space<hbm>> -> memref<10016x16xf32, #tpu.memory_space<hbm>>
      tpu.wait_indirect_dma semaphore(%arg11 : memref<!tpu.dma_semaphore, #tpu.memory_space<semaphore_mem>>) src(%dma_wait3A_398 : memref<10016x16xf32, #tpu.memory_space<hbm>>) dst(%dma_wait3A_392 : memref<1280x16xf32, #tpu.memory_space<vmem>>)
      %dma_wait3A_399 = arith.constant 0 : i32
      %dma_wait3A_400 = arith.constant 0 : i32
      %dma_wait3A_401 = arith.constant 0 : i32
      %dma_wait3A_402 = arith.constant 0 : i32
      %dma_wait3A_403 = tpu.memref_slice %arg9[%dma_wait3A_400, %dma_wait3A_401, %dma_wait3A_402] : memref<2x1280x16xf32, #tpu.memory_space<vmem>> -> memref<1x1280x16xf32, #tpu.memory_space<vmem>>
      %dma_wait3A_404 = tpu.memref_squeeze %dma_wait3A_403 : memref<1x1280x16xf32, #tpu.memory_space<vmem>> -> memref<1280x16xf32, #tpu.memory_space<vmem>>
      %dma_wait3A_405 = arith.constant 0 : i32
      %dma_wait3A_406 = tpu.memref_slice %arg7[%dma_wait3A_399, %dma_wait3A_405] : memref<2x1280xi32, #tpu.memory_space<vmem>> -> memref<1x1280xi32, #tpu.memory_space<vmem>>
      %dma_wait3A_407 = tpu.memref_squeeze %dma_wait3A_406 : memref<1x1280xi32, #tpu.memory_space<vmem>> -> memref<1280xi32, #tpu.memory_space<vmem>>
      %dma_wait3A_408 = arith.constant 0 : i32
      %dma_wait3A_409 = arith.constant 0 : i32
      %dma_wait3A_410 = tpu.memref_slice %arg4[%dma_wait3A_408, %dma_wait3A_409] : memref<10016x16xf32, #tpu.memory_space<hbm>> -> memref<10016x16xf32, #tpu.memory_space<hbm>>
      tpu.wait_indirect_dma semaphore(%arg12 : memref<!tpu.dma_semaphore, #tpu.memory_space<semaphore_mem>>) src(%dma_wait3A_410 : memref<10016x16xf32, #tpu.memory_space<hbm>>) dst(%dma_wait3A_404 : memref<1280x16xf32, #tpu.memory_space<vmem>>)
      %scan3A_411 = arith.constant 0 : i32
      %scan3A_412 = arith.constant 0 : i32
      %scan3A_413 = arith.constant 160 : i32
      %scan3A_414 = arith.addi %scan3A_412, %scan3A_413 : i32
      %scan3A_415 = arith.constant 1 : i32
      scf.for %scan3A_499 = %scan3A_412 to %scan3A_414 step %scan3A_415  : i32 {
        %mul3A_500 = arith.constant 8 : i32
        %mul3A_501 = arith.muli %scan3A_499, %mul3A_500 : i32
        %add3A_502 = arith.constant 0 : i32
        %add3A_503 = arith.addi %mul3A_501, %add3A_502 : i32
        %get3A = arith.constant 0 : i32
        %get3A_504 = arith.index_cast %get3A : i32 to index
        %get3A_505 = arith.index_cast %add3A_503 : i32 to index
        %get3A_506 = arith.constant 0 : index
        %get3A_507 = tpu.vector_load %arg8[%get3A_504, %get3A_505, %get3A_506] {strides = array<i32>} : memref<2x1280x16xf32, #tpu.memory_space<vmem>>, vector<1x1x16xf32>,
        %get3A_508 = vector.shape_cast %get3A_507 : vector<1x1x16xf32> to vector<16xf32>
        %get3A_509 = arith.constant 0 : i32
        %get3A_510 = arith.index_cast %get3A_509 : i32 to index
        %get3A_511 = arith.index_cast %add3A_503 : i32 to index
        %get3A_512 = arith.constant 0 : index
        %get3A_513 = tpu.vector_load %arg9[%get3A_510, %get3A_511, %get3A_512] {strides = array<i32>} : memref<2x1280x16xf32, #tpu.memory_space<vmem>>, vector<1x1x16xf32>,
        %get3A_514 = vector.shape_cast %get3A_513 : vector<1x1x16xf32> to vector<16xf32>
        %max3A = arith.maximumf %get3A_508, %get3A_514 : vector<16xf32>
        %swap3A = arith.index_cast %scan3A_499 : i32 to index
        %swap3A_515 = arith.constant 0 : index
        %swap3A_516 = tpu.vector_load %arg10[%swap3A, %swap3A_515] {strides = array<i32>} : memref<160x128xf32, #tpu.memory_space<vmem>>, vector<1x16xf32>,
        %swap3A_517 = vector.shape_cast %swap3A_516 : vector<1x16xf32> to vector<16xf32>
        %swap3A_518 = vector.shape_cast %max3A : vector<16xf32> to vector<1x16xf32>
        tpu.vector_store %arg10[%swap3A, %swap3A_515], %swap3A_518 {strides = array<i32>} : memref<160x128xf32, #tpu.memory_space<vmem>>, vector<1x16xf32>,
        %mul3A_519 = arith.constant 8 : i32
        %mul3A_520 = arith.muli %scan3A_499, %mul3A_519 : i32
        %add3A_521 = arith.constant 1 : i32
        %add3A_522 = arith.addi %mul3A_520, %add3A_521 : i32
        %get3A_523 = arith.constant 0 : i32
        %get3A_524 = arith.index_cast %get3A_523 : i32 to index
        %get3A_525 = arith.index_cast %add3A_522 : i32 to index
        %get3A_526 = arith.constant 0 : index
        %get3A_527 = tpu.vector_load %arg8[%get3A_524, %get3A_525, %get3A_526] {strides = array<i32>} : memref<2x1280x16xf32, #tpu.memory_space<vmem>>, vector<1x1x16xf32>,
        %get3A_528 = vector.shape_cast %get3A_527 : vector<1x1x16xf32> to vector<16xf32>
        %get3A_529 = arith.constant 0 : i32
        %get3A_530 = arith.index_cast %get3A_529 : i32 to index
        %get3A_531 = arith.index_cast %add3A_522 : i32 to index
        %get3A_532 = arith.constant 0 : index
        %get3A_533 = tpu.vector_load %arg9[%get3A_530, %get3A_531, %get3A_532] {strides = array<i32>} : memref<2x1280x16xf32, #tpu.memory_space<vmem>>, vector<1x1x16xf32>,
        %get3A_534 = vector.shape_cast %get3A_533 : vector<1x1x16xf32> to vector<16xf32>
        %max3A_535 = arith.maximumf %get3A_528, %get3A_534 : vector<16xf32>
        %swap3A_536 = arith.index_cast %scan3A_499 : i32 to index
        %swap3A_537 = arith.constant 16 : index
        %swap3A_538 = tpu.vector_load %arg10[%swap3A_536, %swap3A_537] {strides = array<i32>} : memref<160x128xf32, #tpu.memory_space<vmem>>, vector<1x16xf32>,
        %swap3A_539 = vector.shape_cast %swap3A_538 : vector<1x16xf32> to vector<16xf32>
        %swap3A_540 = vector.shape_cast %max3A_535 : vector<16xf32> to vector<1x16xf32>
        tpu.vector_store %arg10[%swap3A_536, %swap3A_537], %swap3A_540 {strides = array<i32>} : memref<160x128xf32, #tpu.memory_space<vmem>>, vector<1x16xf32>,
        %mul3A_541 = arith.constant 8 : i32
        %mul3A_542 = arith.muli %scan3A_499, %mul3A_541 : i32
        %add3A_543 = arith.constant 2 : i32
        %add3A_544 = arith.addi %mul3A_542, %add3A_543 : i32
        %get3A_545 = arith.constant 0 : i32
        %get3A_546 = arith.index_cast %get3A_545 : i32 to index
        %get3A_547 = arith.index_cast %add3A_544 : i32 to index
        %get3A_548 = arith.constant 0 : index
        %get3A_549 = tpu.vector_load %arg8[%get3A_546, %get3A_547, %get3A_548] {strides = array<i32>} : memref<2x1280x16xf32, #tpu.memory_space<vmem>>, vector<1x1x16xf32>,
        %get3A_550 = vector.shape_cast %get3A_549 : vector<1x1x16xf32> to vector<16xf32>
        %get3A_551 = arith.constant 0 : i32
        %get3A_552 = arith.index_cast %get3A_551 : i32 to index
        %get3A_553 = arith.index_cast %add3A_544 : i32 to index
        %get3A_554 = arith.constant 0 : index
        %get3A_555 = tpu.vector_load %arg9[%get3A_552, %get3A_553, %get3A_554] {strides = array<i32>} : memref<2x1280x16xf32, #tpu.memory_space<vmem>>, vector<1x1x16xf32>,
        %get3A_556 = vector.shape_cast %get3A_555 : vector<1x1x16xf32> to vector<16xf32>
        %max3A_557 = arith.maximumf %get3A_550, %get3A_556 : vector<16xf32>
        %swap3A_558 = arith.index_cast %scan3A_499 : i32 to index
        %swap3A_559 = arith.constant 32 : index
        %swap3A_560 = tpu.vector_load %arg10[%swap3A_558, %swap3A_559] {strides = array<i32>} : memref<160x128xf32, #tpu.memory_space<vmem>>, vector<1x16xf32>,
        %swap3A_561 = vector.shape_cast %swap3A_560 : vector<1x16xf32> to vector<16xf32>
        %swap3A_562 = vector.shape_cast %max3A_557 : vector<16xf32> to vector<1x16xf32>
        tpu.vector_store %arg10[%swap3A_558, %swap3A_559], %swap3A_562 {strides = array<i32>} : memref<160x128xf32, #tpu.memory_space<vmem>>, vector<1x16xf32>,
        %mul3A_563 = arith.constant 8 : i32
        %mul3A_564 = arith.muli %scan3A_499, %mul3A_563 : i32
        %add3A_565 = arith.constant 3 : i32
        %add3A_566 = arith.addi %mul3A_564, %add3A_565 : i32
        %get3A_567 = arith.constant 0 : i32
        %get3A_568 = arith.index_cast %get3A_567 : i32 to index
        %get3A_569 = arith.index_cast %add3A_566 : i32 to index
        %get3A_570 = arith.constant 0 : index
        %get3A_571 = tpu.vector_load %arg8[%get3A_568, %get3A_569, %get3A_570] {strides = array<i32>} : memref<2x1280x16xf32, #tpu.memory_space<vmem>>, vector<1x1x16xf32>,
        %get3A_572 = vector.shape_cast %get3A_571 : vector<1x1x16xf32> to vector<16xf32>
        %get3A_573 = arith.constant 0 : i32
        %get3A_574 = arith.index_cast %get3A_573 : i32 to index
        %get3A_575 = arith.index_cast %add3A_566 : i32 to index
        %get3A_576 = arith.constant 0 : index
        %get3A_577 = tpu.vector_load %arg9[%get3A_574, %get3A_575, %get3A_576] {strides = array<i32>} : memref<2x1280x16xf32, #tpu.memory_space<vmem>>, vector<1x1x16xf32>,
        %get3A_578 = vector.shape_cast %get3A_577 : vector<1x1x16xf32> to vector<16xf32>
        %max3A_579 = arith.maximumf %get3A_572, %get3A_578 : vector<16xf32>
        %swap3A_580 = arith.index_cast %scan3A_499 : i32 to index
        %swap3A_581 = arith.constant 48 : index
        %swap3A_582 = tpu.vector_load %arg10[%swap3A_580, %swap3A_581] {strides = array<i32>} : memref<160x128xf32, #tpu.memory_space<vmem>>, vector<1x16xf32>,
        %swap3A_583 = vector.shape_cast %swap3A_582 : vector<1x16xf32> to vector<16xf32>
        %swap3A_584 = vector.shape_cast %max3A_579 : vector<16xf32> to vector<1x16xf32>
        tpu.vector_store %arg10[%swap3A_580, %swap3A_581], %swap3A_584 {strides = array<i32>} : memref<160x128xf32, #tpu.memory_space<vmem>>, vector<1x16xf32>,
        %mul3A_585 = arith.constant 8 : i32
        %mul3A_586 = arith.muli %scan3A_499, %mul3A_585 : i32
        %add3A_587 = arith.constant 4 : i32
        %add3A_588 = arith.addi %mul3A_586, %add3A_587 : i32
        %get3A_589 = arith.constant 0 : i32
        %get3A_590 = arith.index_cast %get3A_589 : i32 to index
        %get3A_591 = arith.index_cast %add3A_588 : i32 to index
        %get3A_592 = arith.constant 0 : index
        %get3A_593 = tpu.vector_load %arg8[%get3A_590, %get3A_591, %get3A_592] {strides = array<i32>} : memref<2x1280x16xf32, #tpu.memory_space<vmem>>, vector<1x1x16xf32>,
        %get3A_594 = vector.shape_cast %get3A_593 : vector<1x1x16xf32> to vector<16xf32>
        %get3A_595 = arith.constant 0 : i32
        %get3A_596 = arith.index_cast %get3A_595 : i32 to index
        %get3A_597 = arith.index_cast %add3A_588 : i32 to index
        %get3A_598 = arith.constant 0 : index
        %get3A_599 = tpu.vector_load %arg9[%get3A_596, %get3A_597, %get3A_598] {strides = array<i32>} : memref<2x1280x16xf32, #tpu.memory_space<vmem>>, vector<1x1x16xf32>,
        %get3A_600 = vector.shape_cast %get3A_599 : vector<1x1x16xf32> to vector<16xf32>
        %max3A_601 = arith.maximumf %get3A_594, %get3A_600 : vector<16xf32>
        %swap3A_602 = arith.index_cast %scan3A_499 : i32 to index
        %swap3A_603 = arith.constant 64 : index
        %swap3A_604 = tpu.vector_load %arg10[%swap3A_602, %swap3A_603] {strides = array<i32>} : memref<160x128xf32, #tpu.memory_space<vmem>>, vector<1x16xf32>,
        %swap3A_605 = vector.shape_cast %swap3A_604 : vector<1x16xf32> to vector<16xf32>
        %swap3A_606 = vector.shape_cast %max3A_601 : vector<16xf32> to vector<1x16xf32>
        tpu.vector_store %arg10[%swap3A_602, %swap3A_603], %swap3A_606 {strides = array<i32>} : memref<160x128xf32, #tpu.memory_space<vmem>>, vector<1x16xf32>,
        %mul3A_607 = arith.constant 8 : i32
        %mul3A_608 = arith.muli %scan3A_499, %mul3A_607 : i32
        %add3A_609 = arith.constant 5 : i32
        %add3A_610 = arith.addi %mul3A_608, %add3A_609 : i32
        %get3A_611 = arith.constant 0 : i32
        %get3A_612 = arith.index_cast %get3A_611 : i32 to index
        %get3A_613 = arith.index_cast %add3A_610 : i32 to index
        %get3A_614 = arith.constant 0 : index
        %get3A_615 = tpu.vector_load %arg8[%get3A_612, %get3A_613, %get3A_614] {strides = array<i32>} : memref<2x1280x16xf32, #tpu.memory_space<vmem>>, vector<1x1x16xf32>,
        %get3A_616 = vector.shape_cast %get3A_615 : vector<1x1x16xf32> to vector<16xf32>
        %get3A_617 = arith.constant 0 : i32
        %get3A_618 = arith.index_cast %get3A_617 : i32 to index
        %get3A_619 = arith.index_cast %add3A_610 : i32 to index
        %get3A_620 = arith.constant 0 : index
        %get3A_621 = tpu.vector_load %arg9[%get3A_618, %get3A_619, %get3A_620] {strides = array<i32>} : memref<2x1280x16xf32, #tpu.memory_space<vmem>>, vector<1x1x16xf32>,
        %get3A_622 = vector.shape_cast %get3A_621 : vector<1x1x16xf32> to vector<16xf32>
        %max3A_623 = arith.maximumf %get3A_616, %get3A_622 : vector<16xf32>
        %swap3A_624 = arith.index_cast %scan3A_499 : i32 to index
        %swap3A_625 = arith.constant 80 : index
        %swap3A_626 = tpu.vector_load %arg10[%swap3A_624, %swap3A_625] {strides = array<i32>} : memref<160x128xf32, #tpu.memory_space<vmem>>, vector<1x16xf32>,
        %swap3A_627 = vector.shape_cast %swap3A_626 : vector<1x16xf32> to vector<16xf32>
        %swap3A_628 = vector.shape_cast %max3A_623 : vector<16xf32> to vector<1x16xf32>
        tpu.vector_store %arg10[%swap3A_624, %swap3A_625], %swap3A_628 {strides = array<i32>} : memref<160x128xf32, #tpu.memory_space<vmem>>, vector<1x16xf32>,
        %mul3A_629 = arith.constant 8 : i32
        %mul3A_630 = arith.muli %scan3A_499, %mul3A_629 : i32
        %add3A_631 = arith.constant 6 : i32
        %add3A_632 = arith.addi %mul3A_630, %add3A_631 : i32
        %get3A_633 = arith.constant 0 : i32
        %get3A_634 = arith.index_cast %get3A_633 : i32 to index
        %get3A_635 = arith.index_cast %add3A_632 : i32 to index
        %get3A_636 = arith.constant 0 : index
        %get3A_637 = tpu.vector_load %arg8[%get3A_634, %get3A_635, %get3A_636] {strides = array<i32>} : memref<2x1280x16xf32, #tpu.memory_space<vmem>>, vector<1x1x16xf32>,
        %get3A_638 = vector.shape_cast %get3A_637 : vector<1x1x16xf32> to vector<16xf32>
        %get3A_639 = arith.constant 0 : i32
        %get3A_640 = arith.index_cast %get3A_639 : i32 to index
        %get3A_641 = arith.index_cast %add3A_632 : i32 to index
        %get3A_642 = arith.constant 0 : index
        %get3A_643 = tpu.vector_load %arg9[%get3A_640, %get3A_641, %get3A_642] {strides = array<i32>} : memref<2x1280x16xf32, #tpu.memory_space<vmem>>, vector<1x1x16xf32>,
        %get3A_644 = vector.shape_cast %get3A_643 : vector<1x1x16xf32> to vector<16xf32>
        %max3A_645 = arith.maximumf %get3A_638, %get3A_644 : vector<16xf32>
        %swap3A_646 = arith.index_cast %scan3A_499 : i32 to index
        %swap3A_647 = arith.constant 96 : index
        %swap3A_648 = tpu.vector_load %arg10[%swap3A_646, %swap3A_647] {strides = array<i32>} : memref<160x128xf32, #tpu.memory_space<vmem>>, vector<1x16xf32>,
        %swap3A_649 = vector.shape_cast %swap3A_648 : vector<1x16xf32> to vector<16xf32>
        %swap3A_650 = vector.shape_cast %max3A_645 : vector<16xf32> to vector<1x16xf32>
        tpu.vector_store %arg10[%swap3A_646, %swap3A_647], %swap3A_650 {strides = array<i32>} : memref<160x128xf32, #tpu.memory_space<vmem>>, vector<1x16xf32>,
        %mul3A_651 = arith.constant 8 : i32
        %mul3A_652 = arith.muli %scan3A_499, %mul3A_651 : i32
        %add3A_653 = arith.constant 7 : i32
        %add3A_654 = arith.addi %mul3A_652, %add3A_653 : i32
        %get3A_655 = arith.constant 0 : i32
        %get3A_656 = arith.index_cast %get3A_655 : i32 to index
        %get3A_657 = arith.index_cast %add3A_654 : i32 to index
        %get3A_658 = arith.constant 0 : index
        %get3A_659 = tpu.vector_load %arg8[%get3A_656, %get3A_657, %get3A_658] {strides = array<i32>} : memref<2x1280x16xf32, #tpu.memory_space<vmem>>, vector<1x1x16xf32>,
        %get3A_660 = vector.shape_cast %get3A_659 : vector<1x1x16xf32> to vector<16xf32>
        %get3A_661 = arith.constant 0 : i32
        %get3A_662 = arith.index_cast %get3A_661 : i32 to index
        %get3A_663 = arith.index_cast %add3A_654 : i32 to index
        %get3A_664 = arith.constant 0 : index
        %get3A_665 = tpu.vector_load %arg9[%get3A_662, %get3A_663, %get3A_664] {strides = array<i32>} : memref<2x1280x16xf32, #tpu.memory_space<vmem>>, vector<1x1x16xf32>,
        %get3A_666 = vector.shape_cast %get3A_665 : vector<1x1x16xf32> to vector<16xf32>
        %max3A_667 = arith.maximumf %get3A_660, %get3A_666 : vector<16xf32>
        %swap3A_668 = arith.index_cast %scan3A_499 : i32 to index
        %swap3A_669 = arith.constant 112 : index
        %swap3A_670 = tpu.vector_load %arg10[%swap3A_668, %swap3A_669] {strides = array<i32>} : memref<160x128xf32, #tpu.memory_space<vmem>>, vector<1x16xf32>,
        %swap3A_671 = vector.shape_cast %swap3A_670 : vector<1x16xf32> to vector<16xf32>
        %swap3A_672 = vector.shape_cast %max3A_667 : vector<16xf32> to vector<1x16xf32>
        tpu.vector_store %arg10[%swap3A_668, %swap3A_669], %swap3A_672 {strides = array<i32>} : memref<160x128xf32, #tpu.memory_space<vmem>>, vector<1x16xf32>,
      }
      %scan3A_416 = arith.constant 160 : i32
      %add3A_417 = arith.constant 5120 : i32
      %add3A_418 = arith.addi %mul3A_0, %add3A_417 : i32
      %jit3A_419 = arith.constant 8 : i32
      %div3A_420 = arith.divsi %add3A_418, %jit3A_419 : i32
      %sign3A_421 = arith.constant 0 : i32
      %sign3A_422 = arith.cmpi sgt, %add3A_418, %sign3A_421 : i32
      %sign3A_423 = arith.extui %sign3A_422 : i1 to i32
      %sign3A_424 = arith.constant 0 : i32
      %sign3A_425 = arith.cmpi slt, %add3A_418, %sign3A_424 : i32
      %sign3A_426 = arith.extui %sign3A_425 : i1 to i32
      %sign3A_427 = arith.subi %sign3A_423, %sign3A_426 : i32
      %sign3A_428 = arith.constant 0 : i32
      %sign3A_429 = arith.cmpi sgt, %jit3A_419, %sign3A_428 : i32
      %sign3A_430 = arith.extui %sign3A_429 : i1 to i32
      %sign3A_431 = arith.constant 0 : i32
      %sign3A_432 = arith.cmpi slt, %jit3A_419, %sign3A_431 : i32
      %sign3A_433 = arith.extui %sign3A_432 : i1 to i32
      %sign3A_434 = arith.subi %sign3A_430, %sign3A_433 : i32
      %ne3A_435 = arith.cmpi ne, %sign3A_427, %sign3A_434 : i32
      %rem3A_436 = arith.remsi %add3A_418, %jit3A_419 : i32
      %ne3A_437 = arith.constant 0 : i32
      %ne3A_438 = arith.cmpi ne, %rem3A_436, %ne3A_437 : i32
      %and3A_439 = arith.andi %ne3A_435, %ne3A_438 : i1
      %sub3A_440 = arith.constant 1 : i32
      %sub3A_441 = arith.subi %div3A_420, %sub3A_440 : i32
      %select_n3A_442 = arith.select %and3A_439, %sub3A_441, %div3A_420 : i32
      "tpu.region"() ({
        %run_scoped3A_499 = tpu.sem_alloc : memref<!tpu.dma_semaphore, #tpu.memory_space<semaphore_mem>>
        %dma_start3A_500 = arith.constant 0 : i32
        %dma_start3A_501 = tpu.memref_slice %arg5[%select_n3A_442, %dma_start3A_500] : memref<20480x128xf32, #tpu.memory_space<hbm>> -> memref<160x128xf32, #tpu.memory_space<hbm>>
        %dma_start3A_502 = arith.constant 0 : i32
        %dma_start3A_503 = tpu.memref_slice %arg5[%select_n3A_442, %dma_start3A_502] : memref<20480x128xf32, #tpu.memory_space<hbm>> -> memref<160x128xf32, #tpu.memory_space<hbm>>
        tpu.enqueue_dma source(%arg10 : memref<160x128xf32, #tpu.memory_space<vmem>>) target(%dma_start3A_503 : memref<160x128xf32, #tpu.memory_space<hbm>>) target_semaphore(%run_scoped3A_499 : memref<!tpu.dma_semaphore, #tpu.memory_space<semaphore_mem>>)
        %dma_wait3A_504 = arith.constant 0 : i32
        %dma_wait3A_505 = tpu.memref_slice %arg5[%select_n3A_442, %dma_wait3A_504] : memref<20480x128xf32, #tpu.memory_space<hbm>> -> memref<160x128xf32, #tpu.memory_space<hbm>>
        %dma_wait3A_506 = arith.constant 0 : i32
        %dma_wait3A_507 = tpu.memref_slice %arg5[%select_n3A_442, %dma_wait3A_506] : memref<20480x128xf32, #tpu.memory_space<hbm>> -> memref<160x128xf32, #tpu.memory_space<hbm>>
        tpu.wait_dma2 semaphore(%run_scoped3A_499 : memref<!tpu.dma_semaphore, #tpu.memory_space<semaphore_mem>>) src(%arg10 : memref<160x128xf32, #tpu.memory_space<vmem>>) dst(%dma_wait3A_507 : memref<160x128xf32, #tpu.memory_space<hbm>>)
        tpu.yield
      }) : () -> ()
      %dma_wait3A_443 = arith.constant 1 : i32
      %dma_wait3A_444 = arith.constant 1 : i32
      %dma_wait3A_445 = arith.constant 0 : i32
      %dma_wait3A_446 = arith.constant 0 : i32
      %dma_wait3A_447 = tpu.memref_slice %arg8[%dma_wait3A_444, %dma_wait3A_445, %dma_wait3A_446] : memref<2x1280x16xf32, #tpu.memory_space<vmem>> -> memref<1x1280x16xf32, #tpu.memory_space<vmem>>
      %dma_wait3A_448 = tpu.memref_squeeze %dma_wait3A_447 : memref<1x1280x16xf32, #tpu.memory_space<vmem>> -> memref<1280x16xf32, #tpu.memory_space<vmem>>
      %dma_wait3A_449 = arith.constant 0 : i32
      %dma_wait3A_450 = tpu.memref_slice %arg6[%dma_wait3A_443, %dma_wait3A_449] : memref<2x1280xi32, #tpu.memory_space<vmem>> -> memref<1x1280xi32, #tpu.memory_space<vmem>>
      %dma_wait3A_451 = tpu.memref_squeeze %dma_wait3A_450 : memref<1x1280xi32, #tpu.memory_space<vmem>> -> memref<1280xi32, #tpu.memory_space<vmem>>
      %dma_wait3A_452 = arith.constant 0 : i32
      %dma_wait3A_453 = arith.constant 0 : i32
      %dma_wait3A_454 = tpu.memref_slice %arg4[%dma_wait3A_452, %dma_wait3A_453] : memref<10016x16xf32, #tpu.memory_space<hbm>> -> memref<10016x16xf32, #tpu.memory_space<hbm>>
      tpu.wait_indirect_dma semaphore(%arg13 : memref<!tpu.dma_semaphore, #tpu.memory_space<semaphore_mem>>) src(%dma_wait3A_454 : memref<10016x16xf32, #tpu.memory_space<hbm>>) dst(%dma_wait3A_448 : memref<1280x16xf32, #tpu.memory_space<vmem>>)
      %dma_wait3A_455 = arith.constant 1 : i32
      %dma_wait3A_456 = arith.constant 1 : i32
      %dma_wait3A_457 = arith.constant 0 : i32
      %dma_wait3A_458 = arith.constant 0 : i32
      %dma_wait3A_459 = tpu.memref_slice %arg9[%dma_wait3A_456, %dma_wait3A_457, %dma_wait3A_458] : memref<2x1280x16xf32, #tpu.memory_space<vmem>> -> memref<1x1280x16xf32, #tpu.memory_space<vmem>>
      %dma_wait3A_460 = tpu.memref_squeeze %dma_wait3A_459 : memref<1x1280x16xf32, #tpu.memory_space<vmem>> -> memref<1280x16xf32, #tpu.memory_space<vmem>>
      %dma_wait3A_461 = arith.constant 0 : i32
      %dma_wait3A_462 = tpu.memref_slice %arg7[%dma_wait3A_455, %dma_wait3A_461] : memref<2x1280xi32, #tpu.memory_space<vmem>> -> memref<1x1280xi32, #tpu.memory_space<vmem>>
      %dma_wait3A_463 = tpu.memref_squeeze %dma_wait3A_462 : memref<1x1280xi32, #tpu.memory_space<vmem>> -> memref<1280xi32, #tpu.memory_space<vmem>>
      %dma_wait3A_464 = arith.constant 0 : i32
      %dma_wait3A_465 = arith.constant 0 : i32
      %dma_wait3A_466 = tpu.memref_slice %arg4[%dma_wait3A_464, %dma_wait3A_465] : memref<10016x16xf32, #tpu.memory_space<hbm>> -> memref<10016x16xf32, #tpu.memory_space<hbm>>
      tpu.wait_indirect_dma semaphore(%arg14 : memref<!tpu.dma_semaphore, #tpu.memory_space<semaphore_mem>>) src(%dma_wait3A_466 : memref<10016x16xf32, #tpu.memory_space<hbm>>) dst(%dma_wait3A_460 : memref<1280x16xf32, #tpu.memory_space<vmem>>)
      %scan3A_467 = arith.constant 0 : i32
      %scan3A_468 = arith.constant 0 : i32
      %scan3A_469 = arith.constant 160 : i32
      %scan3A_470 = arith.addi %scan3A_468, %scan3A_469 : i32
      %scan3A_471 = arith.constant 1 : i32
      scf.for %scan3A_499 = %scan3A_468 to %scan3A_470 step %scan3A_471  : i32 {
        %mul3A_500 = arith.constant 8 : i32
        %mul3A_501 = arith.muli %scan3A_499, %mul3A_500 : i32
        %add3A_502 = arith.constant 0 : i32
        %add3A_503 = arith.addi %mul3A_501, %add3A_502 : i32
        %get3A = arith.constant 1 : i32
        %get3A_504 = arith.index_cast %get3A : i32 to index
        %get3A_505 = arith.index_cast %add3A_503 : i32 to index
        %get3A_506 = arith.constant 0 : index
        %get3A_507 = tpu.vector_load %arg8[%get3A_504, %get3A_505, %get3A_506] {strides = array<i32>} : memref<2x1280x16xf32, #tpu.memory_space<vmem>>, vector<1x1x16xf32>,
        %get3A_508 = vector.shape_cast %get3A_507 : vector<1x1x16xf32> to vector<16xf32>
        %get3A_509 = arith.constant 1 : i32
        %get3A_510 = arith.index_cast %get3A_509 : i32 to index
        %get3A_511 = arith.index_cast %add3A_503 : i32 to index
        %get3A_512 = arith.constant 0 : index
        %get3A_513 = tpu.vector_load %arg9[%get3A_510, %get3A_511, %get3A_512] {strides = array<i32>} : memref<2x1280x16xf32, #tpu.memory_space<vmem>>, vector<1x1x16xf32>,
        %get3A_514 = vector.shape_cast %get3A_513 : vector<1x1x16xf32> to vector<16xf32>
        %max3A = arith.maximumf %get3A_508, %get3A_514 : vector<16xf32>
        %swap3A = arith.index_cast %scan3A_499 : i32 to index
        %swap3A_515 = arith.constant 0 : index
        %swap3A_516 = tpu.vector_load %arg10[%swap3A, %swap3A_515] {strides = array<i32>} : memref<160x128xf32, #tpu.memory_space<vmem>>, vector<1x16xf32>,
        %swap3A_517 = vector.shape_cast %swap3A_516 : vector<1x16xf32> to vector<16xf32>
        %swap3A_518 = vector.shape_cast %max3A : vector<16xf32> to vector<1x16xf32>
        tpu.vector_store %arg10[%swap3A, %swap3A_515], %swap3A_518 {strides = array<i32>} : memref<160x128xf32, #tpu.memory_space<vmem>>, vector<1x16xf32>,
        %mul3A_519 = arith.constant 8 : i32
        %mul3A_520 = arith.muli %scan3A_499, %mul3A_519 : i32
        %add3A_521 = arith.constant 1 : i32
        %add3A_522 = arith.addi %mul3A_520, %add3A_521 : i32
        %get3A_523 = arith.constant 1 : i32
        %get3A_524 = arith.index_cast %get3A_523 : i32 to index
        %get3A_525 = arith.index_cast %add3A_522 : i32 to index
        %get3A_526 = arith.constant 0 : index
        %get3A_527 = tpu.vector_load %arg8[%get3A_524, %get3A_525, %get3A_526] {strides = array<i32>} : memref<2x1280x16xf32, #tpu.memory_space<vmem>>, vector<1x1x16xf32>,
        %get3A_528 = vector.shape_cast %get3A_527 : vector<1x1x16xf32> to vector<16xf32>
        %get3A_529 = arith.constant 1 : i32
        %get3A_530 = arith.index_cast %get3A_529 : i32 to index
        %get3A_531 = arith.index_cast %add3A_522 : i32 to index
        %get3A_532 = arith.constant 0 : index
        %get3A_533 = tpu.vector_load %arg9[%get3A_530, %get3A_531, %get3A_532] {strides = array<i32>} : memref<2x1280x16xf32, #tpu.memory_space<vmem>>, vector<1x1x16xf32>,
        %get3A_534 = vector.shape_cast %get3A_533 : vector<1x1x16xf32> to vector<16xf32>
        %max3A_535 = arith.maximumf %get3A_528, %get3A_534 : vector<16xf32>
        %swap3A_536 = arith.index_cast %scan3A_499 : i32 to index
        %swap3A_537 = arith.constant 16 : index
        %swap3A_538 = tpu.vector_load %arg10[%swap3A_536, %swap3A_537] {strides = array<i32>} : memref<160x128xf32, #tpu.memory_space<vmem>>, vector<1x16xf32>,
        %swap3A_539 = vector.shape_cast %swap3A_538 : vector<1x16xf32> to vector<16xf32>
        %swap3A_540 = vector.shape_cast %max3A_535 : vector<16xf32> to vector<1x16xf32>
        tpu.vector_store %arg10[%swap3A_536, %swap3A_537], %swap3A_540 {strides = array<i32>} : memref<160x128xf32, #tpu.memory_space<vmem>>, vector<1x16xf32>,
        %mul3A_541 = arith.constant 8 : i32
        %mul3A_542 = arith.muli %scan3A_499, %mul3A_541 : i32
        %add3A_543 = arith.constant 2 : i32
        %add3A_544 = arith.addi %mul3A_542, %add3A_543 : i32
        %get3A_545 = arith.constant 1 : i32
        %get3A_546 = arith.index_cast %get3A_545 : i32 to index
        %get3A_547 = arith.index_cast %add3A_544 : i32 to index
        %get3A_548 = arith.constant 0 : index
        %get3A_549 = tpu.vector_load %arg8[%get3A_546, %get3A_547, %get3A_548] {strides = array<i32>} : memref<2x1280x16xf32, #tpu.memory_space<vmem>>, vector<1x1x16xf32>,
        %get3A_550 = vector.shape_cast %get3A_549 : vector<1x1x16xf32> to vector<16xf32>
        %get3A_551 = arith.constant 1 : i32
        %get3A_552 = arith.index_cast %get3A_551 : i32 to index
        %get3A_553 = arith.index_cast %add3A_544 : i32 to index
        %get3A_554 = arith.constant 0 : index
        %get3A_555 = tpu.vector_load %arg9[%get3A_552, %get3A_553, %get3A_554] {strides = array<i32>} : memref<2x1280x16xf32, #tpu.memory_space<vmem>>, vector<1x1x16xf32>,
        %get3A_556 = vector.shape_cast %get3A_555 : vector<1x1x16xf32> to vector<16xf32>
        %max3A_557 = arith.maximumf %get3A_550, %get3A_556 : vector<16xf32>
        %swap3A_558 = arith.index_cast %scan3A_499 : i32 to index
        %swap3A_559 = arith.constant 32 : index
        %swap3A_560 = tpu.vector_load %arg10[%swap3A_558, %swap3A_559] {strides = array<i32>} : memref<160x128xf32, #tpu.memory_space<vmem>>, vector<1x16xf32>,
        %swap3A_561 = vector.shape_cast %swap3A_560 : vector<1x16xf32> to vector<16xf32>
        %swap3A_562 = vector.shape_cast %max3A_557 : vector<16xf32> to vector<1x16xf32>
        tpu.vector_store %arg10[%swap3A_558, %swap3A_559], %swap3A_562 {strides = array<i32>} : memref<160x128xf32, #tpu.memory_space<vmem>>, vector<1x16xf32>,
        %mul3A_563 = arith.constant 8 : i32
        %mul3A_564 = arith.muli %scan3A_499, %mul3A_563 : i32
        %add3A_565 = arith.constant 3 : i32
        %add3A_566 = arith.addi %mul3A_564, %add3A_565 : i32
        %get3A_567 = arith.constant 1 : i32
        %get3A_568 = arith.index_cast %get3A_567 : i32 to index
        %get3A_569 = arith.index_cast %add3A_566 : i32 to index
        %get3A_570 = arith.constant 0 : index
        %get3A_571 = tpu.vector_load %arg8[%get3A_568, %get3A_569, %get3A_570] {strides = array<i32>} : memref<2x1280x16xf32, #tpu.memory_space<vmem>>, vector<1x1x16xf32>,
        %get3A_572 = vector.shape_cast %get3A_571 : vector<1x1x16xf32> to vector<16xf32>
        %get3A_573 = arith.constant 1 : i32
        %get3A_574 = arith.index_cast %get3A_573 : i32 to index
        %get3A_575 = arith.index_cast %add3A_566 : i32 to index
        %get3A_576 = arith.constant 0 : index
        %get3A_577 = tpu.vector_load %arg9[%get3A_574, %get3A_575, %get3A_576] {strides = array<i32>} : memref<2x1280x16xf32, #tpu.memory_space<vmem>>, vector<1x1x16xf32>,
        %get3A_578 = vector.shape_cast %get3A_577 : vector<1x1x16xf32> to vector<16xf32>
        %max3A_579 = arith.maximumf %get3A_572, %get3A_578 : vector<16xf32>
        %swap3A_580 = arith.index_cast %scan3A_499 : i32 to index
        %swap3A_581 = arith.constant 48 : index
        %swap3A_582 = tpu.vector_load %arg10[%swap3A_580, %swap3A_581] {strides = array<i32>} : memref<160x128xf32, #tpu.memory_space<vmem>>, vector<1x16xf32>,
        %swap3A_583 = vector.shape_cast %swap3A_582 : vector<1x16xf32> to vector<16xf32>
        %swap3A_584 = vector.shape_cast %max3A_579 : vector<16xf32> to vector<1x16xf32>
        tpu.vector_store %arg10[%swap3A_580, %swap3A_581], %swap3A_584 {strides = array<i32>} : memref<160x128xf32, #tpu.memory_space<vmem>>, vector<1x16xf32>,
        %mul3A_585 = arith.constant 8 : i32
        %mul3A_586 = arith.muli %scan3A_499, %mul3A_585 : i32
        %add3A_587 = arith.constant 4 : i32
        %add3A_588 = arith.addi %mul3A_586, %add3A_587 : i32
        %get3A_589 = arith.constant 1 : i32
        %get3A_590 = arith.index_cast %get3A_589 : i32 to index
        %get3A_591 = arith.index_cast %add3A_588 : i32 to index
        %get3A_592 = arith.constant 0 : index
        %get3A_593 = tpu.vector_load %arg8[%get3A_590, %get3A_591, %get3A_592] {strides = array<i32>} : memref<2x1280x16xf32, #tpu.memory_space<vmem>>, vector<1x1x16xf32>,
        %get3A_594 = vector.shape_cast %get3A_593 : vector<1x1x16xf32> to vector<16xf32>
        %get3A_595 = arith.constant 1 : i32
        %get3A_596 = arith.index_cast %get3A_595 : i32 to index
        %get3A_597 = arith.index_cast %add3A_588 : i32 to index
        %get3A_598 = arith.constant 0 : index
        %get3A_599 = tpu.vector_load %arg9[%get3A_596, %get3A_597, %get3A_598] {strides = array<i32>} : memref<2x1280x16xf32, #tpu.memory_space<vmem>>, vector<1x1x16xf32>,
        %get3A_600 = vector.shape_cast %get3A_599 : vector<1x1x16xf32> to vector<16xf32>
        %max3A_601 = arith.maximumf %get3A_594, %get3A_600 : vector<16xf32>
        %swap3A_602 = arith.index_cast %scan3A_499 : i32 to index
        %swap3A_603 = arith.constant 64 : index
        %swap3A_604 = tpu.vector_load %arg10[%swap3A_602, %swap3A_603] {strides = array<i32>} : memref<160x128xf32, #tpu.memory_space<vmem>>, vector<1x16xf32>,
        %swap3A_605 = vector.shape_cast %swap3A_604 : vector<1x16xf32> to vector<16xf32>
        %swap3A_606 = vector.shape_cast %max3A_601 : vector<16xf32> to vector<1x16xf32>
        tpu.vector_store %arg10[%swap3A_602, %swap3A_603], %swap3A_606 {strides = array<i32>} : memref<160x128xf32, #tpu.memory_space<vmem>>, vector<1x16xf32>,
        %mul3A_607 = arith.constant 8 : i32
        %mul3A_608 = arith.muli %scan3A_499, %mul3A_607 : i32
        %add3A_609 = arith.constant 5 : i32
        %add3A_610 = arith.addi %mul3A_608, %add3A_609 : i32
        %get3A_611 = arith.constant 1 : i32
        %get3A_612 = arith.index_cast %get3A_611 : i32 to index
        %get3A_613 = arith.index_cast %add3A_610 : i32 to index
        %get3A_614 = arith.constant 0 : index
        %get3A_615 = tpu.vector_load %arg8[%get3A_612, %get3A_613, %get3A_614] {strides = array<i32>} : memref<2x1280x16xf32, #tpu.memory_space<vmem>>, vector<1x1x16xf32>,
        %get3A_616 = vector.shape_cast %get3A_615 : vector<1x1x16xf32> to vector<16xf32>
        %get3A_617 = arith.constant 1 : i32
        %get3A_618 = arith.index_cast %get3A_617 : i32 to index
        %get3A_619 = arith.index_cast %add3A_610 : i32 to index
        %get3A_620 = arith.constant 0 : index
        %get3A_621 = tpu.vector_load %arg9[%get3A_618, %get3A_619, %get3A_620] {strides = array<i32>} : memref<2x1280x16xf32, #tpu.memory_space<vmem>>, vector<1x1x16xf32>,
        %get3A_622 = vector.shape_cast %get3A_621 : vector<1x1x16xf32> to vector<16xf32>
        %max3A_623 = arith.maximumf %get3A_616, %get3A_622 : vector<16xf32>
        %swap3A_624 = arith.index_cast %scan3A_499 : i32 to index
        %swap3A_625 = arith.constant 80 : index
        %swap3A_626 = tpu.vector_load %arg10[%swap3A_624, %swap3A_625] {strides = array<i32>} : memref<160x128xf32, #tpu.memory_space<vmem>>, vector<1x16xf32>,
        %swap3A_627 = vector.shape_cast %swap3A_626 : vector<1x16xf32> to vector<16xf32>
        %swap3A_628 = vector.shape_cast %max3A_623 : vector<16xf32> to vector<1x16xf32>
        tpu.vector_store %arg10[%swap3A_624, %swap3A_625], %swap3A_628 {strides = array<i32>} : memref<160x128xf32, #tpu.memory_space<vmem>>, vector<1x16xf32>,
        %mul3A_629 = arith.constant 8 : i32
        %mul3A_630 = arith.muli %scan3A_499, %mul3A_629 : i32
        %add3A_631 = arith.constant 6 : i32
        %add3A_632 = arith.addi %mul3A_630, %add3A_631 : i32
        %get3A_633 = arith.constant 1 : i32
        %get3A_634 = arith.index_cast %get3A_633 : i32 to index
        %get3A_635 = arith.index_cast %add3A_632 : i32 to index
        %get3A_636 = arith.constant 0 : index
        %get3A_637 = tpu.vector_load %arg8[%get3A_634, %get3A_635, %get3A_636] {strides = array<i32>} : memref<2x1280x16xf32, #tpu.memory_space<vmem>>, vector<1x1x16xf32>,
        %get3A_638 = vector.shape_cast %get3A_637 : vector<1x1x16xf32> to vector<16xf32>
        %get3A_639 = arith.constant 1 : i32
        %get3A_640 = arith.index_cast %get3A_639 : i32 to index
        %get3A_641 = arith.index_cast %add3A_632 : i32 to index
        %get3A_642 = arith.constant 0 : index
        %get3A_643 = tpu.vector_load %arg9[%get3A_640, %get3A_641, %get3A_642] {strides = array<i32>} : memref<2x1280x16xf32, #tpu.memory_space<vmem>>, vector<1x1x16xf32>,
        %get3A_644 = vector.shape_cast %get3A_643 : vector<1x1x16xf32> to vector<16xf32>
        %max3A_645 = arith.maximumf %get3A_638, %get3A_644 : vector<16xf32>
        %swap3A_646 = arith.index_cast %scan3A_499 : i32 to index
        %swap3A_647 = arith.constant 96 : index
        %swap3A_648 = tpu.vector_load %arg10[%swap3A_646, %swap3A_647] {strides = array<i32>} : memref<160x128xf32, #tpu.memory_space<vmem>>, vector<1x16xf32>,
        %swap3A_649 = vector.shape_cast %swap3A_648 : vector<1x16xf32> to vector<16xf32>
        %swap3A_650 = vector.shape_cast %max3A_645 : vector<16xf32> to vector<1x16xf32>
        tpu.vector_store %arg10[%swap3A_646, %swap3A_647], %swap3A_650 {strides = array<i32>} : memref<160x128xf32, #tpu.memory_space<vmem>>, vector<1x16xf32>,
        %mul3A_651 = arith.constant 8 : i32
        %mul3A_652 = arith.muli %scan3A_499, %mul3A_651 : i32
        %add3A_653 = arith.constant 7 : i32
        %add3A_654 = arith.addi %mul3A_652, %add3A_653 : i32
        %get3A_655 = arith.constant 1 : i32
        %get3A_656 = arith.index_cast %get3A_655 : i32 to index
        %get3A_657 = arith.index_cast %add3A_654 : i32 to index
        %get3A_658 = arith.constant 0 : index
        %get3A_659 = tpu.vector_load %arg8[%get3A_656, %get3A_657, %get3A_658] {strides = array<i32>} : memref<2x1280x16xf32, #tpu.memory_space<vmem>>, vector<1x1x16xf32>,
        %get3A_660 = vector.shape_cast %get3A_659 : vector<1x1x16xf32> to vector<16xf32>
        %get3A_661 = arith.constant 1 : i32
        %get3A_662 = arith.index_cast %get3A_661 : i32 to index
        %get3A_663 = arith.index_cast %add3A_654 : i32 to index
        %get3A_664 = arith.constant 0 : index
        %get3A_665 = tpu.vector_load %arg9[%get3A_662, %get3A_663, %get3A_664] {strides = array<i32>} : memref<2x1280x16xf32, #tpu.memory_space<vmem>>, vector<1x1x16xf32>,
        %get3A_666 = vector.shape_cast %get3A_665 : vector<1x1x16xf32> to vector<16xf32>
        %max3A_667 = arith.maximumf %get3A_660, %get3A_666 : vector<16xf32>
        %swap3A_668 = arith.index_cast %scan3A_499 : i32 to index
        %swap3A_669 = arith.constant 112 : index
        %swap3A_670 = tpu.vector_load %arg10[%swap3A_668, %swap3A_669] {strides = array<i32>} : memref<160x128xf32, #tpu.memory_space<vmem>>, vector<1x16xf32>,
        %swap3A_671 = vector.shape_cast %swap3A_670 : vector<1x16xf32> to vector<16xf32>
        %swap3A_672 = vector.shape_cast %max3A_667 : vector<16xf32> to vector<1x16xf32>
        tpu.vector_store %arg10[%swap3A_668, %swap3A_669], %swap3A_672 {strides = array<i32>} : memref<160x128xf32, #tpu.memory_space<vmem>>, vector<1x16xf32>,
      }
      %scan3A_472 = arith.constant 160 : i32
      %add3A_473 = arith.constant 6400 : i32
      %add3A_474 = arith.addi %mul3A_0, %add3A_473 : i32
      %jit3A_475 = arith.constant 8 : i32
      %div3A_476 = arith.divsi %add3A_474, %jit3A_475 : i32
      %sign3A_477 = arith.constant 0 : i32
      %sign3A_478 = arith.cmpi sgt, %add3A_474, %sign3A_477 : i32
      %sign3A_479 = arith.extui %sign3A_478 : i1 to i32
      %sign3A_480 = arith.constant 0 : i32
      %sign3A_481 = arith.cmpi slt, %add3A_474, %sign3A_480 : i32
      %sign3A_482 = arith.extui %sign3A_481 : i1 to i32
      %sign3A_483 = arith.subi %sign3A_479, %sign3A_482 : i32
      %sign3A_484 = arith.constant 0 : i32
      %sign3A_485 = arith.cmpi sgt, %jit3A_475, %sign3A_484 : i32
      %sign3A_486 = arith.extui %sign3A_485 : i1 to i32
      %sign3A_487 = arith.constant 0 : i32
      %sign3A_488 = arith.cmpi slt, %jit3A_475, %sign3A_487 : i32
      %sign3A_489 = arith.extui %sign3A_488 : i1 to i32
      %sign3A_490 = arith.subi %sign3A_486, %sign3A_489 : i32
      %ne3A_491 = arith.cmpi ne, %sign3A_483, %sign3A_490 : i32
      %rem3A_492 = arith.remsi %add3A_474, %jit3A_475 : i32
      %ne3A_493 = arith.constant 0 : i32
      %ne3A_494 = arith.cmpi ne, %rem3A_492, %ne3A_493 : i32
      %and3A_495 = arith.andi %ne3A_491, %ne3A_494 : i1
      %sub3A_496 = arith.constant 1 : i32
      %sub3A_497 = arith.subi %div3A_476, %sub3A_496 : i32
      %select_n3A_498 = arith.select %and3A_495, %sub3A_497, %div3A_476 : i32
      "tpu.region"() ({
        %run_scoped3A_499 = tpu.sem_alloc : memref<!tpu.dma_semaphore, #tpu.memory_space<semaphore_mem>>
        %dma_start3A_500 = arith.constant 0 : i32
        %dma_start3A_501 = tpu.memref_slice %arg5[%select_n3A_498, %dma_start3A_500] : memref<20480x128xf32, #tpu.memory_space<hbm>> -> memref<160x128xf32, #tpu.memory_space<hbm>>
        %dma_start3A_502 = arith.constant 0 : i32
        %dma_start3A_503 = tpu.memref_slice %arg5[%select_n3A_498, %dma_start3A_502] : memref<20480x128xf32, #tpu.memory_space<hbm>> -> memref<160x128xf32, #tpu.memory_space<hbm>>
        tpu.enqueue_dma source(%arg10 : memref<160x128xf32, #tpu.memory_space<vmem>>) target(%dma_start3A_503 : memref<160x128xf32, #tpu.memory_space<hbm>>) target_semaphore(%run_scoped3A_499 : memref<!tpu.dma_semaphore, #tpu.memory_space<semaphore_mem>>)
        %dma_wait3A_504 = arith.constant 0 : i32
        %dma_wait3A_505 = tpu.memref_slice %arg5[%select_n3A_498, %dma_wait3A_504] : memref<20480x128xf32, #tpu.memory_space<hbm>> -> memref<160x128xf32, #tpu.memory_space<hbm>>
        %dma_wait3A_506 = arith.constant 0 : i32
        %dma_wait3A_507 = tpu.memref_slice %arg5[%select_n3A_498, %dma_wait3A_506] : memref<20480x128xf32, #tpu.memory_space<hbm>> -> memref<160x128xf32, #tpu.memory_space<hbm>>
        tpu.wait_dma2 semaphore(%run_scoped3A_499 : memref<!tpu.dma_semaphore, #tpu.memory_space<semaphore_mem>>) src(%arg10 : memref<160x128xf32, #tpu.memory_space<vmem>>) dst(%dma_wait3A_507 : memref<160x128xf32, #tpu.memory_space<hbm>>)
        tpu.yield
      }) : () -> ()
    } else {
    }
    %ne3A = arith.constant 0 : i32
    %ne3A_3 = arith.cmpi ne, %arg0, %ne3A : i32
    %convert_element_type3A_4 = arith.extui %ne3A_3 : i1 to i32
    %cond3A_5 = arith.constant 0 : i32
    %cond3A_6 = arith.cmpi ne, %convert_element_type3A_4, %cond3A_5 : i32
    scf.if %cond3A_6 {
      %add3A = arith.constant 7680 : i32
      %add3A_7 = arith.addi %mul3A_0, %add3A : i32
      %add3A_8 = arith.constant 0 : i32
      %add3A_9 = arith.addi %add3A_7, %add3A_8 : i32
      %run_scoped3A = arith.constant 0 : i32
      "tpu.region"() ({
        %run_scoped3A_165 = tpu.sem_alloc : memref<!tpu.dma_semaphore, #tpu.memory_space<semaphore_mem>>
        %dma_start3A_166 = arith.constant 0 : i32
        %dma_start3A_167 = tpu.memref_slice %arg6[%run_scoped3A, %dma_start3A_166] : memref<2x1280xi32, #tpu.memory_space<vmem>> -> memref<1x1280xi32, #tpu.memory_space<vmem>>
        %dma_start3A_168 = tpu.memref_squeeze %dma_start3A_167 : memref<1x1280xi32, #tpu.memory_space<vmem>> -> memref<1280xi32, #tpu.memory_space<vmem>>
        %dma_start3A_169 = tpu.memref_slice %arg2[%add3A_9] : memref<163840xi32, #tpu.memory_space<hbm>> -> memref<1280xi32, #tpu.memory_space<hbm>>
        %dma_start3A_170 = arith.constant 0 : i32
        %dma_start3A_171 = tpu.memref_slice %arg6[%run_scoped3A, %dma_start3A_170] : memref<2x1280xi32, #tpu.memory_space<vmem>> -> memref<1x1280xi32, #tpu.memory_space<vmem>>
        %dma_start3A_172 = tpu.memref_squeeze %dma_start3A_171 : memref<1x1280xi32, #tpu.memory_space<vmem>> -> memref<1280xi32, #tpu.memory_space<vmem>>
        %dma_start3A_173 = tpu.memref_slice %arg2[%add3A_9] : memref<163840xi32, #tpu.memory_space<hbm>> -> memref<1280xi32, #tpu.memory_space<hbm>>
        tpu.enqueue_dma source(%dma_start3A_173 : memref<1280xi32, #tpu.memory_space<hbm>>) target(%dma_start3A_172 : memref<1280xi32, #tpu.memory_space<vmem>>) target_semaphore(%run_scoped3A_165 : memref<!tpu.dma_semaphore, #tpu.memory_space<semaphore_mem>>)
        %dma_wait3A_174 = arith.constant 0 : i32
        %dma_wait3A_175 = tpu.memref_slice %arg6[%run_scoped3A, %dma_wait3A_174] : memref<2x1280xi32, #tpu.memory_space<vmem>> -> memref<1x1280xi32, #tpu.memory_space<vmem>>
        %dma_wait3A_176 = tpu.memref_squeeze %dma_wait3A_175 : memref<1x1280xi32, #tpu.memory_space<vmem>> -> memref<1280xi32, #tpu.memory_space<vmem>>
        %dma_wait3A_177 = tpu.memref_slice %arg2[%add3A_9] : memref<163840xi32, #tpu.memory_space<hbm>> -> memref<1280xi32, #tpu.memory_space<hbm>>
        %dma_wait3A_178 = arith.constant 0 : i32
        %dma_wait3A_179 = tpu.memref_slice %arg6[%run_scoped3A, %dma_wait3A_178] : memref<2x1280xi32, #tpu.memory_space<vmem>> -> memref<1x1280xi32, #tpu.memory_space<vmem>>
        %dma_wait3A_180 = tpu.memref_squeeze %dma_wait3A_179 : memref<1x1280xi32, #tpu.memory_space<vmem>> -> memref<1280xi32, #tpu.memory_space<vmem>>
        %dma_wait3A_181 = tpu.memref_slice %arg2[%add3A_9] : memref<163840xi32, #tpu.memory_space<hbm>> -> memref<1280xi32, #tpu.memory_space<hbm>>
        tpu.wait_dma2 semaphore(%run_scoped3A_165 : memref<!tpu.dma_semaphore, #tpu.memory_space<semaphore_mem>>) src(%dma_wait3A_181 : memref<1280xi32, #tpu.memory_space<hbm>>) dst(%dma_wait3A_180 : memref<1280xi32, #tpu.memory_space<vmem>>)
        tpu.yield
      }) : () -> ()
      %run_scoped3A_10 = arith.constant 0 : i32
      "tpu.region"() ({
        %run_scoped3A_165 = tpu.sem_alloc : memref<!tpu.dma_semaphore, #tpu.memory_space<semaphore_mem>>
        %dma_start3A_166 = arith.constant 0 : i32
        %dma_start3A_167 = tpu.memref_slice %arg7[%run_scoped3A_10, %dma_start3A_166] : memref<2x1280xi32, #tpu.memory_space<vmem>> -> memref<1x1280xi32, #tpu.memory_space<vmem>>
        %dma_start3A_168 = tpu.memref_squeeze %dma_start3A_167 : memref<1x1280xi32, #tpu.memory_space<vmem>> -> memref<1280xi32, #tpu.memory_space<vmem>>
        %dma_start3A_169 = tpu.memref_slice %arg3[%add3A_9] : memref<163840xi32, #tpu.memory_space<hbm>> -> memref<1280xi32, #tpu.memory_space<hbm>>
        %dma_start3A_170 = arith.constant 0 : i32
        %dma_start3A_171 = tpu.memref_slice %arg7[%run_scoped3A_10, %dma_start3A_170] : memref<2x1280xi32, #tpu.memory_space<vmem>> -> memref<1x1280xi32, #tpu.memory_space<vmem>>
        %dma_start3A_172 = tpu.memref_squeeze %dma_start3A_171 : memref<1x1280xi32, #tpu.memory_space<vmem>> -> memref<1280xi32, #tpu.memory_space<vmem>>
        %dma_start3A_173 = tpu.memref_slice %arg3[%add3A_9] : memref<163840xi32, #tpu.memory_space<hbm>> -> memref<1280xi32, #tpu.memory_space<hbm>>
        tpu.enqueue_dma source(%dma_start3A_173 : memref<1280xi32, #tpu.memory_space<hbm>>) target(%dma_start3A_172 : memref<1280xi32, #tpu.memory_space<vmem>>) target_semaphore(%run_scoped3A_165 : memref<!tpu.dma_semaphore, #tpu.memory_space<semaphore_mem>>)
        %dma_wait3A_174 = arith.constant 0 : i32
        %dma_wait3A_175 = tpu.memref_slice %arg7[%run_scoped3A_10, %dma_wait3A_174] : memref<2x1280xi32, #tpu.memory_space<vmem>> -> memref<1x1280xi32, #tpu.memory_space<vmem>>
        %dma_wait3A_176 = tpu.memref_squeeze %dma_wait3A_175 : memref<1x1280xi32, #tpu.memory_space<vmem>> -> memref<1280xi32, #tpu.memory_space<vmem>>
        %dma_wait3A_177 = tpu.memref_slice %arg3[%add3A_9] : memref<163840xi32, #tpu.memory_space<hbm>> -> memref<1280xi32, #tpu.memory_space<hbm>>
        %dma_wait3A_178 = arith.constant 0 : i32
        %dma_wait3A_179 = tpu.memref_slice %arg7[%run_scoped3A_10, %dma_wait3A_178] : memref<2x1280xi32, #tpu.memory_space<vmem>> -> memref<1x1280xi32, #tpu.memory_space<vmem>>
        %dma_wait3A_180 = tpu.memref_squeeze %dma_wait3A_179 : memref<1x1280xi32, #tpu.memory_space<vmem>> -> memref<1280xi32, #tpu.memory_space<vmem>>
        %dma_wait3A_181 = tpu.memref_slice %arg3[%add3A_9] : memref<163840xi32, #tpu.memory_space<hbm>> -> memref<1280xi32, #tpu.memory_space<hbm>>
        tpu.wait_dma2 semaphore(%run_scoped3A_165 : memref<!tpu.dma_semaphore, #tpu.memory_space<semaphore_mem>>) src(%dma_wait3A_181 : memref<1280xi32, #tpu.memory_space<hbm>>) dst(%dma_wait3A_180 : memref<1280xi32, #tpu.memory_space<vmem>>)
        tpu.yield
      }) : () -> ()
      %dma_start3A = arith.constant 0 : i32
      %dma_start3A_11 = arith.constant 0 : i32
      %dma_start3A_12 = arith.constant 0 : i32
      %dma_start3A_13 = arith.constant 0 : i32
      %dma_start3A_14 = tpu.memref_slice %arg8[%dma_start3A_11, %dma_start3A_12, %dma_start3A_13] : memref<2x1280x16xf32, #tpu.memory_space<vmem>> -> memref<1x1280x16xf32, #tpu.memory_space<vmem>>
      %dma_start3A_15 = tpu.memref_squeeze %dma_start3A_14 : memref<1x1280x16xf32, #tpu.memory_space<vmem>> -> memref<1280x16xf32, #tpu.memory_space<vmem>>
      %dma_start3A_16 = arith.constant 0 : i32
      %dma_start3A_17 = tpu.memref_slice %arg6[%dma_start3A, %dma_start3A_16] : memref<2x1280xi32, #tpu.memory_space<vmem>> -> memref<1x1280xi32, #tpu.memory_space<vmem>>
      %dma_start3A_18 = tpu.memref_squeeze %dma_start3A_17 : memref<1x1280xi32, #tpu.memory_space<vmem>> -> memref<1280xi32, #tpu.memory_space<vmem>>
      %dma_start3A_19 = arith.constant 0 : i32
      %dma_start3A_20 = arith.constant 0 : i32
      %dma_start3A_21 = tpu.memref_slice %arg4[%dma_start3A_19, %dma_start3A_20] : memref<10016x16xf32, #tpu.memory_space<hbm>> -> memref<10016x16xf32, #tpu.memory_space<hbm>>
      tpu.enqueue_indirect_dma source(%dma_start3A_21 : memref<10016x16xf32, #tpu.memory_space<hbm>>) target(%dma_start3A_15 : memref<1280x16xf32, #tpu.memory_space<vmem>>) offsets(%dma_start3A_18 : memref<1280xi32, #tpu.memory_space<vmem>>) semaphore(%arg11 : memref<!tpu.dma_semaphore, #tpu.memory_space<semaphore_mem>>)
      %dma_start3A_22 = arith.constant 0 : i32
      %dma_start3A_23 = arith.constant 0 : i32
      %dma_start3A_24 = arith.constant 0 : i32
      %dma_start3A_25 = arith.constant 0 : i32
      %dma_start3A_26 = tpu.memref_slice %arg9[%dma_start3A_23, %dma_start3A_24, %dma_start3A_25] : memref<2x1280x16xf32, #tpu.memory_space<vmem>> -> memref<1x1280x16xf32, #tpu.memory_space<vmem>>
      %dma_start3A_27 = tpu.memref_squeeze %dma_start3A_26 : memref<1x1280x16xf32, #tpu.memory_space<vmem>> -> memref<1280x16xf32, #tpu.memory_space<vmem>>
      %dma_start3A_28 = arith.constant 0 : i32
      %dma_start3A_29 = tpu.memref_slice %arg7[%dma_start3A_22, %dma_start3A_28] : memref<2x1280xi32, #tpu.memory_space<vmem>> -> memref<1x1280xi32, #tpu.memory_space<vmem>>
      %dma_start3A_30 = tpu.memref_squeeze %dma_start3A_29 : memref<1x1280xi32, #tpu.memory_space<vmem>> -> memref<1280xi32, #tpu.memory_space<vmem>>
      %dma_start3A_31 = arith.constant 0 : i32
      %dma_start3A_32 = arith.constant 0 : i32
      %dma_start3A_33 = tpu.memref_slice %arg4[%dma_start3A_31, %dma_start3A_32] : memref<10016x16xf32, #tpu.memory_space<hbm>> -> memref<10016x16xf32, #tpu.memory_space<hbm>>
      tpu.enqueue_indirect_dma source(%dma_start3A_33 : memref<10016x16xf32, #tpu.memory_space<hbm>>) target(%dma_start3A_27 : memref<1280x16xf32, #tpu.memory_space<vmem>>) offsets(%dma_start3A_30 : memref<1280xi32, #tpu.memory_space<vmem>>) semaphore(%arg12 : memref<!tpu.dma_semaphore, #tpu.memory_space<semaphore_mem>>)
      %add3A_34 = arith.constant 1280 : i32
      %add3A_35 = arith.addi %add3A_7, %add3A_34 : i32
      %run_scoped3A_36 = arith.constant 1 : i32
      "tpu.region"() ({
        %run_scoped3A_165 = tpu.sem_alloc : memref<!tpu.dma_semaphore, #tpu.memory_space<semaphore_mem>>
        %dma_start3A_166 = arith.constant 0 : i32
        %dma_start3A_167 = tpu.memref_slice %arg6[%run_scoped3A_36, %dma_start3A_166] : memref<2x1280xi32, #tpu.memory_space<vmem>> -> memref<1x1280xi32, #tpu.memory_space<vmem>>
        %dma_start3A_168 = tpu.memref_squeeze %dma_start3A_167 : memref<1x1280xi32, #tpu.memory_space<vmem>> -> memref<1280xi32, #tpu.memory_space<vmem>>
        %dma_start3A_169 = tpu.memref_slice %arg2[%add3A_35] : memref<163840xi32, #tpu.memory_space<hbm>> -> memref<1280xi32, #tpu.memory_space<hbm>>
        %dma_start3A_170 = arith.constant 0 : i32
        %dma_start3A_171 = tpu.memref_slice %arg6[%run_scoped3A_36, %dma_start3A_170] : memref<2x1280xi32, #tpu.memory_space<vmem>> -> memref<1x1280xi32, #tpu.memory_space<vmem>>
        %dma_start3A_172 = tpu.memref_squeeze %dma_start3A_171 : memref<1x1280xi32, #tpu.memory_space<vmem>> -> memref<1280xi32, #tpu.memory_space<vmem>>
        %dma_start3A_173 = tpu.memref_slice %arg2[%add3A_35] : memref<163840xi32, #tpu.memory_space<hbm>> -> memref<1280xi32, #tpu.memory_space<hbm>>
        tpu.enqueue_dma source(%dma_start3A_173 : memref<1280xi32, #tpu.memory_space<hbm>>) target(%dma_start3A_172 : memref<1280xi32, #tpu.memory_space<vmem>>) target_semaphore(%run_scoped3A_165 : memref<!tpu.dma_semaphore, #tpu.memory_space<semaphore_mem>>)
        %dma_wait3A_174 = arith.constant 0 : i32
        %dma_wait3A_175 = tpu.memref_slice %arg6[%run_scoped3A_36, %dma_wait3A_174] : memref<2x1280xi32, #tpu.memory_space<vmem>> -> memref<1x1280xi32, #tpu.memory_space<vmem>>
        %dma_wait3A_176 = tpu.memref_squeeze %dma_wait3A_175 : memref<1x1280xi32, #tpu.memory_space<vmem>> -> memref<1280xi32, #tpu.memory_space<vmem>>
        %dma_wait3A_177 = tpu.memref_slice %arg2[%add3A_35] : memref<163840xi32, #tpu.memory_space<hbm>> -> memref<1280xi32, #tpu.memory_space<hbm>>
        %dma_wait3A_178 = arith.constant 0 : i32
        %dma_wait3A_179 = tpu.memref_slice %arg6[%run_scoped3A_36, %dma_wait3A_178] : memref<2x1280xi32, #tpu.memory_space<vmem>> -> memref<1x1280xi32, #tpu.memory_space<vmem>>
        %dma_wait3A_180 = tpu.memref_squeeze %dma_wait3A_179 : memref<1x1280xi32, #tpu.memory_space<vmem>> -> memref<1280xi32, #tpu.memory_space<vmem>>
        %dma_wait3A_181 = tpu.memref_slice %arg2[%add3A_35] : memref<163840xi32, #tpu.memory_space<hbm>> -> memref<1280xi32, #tpu.memory_space<hbm>>
        tpu.wait_dma2 semaphore(%run_scoped3A_165 : memref<!tpu.dma_semaphore, #tpu.memory_space<semaphore_mem>>) src(%dma_wait3A_181 : memref<1280xi32, #tpu.memory_space<hbm>>) dst(%dma_wait3A_180 : memref<1280xi32, #tpu.memory_space<vmem>>)
        tpu.yield
      }) : () -> ()
      %run_scoped3A_37 = arith.constant 1 : i32
      "tpu.region"() ({
        %run_scoped3A_165 = tpu.sem_alloc : memref<!tpu.dma_semaphore, #tpu.memory_space<semaphore_mem>>
        %dma_start3A_166 = arith.constant 0 : i32
        %dma_start3A_167 = tpu.memref_slice %arg7[%run_scoped3A_37, %dma_start3A_166] : memref<2x1280xi32, #tpu.memory_space<vmem>> -> memref<1x1280xi32, #tpu.memory_space<vmem>>
        %dma_start3A_168 = tpu.memref_squeeze %dma_start3A_167 : memref<1x1280xi32, #tpu.memory_space<vmem>> -> memref<1280xi32, #tpu.memory_space<vmem>>
        %dma_start3A_169 = tpu.memref_slice %arg3[%add3A_35] : memref<163840xi32, #tpu.memory_space<hbm>> -> memref<1280xi32, #tpu.memory_space<hbm>>
        %dma_start3A_170 = arith.constant 0 : i32
        %dma_start3A_171 = tpu.memref_slice %arg7[%run_scoped3A_37, %dma_start3A_170] : memref<2x1280xi32, #tpu.memory_space<vmem>> -> memref<1x1280xi32, #tpu.memory_space<vmem>>
        %dma_start3A_172 = tpu.memref_squeeze %dma_start3A_171 : memref<1x1280xi32, #tpu.memory_space<vmem>> -> memref<1280xi32, #tpu.memory_space<vmem>>
        %dma_start3A_173 = tpu.memref_slice %arg3[%add3A_35] : memref<163840xi32, #tpu.memory_space<hbm>> -> memref<1280xi32, #tpu.memory_space<hbm>>
        tpu.enqueue_dma source(%dma_start3A_173 : memref<1280xi32, #tpu.memory_space<hbm>>) target(%dma_start3A_172 : memref<1280xi32, #tpu.memory_space<vmem>>) target_semaphore(%run_scoped3A_165 : memref<!tpu.dma_semaphore, #tpu.memory_space<semaphore_mem>>)
        %dma_wait3A_174 = arith.constant 0 : i32
        %dma_wait3A_175 = tpu.memref_slice %arg7[%run_scoped3A_37, %dma_wait3A_174] : memref<2x1280xi32, #tpu.memory_space<vmem>> -> memref<1x1280xi32, #tpu.memory_space<vmem>>
        %dma_wait3A_176 = tpu.memref_squeeze %dma_wait3A_175 : memref<1x1280xi32, #tpu.memory_space<vmem>> -> memref<1280xi32, #tpu.memory_space<vmem>>
        %dma_wait3A_177 = tpu.memref_slice %arg3[%add3A_35] : memref<163840xi32, #tpu.memory_space<hbm>> -> memref<1280xi32, #tpu.memory_space<hbm>>
        %dma_wait3A_178 = arith.constant 0 : i32
        %dma_wait3A_179 = tpu.memref_slice %arg7[%run_scoped3A_37, %dma_wait3A_178] : memref<2x1280xi32, #tpu.memory_space<vmem>> -> memref<1x1280xi32, #tpu.memory_space<vmem>>
        %dma_wait3A_180 = tpu.memref_squeeze %dma_wait3A_179 : memref<1x1280xi32, #tpu.memory_space<vmem>> -> memref<1280xi32, #tpu.memory_space<vmem>>
        %dma_wait3A_181 = tpu.memref_slice %arg3[%add3A_35] : memref<163840xi32, #tpu.memory_space<hbm>> -> memref<1280xi32, #tpu.memory_space<hbm>>
        tpu.wait_dma2 semaphore(%run_scoped3A_165 : memref<!tpu.dma_semaphore, #tpu.memory_space<semaphore_mem>>) src(%dma_wait3A_181 : memref<1280xi32, #tpu.memory_space<hbm>>) dst(%dma_wait3A_180 : memref<1280xi32, #tpu.memory_space<vmem>>)
        tpu.yield
      }) : () -> ()
      %dma_start3A_38 = arith.constant 1 : i32
      %dma_start3A_39 = arith.constant 1 : i32
      %dma_start3A_40 = arith.constant 0 : i32
      %dma_start3A_41 = arith.constant 0 : i32
      %dma_start3A_42 = tpu.memref_slice %arg8[%dma_start3A_39, %dma_start3A_40, %dma_start3A_41] : memref<2x1280x16xf32, #tpu.memory_space<vmem>> -> memref<1x1280x16xf32, #tpu.memory_space<vmem>>
      %dma_start3A_43 = tpu.memref_squeeze %dma_start3A_42 : memref<1x1280x16xf32, #tpu.memory_space<vmem>> -> memref<1280x16xf32, #tpu.memory_space<vmem>>
      %dma_start3A_44 = arith.constant 0 : i32
      %dma_start3A_45 = tpu.memref_slice %arg6[%dma_start3A_38, %dma_start3A_44] : memref<2x1280xi32, #tpu.memory_space<vmem>> -> memref<1x1280xi32, #tpu.memory_space<vmem>>
      %dma_start3A_46 = tpu.memref_squeeze %dma_start3A_45 : memref<1x1280xi32, #tpu.memory_space<vmem>> -> memref<1280xi32, #tpu.memory_space<vmem>>
      %dma_start3A_47 = arith.constant 0 : i32
      %dma_start3A_48 = arith.constant 0 : i32
      %dma_start3A_49 = tpu.memref_slice %arg4[%dma_start3A_47, %dma_start3A_48] : memref<10016x16xf32, #tpu.memory_space<hbm>> -> memref<10016x16xf32, #tpu.memory_space<hbm>>
      tpu.enqueue_indirect_dma source(%dma_start3A_49 : memref<10016x16xf32, #tpu.memory_space<hbm>>) target(%dma_start3A_43 : memref<1280x16xf32, #tpu.memory_space<vmem>>) offsets(%dma_start3A_46 : memref<1280xi32, #tpu.memory_space<vmem>>) semaphore(%arg13 : memref<!tpu.dma_semaphore, #tpu.memory_space<semaphore_mem>>)
      %dma_start3A_50 = arith.constant 1 : i32
      %dma_start3A_51 = arith.constant 1 : i32
      %dma_start3A_52 = arith.constant 0 : i32
      %dma_start3A_53 = arith.constant 0 : i32
      %dma_start3A_54 = tpu.memref_slice %arg9[%dma_start3A_51, %dma_start3A_52, %dma_start3A_53] : memref<2x1280x16xf32, #tpu.memory_space<vmem>> -> memref<1x1280x16xf32, #tpu.memory_space<vmem>>
      %dma_start3A_55 = tpu.memref_squeeze %dma_start3A_54 : memref<1x1280x16xf32, #tpu.memory_space<vmem>> -> memref<1280x16xf32, #tpu.memory_space<vmem>>
      %dma_start3A_56 = arith.constant 0 : i32
      %dma_start3A_57 = tpu.memref_slice %arg7[%dma_start3A_50, %dma_start3A_56] : memref<2x1280xi32, #tpu.memory_space<vmem>> -> memref<1x1280xi32, #tpu.memory_space<vmem>>
      %dma_start3A_58 = tpu.memref_squeeze %dma_start3A_57 : memref<1x1280xi32, #tpu.memory_space<vmem>> -> memref<1280xi32, #tpu.memory_space<vmem>>
      %dma_start3A_59 = arith.constant 0 : i32
      %dma_start3A_60 = arith.constant 0 : i32
      %dma_start3A_61 = tpu.memref_slice %arg4[%dma_start3A_59, %dma_start3A_60] : memref<10016x16xf32, #tpu.memory_space<hbm>> -> memref<10016x16xf32, #tpu.memory_space<hbm>>
      tpu.enqueue_indirect_dma source(%dma_start3A_61 : memref<10016x16xf32, #tpu.memory_space<hbm>>) target(%dma_start3A_55 : memref<1280x16xf32, #tpu.memory_space<vmem>>) offsets(%dma_start3A_58 : memref<1280xi32, #tpu.memory_space<vmem>>) semaphore(%arg14 : memref<!tpu.dma_semaphore, #tpu.memory_space<semaphore_mem>>)
      %dma_wait3A = arith.constant 0 : i32
      %dma_wait3A_62 = arith.constant 0 : i32
      %dma_wait3A_63 = arith.constant 0 : i32
      %dma_wait3A_64 = arith.constant 0 : i32
      %dma_wait3A_65 = tpu.memref_slice %arg8[%dma_wait3A_62, %dma_wait3A_63, %dma_wait3A_64] : memref<2x1280x16xf32, #tpu.memory_space<vmem>> -> memref<1x1280x16xf32, #tpu.memory_space<vmem>>
      %dma_wait3A_66 = tpu.memref_squeeze %dma_wait3A_65 : memref<1x1280x16xf32, #tpu.memory_space<vmem>> -> memref<1280x16xf32, #tpu.memory_space<vmem>>
      %dma_wait3A_67 = arith.constant 0 : i32
      %dma_wait3A_68 = tpu.memref_slice %arg6[%dma_wait3A, %dma_wait3A_67] : memref<2x1280xi32, #tpu.memory_space<vmem>> -> memref<1x1280xi32, #tpu.memory_space<vmem>>
      %dma_wait3A_69 = tpu.memref_squeeze %dma_wait3A_68 : memref<1x1280xi32, #tpu.memory_space<vmem>> -> memref<1280xi32, #tpu.memory_space<vmem>>
      %dma_wait3A_70 = arith.constant 0 : i32
      %dma_wait3A_71 = arith.constant 0 : i32
      %dma_wait3A_72 = tpu.memref_slice %arg4[%dma_wait3A_70, %dma_wait3A_71] : memref<10016x16xf32, #tpu.memory_space<hbm>> -> memref<10016x16xf32, #tpu.memory_space<hbm>>
      tpu.wait_indirect_dma semaphore(%arg11 : memref<!tpu.dma_semaphore, #tpu.memory_space<semaphore_mem>>) src(%dma_wait3A_72 : memref<10016x16xf32, #tpu.memory_space<hbm>>) dst(%dma_wait3A_66 : memref<1280x16xf32, #tpu.memory_space<vmem>>)
      %dma_wait3A_73 = arith.constant 0 : i32
      %dma_wait3A_74 = arith.constant 0 : i32
      %dma_wait3A_75 = arith.constant 0 : i32
      %dma_wait3A_76 = arith.constant 0 : i32
      %dma_wait3A_77 = tpu.memref_slice %arg9[%dma_wait3A_74, %dma_wait3A_75, %dma_wait3A_76] : memref<2x1280x16xf32, #tpu.memory_space<vmem>> -> memref<1x1280x16xf32, #tpu.memory_space<vmem>>
      %dma_wait3A_78 = tpu.memref_squeeze %dma_wait3A_77 : memref<1x1280x16xf32, #tpu.memory_space<vmem>> -> memref<1280x16xf32, #tpu.memory_space<vmem>>
      %dma_wait3A_79 = arith.constant 0 : i32
      %dma_wait3A_80 = tpu.memref_slice %arg7[%dma_wait3A_73, %dma_wait3A_79] : memref<2x1280xi32, #tpu.memory_space<vmem>> -> memref<1x1280xi32, #tpu.memory_space<vmem>>
      %dma_wait3A_81 = tpu.memref_squeeze %dma_wait3A_80 : memref<1x1280xi32, #tpu.memory_space<vmem>> -> memref<1280xi32, #tpu.memory_space<vmem>>
      %dma_wait3A_82 = arith.constant 0 : i32
      %dma_wait3A_83 = arith.constant 0 : i32
      %dma_wait3A_84 = tpu.memref_slice %arg4[%dma_wait3A_82, %dma_wait3A_83] : memref<10016x16xf32, #tpu.memory_space<hbm>> -> memref<10016x16xf32, #tpu.memory_space<hbm>>
      tpu.wait_indirect_dma semaphore(%arg12 : memref<!tpu.dma_semaphore, #tpu.memory_space<semaphore_mem>>) src(%dma_wait3A_84 : memref<10016x16xf32, #tpu.memory_space<hbm>>) dst(%dma_wait3A_78 : memref<1280x16xf32, #tpu.memory_space<vmem>>)
      %scan3A = arith.constant 0 : i32
      %scan3A_85 = arith.constant 0 : i32
      %scan3A_86 = arith.constant 160 : i32
      %scan3A_87 = arith.addi %scan3A_85, %scan3A_86 : i32
      %scan3A_88 = arith.constant 1 : i32
      scf.for %scan3A_165 = %scan3A_85 to %scan3A_87 step %scan3A_88  : i32 {
        %mul3A_166 = arith.constant 8 : i32
        %mul3A_167 = arith.muli %scan3A_165, %mul3A_166 : i32
        %add3A_168 = arith.constant 0 : i32
        %add3A_169 = arith.addi %mul3A_167, %add3A_168 : i32
        %get3A = arith.constant 0 : i32
        %get3A_170 = arith.index_cast %get3A : i32 to index
        %get3A_171 = arith.index_cast %add3A_169 : i32 to index
        %get3A_172 = arith.constant 0 : index
        %get3A_173 = tpu.vector_load %arg8[%get3A_170, %get3A_171, %get3A_172] {strides = array<i32>} : memref<2x1280x16xf32, #tpu.memory_space<vmem>>, vector<1x1x16xf32>,
        %get3A_174 = vector.shape_cast %get3A_173 : vector<1x1x16xf32> to vector<16xf32>
        %get3A_175 = arith.constant 0 : i32
        %get3A_176 = arith.index_cast %get3A_175 : i32 to index
        %get3A_177 = arith.index_cast %add3A_169 : i32 to index
        %get3A_178 = arith.constant 0 : index
        %get3A_179 = tpu.vector_load %arg9[%get3A_176, %get3A_177, %get3A_178] {strides = array<i32>} : memref<2x1280x16xf32, #tpu.memory_space<vmem>>, vector<1x1x16xf32>,
        %get3A_180 = vector.shape_cast %get3A_179 : vector<1x1x16xf32> to vector<16xf32>
        %max3A = arith.maximumf %get3A_174, %get3A_180 : vector<16xf32>
        %swap3A = arith.index_cast %scan3A_165 : i32 to index
        %swap3A_181 = arith.constant 0 : index
        %swap3A_182 = tpu.vector_load %arg10[%swap3A, %swap3A_181] {strides = array<i32>} : memref<160x128xf32, #tpu.memory_space<vmem>>, vector<1x16xf32>,
        %swap3A_183 = vector.shape_cast %swap3A_182 : vector<1x16xf32> to vector<16xf32>
        %swap3A_184 = vector.shape_cast %max3A : vector<16xf32> to vector<1x16xf32>
        tpu.vector_store %arg10[%swap3A, %swap3A_181], %swap3A_184 {strides = array<i32>} : memref<160x128xf32, #tpu.memory_space<vmem>>, vector<1x16xf32>,
        %mul3A_185 = arith.constant 8 : i32
        %mul3A_186 = arith.muli %scan3A_165, %mul3A_185 : i32
        %add3A_187 = arith.constant 1 : i32
        %add3A_188 = arith.addi %mul3A_186, %add3A_187 : i32
        %get3A_189 = arith.constant 0 : i32
        %get3A_190 = arith.index_cast %get3A_189 : i32 to index
        %get3A_191 = arith.index_cast %add3A_188 : i32 to index
        %get3A_192 = arith.constant 0 : index
        %get3A_193 = tpu.vector_load %arg8[%get3A_190, %get3A_191, %get3A_192] {strides = array<i32>} : memref<2x1280x16xf32, #tpu.memory_space<vmem>>, vector<1x1x16xf32>,
        %get3A_194 = vector.shape_cast %get3A_193 : vector<1x1x16xf32> to vector<16xf32>
        %get3A_195 = arith.constant 0 : i32
        %get3A_196 = arith.index_cast %get3A_195 : i32 to index
        %get3A_197 = arith.index_cast %add3A_188 : i32 to index
        %get3A_198 = arith.constant 0 : index
        %get3A_199 = tpu.vector_load %arg9[%get3A_196, %get3A_197, %get3A_198] {strides = array<i32>} : memref<2x1280x16xf32, #tpu.memory_space<vmem>>, vector<1x1x16xf32>,
        %get3A_200 = vector.shape_cast %get3A_199 : vector<1x1x16xf32> to vector<16xf32>
        %max3A_201 = arith.maximumf %get3A_194, %get3A_200 : vector<16xf32>
        %swap3A_202 = arith.index_cast %scan3A_165 : i32 to index
        %swap3A_203 = arith.constant 16 : index
        %swap3A_204 = tpu.vector_load %arg10[%swap3A_202, %swap3A_203] {strides = array<i32>} : memref<160x128xf32, #tpu.memory_space<vmem>>, vector<1x16xf32>,
        %swap3A_205 = vector.shape_cast %swap3A_204 : vector<1x16xf32> to vector<16xf32>
        %swap3A_206 = vector.shape_cast %max3A_201 : vector<16xf32> to vector<1x16xf32>
        tpu.vector_store %arg10[%swap3A_202, %swap3A_203], %swap3A_206 {strides = array<i32>} : memref<160x128xf32, #tpu.memory_space<vmem>>, vector<1x16xf32>,
        %mul3A_207 = arith.constant 8 : i32
        %mul3A_208 = arith.muli %scan3A_165, %mul3A_207 : i32
        %add3A_209 = arith.constant 2 : i32
        %add3A_210 = arith.addi %mul3A_208, %add3A_209 : i32
        %get3A_211 = arith.constant 0 : i32
        %get3A_212 = arith.index_cast %get3A_211 : i32 to index
        %get3A_213 = arith.index_cast %add3A_210 : i32 to index
        %get3A_214 = arith.constant 0 : index
        %get3A_215 = tpu.vector_load %arg8[%get3A_212, %get3A_213, %get3A_214] {strides = array<i32>} : memref<2x1280x16xf32, #tpu.memory_space<vmem>>, vector<1x1x16xf32>,
        %get3A_216 = vector.shape_cast %get3A_215 : vector<1x1x16xf32> to vector<16xf32>
        %get3A_217 = arith.constant 0 : i32
        %get3A_218 = arith.index_cast %get3A_217 : i32 to index
        %get3A_219 = arith.index_cast %add3A_210 : i32 to index
        %get3A_220 = arith.constant 0 : index
        %get3A_221 = tpu.vector_load %arg9[%get3A_218, %get3A_219, %get3A_220] {strides = array<i32>} : memref<2x1280x16xf32, #tpu.memory_space<vmem>>, vector<1x1x16xf32>,
        %get3A_222 = vector.shape_cast %get3A_221 : vector<1x1x16xf32> to vector<16xf32>
        %max3A_223 = arith.maximumf %get3A_216, %get3A_222 : vector<16xf32>
        %swap3A_224 = arith.index_cast %scan3A_165 : i32 to index
        %swap3A_225 = arith.constant 32 : index
        %swap3A_226 = tpu.vector_load %arg10[%swap3A_224, %swap3A_225] {strides = array<i32>} : memref<160x128xf32, #tpu.memory_space<vmem>>, vector<1x16xf32>,
        %swap3A_227 = vector.shape_cast %swap3A_226 : vector<1x16xf32> to vector<16xf32>
        %swap3A_228 = vector.shape_cast %max3A_223 : vector<16xf32> to vector<1x16xf32>
        tpu.vector_store %arg10[%swap3A_224, %swap3A_225], %swap3A_228 {strides = array<i32>} : memref<160x128xf32, #tpu.memory_space<vmem>>, vector<1x16xf32>,
        %mul3A_229 = arith.constant 8 : i32
        %mul3A_230 = arith.muli %scan3A_165, %mul3A_229 : i32
        %add3A_231 = arith.constant 3 : i32
        %add3A_232 = arith.addi %mul3A_230, %add3A_231 : i32
        %get3A_233 = arith.constant 0 : i32
        %get3A_234 = arith.index_cast %get3A_233 : i32 to index
        %get3A_235 = arith.index_cast %add3A_232 : i32 to index
        %get3A_236 = arith.constant 0 : index
        %get3A_237 = tpu.vector_load %arg8[%get3A_234, %get3A_235, %get3A_236] {strides = array<i32>} : memref<2x1280x16xf32, #tpu.memory_space<vmem>>, vector<1x1x16xf32>,
        %get3A_238 = vector.shape_cast %get3A_237 : vector<1x1x16xf32> to vector<16xf32>
        %get3A_239 = arith.constant 0 : i32
        %get3A_240 = arith.index_cast %get3A_239 : i32 to index
        %get3A_241 = arith.index_cast %add3A_232 : i32 to index
        %get3A_242 = arith.constant 0 : index
        %get3A_243 = tpu.vector_load %arg9[%get3A_240, %get3A_241, %get3A_242] {strides = array<i32>} : memref<2x1280x16xf32, #tpu.memory_space<vmem>>, vector<1x1x16xf32>,
        %get3A_244 = vector.shape_cast %get3A_243 : vector<1x1x16xf32> to vector<16xf32>
        %max3A_245 = arith.maximumf %get3A_238, %get3A_244 : vector<16xf32>
        %swap3A_246 = arith.index_cast %scan3A_165 : i32 to index
        %swap3A_247 = arith.constant 48 : index
        %swap3A_248 = tpu.vector_load %arg10[%swap3A_246, %swap3A_247] {strides = array<i32>} : memref<160x128xf32, #tpu.memory_space<vmem>>, vector<1x16xf32>,
        %swap3A_249 = vector.shape_cast %swap3A_248 : vector<1x16xf32> to vector<16xf32>
        %swap3A_250 = vector.shape_cast %max3A_245 : vector<16xf32> to vector<1x16xf32>
        tpu.vector_store %arg10[%swap3A_246, %swap3A_247], %swap3A_250 {strides = array<i32>} : memref<160x128xf32, #tpu.memory_space<vmem>>, vector<1x16xf32>,
        %mul3A_251 = arith.constant 8 : i32
        %mul3A_252 = arith.muli %scan3A_165, %mul3A_251 : i32
        %add3A_253 = arith.constant 4 : i32
        %add3A_254 = arith.addi %mul3A_252, %add3A_253 : i32
        %get3A_255 = arith.constant 0 : i32
        %get3A_256 = arith.index_cast %get3A_255 : i32 to index
        %get3A_257 = arith.index_cast %add3A_254 : i32 to index
        %get3A_258 = arith.constant 0 : index
        %get3A_259 = tpu.vector_load %arg8[%get3A_256, %get3A_257, %get3A_258] {strides = array<i32>} : memref<2x1280x16xf32, #tpu.memory_space<vmem>>, vector<1x1x16xf32>,
        %get3A_260 = vector.shape_cast %get3A_259 : vector<1x1x16xf32> to vector<16xf32>
        %get3A_261 = arith.constant 0 : i32
        %get3A_262 = arith.index_cast %get3A_261 : i32 to index
        %get3A_263 = arith.index_cast %add3A_254 : i32 to index
        %get3A_264 = arith.constant 0 : index
        %get3A_265 = tpu.vector_load %arg9[%get3A_262, %get3A_263, %get3A_264] {strides = array<i32>} : memref<2x1280x16xf32, #tpu.memory_space<vmem>>, vector<1x1x16xf32>,
        %get3A_266 = vector.shape_cast %get3A_265 : vector<1x1x16xf32> to vector<16xf32>
        %max3A_267 = arith.maximumf %get3A_260, %get3A_266 : vector<16xf32>
        %swap3A_268 = arith.index_cast %scan3A_165 : i32 to index
        %swap3A_269 = arith.constant 64 : index
        %swap3A_270 = tpu.vector_load %arg10[%swap3A_268, %swap3A_269] {strides = array<i32>} : memref<160x128xf32, #tpu.memory_space<vmem>>, vector<1x16xf32>,
        %swap3A_271 = vector.shape_cast %swap3A_270 : vector<1x16xf32> to vector<16xf32>
        %swap3A_272 = vector.shape_cast %max3A_267 : vector<16xf32> to vector<1x16xf32>
        tpu.vector_store %arg10[%swap3A_268, %swap3A_269], %swap3A_272 {strides = array<i32>} : memref<160x128xf32, #tpu.memory_space<vmem>>, vector<1x16xf32>,
        %mul3A_273 = arith.constant 8 : i32
        %mul3A_274 = arith.muli %scan3A_165, %mul3A_273 : i32
        %add3A_275 = arith.constant 5 : i32
        %add3A_276 = arith.addi %mul3A_274, %add3A_275 : i32
        %get3A_277 = arith.constant 0 : i32
        %get3A_278 = arith.index_cast %get3A_277 : i32 to index
        %get3A_279 = arith.index_cast %add3A_276 : i32 to index
        %get3A_280 = arith.constant 0 : index
        %get3A_281 = tpu.vector_load %arg8[%get3A_278, %get3A_279, %get3A_280] {strides = array<i32>} : memref<2x1280x16xf32, #tpu.memory_space<vmem>>, vector<1x1x16xf32>,
        %get3A_282 = vector.shape_cast %get3A_281 : vector<1x1x16xf32> to vector<16xf32>
        %get3A_283 = arith.constant 0 : i32
        %get3A_284 = arith.index_cast %get3A_283 : i32 to index
        %get3A_285 = arith.index_cast %add3A_276 : i32 to index
        %get3A_286 = arith.constant 0 : index
        %get3A_287 = tpu.vector_load %arg9[%get3A_284, %get3A_285, %get3A_286] {strides = array<i32>} : memref<2x1280x16xf32, #tpu.memory_space<vmem>>, vector<1x1x16xf32>,
        %get3A_288 = vector.shape_cast %get3A_287 : vector<1x1x16xf32> to vector<16xf32>
        %max3A_289 = arith.maximumf %get3A_282, %get3A_288 : vector<16xf32>
        %swap3A_290 = arith.index_cast %scan3A_165 : i32 to index
        %swap3A_291 = arith.constant 80 : index
        %swap3A_292 = tpu.vector_load %arg10[%swap3A_290, %swap3A_291] {strides = array<i32>} : memref<160x128xf32, #tpu.memory_space<vmem>>, vector<1x16xf32>,
        %swap3A_293 = vector.shape_cast %swap3A_292 : vector<1x16xf32> to vector<16xf32>
        %swap3A_294 = vector.shape_cast %max3A_289 : vector<16xf32> to vector<1x16xf32>
        tpu.vector_store %arg10[%swap3A_290, %swap3A_291], %swap3A_294 {strides = array<i32>} : memref<160x128xf32, #tpu.memory_space<vmem>>, vector<1x16xf32>,
        %mul3A_295 = arith.constant 8 : i32
        %mul3A_296 = arith.muli %scan3A_165, %mul3A_295 : i32
        %add3A_297 = arith.constant 6 : i32
        %add3A_298 = arith.addi %mul3A_296, %add3A_297 : i32
        %get3A_299 = arith.constant 0 : i32
        %get3A_300 = arith.index_cast %get3A_299 : i32 to index
        %get3A_301 = arith.index_cast %add3A_298 : i32 to index
        %get3A_302 = arith.constant 0 : index
        %get3A_303 = tpu.vector_load %arg8[%get3A_300, %get3A_301, %get3A_302] {strides = array<i32>} : memref<2x1280x16xf32, #tpu.memory_space<vmem>>, vector<1x1x16xf32>,
        %get3A_304 = vector.shape_cast %get3A_303 : vector<1x1x16xf32> to vector<16xf32>
        %get3A_305 = arith.constant 0 : i32
        %get3A_306 = arith.index_cast %get3A_305 : i32 to index
        %get3A_307 = arith.index_cast %add3A_298 : i32 to index
        %get3A_308 = arith.constant 0 : index
        %get3A_309 = tpu.vector_load %arg9[%get3A_306, %get3A_307, %get3A_308] {strides = array<i32>} : memref<2x1280x16xf32, #tpu.memory_space<vmem>>, vector<1x1x16xf32>,
        %get3A_310 = vector.shape_cast %get3A_309 : vector<1x1x16xf32> to vector<16xf32>
        %max3A_311 = arith.maximumf %get3A_304, %get3A_310 : vector<16xf32>
        %swap3A_312 = arith.index_cast %scan3A_165 : i32 to index
        %swap3A_313 = arith.constant 96 : index
        %swap3A_314 = tpu.vector_load %arg10[%swap3A_312, %swap3A_313] {strides = array<i32>} : memref<160x128xf32, #tpu.memory_space<vmem>>, vector<1x16xf32>,
        %swap3A_315 = vector.shape_cast %swap3A_314 : vector<1x16xf32> to vector<16xf32>
        %swap3A_316 = vector.shape_cast %max3A_311 : vector<16xf32> to vector<1x16xf32>
        tpu.vector_store %arg10[%swap3A_312, %swap3A_313], %swap3A_316 {strides = array<i32>} : memref<160x128xf32, #tpu.memory_space<vmem>>, vector<1x16xf32>,
        %mul3A_317 = arith.constant 8 : i32
        %mul3A_318 = arith.muli %scan3A_165, %mul3A_317 : i32
        %add3A_319 = arith.constant 7 : i32
        %add3A_320 = arith.addi %mul3A_318, %add3A_319 : i32
        %get3A_321 = arith.constant 0 : i32
        %get3A_322 = arith.index_cast %get3A_321 : i32 to index
        %get3A_323 = arith.index_cast %add3A_320 : i32 to index
        %get3A_324 = arith.constant 0 : index
        %get3A_325 = tpu.vector_load %arg8[%get3A_322, %get3A_323, %get3A_324] {strides = array<i32>} : memref<2x1280x16xf32, #tpu.memory_space<vmem>>, vector<1x1x16xf32>,
        %get3A_326 = vector.shape_cast %get3A_325 : vector<1x1x16xf32> to vector<16xf32>
        %get3A_327 = arith.constant 0 : i32
        %get3A_328 = arith.index_cast %get3A_327 : i32 to index
        %get3A_329 = arith.index_cast %add3A_320 : i32 to index
        %get3A_330 = arith.constant 0 : index
        %get3A_331 = tpu.vector_load %arg9[%get3A_328, %get3A_329, %get3A_330] {strides = array<i32>} : memref<2x1280x16xf32, #tpu.memory_space<vmem>>, vector<1x1x16xf32>,
        %get3A_332 = vector.shape_cast %get3A_331 : vector<1x1x16xf32> to vector<16xf32>
        %max3A_333 = arith.maximumf %get3A_326, %get3A_332 : vector<16xf32>
        %swap3A_334 = arith.index_cast %scan3A_165 : i32 to index
        %swap3A_335 = arith.constant 112 : index
        %swap3A_336 = tpu.vector_load %arg10[%swap3A_334, %swap3A_335] {strides = array<i32>} : memref<160x128xf32, #tpu.memory_space<vmem>>, vector<1x16xf32>,
        %swap3A_337 = vector.shape_cast %swap3A_336 : vector<1x16xf32> to vector<16xf32>
        %swap3A_338 = vector.shape_cast %max3A_333 : vector<16xf32> to vector<1x16xf32>
        tpu.vector_store %arg10[%swap3A_334, %swap3A_335], %swap3A_338 {strides = array<i32>} : memref<160x128xf32, #tpu.memory_space<vmem>>, vector<1x16xf32>,
      }
      %scan3A_89 = arith.constant 160 : i32
      %add3A_90 = arith.constant 0 : i32
      %add3A_91 = arith.addi %add3A_7, %add3A_90 : i32
      %jit3A = arith.constant 8 : i32
      %div3A = arith.divsi %add3A_91, %jit3A : i32
      %sign3A = arith.constant 0 : i32
      %sign3A_92 = arith.cmpi sgt, %add3A_91, %sign3A : i32
      %sign3A_93 = arith.extui %sign3A_92 : i1 to i32
      %sign3A_94 = arith.constant 0 : i32
      %sign3A_95 = arith.cmpi slt, %add3A_91, %sign3A_94 : i32
      %sign3A_96 = arith.extui %sign3A_95 : i1 to i32
      %sign3A_97 = arith.subi %sign3A_93, %sign3A_96 : i32
      %sign3A_98 = arith.constant 0 : i32
      %sign3A_99 = arith.cmpi sgt, %jit3A, %sign3A_98 : i32
      %sign3A_100 = arith.extui %sign3A_99 : i1 to i32
      %sign3A_101 = arith.constant 0 : i32
      %sign3A_102 = arith.cmpi slt, %jit3A, %sign3A_101 : i32
      %sign3A_103 = arith.extui %sign3A_102 : i1 to i32
      %sign3A_104 = arith.subi %sign3A_100, %sign3A_103 : i32
      %ne3A_105 = arith.cmpi ne, %sign3A_97, %sign3A_104 : i32
      %rem3A = arith.remsi %add3A_91, %jit3A : i32
      %ne3A_106 = arith.constant 0 : i32
      %ne3A_107 = arith.cmpi ne, %rem3A, %ne3A_106 : i32
      %and3A = arith.andi %ne3A_105, %ne3A_107 : i1
      %sub3A = arith.constant 1 : i32
      %sub3A_108 = arith.subi %div3A, %sub3A : i32
      %select_n3A = arith.select %and3A, %sub3A_108, %div3A : i32
      "tpu.region"() ({
        %run_scoped3A_165 = tpu.sem_alloc : memref<!tpu.dma_semaphore, #tpu.memory_space<semaphore_mem>>
        %dma_start3A_166 = arith.constant 0 : i32
        %dma_start3A_167 = tpu.memref_slice %arg5[%select_n3A, %dma_start3A_166] : memref<20480x128xf32, #tpu.memory_space<hbm>> -> memref<160x128xf32, #tpu.memory_space<hbm>>
        %dma_start3A_168 = arith.constant 0 : i32
        %dma_start3A_169 = tpu.memref_slice %arg5[%select_n3A, %dma_start3A_168] : memref<20480x128xf32, #tpu.memory_space<hbm>> -> memref<160x128xf32, #tpu.memory_space<hbm>>
        tpu.enqueue_dma source(%arg10 : memref<160x128xf32, #tpu.memory_space<vmem>>) target(%dma_start3A_169 : memref<160x128xf32, #tpu.memory_space<hbm>>) target_semaphore(%run_scoped3A_165 : memref<!tpu.dma_semaphore, #tpu.memory_space<semaphore_mem>>)
        %dma_wait3A_170 = arith.constant 0 : i32
        %dma_wait3A_171 = tpu.memref_slice %arg5[%select_n3A, %dma_wait3A_170] : memref<20480x128xf32, #tpu.memory_space<hbm>> -> memref<160x128xf32, #tpu.memory_space<hbm>>
        %dma_wait3A_172 = arith.constant 0 : i32
        %dma_wait3A_173 = tpu.memref_slice %arg5[%select_n3A, %dma_wait3A_172] : memref<20480x128xf32, #tpu.memory_space<hbm>> -> memref<160x128xf32, #tpu.memory_space<hbm>>
        tpu.wait_dma2 semaphore(%run_scoped3A_165 : memref<!tpu.dma_semaphore, #tpu.memory_space<semaphore_mem>>) src(%arg10 : memref<160x128xf32, #tpu.memory_space<vmem>>) dst(%dma_wait3A_173 : memref<160x128xf32, #tpu.memory_space<hbm>>)
        tpu.yield
      }) : () -> ()
      %dma_wait3A_109 = arith.constant 1 : i32
      %dma_wait3A_110 = arith.constant 1 : i32
      %dma_wait3A_111 = arith.constant 0 : i32
      %dma_wait3A_112 = arith.constant 0 : i32
      %dma_wait3A_113 = tpu.memref_slice %arg8[%dma_wait3A_110, %dma_wait3A_111, %dma_wait3A_112] : memref<2x1280x16xf32, #tpu.memory_space<vmem>> -> memref<1x1280x16xf32, #tpu.memory_space<vmem>>
      %dma_wait3A_114 = tpu.memref_squeeze %dma_wait3A_113 : memref<1x1280x16xf32, #tpu.memory_space<vmem>> -> memref<1280x16xf32, #tpu.memory_space<vmem>>
      %dma_wait3A_115 = arith.constant 0 : i32
      %dma_wait3A_116 = tpu.memref_slice %arg6[%dma_wait3A_109, %dma_wait3A_115] : memref<2x1280xi32, #tpu.memory_space<vmem>> -> memref<1x1280xi32, #tpu.memory_space<vmem>>
      %dma_wait3A_117 = tpu.memref_squeeze %dma_wait3A_116 : memref<1x1280xi32, #tpu.memory_space<vmem>> -> memref<1280xi32, #tpu.memory_space<vmem>>
      %dma_wait3A_118 = arith.constant 0 : i32
      %dma_wait3A_119 = arith.constant 0 : i32
      %dma_wait3A_120 = tpu.memref_slice %arg4[%dma_wait3A_118, %dma_wait3A_119] : memref<10016x16xf32, #tpu.memory_space<hbm>> -> memref<10016x16xf32, #tpu.memory_space<hbm>>
      tpu.wait_indirect_dma semaphore(%arg13 : memref<!tpu.dma_semaphore, #tpu.memory_space<semaphore_mem>>) src(%dma_wait3A_120 : memref<10016x16xf32, #tpu.memory_space<hbm>>) dst(%dma_wait3A_114 : memref<1280x16xf32, #tpu.memory_space<vmem>>)
      %dma_wait3A_121 = arith.constant 1 : i32
      %dma_wait3A_122 = arith.constant 1 : i32
      %dma_wait3A_123 = arith.constant 0 : i32
      %dma_wait3A_124 = arith.constant 0 : i32
      %dma_wait3A_125 = tpu.memref_slice %arg9[%dma_wait3A_122, %dma_wait3A_123, %dma_wait3A_124] : memref<2x1280x16xf32, #tpu.memory_space<vmem>> -> memref<1x1280x16xf32, #tpu.memory_space<vmem>>
      %dma_wait3A_126 = tpu.memref_squeeze %dma_wait3A_125 : memref<1x1280x16xf32, #tpu.memory_space<vmem>> -> memref<1280x16xf32, #tpu.memory_space<vmem>>
      %dma_wait3A_127 = arith.constant 0 : i32
      %dma_wait3A_128 = tpu.memref_slice %arg7[%dma_wait3A_121, %dma_wait3A_127] : memref<2x1280xi32, #tpu.memory_space<vmem>> -> memref<1x1280xi32, #tpu.memory_space<vmem>>
      %dma_wait3A_129 = tpu.memref_squeeze %dma_wait3A_128 : memref<1x1280xi32, #tpu.memory_space<vmem>> -> memref<1280xi32, #tpu.memory_space<vmem>>
      %dma_wait3A_130 = arith.constant 0 : i32
      %dma_wait3A_131 = arith.constant 0 : i32
      %dma_wait3A_132 = tpu.memref_slice %arg4[%dma_wait3A_130, %dma_wait3A_131] : memref<10016x16xf32, #tpu.memory_space<hbm>> -> memref<10016x16xf32, #tpu.memory_space<hbm>>
      tpu.wait_indirect_dma semaphore(%arg14 : memref<!tpu.dma_semaphore, #tpu.memory_space<semaphore_mem>>) src(%dma_wait3A_132 : memref<10016x16xf32, #tpu.memory_space<hbm>>) dst(%dma_wait3A_126 : memref<1280x16xf32, #tpu.memory_space<vmem>>)
      %scan3A_133 = arith.constant 0 : i32
      %scan3A_134 = arith.constant 0 : i32
      %scan3A_135 = arith.constant 160 : i32
      %scan3A_136 = arith.addi %scan3A_134, %scan3A_135 : i32
      %scan3A_137 = arith.constant 1 : i32
      scf.for %scan3A_165 = %scan3A_134 to %scan3A_136 step %scan3A_137  : i32 {
        %mul3A_166 = arith.constant 8 : i32
        %mul3A_167 = arith.muli %scan3A_165, %mul3A_166 : i32
        %add3A_168 = arith.constant 0 : i32
        %add3A_169 = arith.addi %mul3A_167, %add3A_168 : i32
        %get3A = arith.constant 1 : i32
        %get3A_170 = arith.index_cast %get3A : i32 to index
        %get3A_171 = arith.index_cast %add3A_169 : i32 to index
        %get3A_172 = arith.constant 0 : index
        %get3A_173 = tpu.vector_load %arg8[%get3A_170, %get3A_171, %get3A_172] {strides = array<i32>} : memref<2x1280x16xf32, #tpu.memory_space<vmem>>, vector<1x1x16xf32>,
        %get3A_174 = vector.shape_cast %get3A_173 : vector<1x1x16xf32> to vector<16xf32>
        %get3A_175 = arith.constant 1 : i32
        %get3A_176 = arith.index_cast %get3A_175 : i32 to index
        %get3A_177 = arith.index_cast %add3A_169 : i32 to index
        %get3A_178 = arith.constant 0 : index
        %get3A_179 = tpu.vector_load %arg9[%get3A_176, %get3A_177, %get3A_178] {strides = array<i32>} : memref<2x1280x16xf32, #tpu.memory_space<vmem>>, vector<1x1x16xf32>,
        %get3A_180 = vector.shape_cast %get3A_179 : vector<1x1x16xf32> to vector<16xf32>
        %max3A = arith.maximumf %get3A_174, %get3A_180 : vector<16xf32>
        %swap3A = arith.index_cast %scan3A_165 : i32 to index
        %swap3A_181 = arith.constant 0 : index
        %swap3A_182 = tpu.vector_load %arg10[%swap3A, %swap3A_181] {strides = array<i32>} : memref<160x128xf32, #tpu.memory_space<vmem>>, vector<1x16xf32>,
        %swap3A_183 = vector.shape_cast %swap3A_182 : vector<1x16xf32> to vector<16xf32>
        %swap3A_184 = vector.shape_cast %max3A : vector<16xf32> to vector<1x16xf32>
        tpu.vector_store %arg10[%swap3A, %swap3A_181], %swap3A_184 {strides = array<i32>} : memref<160x128xf32, #tpu.memory_space<vmem>>, vector<1x16xf32>,
        %mul3A_185 = arith.constant 8 : i32
        %mul3A_186 = arith.muli %scan3A_165, %mul3A_185 : i32
        %add3A_187 = arith.constant 1 : i32
        %add3A_188 = arith.addi %mul3A_186, %add3A_187 : i32
        %get3A_189 = arith.constant 1 : i32
        %get3A_190 = arith.index_cast %get3A_189 : i32 to index
        %get3A_191 = arith.index_cast %add3A_188 : i32 to index
        %get3A_192 = arith.constant 0 : index
        %get3A_193 = tpu.vector_load %arg8[%get3A_190, %get3A_191, %get3A_192] {strides = array<i32>} : memref<2x1280x16xf32, #tpu.memory_space<vmem>>, vector<1x1x16xf32>,
        %get3A_194 = vector.shape_cast %get3A_193 : vector<1x1x16xf32> to vector<16xf32>
        %get3A_195 = arith.constant 1 : i32
        %get3A_196 = arith.index_cast %get3A_195 : i32 to index
        %get3A_197 = arith.index_cast %add3A_188 : i32 to index
        %get3A_198 = arith.constant 0 : index
        %get3A_199 = tpu.vector_load %arg9[%get3A_196, %get3A_197, %get3A_198] {strides = array<i32>} : memref<2x1280x16xf32, #tpu.memory_space<vmem>>, vector<1x1x16xf32>,
        %get3A_200 = vector.shape_cast %get3A_199 : vector<1x1x16xf32> to vector<16xf32>
        %max3A_201 = arith.maximumf %get3A_194, %get3A_200 : vector<16xf32>
        %swap3A_202 = arith.index_cast %scan3A_165 : i32 to index
        %swap3A_203 = arith.constant 16 : index
        %swap3A_204 = tpu.vector_load %arg10[%swap3A_202, %swap3A_203] {strides = array<i32>} : memref<160x128xf32, #tpu.memory_space<vmem>>, vector<1x16xf32>,
        %swap3A_205 = vector.shape_cast %swap3A_204 : vector<1x16xf32> to vector<16xf32>
        %swap3A_206 = vector.shape_cast %max3A_201 : vector<16xf32> to vector<1x16xf32>
        tpu.vector_store %arg10[%swap3A_202, %swap3A_203], %swap3A_206 {strides = array<i32>} : memref<160x128xf32, #tpu.memory_space<vmem>>, vector<1x16xf32>,
        %mul3A_207 = arith.constant 8 : i32
        %mul3A_208 = arith.muli %scan3A_165, %mul3A_207 : i32
        %add3A_209 = arith.constant 2 : i32
        %add3A_210 = arith.addi %mul3A_208, %add3A_209 : i32
        %get3A_211 = arith.constant 1 : i32
        %get3A_212 = arith.index_cast %get3A_211 : i32 to index
        %get3A_213 = arith.index_cast %add3A_210 : i32 to index
        %get3A_214 = arith.constant 0 : index
        %get3A_215 = tpu.vector_load %arg8[%get3A_212, %get3A_213, %get3A_214] {strides = array<i32>} : memref<2x1280x16xf32, #tpu.memory_space<vmem>>, vector<1x1x16xf32>,
        %get3A_216 = vector.shape_cast %get3A_215 : vector<1x1x16xf32> to vector<16xf32>
        %get3A_217 = arith.constant 1 : i32
        %get3A_218 = arith.index_cast %get3A_217 : i32 to index
        %get3A_219 = arith.index_cast %add3A_210 : i32 to index
        %get3A_220 = arith.constant 0 : index
        %get3A_221 = tpu.vector_load %arg9[%get3A_218, %get3A_219, %get3A_220] {strides = array<i32>} : memref<2x1280x16xf32, #tpu.memory_space<vmem>>, vector<1x1x16xf32>,
        %get3A_222 = vector.shape_cast %get3A_221 : vector<1x1x16xf32> to vector<16xf32>
        %max3A_223 = arith.maximumf %get3A_216, %get3A_222 : vector<16xf32>
        %swap3A_224 = arith.index_cast %scan3A_165 : i32 to index
        %swap3A_225 = arith.constant 32 : index
        %swap3A_226 = tpu.vector_load %arg10[%swap3A_224, %swap3A_225] {strides = array<i32>} : memref<160x128xf32, #tpu.memory_space<vmem>>, vector<1x16xf32>,
        %swap3A_227 = vector.shape_cast %swap3A_226 : vector<1x16xf32> to vector<16xf32>
        %swap3A_228 = vector.shape_cast %max3A_223 : vector<16xf32> to vector<1x16xf32>
        tpu.vector_store %arg10[%swap3A_224, %swap3A_225], %swap3A_228 {strides = array<i32>} : memref<160x128xf32, #tpu.memory_space<vmem>>, vector<1x16xf32>,
        %mul3A_229 = arith.constant 8 : i32
        %mul3A_230 = arith.muli %scan3A_165, %mul3A_229 : i32
        %add3A_231 = arith.constant 3 : i32
        %add3A_232 = arith.addi %mul3A_230, %add3A_231 : i32
        %get3A_233 = arith.constant 1 : i32
        %get3A_234 = arith.index_cast %get3A_233 : i32 to index
        %get3A_235 = arith.index_cast %add3A_232 : i32 to index
        %get3A_236 = arith.constant 0 : index
        %get3A_237 = tpu.vector_load %arg8[%get3A_234, %get3A_235, %get3A_236] {strides = array<i32>} : memref<2x1280x16xf32, #tpu.memory_space<vmem>>, vector<1x1x16xf32>,
        %get3A_238 = vector.shape_cast %get3A_237 : vector<1x1x16xf32> to vector<16xf32>
        %get3A_239 = arith.constant 1 : i32
        %get3A_240 = arith.index_cast %get3A_239 : i32 to index
        %get3A_241 = arith.index_cast %add3A_232 : i32 to index
        %get3A_242 = arith.constant 0 : index
        %get3A_243 = tpu.vector_load %arg9[%get3A_240, %get3A_241, %get3A_242] {strides = array<i32>} : memref<2x1280x16xf32, #tpu.memory_space<vmem>>, vector<1x1x16xf32>,
        %get3A_244 = vector.shape_cast %get3A_243 : vector<1x1x16xf32> to vector<16xf32>
        %max3A_245 = arith.maximumf %get3A_238, %get3A_244 : vector<16xf32>
        %swap3A_246 = arith.index_cast %scan3A_165 : i32 to index
        %swap3A_247 = arith.constant 48 : index
        %swap3A_248 = tpu.vector_load %arg10[%swap3A_246, %swap3A_247] {strides = array<i32>} : memref<160x128xf32, #tpu.memory_space<vmem>>, vector<1x16xf32>,
        %swap3A_249 = vector.shape_cast %swap3A_248 : vector<1x16xf32> to vector<16xf32>
        %swap3A_250 = vector.shape_cast %max3A_245 : vector<16xf32> to vector<1x16xf32>
        tpu.vector_store %arg10[%swap3A_246, %swap3A_247], %swap3A_250 {strides = array<i32>} : memref<160x128xf32, #tpu.memory_space<vmem>>, vector<1x16xf32>,
        %mul3A_251 = arith.constant 8 : i32
        %mul3A_252 = arith.muli %scan3A_165, %mul3A_251 : i32
        %add3A_253 = arith.constant 4 : i32
        %add3A_254 = arith.addi %mul3A_252, %add3A_253 : i32
        %get3A_255 = arith.constant 1 : i32
        %get3A_256 = arith.index_cast %get3A_255 : i32 to index
        %get3A_257 = arith.index_cast %add3A_254 : i32 to index
        %get3A_258 = arith.constant 0 : index
        %get3A_259 = tpu.vector_load %arg8[%get3A_256, %get3A_257, %get3A_258] {strides = array<i32>} : memref<2x1280x16xf32, #tpu.memory_space<vmem>>, vector<1x1x16xf32>,
        %get3A_260 = vector.shape_cast %get3A_259 : vector<1x1x16xf32> to vector<16xf32>
        %get3A_261 = arith.constant 1 : i32
        %get3A_262 = arith.index_cast %get3A_261 : i32 to index
        %get3A_263 = arith.index_cast %add3A_254 : i32 to index
        %get3A_264 = arith.constant 0 : index
        %get3A_265 = tpu.vector_load %arg9[%get3A_262, %get3A_263, %get3A_264] {strides = array<i32>} : memref<2x1280x16xf32, #tpu.memory_space<vmem>>, vector<1x1x16xf32>,
        %get3A_266 = vector.shape_cast %get3A_265 : vector<1x1x16xf32> to vector<16xf32>
        %max3A_267 = arith.maximumf %get3A_260, %get3A_266 : vector<16xf32>
        %swap3A_268 = arith.index_cast %scan3A_165 : i32 to index
        %swap3A_269 = arith.constant 64 : index
        %swap3A_270 = tpu.vector_load %arg10[%swap3A_268, %swap3A_269] {strides = array<i32>} : memref<160x128xf32, #tpu.memory_space<vmem>>, vector<1x16xf32>,
        %swap3A_271 = vector.shape_cast %swap3A_270 : vector<1x16xf32> to vector<16xf32>
        %swap3A_272 = vector.shape_cast %max3A_267 : vector<16xf32> to vector<1x16xf32>
        tpu.vector_store %arg10[%swap3A_268, %swap3A_269], %swap3A_272 {strides = array<i32>} : memref<160x128xf32, #tpu.memory_space<vmem>>, vector<1x16xf32>,
        %mul3A_273 = arith.constant 8 : i32
        %mul3A_274 = arith.muli %scan3A_165, %mul3A_273 : i32
        %add3A_275 = arith.constant 5 : i32
        %add3A_276 = arith.addi %mul3A_274, %add3A_275 : i32
        %get3A_277 = arith.constant 1 : i32
        %get3A_278 = arith.index_cast %get3A_277 : i32 to index
        %get3A_279 = arith.index_cast %add3A_276 : i32 to index
        %get3A_280 = arith.constant 0 : index
        %get3A_281 = tpu.vector_load %arg8[%get3A_278, %get3A_279, %get3A_280] {strides = array<i32>} : memref<2x1280x16xf32, #tpu.memory_space<vmem>>, vector<1x1x16xf32>,
        %get3A_282 = vector.shape_cast %get3A_281 : vector<1x1x16xf32> to vector<16xf32>
        %get3A_283 = arith.constant 1 : i32
        %get3A_284 = arith.index_cast %get3A_283 : i32 to index
        %get3A_285 = arith.index_cast %add3A_276 : i32 to index
        %get3A_286 = arith.constant 0 : index
        %get3A_287 = tpu.vector_load %arg9[%get3A_284, %get3A_285, %get3A_286] {strides = array<i32>} : memref<2x1280x16xf32, #tpu.memory_space<vmem>>, vector<1x1x16xf32>,
        %get3A_288 = vector.shape_cast %get3A_287 : vector<1x1x16xf32> to vector<16xf32>
        %max3A_289 = arith.maximumf %get3A_282, %get3A_288 : vector<16xf32>
        %swap3A_290 = arith.index_cast %scan3A_165 : i32 to index
        %swap3A_291 = arith.constant 80 : index
        %swap3A_292 = tpu.vector_load %arg10[%swap3A_290, %swap3A_291] {strides = array<i32>} : memref<160x128xf32, #tpu.memory_space<vmem>>, vector<1x16xf32>,
        %swap3A_293 = vector.shape_cast %swap3A_292 : vector<1x16xf32> to vector<16xf32>
        %swap3A_294 = vector.shape_cast %max3A_289 : vector<16xf32> to vector<1x16xf32>
        tpu.vector_store %arg10[%swap3A_290, %swap3A_291], %swap3A_294 {strides = array<i32>} : memref<160x128xf32, #tpu.memory_space<vmem>>, vector<1x16xf32>,
        %mul3A_295 = arith.constant 8 : i32
        %mul3A_296 = arith.muli %scan3A_165, %mul3A_295 : i32
        %add3A_297 = arith.constant 6 : i32
        %add3A_298 = arith.addi %mul3A_296, %add3A_297 : i32
        %get3A_299 = arith.constant 1 : i32
        %get3A_300 = arith.index_cast %get3A_299 : i32 to index
        %get3A_301 = arith.index_cast %add3A_298 : i32 to index
        %get3A_302 = arith.constant 0 : index
        %get3A_303 = tpu.vector_load %arg8[%get3A_300, %get3A_301, %get3A_302] {strides = array<i32>} : memref<2x1280x16xf32, #tpu.memory_space<vmem>>, vector<1x1x16xf32>,
        %get3A_304 = vector.shape_cast %get3A_303 : vector<1x1x16xf32> to vector<16xf32>
        %get3A_305 = arith.constant 1 : i32
        %get3A_306 = arith.index_cast %get3A_305 : i32 to index
        %get3A_307 = arith.index_cast %add3A_298 : i32 to index
        %get3A_308 = arith.constant 0 : index
        %get3A_309 = tpu.vector_load %arg9[%get3A_306, %get3A_307, %get3A_308] {strides = array<i32>} : memref<2x1280x16xf32, #tpu.memory_space<vmem>>, vector<1x1x16xf32>,
        %get3A_310 = vector.shape_cast %get3A_309 : vector<1x1x16xf32> to vector<16xf32>
        %max3A_311 = arith.maximumf %get3A_304, %get3A_310 : vector<16xf32>
        %swap3A_312 = arith.index_cast %scan3A_165 : i32 to index
        %swap3A_313 = arith.constant 96 : index
        %swap3A_314 = tpu.vector_load %arg10[%swap3A_312, %swap3A_313] {strides = array<i32>} : memref<160x128xf32, #tpu.memory_space<vmem>>, vector<1x16xf32>,
        %swap3A_315 = vector.shape_cast %swap3A_314 : vector<1x16xf32> to vector<16xf32>
        %swap3A_316 = vector.shape_cast %max3A_311 : vector<16xf32> to vector<1x16xf32>
        tpu.vector_store %arg10[%swap3A_312, %swap3A_313], %swap3A_316 {strides = array<i32>} : memref<160x128xf32, #tpu.memory_space<vmem>>, vector<1x16xf32>,
        %mul3A_317 = arith.constant 8 : i32
        %mul3A_318 = arith.muli %scan3A_165, %mul3A_317 : i32
        %add3A_319 = arith.constant 7 : i32
        %add3A_320 = arith.addi %mul3A_318, %add3A_319 : i32
        %get3A_321 = arith.constant 1 : i32
        %get3A_322 = arith.index_cast %get3A_321 : i32 to index
        %get3A_323 = arith.index_cast %add3A_320 : i32 to index
        %get3A_324 = arith.constant 0 : index
        %get3A_325 = tpu.vector_load %arg8[%get3A_322, %get3A_323, %get3A_324] {strides = array<i32>} : memref<2x1280x16xf32, #tpu.memory_space<vmem>>, vector<1x1x16xf32>,
        %get3A_326 = vector.shape_cast %get3A_325 : vector<1x1x16xf32> to vector<16xf32>
        %get3A_327 = arith.constant 1 : i32
        %get3A_328 = arith.index_cast %get3A_327 : i32 to index
        %get3A_329 = arith.index_cast %add3A_320 : i32 to index
        %get3A_330 = arith.constant 0 : index
        %get3A_331 = tpu.vector_load %arg9[%get3A_328, %get3A_329, %get3A_330] {strides = array<i32>} : memref<2x1280x16xf32, #tpu.memory_space<vmem>>, vector<1x1x16xf32>,
        %get3A_332 = vector.shape_cast %get3A_331 : vector<1x1x16xf32> to vector<16xf32>
        %max3A_333 = arith.maximumf %get3A_326, %get3A_332 : vector<16xf32>
        %swap3A_334 = arith.index_cast %scan3A_165 : i32 to index
        %swap3A_335 = arith.constant 112 : index
        %swap3A_336 = tpu.vector_load %arg10[%swap3A_334, %swap3A_335] {strides = array<i32>} : memref<160x128xf32, #tpu.memory_space<vmem>>, vector<1x16xf32>,
        %swap3A_337 = vector.shape_cast %swap3A_336 : vector<1x16xf32> to vector<16xf32>
        %swap3A_338 = vector.shape_cast %max3A_333 : vector<16xf32> to vector<1x16xf32>
        tpu.vector_store %arg10[%swap3A_334, %swap3A_335], %swap3A_338 {strides = array<i32>} : memref<160x128xf32, #tpu.memory_space<vmem>>, vector<1x16xf32>,
      }
      %scan3A_138 = arith.constant 160 : i32
      %add3A_139 = arith.constant 1280 : i32
      %add3A_140 = arith.addi %add3A_7, %add3A_139 : i32
      %jit3A_141 = arith.constant 8 : i32
      %div3A_142 = arith.divsi %add3A_140, %jit3A_141 : i32
      %sign3A_143 = arith.constant 0 : i32
      %sign3A_144 = arith.cmpi sgt, %add3A_140, %sign3A_143 : i32
      %sign3A_145 = arith.extui %sign3A_144 : i1 to i32
      %sign3A_146 = arith.constant 0 : i32
      %sign3A_147 = arith.cmpi slt, %add3A_140, %sign3A_146 : i32
      %sign3A_148 = arith.extui %sign3A_147 : i1 to i32
      %sign3A_149 = arith.subi %sign3A_145, %sign3A_148 : i32
      %sign3A_150 = arith.constant 0 : i32
      %sign3A_151 = arith.cmpi sgt, %jit3A_141, %sign3A_150 : i32
      %sign3A_152 = arith.extui %sign3A_151 : i1 to i32
      %sign3A_153 = arith.constant 0 : i32
      %sign3A_154 = arith.cmpi slt, %jit3A_141, %sign3A_153 : i32
      %sign3A_155 = arith.extui %sign3A_154 : i1 to i32
      %sign3A_156 = arith.subi %sign3A_152, %sign3A_155 : i32
      %ne3A_157 = arith.cmpi ne, %sign3A_149, %sign3A_156 : i32
      %rem3A_158 = arith.remsi %add3A_140, %jit3A_141 : i32
      %ne3A_159 = arith.constant 0 : i32
      %ne3A_160 = arith.cmpi ne, %rem3A_158, %ne3A_159 : i32
      %and3A_161 = arith.andi %ne3A_157, %ne3A_160 : i1
      %sub3A_162 = arith.constant 1 : i32
      %sub3A_163 = arith.subi %div3A_142, %sub3A_162 : i32
      %select_n3A_164 = arith.select %and3A_161, %sub3A_163, %div3A_142 : i32
      "tpu.region"() ({
        %run_scoped3A_165 = tpu.sem_alloc : memref<!tpu.dma_semaphore, #tpu.memory_space<semaphore_mem>>
        %dma_start3A_166 = arith.constant 0 : i32
        %dma_start3A_167 = tpu.memref_slice %arg5[%select_n3A_164, %dma_start3A_166] : memref<20480x128xf32, #tpu.memory_space<hbm>> -> memref<160x128xf32, #tpu.memory_space<hbm>>
        %dma_start3A_168 = arith.constant 0 : i32
        %dma_start3A_169 = tpu.memref_slice %arg5[%select_n3A_164, %dma_start3A_168] : memref<20480x128xf32, #tpu.memory_space<hbm>> -> memref<160x128xf32, #tpu.memory_space<hbm>>
        tpu.enqueue_dma source(%arg10 : memref<160x128xf32, #tpu.memory_space<vmem>>) target(%dma_start3A_169 : memref<160x128xf32, #tpu.memory_space<hbm>>) target_semaphore(%run_scoped3A_165 : memref<!tpu.dma_semaphore, #tpu.memory_space<semaphore_mem>>)
        %dma_wait3A_170 = arith.constant 0 : i32
        %dma_wait3A_171 = tpu.memref_slice %arg5[%select_n3A_164, %dma_wait3A_170] : memref<20480x128xf32, #tpu.memory_space<hbm>> -> memref<160x128xf32, #tpu.memory_space<hbm>>
        %dma_wait3A_172 = arith.constant 0 : i32
        %dma_wait3A_173 = tpu.memref_slice %arg5[%select_n3A_164, %dma_wait3A_172] : memref<20480x128xf32, #tpu.memory_space<hbm>> -> memref<160x128xf32, #tpu.memory_space<hbm>>
        tpu.wait_dma2 semaphore(%run_scoped3A_165 : memref<!tpu.dma_semaphore, #tpu.memory_space<semaphore_mem>>) src(%arg10 : memref<160x128xf32, #tpu.memory_space<vmem>>) dst(%dma_wait3A_173 : memref<160x128xf32, #tpu.memory_space<hbm>>)
        tpu.yield
      }) : () -> ()
    } else {
    }
    return
  }
}

module attributes {stable_mosaic.version = 14 : i64} {
  func.func @_node_body(%arg0: memref<10000x128xf32, #tpu.memory_space<vmem>>, %arg1: memref<128x16xf32, #tpu.memory_space<vmem>>, %arg2: memref<10000x1xi32, #tpu.memory_space<vmem>>, %arg3: memref<1x256xf32, #tpu.memory_space<vmem>>, %arg4: memref<10016x16xf32, #tpu.memory_space<vmem>>, %arg5: memref<32x256xf32, #tpu.memory_space<vmem>>, %arg6: memref<2x32xf32, #tpu.memory_space<vmem>>) attributes {dimension_semantics = [], scalar_prefetch = 0 : i64, scratch_operands = 0 : i64, tpu.core_type = #tpu.core_type<tc>} {
    %get3A = arith.constant 0 : index
    %get3A_0 = arith.constant 0 : index
    %get3A_1 = vector.load %arg0[%get3A, %get3A_0] : memref<10000x128xf32, #tpu.memory_space<vmem>>, vector<10000x128xf32>
    %get3A_2 = arith.constant 0 : index
    %get3A_3 = arith.constant 0 : index
    %get3A_4 = vector.load %arg1[%get3A_2, %get3A_3] : memref<128x16xf32, #tpu.memory_space<vmem>>, vector<128x16xf32>
    %dot_general3A = arith.constant dense<0.000000e+00> : vector<10000x16xf32>
    %dot_general3A_5 = tpu.matmul %get3A_1, %get3A_4, %dot_general3A {dimension_numbers = #tpu.dot_dimension_numbers<[1], [0], [0], [1], [0, 0, 1, 1], [], []>, transpose_lhs_hint = false} : vector<10000x128xf32>, vector<128x16xf32>, vector<10000x16xf32> -> vector<10000x16xf32>
    %swap3A = arith.constant 0 : index
    %swap3A_6 = arith.constant 0 : index
    %swap3A_7 = vector.load %arg4[%swap3A, %swap3A_6] : memref<10016x16xf32, #tpu.memory_space<vmem>>, vector<10000x16xf32>
    tpu.vector_store %arg4[%swap3A, %swap3A_6], %dot_general3A_5 {strides = array<i32>} : memref<10016x16xf32, #tpu.memory_space<vmem>>, vector<10000x16xf32>,
    %broadcast_in_dim3A = arith.constant 0.000000e+00 : f32
    %broadcast_in_dim3A_8 = vector.broadcast %broadcast_in_dim3A : f32 to vector<16x16xf32>
    %swap3A_9 = arith.constant 10000 : index
    %swap3A_10 = arith.constant 0 : index
    %swap3A_11 = vector.load %arg4[%swap3A_9, %swap3A_10] : memref<10016x16xf32, #tpu.memory_space<vmem>>, vector<16x16xf32>
    tpu.vector_store %arg4[%swap3A_9, %swap3A_10], %broadcast_in_dim3A_8 {strides = array<i32>} : memref<10016x16xf32, #tpu.memory_space<vmem>>, vector<16x16xf32>,
    %iota3A = tpu.iota {dimensions = array<i32: 0>} : vector<16x256xi32>
    %iota3A_12 = tpu.iota {dimensions = array<i32: 1>} : vector<16x256xi32>
    %jit3A = arith.constant 16 : i32
    %eq3A = arith.constant 0 : i32
    %eq3A_13 = arith.cmpi eq, %jit3A, %eq3A : i32
    %jit3A_14 = arith.constant 1 : i32
    %select_n3A = arith.select %eq3A_13, %jit3A_14, %jit3A : i32
    %rem3A = vector.broadcast %select_n3A : i32 to vector<16x256xi32>
    %rem3A_15 = arith.remsi %iota3A_12, %rem3A : vector<16x256xi32>
    %ne3A = arith.constant 0 : i32
    %ne3A_16 = vector.broadcast %ne3A : i32 to vector<16x256xi32>
    %ne3A_17 = arith.cmpi ne, %rem3A_15, %ne3A_16 : vector<16x256xi32>
    %lt3A = arith.constant 0 : i32
    %lt3A_18 = vector.broadcast %lt3A : i32 to vector<16x256xi32>
    %lt3A_19 = arith.cmpi slt, %rem3A_15, %lt3A_18 : vector<16x256xi32>
    %lt3A_20 = arith.constant 0 : i32
    %lt3A_21 = arith.cmpi slt, %select_n3A, %lt3A_20 : i32
    %ne3A_22 = vector.broadcast %lt3A_21 : i1 to vector<16x256xi1>
    %ne3A_23 = vector.broadcast %ne3A_22 : vector<16x256xi1> to vector<16x256xi1>
    %ne3A_24 = arith.xori %lt3A_19, %ne3A_23 : vector<16x256xi1>
    %and3A = arith.andi %ne3A_24, %ne3A_17 : vector<16x256xi1>
    %add3A = vector.broadcast %select_n3A : i32 to vector<16x256xi32>
    %add3A_25 = arith.addi %rem3A_15, %add3A : vector<16x256xi32>
    %select_n3A_26 = arith.select %and3A, %add3A_25, %rem3A_15 : vector<16x256xi1>, vector<16x256xi32>
    %eq3A_27 = arith.cmpi eq, %select_n3A_26, %iota3A : vector<16x256xi32>
    %convert_element_type3A = arith.extui %eq3A_27 : vector<16x256xi1> to vector<16x256xi32>
    %convert_element_type3A_28 = arith.sitofp %convert_element_type3A : vector<16x256xi32> to vector<16x256xf32>
    %dot_general3A_29 = arith.constant dense<0.000000e+00> : vector<10000x256xf32>
    %dot_general3A_30 = tpu.matmul %dot_general3A_5, %convert_element_type3A_28, %dot_general3A_29 {dimension_numbers = #tpu.dot_dimension_numbers<[1], [0], [0], [1], [0, 0, 1, 1], [], []>, transpose_lhs_hint = false} : vector<10000x16xf32>, vector<16x256xf32>, vector<10000x256xf32> -> vector<10000x256xf32>
    %get3A_31 = arith.constant 0 : index
    %get3A_32 = arith.constant 0 : index
    %get3A_33 = vector.load %arg3[%get3A_31, %get3A_32] : memref<1x256xf32, #tpu.memory_space<vmem>>, vector<1x256xf32>
    %sub3A = vector.broadcast %get3A_33 : vector<1x256xf32> to vector<10000x256xf32>
    %sub3A_34 = arith.subf %dot_general3A_30, %sub3A : vector<10000x256xf32>
    %mul3A = arith.constant 5.000000e+02 : f32
    %mul3A_35 = vector.broadcast %mul3A : f32 to vector<10000x256xf32>
    %mul3A_36 = arith.mulf %mul3A_35, %sub3A_34 : vector<10000x256xf32>
    %exp3A = math.exp %mul3A_36 : vector<10000x256xf32>
    %add3A_37 = arith.constant 1.000000e+00 : f32
    %add3A_38 = vector.broadcast %add3A_37 : f32 to vector<10000x256xf32>
    %add3A_39 = arith.addf %add3A_38, %exp3A : vector<10000x256xf32>
    %div3A = arith.constant 1.000000e+00 : f32
    %div3A_40 = vector.broadcast %div3A : f32 to vector<10000x256xf32>
    %div3A_41 = arith.divf %div3A_40, %add3A_39 : vector<10000x256xf32>
    %iota3A_42 = tpu.iota {dimensions = array<i32: 1>} : vector<1x32xi32>
    %get3A_43 = arith.constant 0 : index
    %get3A_44 = arith.constant 0 : index
    %get3A_45 = vector.load %arg2[%get3A_43, %get3A_44] : memref<10000x1xi32, #tpu.memory_space<vmem>>, vector<10000x1xi32>
    %eq3A_46 = vector.broadcast %get3A_45 : vector<10000x1xi32> to vector<10000x32xi32>
    %eq3A_47 = vector.broadcast %iota3A_42 : vector<1x32xi32> to vector<10000x32xi32>
    %eq3A_48 = arith.cmpi eq, %eq3A_46, %eq3A_47 : vector<10000x32xi32>
    %convert_element_type3A_49 = arith.extui %eq3A_48 : vector<10000x32xi1> to vector<10000x32xi32>
    %convert_element_type3A_50 = arith.sitofp %convert_element_type3A_49 : vector<10000x32xi32> to vector<10000x32xf32>
    %dot_general3A_51 = arith.constant dense<0.000000e+00> : vector<32x256xf32>
    %dot_general3A_52 = tpu.matmul %convert_element_type3A_50, %div3A_41, %dot_general3A_51 {dimension_numbers = #tpu.dot_dimension_numbers<[0], [0], [1], [1], [0, 1, 1, 1], [], []>, transpose_lhs_hint = false} : vector<10000x32xf32>, vector<10000x256xf32>, vector<32x256xf32> -> vector<32x256xf32>
    %swap3A_53 = arith.constant 0 : index
    %swap3A_54 = arith.constant 0 : index
    %swap3A_55 = vector.load %arg5[%swap3A_53, %swap3A_54] : memref<32x256xf32, #tpu.memory_space<vmem>>, vector<32x256xf32>
    tpu.vector_store %arg5[%swap3A_53, %swap3A_54], %dot_general3A_52 {strides = array<i32>} : memref<32x256xf32, #tpu.memory_space<vmem>>, vector<32x256xf32>,
    %get3A_56 = arith.constant 0 : index
    %get3A_57 = arith.constant 0 : index
    %get3A_58 = vector.load %arg2[%get3A_56, %get3A_57] : memref<10000x1xi32, #tpu.memory_space<vmem>>, vector<10000x1xi32>
    %le3A = vector.broadcast %get3A_58 : vector<10000x1xi32> to vector<10000x32xi32>
    %le3A_59 = vector.broadcast %iota3A_42 : vector<1x32xi32> to vector<10000x32xi32>
    %le3A_60 = arith.cmpi sle, %le3A, %le3A_59 : vector<10000x32xi32>
    %convert_element_type3A_61 = arith.extui %le3A_60 : vector<10000x32xi1> to vector<10000x32xi32>
    %convert_element_type3A_62 = arith.sitofp %convert_element_type3A_61 : vector<10000x32xi32> to vector<10000x32xf32>
    %reduce_sum3A = arith.constant dense<0.000000e+00> : vector<32xf32>
    %reduce_sum3A_63 = vector.multi_reduction <add>, %convert_element_type3A_62, %reduce_sum3A [0] : vector<10000x32xf32> to vector<32xf32>
    %broadcast_in_dim3A_64 = vector.shape_cast %reduce_sum3A_63 : vector<32xf32> to vector<1x32xf32>
    %reduce_sum3A_65 = arith.constant dense<0.000000e+00> : vector<32xf32>
    %reduce_sum3A_66 = vector.multi_reduction <add>, %convert_element_type3A_50, %reduce_sum3A_65 [0] : vector<10000x32xf32> to vector<32xf32>
    %broadcast_in_dim3A_67 = vector.shape_cast %reduce_sum3A_66 : vector<32xf32> to vector<1x32xf32>
    %sub3A_68 = arith.subf %broadcast_in_dim3A_64, %broadcast_in_dim3A_67 : vector<1x32xf32>
    %concatenate3A = tpu.concatenate %sub3A_68, %broadcast_in_dim3A_64 in 0 : vector<1x32xf32>, vector<1x32xf32> -> vector<2x32xf32>
    %swap3A_69 = arith.constant 0 : index
    %swap3A_70 = arith.constant 0 : index
    %swap3A_71 = vector.load %arg6[%swap3A_69, %swap3A_70] : memref<2x32xf32, #tpu.memory_space<vmem>>, vector<2x32xf32>
    tpu.vector_store %arg6[%swap3A_69, %swap3A_70], %concatenate3A {strides = array<i32>} : memref<2x32xf32, #tpu.memory_space<vmem>>, vector<2x32xf32>,
    return
  }
}

module attributes {stable_mosaic.version = 14 : i64} {
  func.func @_edge_body(%arg0: i32, %arg1: memref<32x256xf32, #tpu.memory_space<vmem>>, %arg2: memref<1024x128xf32, #tpu.memory_space<vmem>>, %arg3: memref<1024x8xf32, #tpu.memory_space<vmem>>, %arg4: memref<2x256xf32, #tpu.memory_space<vmem>>, %arg5: memref<1x16xf32, #tpu.memory_space<vmem>>, %arg6: memref<32x256xf32, #tpu.memory_space<vmem>>, %arg7: memref<256x2048xf32, #tpu.memory_space<vmem>>) attributes {dimension_semantics = [#tpu.dimension_semantics<arbitrary>], iteration_bounds = array<i64: 20>, scalar_prefetch = 0 : i64, scratch_operands = 1 : i64, tpu.core_type = #tpu.core_type<tc>, window_params = [{pipeline_mode = #tpu.pipeline_mode<synchronous>, transform_indices = @transform_0, window_bounds = array<i64: 32, 256>}, {transform_indices = @transform_1, window_bounds = array<i64: 1024, 128>}, {transform_indices = @transform_2, window_bounds = array<i64: 1024, 8>}, {pipeline_mode = #tpu.pipeline_mode<synchronous>, transform_indices = @transform_3, window_bounds = array<i64: 2, 256>}, {pipeline_mode = #tpu.pipeline_mode<synchronous>, transform_indices = @transform_4, window_bounds = array<i64: 1, 16>}, {pipeline_mode = #tpu.pipeline_mode<synchronous>, transform_indices = @transform_5, window_bounds = array<i64: 32, 256>}]} {
    %get3A = arith.constant 0 : index
    %get3A_0 = arith.constant 0 : index
    %get3A_1 = vector.load %arg2[%get3A, %get3A_0] : memref<1024x128xf32, #tpu.memory_space<vmem>>, vector<1024x128xf32>
    %get3A_2 = arith.constant 0 : index
    %get3A_3 = arith.constant 0 : index
    %get3A_4 = vector.load %arg5[%get3A_2, %get3A_3] : memref<1x16xf32, #tpu.memory_space<vmem>>, vector<1x1xf32>
    %get3A_5 = vector.extract %get3A_4[0, 0] : f32 from vector<1x1xf32>
    %sub3A = vector.broadcast %get3A_5 : f32 to vector<1024x128xf32>
    %sub3A_6 = arith.subf %get3A_1, %sub3A : vector<1024x128xf32>
    %mul3A = arith.constant 5.000000e+02 : f32
    %mul3A_7 = vector.broadcast %mul3A : f32 to vector<1024x128xf32>
    %mul3A_8 = arith.mulf %mul3A_7, %sub3A_6 : vector<1024x128xf32>
    %exp3A = math.exp %mul3A_8 : vector<1024x128xf32>
    %add3A = arith.constant 1.000000e+00 : f32
    %add3A_9 = vector.broadcast %add3A : f32 to vector<1024x128xf32>
    %add3A_10 = arith.addf %add3A_9, %exp3A : vector<1024x128xf32>
    %div3A = arith.constant 1.000000e+00 : f32
    %div3A_11 = vector.broadcast %div3A : f32 to vector<1024x128xf32>
    %div3A_12 = arith.divf %div3A_11, %add3A_10 : vector<1024x128xf32>
    %get3A_13 = arith.constant 0 : index
    %get3A_14 = arith.constant 1 : index
    %get3A_15 = vector.load %arg5[%get3A_13, %get3A_14] : memref<1x16xf32, #tpu.memory_space<vmem>>, vector<1x1xf32>
    %get3A_16 = vector.extract %get3A_15[0, 0] : f32 from vector<1x1xf32>
    %sub3A_17 = vector.broadcast %get3A_16 : f32 to vector<1024x128xf32>
    %sub3A_18 = arith.subf %get3A_1, %sub3A_17 : vector<1024x128xf32>
    %mul3A_19 = arith.constant 5.000000e+02 : f32
    %mul3A_20 = vector.broadcast %mul3A_19 : f32 to vector<1024x128xf32>
    %mul3A_21 = arith.mulf %mul3A_20, %sub3A_18 : vector<1024x128xf32>
    %exp3A_22 = math.exp %mul3A_21 : vector<1024x128xf32>
    %add3A_23 = arith.constant 1.000000e+00 : f32
    %add3A_24 = vector.broadcast %add3A_23 : f32 to vector<1024x128xf32>
    %add3A_25 = arith.addf %add3A_24, %exp3A_22 : vector<1024x128xf32>
    %div3A_26 = arith.constant 1.000000e+00 : f32
    %div3A_27 = vector.broadcast %div3A_26 : f32 to vector<1024x128xf32>
    %div3A_28 = arith.divf %div3A_27, %add3A_25 : vector<1024x128xf32>
    %get3A_29 = arith.constant 0 : index
    %get3A_30 = arith.constant 2 : index
    %get3A_31 = vector.load %arg5[%get3A_29, %get3A_30] : memref<1x16xf32, #tpu.memory_space<vmem>>, vector<1x1xf32>
    %get3A_32 = vector.extract %get3A_31[0, 0] : f32 from vector<1x1xf32>
    %sub3A_33 = vector.broadcast %get3A_32 : f32 to vector<1024x128xf32>
    %sub3A_34 = arith.subf %get3A_1, %sub3A_33 : vector<1024x128xf32>
    %mul3A_35 = arith.constant 5.000000e+02 : f32
    %mul3A_36 = vector.broadcast %mul3A_35 : f32 to vector<1024x128xf32>
    %mul3A_37 = arith.mulf %mul3A_36, %sub3A_34 : vector<1024x128xf32>
    %exp3A_38 = math.exp %mul3A_37 : vector<1024x128xf32>
    %add3A_39 = arith.constant 1.000000e+00 : f32
    %add3A_40 = vector.broadcast %add3A_39 : f32 to vector<1024x128xf32>
    %add3A_41 = arith.addf %add3A_40, %exp3A_38 : vector<1024x128xf32>
    %div3A_42 = arith.constant 1.000000e+00 : f32
    %div3A_43 = vector.broadcast %div3A_42 : f32 to vector<1024x128xf32>
    %div3A_44 = arith.divf %div3A_43, %add3A_41 : vector<1024x128xf32>
    %get3A_45 = arith.constant 0 : index
    %get3A_46 = arith.constant 3 : index
    %get3A_47 = vector.load %arg5[%get3A_45, %get3A_46] : memref<1x16xf32, #tpu.memory_space<vmem>>, vector<1x1xf32>
    %get3A_48 = vector.extract %get3A_47[0, 0] : f32 from vector<1x1xf32>
    %sub3A_49 = vector.broadcast %get3A_48 : f32 to vector<1024x128xf32>
    %sub3A_50 = arith.subf %get3A_1, %sub3A_49 : vector<1024x128xf32>
    %mul3A_51 = arith.constant 5.000000e+02 : f32
    %mul3A_52 = vector.broadcast %mul3A_51 : f32 to vector<1024x128xf32>
    %mul3A_53 = arith.mulf %mul3A_52, %sub3A_50 : vector<1024x128xf32>
    %exp3A_54 = math.exp %mul3A_53 : vector<1024x128xf32>
    %add3A_55 = arith.constant 1.000000e+00 : f32
    %add3A_56 = vector.broadcast %add3A_55 : f32 to vector<1024x128xf32>
    %add3A_57 = arith.addf %add3A_56, %exp3A_54 : vector<1024x128xf32>
    %div3A_58 = arith.constant 1.000000e+00 : f32
    %div3A_59 = vector.broadcast %div3A_58 : f32 to vector<1024x128xf32>
    %div3A_60 = arith.divf %div3A_59, %add3A_57 : vector<1024x128xf32>
    %get3A_61 = arith.constant 0 : index
    %get3A_62 = arith.constant 4 : index
    %get3A_63 = vector.load %arg5[%get3A_61, %get3A_62] : memref<1x16xf32, #tpu.memory_space<vmem>>, vector<1x1xf32>
    %get3A_64 = vector.extract %get3A_63[0, 0] : f32 from vector<1x1xf32>
    %sub3A_65 = vector.broadcast %get3A_64 : f32 to vector<1024x128xf32>
    %sub3A_66 = arith.subf %get3A_1, %sub3A_65 : vector<1024x128xf32>
    %mul3A_67 = arith.constant 5.000000e+02 : f32
    %mul3A_68 = vector.broadcast %mul3A_67 : f32 to vector<1024x128xf32>
    %mul3A_69 = arith.mulf %mul3A_68, %sub3A_66 : vector<1024x128xf32>
    %exp3A_70 = math.exp %mul3A_69 : vector<1024x128xf32>
    %add3A_71 = arith.constant 1.000000e+00 : f32
    %add3A_72 = vector.broadcast %add3A_71 : f32 to vector<1024x128xf32>
    %add3A_73 = arith.addf %add3A_72, %exp3A_70 : vector<1024x128xf32>
    %div3A_74 = arith.constant 1.000000e+00 : f32
    %div3A_75 = vector.broadcast %div3A_74 : f32 to vector<1024x128xf32>
    %div3A_76 = arith.divf %div3A_75, %add3A_73 : vector<1024x128xf32>
    %get3A_77 = arith.constant 0 : index
    %get3A_78 = arith.constant 5 : index
    %get3A_79 = vector.load %arg5[%get3A_77, %get3A_78] : memref<1x16xf32, #tpu.memory_space<vmem>>, vector<1x1xf32>
    %get3A_80 = vector.extract %get3A_79[0, 0] : f32 from vector<1x1xf32>
    %sub3A_81 = vector.broadcast %get3A_80 : f32 to vector<1024x128xf32>
    %sub3A_82 = arith.subf %get3A_1, %sub3A_81 : vector<1024x128xf32>
    %mul3A_83 = arith.constant 5.000000e+02 : f32
    %mul3A_84 = vector.broadcast %mul3A_83 : f32 to vector<1024x128xf32>
    %mul3A_85 = arith.mulf %mul3A_84, %sub3A_82 : vector<1024x128xf32>
    %exp3A_86 = math.exp %mul3A_85 : vector<1024x128xf32>
    %add3A_87 = arith.constant 1.000000e+00 : f32
    %add3A_88 = vector.broadcast %add3A_87 : f32 to vector<1024x128xf32>
    %add3A_89 = arith.addf %add3A_88, %exp3A_86 : vector<1024x128xf32>
    %div3A_90 = arith.constant 1.000000e+00 : f32
    %div3A_91 = vector.broadcast %div3A_90 : f32 to vector<1024x128xf32>
    %div3A_92 = arith.divf %div3A_91, %add3A_89 : vector<1024x128xf32>
    %get3A_93 = arith.constant 0 : index
    %get3A_94 = arith.constant 6 : index
    %get3A_95 = vector.load %arg5[%get3A_93, %get3A_94] : memref<1x16xf32, #tpu.memory_space<vmem>>, vector<1x1xf32>
    %get3A_96 = vector.extract %get3A_95[0, 0] : f32 from vector<1x1xf32>
    %sub3A_97 = vector.broadcast %get3A_96 : f32 to vector<1024x128xf32>
    %sub3A_98 = arith.subf %get3A_1, %sub3A_97 : vector<1024x128xf32>
    %mul3A_99 = arith.constant 5.000000e+02 : f32
    %mul3A_100 = vector.broadcast %mul3A_99 : f32 to vector<1024x128xf32>
    %mul3A_101 = arith.mulf %mul3A_100, %sub3A_98 : vector<1024x128xf32>
    %exp3A_102 = math.exp %mul3A_101 : vector<1024x128xf32>
    %add3A_103 = arith.constant 1.000000e+00 : f32
    %add3A_104 = vector.broadcast %add3A_103 : f32 to vector<1024x128xf32>
    %add3A_105 = arith.addf %add3A_104, %exp3A_102 : vector<1024x128xf32>
    %div3A_106 = arith.constant 1.000000e+00 : f32
    %div3A_107 = vector.broadcast %div3A_106 : f32 to vector<1024x128xf32>
    %div3A_108 = arith.divf %div3A_107, %add3A_105 : vector<1024x128xf32>
    %get3A_109 = arith.constant 0 : index
    %get3A_110 = arith.constant 7 : index
    %get3A_111 = vector.load %arg5[%get3A_109, %get3A_110] : memref<1x16xf32, #tpu.memory_space<vmem>>, vector<1x1xf32>
    %get3A_112 = vector.extract %get3A_111[0, 0] : f32 from vector<1x1xf32>
    %sub3A_113 = vector.broadcast %get3A_112 : f32 to vector<1024x128xf32>
    %sub3A_114 = arith.subf %get3A_1, %sub3A_113 : vector<1024x128xf32>
    %mul3A_115 = arith.constant 5.000000e+02 : f32
    %mul3A_116 = vector.broadcast %mul3A_115 : f32 to vector<1024x128xf32>
    %mul3A_117 = arith.mulf %mul3A_116, %sub3A_114 : vector<1024x128xf32>
    %exp3A_118 = math.exp %mul3A_117 : vector<1024x128xf32>
    %add3A_119 = arith.constant 1.000000e+00 : f32
    %add3A_120 = vector.broadcast %add3A_119 : f32 to vector<1024x128xf32>
    %add3A_121 = arith.addf %add3A_120, %exp3A_118 : vector<1024x128xf32>
    %div3A_122 = arith.constant 1.000000e+00 : f32
    %div3A_123 = vector.broadcast %div3A_122 : f32 to vector<1024x128xf32>
    %div3A_124 = arith.divf %div3A_123, %add3A_121 : vector<1024x128xf32>
    %get3A_125 = arith.constant 0 : index
    %get3A_126 = arith.constant 8 : index
    %get3A_127 = vector.load %arg5[%get3A_125, %get3A_126] : memref<1x16xf32, #tpu.memory_space<vmem>>, vector<1x1xf32>
    %get3A_128 = vector.extract %get3A_127[0, 0] : f32 from vector<1x1xf32>
    %sub3A_129 = vector.broadcast %get3A_128 : f32 to vector<1024x128xf32>
    %sub3A_130 = arith.subf %get3A_1, %sub3A_129 : vector<1024x128xf32>
    %mul3A_131 = arith.constant 5.000000e+02 : f32
    %mul3A_132 = vector.broadcast %mul3A_131 : f32 to vector<1024x128xf32>
    %mul3A_133 = arith.mulf %mul3A_132, %sub3A_130 : vector<1024x128xf32>
    %exp3A_134 = math.exp %mul3A_133 : vector<1024x128xf32>
    %add3A_135 = arith.constant 1.000000e+00 : f32
    %add3A_136 = vector.broadcast %add3A_135 : f32 to vector<1024x128xf32>
    %add3A_137 = arith.addf %add3A_136, %exp3A_134 : vector<1024x128xf32>
    %div3A_138 = arith.constant 1.000000e+00 : f32
    %div3A_139 = vector.broadcast %div3A_138 : f32 to vector<1024x128xf32>
    %div3A_140 = arith.divf %div3A_139, %add3A_137 : vector<1024x128xf32>
    %get3A_141 = arith.constant 0 : index
    %get3A_142 = arith.constant 9 : index
    %get3A_143 = vector.load %arg5[%get3A_141, %get3A_142] : memref<1x16xf32, #tpu.memory_space<vmem>>, vector<1x1xf32>
    %get3A_144 = vector.extract %get3A_143[0, 0] : f32 from vector<1x1xf32>
    %sub3A_145 = vector.broadcast %get3A_144 : f32 to vector<1024x128xf32>
    %sub3A_146 = arith.subf %get3A_1, %sub3A_145 : vector<1024x128xf32>
    %mul3A_147 = arith.constant 5.000000e+02 : f32
    %mul3A_148 = vector.broadcast %mul3A_147 : f32 to vector<1024x128xf32>
    %mul3A_149 = arith.mulf %mul3A_148, %sub3A_146 : vector<1024x128xf32>
    %exp3A_150 = math.exp %mul3A_149 : vector<1024x128xf32>
    %add3A_151 = arith.constant 1.000000e+00 : f32
    %add3A_152 = vector.broadcast %add3A_151 : f32 to vector<1024x128xf32>
    %add3A_153 = arith.addf %add3A_152, %exp3A_150 : vector<1024x128xf32>
    %div3A_154 = arith.constant 1.000000e+00 : f32
    %div3A_155 = vector.broadcast %div3A_154 : f32 to vector<1024x128xf32>
    %div3A_156 = arith.divf %div3A_155, %add3A_153 : vector<1024x128xf32>
    %get3A_157 = arith.constant 0 : index
    %get3A_158 = arith.constant 10 : index
    %get3A_159 = vector.load %arg5[%get3A_157, %get3A_158] : memref<1x16xf32, #tpu.memory_space<vmem>>, vector<1x1xf32>
    %get3A_160 = vector.extract %get3A_159[0, 0] : f32 from vector<1x1xf32>
    %sub3A_161 = vector.broadcast %get3A_160 : f32 to vector<1024x128xf32>
    %sub3A_162 = arith.subf %get3A_1, %sub3A_161 : vector<1024x128xf32>
    %mul3A_163 = arith.constant 5.000000e+02 : f32
    %mul3A_164 = vector.broadcast %mul3A_163 : f32 to vector<1024x128xf32>
    %mul3A_165 = arith.mulf %mul3A_164, %sub3A_162 : vector<1024x128xf32>
    %exp3A_166 = math.exp %mul3A_165 : vector<1024x128xf32>
    %add3A_167 = arith.constant 1.000000e+00 : f32
    %add3A_168 = vector.broadcast %add3A_167 : f32 to vector<1024x128xf32>
    %add3A_169 = arith.addf %add3A_168, %exp3A_166 : vector<1024x128xf32>
    %div3A_170 = arith.constant 1.000000e+00 : f32
    %div3A_171 = vector.broadcast %div3A_170 : f32 to vector<1024x128xf32>
    %div3A_172 = arith.divf %div3A_171, %add3A_169 : vector<1024x128xf32>
    %get3A_173 = arith.constant 0 : index
    %get3A_174 = arith.constant 11 : index
    %get3A_175 = vector.load %arg5[%get3A_173, %get3A_174] : memref<1x16xf32, #tpu.memory_space<vmem>>, vector<1x1xf32>
    %get3A_176 = vector.extract %get3A_175[0, 0] : f32 from vector<1x1xf32>
    %sub3A_177 = vector.broadcast %get3A_176 : f32 to vector<1024x128xf32>
    %sub3A_178 = arith.subf %get3A_1, %sub3A_177 : vector<1024x128xf32>
    %mul3A_179 = arith.constant 5.000000e+02 : f32
    %mul3A_180 = vector.broadcast %mul3A_179 : f32 to vector<1024x128xf32>
    %mul3A_181 = arith.mulf %mul3A_180, %sub3A_178 : vector<1024x128xf32>
    %exp3A_182 = math.exp %mul3A_181 : vector<1024x128xf32>
    %add3A_183 = arith.constant 1.000000e+00 : f32
    %add3A_184 = vector.broadcast %add3A_183 : f32 to vector<1024x128xf32>
    %add3A_185 = arith.addf %add3A_184, %exp3A_182 : vector<1024x128xf32>
    %div3A_186 = arith.constant 1.000000e+00 : f32
    %div3A_187 = vector.broadcast %div3A_186 : f32 to vector<1024x128xf32>
    %div3A_188 = arith.divf %div3A_187, %add3A_185 : vector<1024x128xf32>
    %get3A_189 = arith.constant 0 : index
    %get3A_190 = arith.constant 12 : index
    %get3A_191 = vector.load %arg5[%get3A_189, %get3A_190] : memref<1x16xf32, #tpu.memory_space<vmem>>, vector<1x1xf32>
    %get3A_192 = vector.extract %get3A_191[0, 0] : f32 from vector<1x1xf32>
    %sub3A_193 = vector.broadcast %get3A_192 : f32 to vector<1024x128xf32>
    %sub3A_194 = arith.subf %get3A_1, %sub3A_193 : vector<1024x128xf32>
    %mul3A_195 = arith.constant 5.000000e+02 : f32
    %mul3A_196 = vector.broadcast %mul3A_195 : f32 to vector<1024x128xf32>
    %mul3A_197 = arith.mulf %mul3A_196, %sub3A_194 : vector<1024x128xf32>
    %exp3A_198 = math.exp %mul3A_197 : vector<1024x128xf32>
    %add3A_199 = arith.constant 1.000000e+00 : f32
    %add3A_200 = vector.broadcast %add3A_199 : f32 to vector<1024x128xf32>
    %add3A_201 = arith.addf %add3A_200, %exp3A_198 : vector<1024x128xf32>
    %div3A_202 = arith.constant 1.000000e+00 : f32
    %div3A_203 = vector.broadcast %div3A_202 : f32 to vector<1024x128xf32>
    %div3A_204 = arith.divf %div3A_203, %add3A_201 : vector<1024x128xf32>
    %get3A_205 = arith.constant 0 : index
    %get3A_206 = arith.constant 13 : index
    %get3A_207 = vector.load %arg5[%get3A_205, %get3A_206] : memref<1x16xf32, #tpu.memory_space<vmem>>, vector<1x1xf32>
    %get3A_208 = vector.extract %get3A_207[0, 0] : f32 from vector<1x1xf32>
    %sub3A_209 = vector.broadcast %get3A_208 : f32 to vector<1024x128xf32>
    %sub3A_210 = arith.subf %get3A_1, %sub3A_209 : vector<1024x128xf32>
    %mul3A_211 = arith.constant 5.000000e+02 : f32
    %mul3A_212 = vector.broadcast %mul3A_211 : f32 to vector<1024x128xf32>
    %mul3A_213 = arith.mulf %mul3A_212, %sub3A_210 : vector<1024x128xf32>
    %exp3A_214 = math.exp %mul3A_213 : vector<1024x128xf32>
    %add3A_215 = arith.constant 1.000000e+00 : f32
    %add3A_216 = vector.broadcast %add3A_215 : f32 to vector<1024x128xf32>
    %add3A_217 = arith.addf %add3A_216, %exp3A_214 : vector<1024x128xf32>
    %div3A_218 = arith.constant 1.000000e+00 : f32
    %div3A_219 = vector.broadcast %div3A_218 : f32 to vector<1024x128xf32>
    %div3A_220 = arith.divf %div3A_219, %add3A_217 : vector<1024x128xf32>
    %get3A_221 = arith.constant 0 : index
    %get3A_222 = arith.constant 14 : index
    %get3A_223 = vector.load %arg5[%get3A_221, %get3A_222] : memref<1x16xf32, #tpu.memory_space<vmem>>, vector<1x1xf32>
    %get3A_224 = vector.extract %get3A_223[0, 0] : f32 from vector<1x1xf32>
    %sub3A_225 = vector.broadcast %get3A_224 : f32 to vector<1024x128xf32>
    %sub3A_226 = arith.subf %get3A_1, %sub3A_225 : vector<1024x128xf32>
    %mul3A_227 = arith.constant 5.000000e+02 : f32
    %mul3A_228 = vector.broadcast %mul3A_227 : f32 to vector<1024x128xf32>
    %mul3A_229 = arith.mulf %mul3A_228, %sub3A_226 : vector<1024x128xf32>
    %exp3A_230 = math.exp %mul3A_229 : vector<1024x128xf32>
    %add3A_231 = arith.constant 1.000000e+00 : f32
    %add3A_232 = vector.broadcast %add3A_231 : f32 to vector<1024x128xf32>
    %add3A_233 = arith.addf %add3A_232, %exp3A_230 : vector<1024x128xf32>
    %div3A_234 = arith.constant 1.000000e+00 : f32
    %div3A_235 = vector.broadcast %div3A_234 : f32 to vector<1024x128xf32>
    %div3A_236 = arith.divf %div3A_235, %add3A_233 : vector<1024x128xf32>
    %get3A_237 = arith.constant 0 : index
    %get3A_238 = arith.constant 15 : index
    %get3A_239 = vector.load %arg5[%get3A_237, %get3A_238] : memref<1x16xf32, #tpu.memory_space<vmem>>, vector<1x1xf32>
    %get3A_240 = vector.extract %get3A_239[0, 0] : f32 from vector<1x1xf32>
    %sub3A_241 = vector.broadcast %get3A_240 : f32 to vector<1024x128xf32>
    %sub3A_242 = arith.subf %get3A_1, %sub3A_241 : vector<1024x128xf32>
    %mul3A_243 = arith.constant 5.000000e+02 : f32
    %mul3A_244 = vector.broadcast %mul3A_243 : f32 to vector<1024x128xf32>
    %mul3A_245 = arith.mulf %mul3A_244, %sub3A_242 : vector<1024x128xf32>
    %exp3A_246 = math.exp %mul3A_245 : vector<1024x128xf32>
    %add3A_247 = arith.constant 1.000000e+00 : f32
    %add3A_248 = vector.broadcast %add3A_247 : f32 to vector<1024x128xf32>
    %add3A_249 = arith.addf %add3A_248, %exp3A_246 : vector<1024x128xf32>
    %div3A_250 = arith.constant 1.000000e+00 : f32
    %div3A_251 = vector.broadcast %div3A_250 : f32 to vector<1024x128xf32>
    %div3A_252 = arith.divf %div3A_251, %add3A_249 : vector<1024x128xf32>
    %concatenate3A = tpu.concatenate %div3A_12, %div3A_28, %div3A_44, %div3A_60, %div3A_76, %div3A_92, %div3A_108, %div3A_124, %div3A_140, %div3A_156, %div3A_172, %div3A_188, %div3A_204, %div3A_220, %div3A_236, %div3A_252 in 1 : vector<1024x128xf32>, vector<1024x128xf32>, vector<1024x128xf32>, vector<1024x128xf32>, vector<1024x128xf32>, vector<1024x128xf32>, vector<1024x128xf32>, vector<1024x128xf32>, vector<1024x128xf32>, vector<1024x128xf32>, vector<1024x128xf32>, vector<1024x128xf32>, vector<1024x128xf32>, vector<1024x128xf32>, vector<1024x128xf32>, vector<1024x128xf32> -> vector<1024x2048xf32>
    %get3A_253 = arith.constant 0 : index
    %get3A_254 = arith.constant 0 : index
    %get3A_255 = vector.load %arg3[%get3A_253, %get3A_254] : memref<1024x8xf32, #tpu.memory_space<vmem>>, vector<1024x8xf32>
    %get3A_256 = arith.constant 0 : index
    %get3A_257 = arith.constant 0 : index
    %get3A_258 = vector.load %arg4[%get3A_256, %get3A_257] : memref<2x256xf32, #tpu.memory_space<vmem>>, vector<1x32xf32>
    %get3A_259 = arith.constant 1 : index
    %get3A_260 = arith.constant 0 : index
    %get3A_261 = vector.load %arg4[%get3A_259, %get3A_260] : memref<2x256xf32, #tpu.memory_space<vmem>>, vector<1x32xf32>
    %slice3A = vector.extract_strided_slice %get3A_255 {offsets = [0, 0], sizes = [1024, 1], strides = [1, 1]} : vector<1024x8xf32> to vector<1024x1xf32>
    %sub3A_262 = arith.constant 5.000000e-01 : f32
    %sub3A_263 = vector.broadcast %sub3A_262 : f32 to vector<1x32xf32>
    %sub3A_264 = arith.subf %get3A_258, %sub3A_263 : vector<1x32xf32>
    %ge3A = vector.broadcast %slice3A : vector<1024x1xf32> to vector<1024x32xf32>
    %ge3A_265 = vector.broadcast %sub3A_264 : vector<1x32xf32> to vector<1024x32xf32>
    %ge3A_266 = arith.cmpf oge, %ge3A, %ge3A_265 : vector<1024x32xf32>
    %sub3A_267 = arith.constant 5.000000e-01 : f32
    %sub3A_268 = vector.broadcast %sub3A_267 : f32 to vector<1x32xf32>
    %sub3A_269 = arith.subf %get3A_261, %sub3A_268 : vector<1x32xf32>
    %lt3A = vector.broadcast %slice3A : vector<1024x1xf32> to vector<1024x32xf32>
    %lt3A_270 = vector.broadcast %sub3A_269 : vector<1x32xf32> to vector<1024x32xf32>
    %lt3A_271 = arith.cmpf olt, %lt3A, %lt3A_270 : vector<1024x32xf32>
    %and3A = arith.andi %ge3A_266, %lt3A_271 : vector<1024x32xi1>
    %convert_element_type3A = arith.extui %and3A : vector<1024x32xi1> to vector<1024x32xi32>
    %convert_element_type3A_272 = arith.sitofp %convert_element_type3A : vector<1024x32xi32> to vector<1024x32xf32>
    %slice3A_273 = vector.extract_strided_slice %get3A_255 {offsets = [0, 1], sizes = [1024, 1], strides = [1, 1]} : vector<1024x8xf32> to vector<1024x1xf32>
    %sub3A_274 = arith.constant 5.000000e-01 : f32
    %sub3A_275 = vector.broadcast %sub3A_274 : f32 to vector<1x32xf32>
    %sub3A_276 = arith.subf %get3A_258, %sub3A_275 : vector<1x32xf32>
    %ge3A_277 = vector.broadcast %slice3A_273 : vector<1024x1xf32> to vector<1024x32xf32>
    %ge3A_278 = vector.broadcast %sub3A_276 : vector<1x32xf32> to vector<1024x32xf32>
    %ge3A_279 = arith.cmpf oge, %ge3A_277, %ge3A_278 : vector<1024x32xf32>
    %sub3A_280 = arith.constant 5.000000e-01 : f32
    %sub3A_281 = vector.broadcast %sub3A_280 : f32 to vector<1x32xf32>
    %sub3A_282 = arith.subf %get3A_261, %sub3A_281 : vector<1x32xf32>
    %lt3A_283 = vector.broadcast %slice3A_273 : vector<1024x1xf32> to vector<1024x32xf32>
    %lt3A_284 = vector.broadcast %sub3A_282 : vector<1x32xf32> to vector<1024x32xf32>
    %lt3A_285 = arith.cmpf olt, %lt3A_283, %lt3A_284 : vector<1024x32xf32>
    %and3A_286 = arith.andi %ge3A_279, %lt3A_285 : vector<1024x32xi1>
    %convert_element_type3A_287 = arith.extui %and3A_286 : vector<1024x32xi1> to vector<1024x32xi32>
    %convert_element_type3A_288 = arith.sitofp %convert_element_type3A_287 : vector<1024x32xi32> to vector<1024x32xf32>
    %slice3A_289 = vector.extract_strided_slice %get3A_255 {offsets = [0, 2], sizes = [1024, 1], strides = [1, 1]} : vector<1024x8xf32> to vector<1024x1xf32>
    %sub3A_290 = arith.constant 5.000000e-01 : f32
    %sub3A_291 = vector.broadcast %sub3A_290 : f32 to vector<1x32xf32>
    %sub3A_292 = arith.subf %get3A_258, %sub3A_291 : vector<1x32xf32>
    %ge3A_293 = vector.broadcast %slice3A_289 : vector<1024x1xf32> to vector<1024x32xf32>
    %ge3A_294 = vector.broadcast %sub3A_292 : vector<1x32xf32> to vector<1024x32xf32>
    %ge3A_295 = arith.cmpf oge, %ge3A_293, %ge3A_294 : vector<1024x32xf32>
    %sub3A_296 = arith.constant 5.000000e-01 : f32
    %sub3A_297 = vector.broadcast %sub3A_296 : f32 to vector<1x32xf32>
    %sub3A_298 = arith.subf %get3A_261, %sub3A_297 : vector<1x32xf32>
    %lt3A_299 = vector.broadcast %slice3A_289 : vector<1024x1xf32> to vector<1024x32xf32>
    %lt3A_300 = vector.broadcast %sub3A_298 : vector<1x32xf32> to vector<1024x32xf32>
    %lt3A_301 = arith.cmpf olt, %lt3A_299, %lt3A_300 : vector<1024x32xf32>
    %and3A_302 = arith.andi %ge3A_295, %lt3A_301 : vector<1024x32xi1>
    %convert_element_type3A_303 = arith.extui %and3A_302 : vector<1024x32xi1> to vector<1024x32xi32>
    %convert_element_type3A_304 = arith.sitofp %convert_element_type3A_303 : vector<1024x32xi32> to vector<1024x32xf32>
    %slice3A_305 = vector.extract_strided_slice %get3A_255 {offsets = [0, 3], sizes = [1024, 1], strides = [1, 1]} : vector<1024x8xf32> to vector<1024x1xf32>
    %sub3A_306 = arith.constant 5.000000e-01 : f32
    %sub3A_307 = vector.broadcast %sub3A_306 : f32 to vector<1x32xf32>
    %sub3A_308 = arith.subf %get3A_258, %sub3A_307 : vector<1x32xf32>
    %ge3A_309 = vector.broadcast %slice3A_305 : vector<1024x1xf32> to vector<1024x32xf32>
    %ge3A_310 = vector.broadcast %sub3A_308 : vector<1x32xf32> to vector<1024x32xf32>
    %ge3A_311 = arith.cmpf oge, %ge3A_309, %ge3A_310 : vector<1024x32xf32>
    %sub3A_312 = arith.constant 5.000000e-01 : f32
    %sub3A_313 = vector.broadcast %sub3A_312 : f32 to vector<1x32xf32>
    %sub3A_314 = arith.subf %get3A_261, %sub3A_313 : vector<1x32xf32>
    %lt3A_315 = vector.broadcast %slice3A_305 : vector<1024x1xf32> to vector<1024x32xf32>
    %lt3A_316 = vector.broadcast %sub3A_314 : vector<1x32xf32> to vector<1024x32xf32>
    %lt3A_317 = arith.cmpf olt, %lt3A_315, %lt3A_316 : vector<1024x32xf32>
    %and3A_318 = arith.andi %ge3A_311, %lt3A_317 : vector<1024x32xi1>
    %convert_element_type3A_319 = arith.extui %and3A_318 : vector<1024x32xi1> to vector<1024x32xi32>
    %convert_element_type3A_320 = arith.sitofp %convert_element_type3A_319 : vector<1024x32xi32> to vector<1024x32xf32>
    %slice3A_321 = vector.extract_strided_slice %get3A_255 {offsets = [0, 4], sizes = [1024, 1], strides = [1, 1]} : vector<1024x8xf32> to vector<1024x1xf32>
    %sub3A_322 = arith.constant 5.000000e-01 : f32
    %sub3A_323 = vector.broadcast %sub3A_322 : f32 to vector<1x32xf32>
    %sub3A_324 = arith.subf %get3A_258, %sub3A_323 : vector<1x32xf32>
    %ge3A_325 = vector.broadcast %slice3A_321 : vector<1024x1xf32> to vector<1024x32xf32>
    %ge3A_326 = vector.broadcast %sub3A_324 : vector<1x32xf32> to vector<1024x32xf32>
    %ge3A_327 = arith.cmpf oge, %ge3A_325, %ge3A_326 : vector<1024x32xf32>
    %sub3A_328 = arith.constant 5.000000e-01 : f32
    %sub3A_329 = vector.broadcast %sub3A_328 : f32 to vector<1x32xf32>
    %sub3A_330 = arith.subf %get3A_261, %sub3A_329 : vector<1x32xf32>
    %lt3A_331 = vector.broadcast %slice3A_321 : vector<1024x1xf32> to vector<1024x32xf32>
    %lt3A_332 = vector.broadcast %sub3A_330 : vector<1x32xf32> to vector<1024x32xf32>
    %lt3A_333 = arith.cmpf olt, %lt3A_331, %lt3A_332 : vector<1024x32xf32>
    %and3A_334 = arith.andi %ge3A_327, %lt3A_333 : vector<1024x32xi1>
    %convert_element_type3A_335 = arith.extui %and3A_334 : vector<1024x32xi1> to vector<1024x32xi32>
    %convert_element_type3A_336 = arith.sitofp %convert_element_type3A_335 : vector<1024x32xi32> to vector<1024x32xf32>
    %slice3A_337 = vector.extract_strided_slice %get3A_255 {offsets = [0, 5], sizes = [1024, 1], strides = [1, 1]} : vector<1024x8xf32> to vector<1024x1xf32>
    %sub3A_338 = arith.constant 5.000000e-01 : f32
    %sub3A_339 = vector.broadcast %sub3A_338 : f32 to vector<1x32xf32>
    %sub3A_340 = arith.subf %get3A_258, %sub3A_339 : vector<1x32xf32>
    %ge3A_341 = vector.broadcast %slice3A_337 : vector<1024x1xf32> to vector<1024x32xf32>
    %ge3A_342 = vector.broadcast %sub3A_340 : vector<1x32xf32> to vector<1024x32xf32>
    %ge3A_343 = arith.cmpf oge, %ge3A_341, %ge3A_342 : vector<1024x32xf32>
    %sub3A_344 = arith.constant 5.000000e-01 : f32
    %sub3A_345 = vector.broadcast %sub3A_344 : f32 to vector<1x32xf32>
    %sub3A_346 = arith.subf %get3A_261, %sub3A_345 : vector<1x32xf32>
    %lt3A_347 = vector.broadcast %slice3A_337 : vector<1024x1xf32> to vector<1024x32xf32>
    %lt3A_348 = vector.broadcast %sub3A_346 : vector<1x32xf32> to vector<1024x32xf32>
    %lt3A_349 = arith.cmpf olt, %lt3A_347, %lt3A_348 : vector<1024x32xf32>
    %and3A_350 = arith.andi %ge3A_343, %lt3A_349 : vector<1024x32xi1>
    %convert_element_type3A_351 = arith.extui %and3A_350 : vector<1024x32xi1> to vector<1024x32xi32>
    %convert_element_type3A_352 = arith.sitofp %convert_element_type3A_351 : vector<1024x32xi32> to vector<1024x32xf32>
    %slice3A_353 = vector.extract_strided_slice %get3A_255 {offsets = [0, 6], sizes = [1024, 1], strides = [1, 1]} : vector<1024x8xf32> to vector<1024x1xf32>
    %sub3A_354 = arith.constant 5.000000e-01 : f32
    %sub3A_355 = vector.broadcast %sub3A_354 : f32 to vector<1x32xf32>
    %sub3A_356 = arith.subf %get3A_258, %sub3A_355 : vector<1x32xf32>
    %ge3A_357 = vector.broadcast %slice3A_353 : vector<1024x1xf32> to vector<1024x32xf32>
    %ge3A_358 = vector.broadcast %sub3A_356 : vector<1x32xf32> to vector<1024x32xf32>
    %ge3A_359 = arith.cmpf oge, %ge3A_357, %ge3A_358 : vector<1024x32xf32>
    %sub3A_360 = arith.constant 5.000000e-01 : f32
    %sub3A_361 = vector.broadcast %sub3A_360 : f32 to vector<1x32xf32>
    %sub3A_362 = arith.subf %get3A_261, %sub3A_361 : vector<1x32xf32>
    %lt3A_363 = vector.broadcast %slice3A_353 : vector<1024x1xf32> to vector<1024x32xf32>
    %lt3A_364 = vector.broadcast %sub3A_362 : vector<1x32xf32> to vector<1024x32xf32>
    %lt3A_365 = arith.cmpf olt, %lt3A_363, %lt3A_364 : vector<1024x32xf32>
    %and3A_366 = arith.andi %ge3A_359, %lt3A_365 : vector<1024x32xi1>
    %convert_element_type3A_367 = arith.extui %and3A_366 : vector<1024x32xi1> to vector<1024x32xi32>
    %convert_element_type3A_368 = arith.sitofp %convert_element_type3A_367 : vector<1024x32xi32> to vector<1024x32xf32>
    %slice3A_369 = vector.extract_strided_slice %get3A_255 {offsets = [0, 7], sizes = [1024, 1], strides = [1, 1]} : vector<1024x8xf32> to vector<1024x1xf32>
    %sub3A_370 = arith.constant 5.000000e-01 : f32
    %sub3A_371 = vector.broadcast %sub3A_370 : f32 to vector<1x32xf32>
    %sub3A_372 = arith.subf %get3A_258, %sub3A_371 : vector<1x32xf32>
    %ge3A_373 = vector.broadcast %slice3A_369 : vector<1024x1xf32> to vector<1024x32xf32>
    %ge3A_374 = vector.broadcast %sub3A_372 : vector<1x32xf32> to vector<1024x32xf32>
    %ge3A_375 = arith.cmpf oge, %ge3A_373, %ge3A_374 : vector<1024x32xf32>
    %sub3A_376 = arith.constant 5.000000e-01 : f32
    %sub3A_377 = vector.broadcast %sub3A_376 : f32 to vector<1x32xf32>
    %sub3A_378 = arith.subf %get3A_261, %sub3A_377 : vector<1x32xf32>
    %lt3A_379 = vector.broadcast %slice3A_369 : vector<1024x1xf32> to vector<1024x32xf32>
    %lt3A_380 = vector.broadcast %sub3A_378 : vector<1x32xf32> to vector<1024x32xf32>
    %lt3A_381 = arith.cmpf olt, %lt3A_379, %lt3A_380 : vector<1024x32xf32>
    %and3A_382 = arith.andi %ge3A_375, %lt3A_381 : vector<1024x32xi1>
    %convert_element_type3A_383 = arith.extui %and3A_382 : vector<1024x32xi1> to vector<1024x32xi32>
    %convert_element_type3A_384 = arith.sitofp %convert_element_type3A_383 : vector<1024x32xi32> to vector<1024x32xf32>
    %concatenate3A_385 = tpu.concatenate %convert_element_type3A_272, %convert_element_type3A_288, %convert_element_type3A_304, %convert_element_type3A_320, %convert_element_type3A_336, %convert_element_type3A_352, %convert_element_type3A_368, %convert_element_type3A_384 in 1 : vector<1024x32xf32>, vector<1024x32xf32>, vector<1024x32xf32>, vector<1024x32xf32>, vector<1024x32xf32>, vector<1024x32xf32>, vector<1024x32xf32>, vector<1024x32xf32> -> vector<1024x256xf32>
    %dot_general3A = arith.constant dense<0.000000e+00> : vector<256x2048xf32>
    %dot_general3A_386 = tpu.matmul %concatenate3A_385, %concatenate3A, %dot_general3A {dimension_numbers = #tpu.dot_dimension_numbers<[0], [0], [1], [1], [0, 1, 1, 1], [], []>, transpose_lhs_hint = false} : vector<1024x256xf32>, vector<1024x2048xf32>, vector<256x2048xf32> -> vector<256x2048xf32>
    %eq3A = arith.constant 0 : i32
    %eq3A_387 = arith.cmpi eq, %arg0, %eq3A : i32
    %convert_element_type3A_388 = arith.extui %eq3A_387 : i1 to i32
    %cond3A = arith.constant 0 : i32
    %cond3A_389 = arith.cmpi ne, %convert_element_type3A_388, %cond3A : i32
    scf.if %cond3A_389 {
      %swap3A = arith.constant 0 : index
      %swap3A_399 = arith.constant 0 : index
      %swap3A_400 = vector.load %arg7[%swap3A, %swap3A_399] : memref<256x2048xf32, #tpu.memory_space<vmem>>, vector<256x2048xf32>
      tpu.vector_store %arg7[%swap3A, %swap3A_399], %dot_general3A_386 {strides = array<i32>} : memref<256x2048xf32, #tpu.memory_space<vmem>>, vector<256x2048xf32>,
    } else {
    }
    %ne3A = arith.constant 0 : i32
    %ne3A_390 = arith.cmpi ne, %arg0, %ne3A : i32
    %convert_element_type3A_391 = arith.extui %ne3A_390 : i1 to i32
    %cond3A_392 = arith.constant 0 : i32
    %cond3A_393 = arith.cmpi ne, %convert_element_type3A_391, %cond3A_392 : i32
    scf.if %cond3A_393 {
      %get3A_399 = arith.constant 0 : index
      %get3A_400 = arith.constant 0 : index
      %get3A_401 = vector.load %arg7[%get3A_399, %get3A_400] : memref<256x2048xf32, #tpu.memory_space<vmem>>, vector<256x2048xf32>
      %add3A_402 = arith.addf %get3A_401, %dot_general3A_386 : vector<256x2048xf32>
      %swap3A = arith.constant 0 : index
      %swap3A_403 = arith.constant 0 : index
      %swap3A_404 = vector.load %arg7[%swap3A, %swap3A_403] : memref<256x2048xf32, #tpu.memory_space<vmem>>, vector<256x2048xf32>
      tpu.vector_store %arg7[%swap3A, %swap3A_403], %add3A_402 {strides = array<i32>} : memref<256x2048xf32, #tpu.memory_space<vmem>>, vector<256x2048xf32>,
    } else {
    }
    %eq3A_394 = arith.constant 19 : i32
    %eq3A_395 = arith.cmpi eq, %arg0, %eq3A_394 : i32
    %convert_element_type3A_396 = arith.extui %eq3A_395 : i1 to i32
    %cond3A_397 = arith.constant 0 : i32
    %cond3A_398 = arith.cmpi ne, %convert_element_type3A_396, %cond3A_397 : i32
    scf.if %cond3A_398 {
      %get3A_399 = arith.constant 0 : index
      %get3A_400 = arith.constant 0 : index
      %get3A_401 = vector.load %arg7[%get3A_399, %get3A_400] : memref<256x2048xf32, #tpu.memory_space<vmem>>, vector<32x16xf32>
      %get3A_402 = arith.constant 32 : index
      %get3A_403 = arith.constant 16 : index
      %get3A_404 = vector.load %arg7[%get3A_402, %get3A_403] : memref<256x2048xf32, #tpu.memory_space<vmem>>, vector<32x16xf32>
      %add3A_405 = arith.addf %get3A_401, %get3A_404 : vector<32x16xf32>
      %get3A_406 = arith.constant 64 : index
      %get3A_407 = arith.constant 32 : index
      %get3A_408 = vector.load %arg7[%get3A_406, %get3A_407] : memref<256x2048xf32, #tpu.memory_space<vmem>>, vector<32x16xf32>
      %add3A_409 = arith.addf %add3A_405, %get3A_408 : vector<32x16xf32>
      %get3A_410 = arith.constant 96 : index
      %get3A_411 = arith.constant 48 : index
      %get3A_412 = vector.load %arg7[%get3A_410, %get3A_411] : memref<256x2048xf32, #tpu.memory_space<vmem>>, vector<32x16xf32>
      %add3A_413 = arith.addf %add3A_409, %get3A_412 : vector<32x16xf32>
      %get3A_414 = arith.constant 128 : index
      %get3A_415 = arith.constant 64 : index
      %get3A_416 = vector.load %arg7[%get3A_414, %get3A_415] : memref<256x2048xf32, #tpu.memory_space<vmem>>, vector<32x16xf32>
      %add3A_417 = arith.addf %add3A_413, %get3A_416 : vector<32x16xf32>
      %get3A_418 = arith.constant 160 : index
      %get3A_419 = arith.constant 80 : index
      %get3A_420 = vector.load %arg7[%get3A_418, %get3A_419] : memref<256x2048xf32, #tpu.memory_space<vmem>>, vector<32x16xf32>
      %add3A_421 = arith.addf %add3A_417, %get3A_420 : vector<32x16xf32>
      %get3A_422 = arith.constant 192 : index
      %get3A_423 = arith.constant 96 : index
      %get3A_424 = vector.load %arg7[%get3A_422, %get3A_423] : memref<256x2048xf32, #tpu.memory_space<vmem>>, vector<32x16xf32>
      %add3A_425 = arith.addf %add3A_421, %get3A_424 : vector<32x16xf32>
      %get3A_426 = arith.constant 224 : index
      %get3A_427 = arith.constant 112 : index
      %get3A_428 = vector.load %arg7[%get3A_426, %get3A_427] : memref<256x2048xf32, #tpu.memory_space<vmem>>, vector<32x16xf32>
      %add3A_429 = arith.addf %add3A_425, %get3A_428 : vector<32x16xf32>
      %get3A_430 = arith.constant 0 : index
      %get3A_431 = arith.constant 128 : index
      %get3A_432 = vector.load %arg7[%get3A_430, %get3A_431] : memref<256x2048xf32, #tpu.memory_space<vmem>>, vector<32x16xf32>
      %get3A_433 = arith.constant 32 : index
      %get3A_434 = arith.constant 144 : index
      %get3A_435 = vector.load %arg7[%get3A_433, %get3A_434] : memref<256x2048xf32, #tpu.memory_space<vmem>>, vector<32x16xf32>
      %add3A_436 = arith.addf %get3A_432, %get3A_435 : vector<32x16xf32>
      %get3A_437 = arith.constant 64 : index
      %get3A_438 = arith.constant 160 : index
      %get3A_439 = vector.load %arg7[%get3A_437, %get3A_438] : memref<256x2048xf32, #tpu.memory_space<vmem>>, vector<32x16xf32>
      %add3A_440 = arith.addf %add3A_436, %get3A_439 : vector<32x16xf32>
      %get3A_441 = arith.constant 96 : index
      %get3A_442 = arith.constant 176 : index
      %get3A_443 = vector.load %arg7[%get3A_441, %get3A_442] : memref<256x2048xf32, #tpu.memory_space<vmem>>, vector<32x16xf32>
      %add3A_444 = arith.addf %add3A_440, %get3A_443 : vector<32x16xf32>
      %get3A_445 = arith.constant 128 : index
      %get3A_446 = arith.constant 192 : index
      %get3A_447 = vector.load %arg7[%get3A_445, %get3A_446] : memref<256x2048xf32, #tpu.memory_space<vmem>>, vector<32x16xf32>
      %add3A_448 = arith.addf %add3A_444, %get3A_447 : vector<32x16xf32>
      %get3A_449 = arith.constant 160 : index
      %get3A_450 = arith.constant 208 : index
      %get3A_451 = vector.load %arg7[%get3A_449, %get3A_450] : memref<256x2048xf32, #tpu.memory_space<vmem>>, vector<32x16xf32>
      %add3A_452 = arith.addf %add3A_448, %get3A_451 : vector<32x16xf32>
      %get3A_453 = arith.constant 192 : index
      %get3A_454 = arith.constant 224 : index
      %get3A_455 = vector.load %arg7[%get3A_453, %get3A_454] : memref<256x2048xf32, #tpu.memory_space<vmem>>, vector<32x16xf32>
      %add3A_456 = arith.addf %add3A_452, %get3A_455 : vector<32x16xf32>
      %get3A_457 = arith.constant 224 : index
      %get3A_458 = arith.constant 240 : index
      %get3A_459 = vector.load %arg7[%get3A_457, %get3A_458] : memref<256x2048xf32, #tpu.memory_space<vmem>>, vector<32x16xf32>
      %add3A_460 = arith.addf %add3A_456, %get3A_459 : vector<32x16xf32>
      %get3A_461 = arith.constant 0 : index
      %get3A_462 = arith.constant 256 : index
      %get3A_463 = vector.load %arg7[%get3A_461, %get3A_462] : memref<256x2048xf32, #tpu.memory_space<vmem>>, vector<32x16xf32>
      %get3A_464 = arith.constant 32 : index
      %get3A_465 = arith.constant 272 : index
      %get3A_466 = vector.load %arg7[%get3A_464, %get3A_465] : memref<256x2048xf32, #tpu.memory_space<vmem>>, vector<32x16xf32>
      %add3A_467 = arith.addf %get3A_463, %get3A_466 : vector<32x16xf32>
      %get3A_468 = arith.constant 64 : index
      %get3A_469 = arith.constant 288 : index
      %get3A_470 = vector.load %arg7[%get3A_468, %get3A_469] : memref<256x2048xf32, #tpu.memory_space<vmem>>, vector<32x16xf32>
      %add3A_471 = arith.addf %add3A_467, %get3A_470 : vector<32x16xf32>
      %get3A_472 = arith.constant 96 : index
      %get3A_473 = arith.constant 304 : index
      %get3A_474 = vector.load %arg7[%get3A_472, %get3A_473] : memref<256x2048xf32, #tpu.memory_space<vmem>>, vector<32x16xf32>
      %add3A_475 = arith.addf %add3A_471, %get3A_474 : vector<32x16xf32>
      %get3A_476 = arith.constant 128 : index
      %get3A_477 = arith.constant 320 : index
      %get3A_478 = vector.load %arg7[%get3A_476, %get3A_477] : memref<256x2048xf32, #tpu.memory_space<vmem>>, vector<32x16xf32>
      %add3A_479 = arith.addf %add3A_475, %get3A_478 : vector<32x16xf32>
      %get3A_480 = arith.constant 160 : index
      %get3A_481 = arith.constant 336 : index
      %get3A_482 = vector.load %arg7[%get3A_480, %get3A_481] : memref<256x2048xf32, #tpu.memory_space<vmem>>, vector<32x16xf32>
      %add3A_483 = arith.addf %add3A_479, %get3A_482 : vector<32x16xf32>
      %get3A_484 = arith.constant 192 : index
      %get3A_485 = arith.constant 352 : index
      %get3A_486 = vector.load %arg7[%get3A_484, %get3A_485] : memref<256x2048xf32, #tpu.memory_space<vmem>>, vector<32x16xf32>
      %add3A_487 = arith.addf %add3A_483, %get3A_486 : vector<32x16xf32>
      %get3A_488 = arith.constant 224 : index
      %get3A_489 = arith.constant 368 : index
      %get3A_490 = vector.load %arg7[%get3A_488, %get3A_489] : memref<256x2048xf32, #tpu.memory_space<vmem>>, vector<32x16xf32>
      %add3A_491 = arith.addf %add3A_487, %get3A_490 : vector<32x16xf32>
      %get3A_492 = arith.constant 0 : index
      %get3A_493 = arith.constant 384 : index
      %get3A_494 = vector.load %arg7[%get3A_492, %get3A_493] : memref<256x2048xf32, #tpu.memory_space<vmem>>, vector<32x16xf32>
      %get3A_495 = arith.constant 32 : index
      %get3A_496 = arith.constant 400 : index
      %get3A_497 = vector.load %arg7[%get3A_495, %get3A_496] : memref<256x2048xf32, #tpu.memory_space<vmem>>, vector<32x16xf32>
      %add3A_498 = arith.addf %get3A_494, %get3A_497 : vector<32x16xf32>
      %get3A_499 = arith.constant 64 : index
      %get3A_500 = arith.constant 416 : index
      %get3A_501 = vector.load %arg7[%get3A_499, %get3A_500] : memref<256x2048xf32, #tpu.memory_space<vmem>>, vector<32x16xf32>
      %add3A_502 = arith.addf %add3A_498, %get3A_501 : vector<32x16xf32>
      %get3A_503 = arith.constant 96 : index
      %get3A_504 = arith.constant 432 : index
      %get3A_505 = vector.load %arg7[%get3A_503, %get3A_504] : memref<256x2048xf32, #tpu.memory_space<vmem>>, vector<32x16xf32>
      %add3A_506 = arith.addf %add3A_502, %get3A_505 : vector<32x16xf32>
      %get3A_507 = arith.constant 128 : index
      %get3A_508 = arith.constant 448 : index
      %get3A_509 = vector.load %arg7[%get3A_507, %get3A_508] : memref<256x2048xf32, #tpu.memory_space<vmem>>, vector<32x16xf32>
      %add3A_510 = arith.addf %add3A_506, %get3A_509 : vector<32x16xf32>
      %get3A_511 = arith.constant 160 : index
      %get3A_512 = arith.constant 464 : index
      %get3A_513 = vector.load %arg7[%get3A_511, %get3A_512] : memref<256x2048xf32, #tpu.memory_space<vmem>>, vector<32x16xf32>
      %add3A_514 = arith.addf %add3A_510, %get3A_513 : vector<32x16xf32>
      %get3A_515 = arith.constant 192 : index
      %get3A_516 = arith.constant 480 : index
      %get3A_517 = vector.load %arg7[%get3A_515, %get3A_516] : memref<256x2048xf32, #tpu.memory_space<vmem>>, vector<32x16xf32>
      %add3A_518 = arith.addf %add3A_514, %get3A_517 : vector<32x16xf32>
      %get3A_519 = arith.constant 224 : index
      %get3A_520 = arith.constant 496 : index
      %get3A_521 = vector.load %arg7[%get3A_519, %get3A_520] : memref<256x2048xf32, #tpu.memory_space<vmem>>, vector<32x16xf32>
      %add3A_522 = arith.addf %add3A_518, %get3A_521 : vector<32x16xf32>
      %get3A_523 = arith.constant 0 : index
      %get3A_524 = arith.constant 512 : index
      %get3A_525 = vector.load %arg7[%get3A_523, %get3A_524] : memref<256x2048xf32, #tpu.memory_space<vmem>>, vector<32x16xf32>
      %get3A_526 = arith.constant 32 : index
      %get3A_527 = arith.constant 528 : index
      %get3A_528 = vector.load %arg7[%get3A_526, %get3A_527] : memref<256x2048xf32, #tpu.memory_space<vmem>>, vector<32x16xf32>
      %add3A_529 = arith.addf %get3A_525, %get3A_528 : vector<32x16xf32>
      %get3A_530 = arith.constant 64 : index
      %get3A_531 = arith.constant 544 : index
      %get3A_532 = vector.load %arg7[%get3A_530, %get3A_531] : memref<256x2048xf32, #tpu.memory_space<vmem>>, vector<32x16xf32>
      %add3A_533 = arith.addf %add3A_529, %get3A_532 : vector<32x16xf32>
      %get3A_534 = arith.constant 96 : index
      %get3A_535 = arith.constant 560 : index
      %get3A_536 = vector.load %arg7[%get3A_534, %get3A_535] : memref<256x2048xf32, #tpu.memory_space<vmem>>, vector<32x16xf32>
      %add3A_537 = arith.addf %add3A_533, %get3A_536 : vector<32x16xf32>
      %get3A_538 = arith.constant 128 : index
      %get3A_539 = arith.constant 576 : index
      %get3A_540 = vector.load %arg7[%get3A_538, %get3A_539] : memref<256x2048xf32, #tpu.memory_space<vmem>>, vector<32x16xf32>
      %add3A_541 = arith.addf %add3A_537, %get3A_540 : vector<32x16xf32>
      %get3A_542 = arith.constant 160 : index
      %get3A_543 = arith.constant 592 : index
      %get3A_544 = vector.load %arg7[%get3A_542, %get3A_543] : memref<256x2048xf32, #tpu.memory_space<vmem>>, vector<32x16xf32>
      %add3A_545 = arith.addf %add3A_541, %get3A_544 : vector<32x16xf32>
      %get3A_546 = arith.constant 192 : index
      %get3A_547 = arith.constant 608 : index
      %get3A_548 = vector.load %arg7[%get3A_546, %get3A_547] : memref<256x2048xf32, #tpu.memory_space<vmem>>, vector<32x16xf32>
      %add3A_549 = arith.addf %add3A_545, %get3A_548 : vector<32x16xf32>
      %get3A_550 = arith.constant 224 : index
      %get3A_551 = arith.constant 624 : index
      %get3A_552 = vector.load %arg7[%get3A_550, %get3A_551] : memref<256x2048xf32, #tpu.memory_space<vmem>>, vector<32x16xf32>
      %add3A_553 = arith.addf %add3A_549, %get3A_552 : vector<32x16xf32>
      %get3A_554 = arith.constant 0 : index
      %get3A_555 = arith.constant 640 : index
      %get3A_556 = vector.load %arg7[%get3A_554, %get3A_555] : memref<256x2048xf32, #tpu.memory_space<vmem>>, vector<32x16xf32>
      %get3A_557 = arith.constant 32 : index
      %get3A_558 = arith.constant 656 : index
      %get3A_559 = vector.load %arg7[%get3A_557, %get3A_558] : memref<256x2048xf32, #tpu.memory_space<vmem>>, vector<32x16xf32>
      %add3A_560 = arith.addf %get3A_556, %get3A_559 : vector<32x16xf32>
      %get3A_561 = arith.constant 64 : index
      %get3A_562 = arith.constant 672 : index
      %get3A_563 = vector.load %arg7[%get3A_561, %get3A_562] : memref<256x2048xf32, #tpu.memory_space<vmem>>, vector<32x16xf32>
      %add3A_564 = arith.addf %add3A_560, %get3A_563 : vector<32x16xf32>
      %get3A_565 = arith.constant 96 : index
      %get3A_566 = arith.constant 688 : index
      %get3A_567 = vector.load %arg7[%get3A_565, %get3A_566] : memref<256x2048xf32, #tpu.memory_space<vmem>>, vector<32x16xf32>
      %add3A_568 = arith.addf %add3A_564, %get3A_567 : vector<32x16xf32>
      %get3A_569 = arith.constant 128 : index
      %get3A_570 = arith.constant 704 : index
      %get3A_571 = vector.load %arg7[%get3A_569, %get3A_570] : memref<256x2048xf32, #tpu.memory_space<vmem>>, vector<32x16xf32>
      %add3A_572 = arith.addf %add3A_568, %get3A_571 : vector<32x16xf32>
      %get3A_573 = arith.constant 160 : index
      %get3A_574 = arith.constant 720 : index
      %get3A_575 = vector.load %arg7[%get3A_573, %get3A_574] : memref<256x2048xf32, #tpu.memory_space<vmem>>, vector<32x16xf32>
      %add3A_576 = arith.addf %add3A_572, %get3A_575 : vector<32x16xf32>
      %get3A_577 = arith.constant 192 : index
      %get3A_578 = arith.constant 736 : index
      %get3A_579 = vector.load %arg7[%get3A_577, %get3A_578] : memref<256x2048xf32, #tpu.memory_space<vmem>>, vector<32x16xf32>
      %add3A_580 = arith.addf %add3A_576, %get3A_579 : vector<32x16xf32>
      %get3A_581 = arith.constant 224 : index
      %get3A_582 = arith.constant 752 : index
      %get3A_583 = vector.load %arg7[%get3A_581, %get3A_582] : memref<256x2048xf32, #tpu.memory_space<vmem>>, vector<32x16xf32>
      %add3A_584 = arith.addf %add3A_580, %get3A_583 : vector<32x16xf32>
      %get3A_585 = arith.constant 0 : index
      %get3A_586 = arith.constant 768 : index
      %get3A_587 = vector.load %arg7[%get3A_585, %get3A_586] : memref<256x2048xf32, #tpu.memory_space<vmem>>, vector<32x16xf32>
      %get3A_588 = arith.constant 32 : index
      %get3A_589 = arith.constant 784 : index
      %get3A_590 = vector.load %arg7[%get3A_588, %get3A_589] : memref<256x2048xf32, #tpu.memory_space<vmem>>, vector<32x16xf32>
      %add3A_591 = arith.addf %get3A_587, %get3A_590 : vector<32x16xf32>
      %get3A_592 = arith.constant 64 : index
      %get3A_593 = arith.constant 800 : index
      %get3A_594 = vector.load %arg7[%get3A_592, %get3A_593] : memref<256x2048xf32, #tpu.memory_space<vmem>>, vector<32x16xf32>
      %add3A_595 = arith.addf %add3A_591, %get3A_594 : vector<32x16xf32>
      %get3A_596 = arith.constant 96 : index
      %get3A_597 = arith.constant 816 : index
      %get3A_598 = vector.load %arg7[%get3A_596, %get3A_597] : memref<256x2048xf32, #tpu.memory_space<vmem>>, vector<32x16xf32>
      %add3A_599 = arith.addf %add3A_595, %get3A_598 : vector<32x16xf32>
      %get3A_600 = arith.constant 128 : index
      %get3A_601 = arith.constant 832 : index
      %get3A_602 = vector.load %arg7[%get3A_600, %get3A_601] : memref<256x2048xf32, #tpu.memory_space<vmem>>, vector<32x16xf32>
      %add3A_603 = arith.addf %add3A_599, %get3A_602 : vector<32x16xf32>
      %get3A_604 = arith.constant 160 : index
      %get3A_605 = arith.constant 848 : index
      %get3A_606 = vector.load %arg7[%get3A_604, %get3A_605] : memref<256x2048xf32, #tpu.memory_space<vmem>>, vector<32x16xf32>
      %add3A_607 = arith.addf %add3A_603, %get3A_606 : vector<32x16xf32>
      %get3A_608 = arith.constant 192 : index
      %get3A_609 = arith.constant 864 : index
      %get3A_610 = vector.load %arg7[%get3A_608, %get3A_609] : memref<256x2048xf32, #tpu.memory_space<vmem>>, vector<32x16xf32>
      %add3A_611 = arith.addf %add3A_607, %get3A_610 : vector<32x16xf32>
      %get3A_612 = arith.constant 224 : index
      %get3A_613 = arith.constant 880 : index
      %get3A_614 = vector.load %arg7[%get3A_612, %get3A_613] : memref<256x2048xf32, #tpu.memory_space<vmem>>, vector<32x16xf32>
      %add3A_615 = arith.addf %add3A_611, %get3A_614 : vector<32x16xf32>
      %get3A_616 = arith.constant 0 : index
      %get3A_617 = arith.constant 896 : index
      %get3A_618 = vector.load %arg7[%get3A_616, %get3A_617] : memref<256x2048xf32, #tpu.memory_space<vmem>>, vector<32x16xf32>
      %get3A_619 = arith.constant 32 : index
      %get3A_620 = arith.constant 912 : index
      %get3A_621 = vector.load %arg7[%get3A_619, %get3A_620] : memref<256x2048xf32, #tpu.memory_space<vmem>>, vector<32x16xf32>
      %add3A_622 = arith.addf %get3A_618, %get3A_621 : vector<32x16xf32>
      %get3A_623 = arith.constant 64 : index
      %get3A_624 = arith.constant 928 : index
      %get3A_625 = vector.load %arg7[%get3A_623, %get3A_624] : memref<256x2048xf32, #tpu.memory_space<vmem>>, vector<32x16xf32>
      %add3A_626 = arith.addf %add3A_622, %get3A_625 : vector<32x16xf32>
      %get3A_627 = arith.constant 96 : index
      %get3A_628 = arith.constant 944 : index
      %get3A_629 = vector.load %arg7[%get3A_627, %get3A_628] : memref<256x2048xf32, #tpu.memory_space<vmem>>, vector<32x16xf32>
      %add3A_630 = arith.addf %add3A_626, %get3A_629 : vector<32x16xf32>
      %get3A_631 = arith.constant 128 : index
      %get3A_632 = arith.constant 960 : index
      %get3A_633 = vector.load %arg7[%get3A_631, %get3A_632] : memref<256x2048xf32, #tpu.memory_space<vmem>>, vector<32x16xf32>
      %add3A_634 = arith.addf %add3A_630, %get3A_633 : vector<32x16xf32>
      %get3A_635 = arith.constant 160 : index
      %get3A_636 = arith.constant 976 : index
      %get3A_637 = vector.load %arg7[%get3A_635, %get3A_636] : memref<256x2048xf32, #tpu.memory_space<vmem>>, vector<32x16xf32>
      %add3A_638 = arith.addf %add3A_634, %get3A_637 : vector<32x16xf32>
      %get3A_639 = arith.constant 192 : index
      %get3A_640 = arith.constant 992 : index
      %get3A_641 = vector.load %arg7[%get3A_639, %get3A_640] : memref<256x2048xf32, #tpu.memory_space<vmem>>, vector<32x16xf32>
      %add3A_642 = arith.addf %add3A_638, %get3A_641 : vector<32x16xf32>
      %get3A_643 = arith.constant 224 : index
      %get3A_644 = arith.constant 1008 : index
      %get3A_645 = vector.load %arg7[%get3A_643, %get3A_644] : memref<256x2048xf32, #tpu.memory_space<vmem>>, vector<32x16xf32>
      %add3A_646 = arith.addf %add3A_642, %get3A_645 : vector<32x16xf32>
      %get3A_647 = arith.constant 0 : index
      %get3A_648 = arith.constant 1024 : index
      %get3A_649 = vector.load %arg7[%get3A_647, %get3A_648] : memref<256x2048xf32, #tpu.memory_space<vmem>>, vector<32x16xf32>
      %get3A_650 = arith.constant 32 : index
      %get3A_651 = arith.constant 1040 : index
      %get3A_652 = vector.load %arg7[%get3A_650, %get3A_651] : memref<256x2048xf32, #tpu.memory_space<vmem>>, vector<32x16xf32>
      %add3A_653 = arith.addf %get3A_649, %get3A_652 : vector<32x16xf32>
      %get3A_654 = arith.constant 64 : index
      %get3A_655 = arith.constant 1056 : index
      %get3A_656 = vector.load %arg7[%get3A_654, %get3A_655] : memref<256x2048xf32, #tpu.memory_space<vmem>>, vector<32x16xf32>
      %add3A_657 = arith.addf %add3A_653, %get3A_656 : vector<32x16xf32>
      %get3A_658 = arith.constant 96 : index
      %get3A_659 = arith.constant 1072 : index
      %get3A_660 = vector.load %arg7[%get3A_658, %get3A_659] : memref<256x2048xf32, #tpu.memory_space<vmem>>, vector<32x16xf32>
      %add3A_661 = arith.addf %add3A_657, %get3A_660 : vector<32x16xf32>
      %get3A_662 = arith.constant 128 : index
      %get3A_663 = arith.constant 1088 : index
      %get3A_664 = vector.load %arg7[%get3A_662, %get3A_663] : memref<256x2048xf32, #tpu.memory_space<vmem>>, vector<32x16xf32>
      %add3A_665 = arith.addf %add3A_661, %get3A_664 : vector<32x16xf32>
      %get3A_666 = arith.constant 160 : index
      %get3A_667 = arith.constant 1104 : index
      %get3A_668 = vector.load %arg7[%get3A_666, %get3A_667] : memref<256x2048xf32, #tpu.memory_space<vmem>>, vector<32x16xf32>
      %add3A_669 = arith.addf %add3A_665, %get3A_668 : vector<32x16xf32>
      %get3A_670 = arith.constant 192 : index
      %get3A_671 = arith.constant 1120 : index
      %get3A_672 = vector.load %arg7[%get3A_670, %get3A_671] : memref<256x2048xf32, #tpu.memory_space<vmem>>, vector<32x16xf32>
      %add3A_673 = arith.addf %add3A_669, %get3A_672 : vector<32x16xf32>
      %get3A_674 = arith.constant 224 : index
      %get3A_675 = arith.constant 1136 : index
      %get3A_676 = vector.load %arg7[%get3A_674, %get3A_675] : memref<256x2048xf32, #tpu.memory_space<vmem>>, vector<32x16xf32>
      %add3A_677 = arith.addf %add3A_673, %get3A_676 : vector<32x16xf32>
      %get3A_678 = arith.constant 0 : index
      %get3A_679 = arith.constant 1152 : index
      %get3A_680 = vector.load %arg7[%get3A_678, %get3A_679] : memref<256x2048xf32, #tpu.memory_space<vmem>>, vector<32x16xf32>
      %get3A_681 = arith.constant 32 : index
      %get3A_682 = arith.constant 1168 : index
      %get3A_683 = vector.load %arg7[%get3A_681, %get3A_682] : memref<256x2048xf32, #tpu.memory_space<vmem>>, vector<32x16xf32>
      %add3A_684 = arith.addf %get3A_680, %get3A_683 : vector<32x16xf32>
      %get3A_685 = arith.constant 64 : index
      %get3A_686 = arith.constant 1184 : index
      %get3A_687 = vector.load %arg7[%get3A_685, %get3A_686] : memref<256x2048xf32, #tpu.memory_space<vmem>>, vector<32x16xf32>
      %add3A_688 = arith.addf %add3A_684, %get3A_687 : vector<32x16xf32>
      %get3A_689 = arith.constant 96 : index
      %get3A_690 = arith.constant 1200 : index
      %get3A_691 = vector.load %arg7[%get3A_689, %get3A_690] : memref<256x2048xf32, #tpu.memory_space<vmem>>, vector<32x16xf32>
      %add3A_692 = arith.addf %add3A_688, %get3A_691 : vector<32x16xf32>
      %get3A_693 = arith.constant 128 : index
      %get3A_694 = arith.constant 1216 : index
      %get3A_695 = vector.load %arg7[%get3A_693, %get3A_694] : memref<256x2048xf32, #tpu.memory_space<vmem>>, vector<32x16xf32>
      %add3A_696 = arith.addf %add3A_692, %get3A_695 : vector<32x16xf32>
      %get3A_697 = arith.constant 160 : index
      %get3A_698 = arith.constant 1232 : index
      %get3A_699 = vector.load %arg7[%get3A_697, %get3A_698] : memref<256x2048xf32, #tpu.memory_space<vmem>>, vector<32x16xf32>
      %add3A_700 = arith.addf %add3A_696, %get3A_699 : vector<32x16xf32>
      %get3A_701 = arith.constant 192 : index
      %get3A_702 = arith.constant 1248 : index
      %get3A_703 = vector.load %arg7[%get3A_701, %get3A_702] : memref<256x2048xf32, #tpu.memory_space<vmem>>, vector<32x16xf32>
      %add3A_704 = arith.addf %add3A_700, %get3A_703 : vector<32x16xf32>
      %get3A_705 = arith.constant 224 : index
      %get3A_706 = arith.constant 1264 : index
      %get3A_707 = vector.load %arg7[%get3A_705, %get3A_706] : memref<256x2048xf32, #tpu.memory_space<vmem>>, vector<32x16xf32>
      %add3A_708 = arith.addf %add3A_704, %get3A_707 : vector<32x16xf32>
      %get3A_709 = arith.constant 0 : index
      %get3A_710 = arith.constant 1280 : index
      %get3A_711 = vector.load %arg7[%get3A_709, %get3A_710] : memref<256x2048xf32, #tpu.memory_space<vmem>>, vector<32x16xf32>
      %get3A_712 = arith.constant 32 : index
      %get3A_713 = arith.constant 1296 : index
      %get3A_714 = vector.load %arg7[%get3A_712, %get3A_713] : memref<256x2048xf32, #tpu.memory_space<vmem>>, vector<32x16xf32>
      %add3A_715 = arith.addf %get3A_711, %get3A_714 : vector<32x16xf32>
      %get3A_716 = arith.constant 64 : index
      %get3A_717 = arith.constant 1312 : index
      %get3A_718 = vector.load %arg7[%get3A_716, %get3A_717] : memref<256x2048xf32, #tpu.memory_space<vmem>>, vector<32x16xf32>
      %add3A_719 = arith.addf %add3A_715, %get3A_718 : vector<32x16xf32>
      %get3A_720 = arith.constant 96 : index
      %get3A_721 = arith.constant 1328 : index
      %get3A_722 = vector.load %arg7[%get3A_720, %get3A_721] : memref<256x2048xf32, #tpu.memory_space<vmem>>, vector<32x16xf32>
      %add3A_723 = arith.addf %add3A_719, %get3A_722 : vector<32x16xf32>
      %get3A_724 = arith.constant 128 : index
      %get3A_725 = arith.constant 1344 : index
      %get3A_726 = vector.load %arg7[%get3A_724, %get3A_725] : memref<256x2048xf32, #tpu.memory_space<vmem>>, vector<32x16xf32>
      %add3A_727 = arith.addf %add3A_723, %get3A_726 : vector<32x16xf32>
      %get3A_728 = arith.constant 160 : index
      %get3A_729 = arith.constant 1360 : index
      %get3A_730 = vector.load %arg7[%get3A_728, %get3A_729] : memref<256x2048xf32, #tpu.memory_space<vmem>>, vector<32x16xf32>
      %add3A_731 = arith.addf %add3A_727, %get3A_730 : vector<32x16xf32>
      %get3A_732 = arith.constant 192 : index
      %get3A_733 = arith.constant 1376 : index
      %get3A_734 = vector.load %arg7[%get3A_732, %get3A_733] : memref<256x2048xf32, #tpu.memory_space<vmem>>, vector<32x16xf32>
      %add3A_735 = arith.addf %add3A_731, %get3A_734 : vector<32x16xf32>
      %get3A_736 = arith.constant 224 : index
      %get3A_737 = arith.constant 1392 : index
      %get3A_738 = vector.load %arg7[%get3A_736, %get3A_737] : memref<256x2048xf32, #tpu.memory_space<vmem>>, vector<32x16xf32>
      %add3A_739 = arith.addf %add3A_735, %get3A_738 : vector<32x16xf32>
      %get3A_740 = arith.constant 0 : index
      %get3A_741 = arith.constant 1408 : index
      %get3A_742 = vector.load %arg7[%get3A_740, %get3A_741] : memref<256x2048xf32, #tpu.memory_space<vmem>>, vector<32x16xf32>
      %get3A_743 = arith.constant 32 : index
      %get3A_744 = arith.constant 1424 : index
      %get3A_745 = vector.load %arg7[%get3A_743, %get3A_744] : memref<256x2048xf32, #tpu.memory_space<vmem>>, vector<32x16xf32>
      %add3A_746 = arith.addf %get3A_742, %get3A_745 : vector<32x16xf32>
      %get3A_747 = arith.constant 64 : index
      %get3A_748 = arith.constant 1440 : index
      %get3A_749 = vector.load %arg7[%get3A_747, %get3A_748] : memref<256x2048xf32, #tpu.memory_space<vmem>>, vector<32x16xf32>
      %add3A_750 = arith.addf %add3A_746, %get3A_749 : vector<32x16xf32>
      %get3A_751 = arith.constant 96 : index
      %get3A_752 = arith.constant 1456 : index
      %get3A_753 = vector.load %arg7[%get3A_751, %get3A_752] : memref<256x2048xf32, #tpu.memory_space<vmem>>, vector<32x16xf32>
      %add3A_754 = arith.addf %add3A_750, %get3A_753 : vector<32x16xf32>
      %get3A_755 = arith.constant 128 : index
      %get3A_756 = arith.constant 1472 : index
      %get3A_757 = vector.load %arg7[%get3A_755, %get3A_756] : memref<256x2048xf32, #tpu.memory_space<vmem>>, vector<32x16xf32>
      %add3A_758 = arith.addf %add3A_754, %get3A_757 : vector<32x16xf32>
      %get3A_759 = arith.constant 160 : index
      %get3A_760 = arith.constant 1488 : index
      %get3A_761 = vector.load %arg7[%get3A_759, %get3A_760] : memref<256x2048xf32, #tpu.memory_space<vmem>>, vector<32x16xf32>
      %add3A_762 = arith.addf %add3A_758, %get3A_761 : vector<32x16xf32>
      %get3A_763 = arith.constant 192 : index
      %get3A_764 = arith.constant 1504 : index
      %get3A_765 = vector.load %arg7[%get3A_763, %get3A_764] : memref<256x2048xf32, #tpu.memory_space<vmem>>, vector<32x16xf32>
      %add3A_766 = arith.addf %add3A_762, %get3A_765 : vector<32x16xf32>
      %get3A_767 = arith.constant 224 : index
      %get3A_768 = arith.constant 1520 : index
      %get3A_769 = vector.load %arg7[%get3A_767, %get3A_768] : memref<256x2048xf32, #tpu.memory_space<vmem>>, vector<32x16xf32>
      %add3A_770 = arith.addf %add3A_766, %get3A_769 : vector<32x16xf32>
      %get3A_771 = arith.constant 0 : index
      %get3A_772 = arith.constant 1536 : index
      %get3A_773 = vector.load %arg7[%get3A_771, %get3A_772] : memref<256x2048xf32, #tpu.memory_space<vmem>>, vector<32x16xf32>
      %get3A_774 = arith.constant 32 : index
      %get3A_775 = arith.constant 1552 : index
      %get3A_776 = vector.load %arg7[%get3A_774, %get3A_775] : memref<256x2048xf32, #tpu.memory_space<vmem>>, vector<32x16xf32>
      %add3A_777 = arith.addf %get3A_773, %get3A_776 : vector<32x16xf32>
      %get3A_778 = arith.constant 64 : index
      %get3A_779 = arith.constant 1568 : index
      %get3A_780 = vector.load %arg7[%get3A_778, %get3A_779] : memref<256x2048xf32, #tpu.memory_space<vmem>>, vector<32x16xf32>
      %add3A_781 = arith.addf %add3A_777, %get3A_780 : vector<32x16xf32>
      %get3A_782 = arith.constant 96 : index
      %get3A_783 = arith.constant 1584 : index
      %get3A_784 = vector.load %arg7[%get3A_782, %get3A_783] : memref<256x2048xf32, #tpu.memory_space<vmem>>, vector<32x16xf32>
      %add3A_785 = arith.addf %add3A_781, %get3A_784 : vector<32x16xf32>
      %get3A_786 = arith.constant 128 : index
      %get3A_787 = arith.constant 1600 : index
      %get3A_788 = vector.load %arg7[%get3A_786, %get3A_787] : memref<256x2048xf32, #tpu.memory_space<vmem>>, vector<32x16xf32>
      %add3A_789 = arith.addf %add3A_785, %get3A_788 : vector<32x16xf32>
      %get3A_790 = arith.constant 160 : index
      %get3A_791 = arith.constant 1616 : index
      %get3A_792 = vector.load %arg7[%get3A_790, %get3A_791] : memref<256x2048xf32, #tpu.memory_space<vmem>>, vector<32x16xf32>
      %add3A_793 = arith.addf %add3A_789, %get3A_792 : vector<32x16xf32>
      %get3A_794 = arith.constant 192 : index
      %get3A_795 = arith.constant 1632 : index
      %get3A_796 = vector.load %arg7[%get3A_794, %get3A_795] : memref<256x2048xf32, #tpu.memory_space<vmem>>, vector<32x16xf32>
      %add3A_797 = arith.addf %add3A_793, %get3A_796 : vector<32x16xf32>
      %get3A_798 = arith.constant 224 : index
      %get3A_799 = arith.constant 1648 : index
      %get3A_800 = vector.load %arg7[%get3A_798, %get3A_799] : memref<256x2048xf32, #tpu.memory_space<vmem>>, vector<32x16xf32>
      %add3A_801 = arith.addf %add3A_797, %get3A_800 : vector<32x16xf32>
      %get3A_802 = arith.constant 0 : index
      %get3A_803 = arith.constant 1664 : index
      %get3A_804 = vector.load %arg7[%get3A_802, %get3A_803] : memref<256x2048xf32, #tpu.memory_space<vmem>>, vector<32x16xf32>
      %get3A_805 = arith.constant 32 : index
      %get3A_806 = arith.constant 1680 : index
      %get3A_807 = vector.load %arg7[%get3A_805, %get3A_806] : memref<256x2048xf32, #tpu.memory_space<vmem>>, vector<32x16xf32>
      %add3A_808 = arith.addf %get3A_804, %get3A_807 : vector<32x16xf32>
      %get3A_809 = arith.constant 64 : index
      %get3A_810 = arith.constant 1696 : index
      %get3A_811 = vector.load %arg7[%get3A_809, %get3A_810] : memref<256x2048xf32, #tpu.memory_space<vmem>>, vector<32x16xf32>
      %add3A_812 = arith.addf %add3A_808, %get3A_811 : vector<32x16xf32>
      %get3A_813 = arith.constant 96 : index
      %get3A_814 = arith.constant 1712 : index
      %get3A_815 = vector.load %arg7[%get3A_813, %get3A_814] : memref<256x2048xf32, #tpu.memory_space<vmem>>, vector<32x16xf32>
      %add3A_816 = arith.addf %add3A_812, %get3A_815 : vector<32x16xf32>
      %get3A_817 = arith.constant 128 : index
      %get3A_818 = arith.constant 1728 : index
      %get3A_819 = vector.load %arg7[%get3A_817, %get3A_818] : memref<256x2048xf32, #tpu.memory_space<vmem>>, vector<32x16xf32>
      %add3A_820 = arith.addf %add3A_816, %get3A_819 : vector<32x16xf32>
      %get3A_821 = arith.constant 160 : index
      %get3A_822 = arith.constant 1744 : index
      %get3A_823 = vector.load %arg7[%get3A_821, %get3A_822] : memref<256x2048xf32, #tpu.memory_space<vmem>>, vector<32x16xf32>
      %add3A_824 = arith.addf %add3A_820, %get3A_823 : vector<32x16xf32>
      %get3A_825 = arith.constant 192 : index
      %get3A_826 = arith.constant 1760 : index
      %get3A_827 = vector.load %arg7[%get3A_825, %get3A_826] : memref<256x2048xf32, #tpu.memory_space<vmem>>, vector<32x16xf32>
      %add3A_828 = arith.addf %add3A_824, %get3A_827 : vector<32x16xf32>
      %get3A_829 = arith.constant 224 : index
      %get3A_830 = arith.constant 1776 : index
      %get3A_831 = vector.load %arg7[%get3A_829, %get3A_830] : memref<256x2048xf32, #tpu.memory_space<vmem>>, vector<32x16xf32>
      %add3A_832 = arith.addf %add3A_828, %get3A_831 : vector<32x16xf32>
      %get3A_833 = arith.constant 0 : index
      %get3A_834 = arith.constant 1792 : index
      %get3A_835 = vector.load %arg7[%get3A_833, %get3A_834] : memref<256x2048xf32, #tpu.memory_space<vmem>>, vector<32x16xf32>
      %get3A_836 = arith.constant 32 : index
      %get3A_837 = arith.constant 1808 : index
      %get3A_838 = vector.load %arg7[%get3A_836, %get3A_837] : memref<256x2048xf32, #tpu.memory_space<vmem>>, vector<32x16xf32>
      %add3A_839 = arith.addf %get3A_835, %get3A_838 : vector<32x16xf32>
      %get3A_840 = arith.constant 64 : index
      %get3A_841 = arith.constant 1824 : index
      %get3A_842 = vector.load %arg7[%get3A_840, %get3A_841] : memref<256x2048xf32, #tpu.memory_space<vmem>>, vector<32x16xf32>
      %add3A_843 = arith.addf %add3A_839, %get3A_842 : vector<32x16xf32>
      %get3A_844 = arith.constant 96 : index
      %get3A_845 = arith.constant 1840 : index
      %get3A_846 = vector.load %arg7[%get3A_844, %get3A_845] : memref<256x2048xf32, #tpu.memory_space<vmem>>, vector<32x16xf32>
      %add3A_847 = arith.addf %add3A_843, %get3A_846 : vector<32x16xf32>
      %get3A_848 = arith.constant 128 : index
      %get3A_849 = arith.constant 1856 : index
      %get3A_850 = vector.load %arg7[%get3A_848, %get3A_849] : memref<256x2048xf32, #tpu.memory_space<vmem>>, vector<32x16xf32>
      %add3A_851 = arith.addf %add3A_847, %get3A_850 : vector<32x16xf32>
      %get3A_852 = arith.constant 160 : index
      %get3A_853 = arith.constant 1872 : index
      %get3A_854 = vector.load %arg7[%get3A_852, %get3A_853] : memref<256x2048xf32, #tpu.memory_space<vmem>>, vector<32x16xf32>
      %add3A_855 = arith.addf %add3A_851, %get3A_854 : vector<32x16xf32>
      %get3A_856 = arith.constant 192 : index
      %get3A_857 = arith.constant 1888 : index
      %get3A_858 = vector.load %arg7[%get3A_856, %get3A_857] : memref<256x2048xf32, #tpu.memory_space<vmem>>, vector<32x16xf32>
      %add3A_859 = arith.addf %add3A_855, %get3A_858 : vector<32x16xf32>
      %get3A_860 = arith.constant 224 : index
      %get3A_861 = arith.constant 1904 : index
      %get3A_862 = vector.load %arg7[%get3A_860, %get3A_861] : memref<256x2048xf32, #tpu.memory_space<vmem>>, vector<32x16xf32>
      %add3A_863 = arith.addf %add3A_859, %get3A_862 : vector<32x16xf32>
      %get3A_864 = arith.constant 0 : index
      %get3A_865 = arith.constant 1920 : index
      %get3A_866 = vector.load %arg7[%get3A_864, %get3A_865] : memref<256x2048xf32, #tpu.memory_space<vmem>>, vector<32x16xf32>
      %get3A_867 = arith.constant 32 : index
      %get3A_868 = arith.constant 1936 : index
      %get3A_869 = vector.load %arg7[%get3A_867, %get3A_868] : memref<256x2048xf32, #tpu.memory_space<vmem>>, vector<32x16xf32>
      %add3A_870 = arith.addf %get3A_866, %get3A_869 : vector<32x16xf32>
      %get3A_871 = arith.constant 64 : index
      %get3A_872 = arith.constant 1952 : index
      %get3A_873 = vector.load %arg7[%get3A_871, %get3A_872] : memref<256x2048xf32, #tpu.memory_space<vmem>>, vector<32x16xf32>
      %add3A_874 = arith.addf %add3A_870, %get3A_873 : vector<32x16xf32>
      %get3A_875 = arith.constant 96 : index
      %get3A_876 = arith.constant 1968 : index
      %get3A_877 = vector.load %arg7[%get3A_875, %get3A_876] : memref<256x2048xf32, #tpu.memory_space<vmem>>, vector<32x16xf32>
      %add3A_878 = arith.addf %add3A_874, %get3A_877 : vector<32x16xf32>
      %get3A_879 = arith.constant 128 : index
      %get3A_880 = arith.constant 1984 : index
      %get3A_881 = vector.load %arg7[%get3A_879, %get3A_880] : memref<256x2048xf32, #tpu.memory_space<vmem>>, vector<32x16xf32>
      %add3A_882 = arith.addf %add3A_878, %get3A_881 : vector<32x16xf32>
      %get3A_883 = arith.constant 160 : index
      %get3A_884 = arith.constant 2000 : index
      %get3A_885 = vector.load %arg7[%get3A_883, %get3A_884] : memref<256x2048xf32, #tpu.memory_space<vmem>>, vector<32x16xf32>
      %add3A_886 = arith.addf %add3A_882, %get3A_885 : vector<32x16xf32>
      %get3A_887 = arith.constant 192 : index
      %get3A_888 = arith.constant 2016 : index
      %get3A_889 = vector.load %arg7[%get3A_887, %get3A_888] : memref<256x2048xf32, #tpu.memory_space<vmem>>, vector<32x16xf32>
      %add3A_890 = arith.addf %add3A_886, %get3A_889 : vector<32x16xf32>
      %get3A_891 = arith.constant 224 : index
      %get3A_892 = arith.constant 2032 : index
      %get3A_893 = vector.load %arg7[%get3A_891, %get3A_892] : memref<256x2048xf32, #tpu.memory_space<vmem>>, vector<32x16xf32>
      %add3A_894 = arith.addf %add3A_890, %get3A_893 : vector<32x16xf32>
      %get3A_895 = arith.constant 0 : index
      %get3A_896 = arith.constant 0 : index
      %get3A_897 = vector.load %arg1[%get3A_895, %get3A_896] : memref<32x256xf32, #tpu.memory_space<vmem>>, vector<32x256xf32>
      %concatenate3A_898 = tpu.concatenate %add3A_429, %add3A_460, %add3A_491, %add3A_522, %add3A_553, %add3A_584, %add3A_615, %add3A_646, %add3A_677, %add3A_708, %add3A_739, %add3A_770, %add3A_801, %add3A_832, %add3A_863, %add3A_894 in 1 : vector<32x16xf32>, vector<32x16xf32>, vector<32x16xf32>, vector<32x16xf32>, vector<32x16xf32>, vector<32x16xf32>, vector<32x16xf32>, vector<32x16xf32>, vector<32x16xf32>, vector<32x16xf32>, vector<32x16xf32>, vector<32x16xf32>, vector<32x16xf32>, vector<32x16xf32>, vector<32x16xf32>, vector<32x16xf32> -> vector<32x256xf32>
      %sub3A_899 = arith.subf %get3A_897, %concatenate3A_898 : vector<32x256xf32>
      %swap3A = arith.constant 0 : index
      %swap3A_900 = arith.constant 0 : index
      %swap3A_901 = vector.load %arg6[%swap3A, %swap3A_900] : memref<32x256xf32, #tpu.memory_space<vmem>>, vector<32x256xf32>
      tpu.vector_store %arg6[%swap3A, %swap3A_900], %sub3A_899 {strides = array<i32>} : memref<32x256xf32, #tpu.memory_space<vmem>>, vector<32x256xf32>,
    } else {
    }
    return
  }
  func.func @transform_0(%arg0: i32) -> (i32, i32) {
    %c0_i32 = arith.constant 0 : i32
    %c0_i32_0 = arith.constant 0 : i32
    %c0_i32_1 = arith.constant 0 : i32
    return %c0_i32, %c0_i32_0 : i32, i32
  }
  func.func @transform_1(%arg0: i32) -> (i32, i32) {
    %c0_i32 = arith.constant 0 : i32
    %c0_i32_0 = arith.constant 0 : i32
    return %arg0, %c0_i32 : i32, i32
  }
  func.func @transform_2(%arg0: i32) -> (i32, i32) {
    %c0_i32 = arith.constant 0 : i32
    %c0_i32_0 = arith.constant 0 : i32
    return %arg0, %c0_i32 : i32, i32
  }
  func.func @transform_3(%arg0: i32) -> (i32, i32) {
    %c0_i32 = arith.constant 0 : i32
    %c0_i32_0 = arith.constant 0 : i32
    %c0_i32_1 = arith.constant 0 : i32
    return %c0_i32, %c0_i32_0 : i32, i32
  }
  func.func @transform_4(%arg0: i32) -> (i32, i32) {
    %c0_i32 = arith.constant 0 : i32
    %c0_i32_0 = arith.constant 0 : i32
    %c0_i32_1 = arith.constant 0 : i32
    return %c0_i32, %c0_i32_0 : i32, i32
  }
  func.func @transform_5(%arg0: i32) -> (i32, i32) {
    %c0_i32 = arith.constant 0 : i32
    %c0_i32_0 = arith.constant 0 : i32
    %c0_i32_1 = arith.constant 0 : i32
    return %c0_i32, %c0_i32_0 : i32, i32
  }
}

</mosaic_0001>

<sc_bundles>
// kernel: kernel.5.cloned.1.call-start
scs
__scs_entry_jumppad:
0x0: {  	(pc) =	sbr.rel $0x88, $3  }
0x1: {  	(tag) =	ssettag $0x0;
	lr =	simm.s32 $0x1  }
0x2: {  	[smem:$0x3F9C] =	sst lr;
	_ =	strace $0xD0000000  }
0x3: {  	_ = 	snop  }
0x4: {  	_ = 	snop  }
0x5: {  	_ = 	snop  }
0x6: {  	_ = 	snop  }
0x7: {  	_ = 	snop  }
__scs_overlays_trampoline_lowered:
0x8: {  	[smem:$0x3FAB] =	sst s0  }
0x9: {  	[smem:$0x3FAC] =	sst s1  }
0xa: {  	[smem:$0x3FAD] =	sst s2  }
0xb: {  	[smem:$0x3FAE] =	sst s3  }
0xc: {  	[smem:$0x3FAF] =	sst s4  }
0xd: {  	[smem:$0x3FB0] =	sst s5  }
0xe: {  	[smem:$0x3FB1] =	sst s6  }
0xf: {  	[smem:$0x3FB2] =	sst s7  }
0x10: {  	[smem:$0x3FB3] =	sst s8  }
0x11: {  	[smem:$0x3FB4] =	sst s9;
	s0 =	simm.s32 @!p0 $0x0  }
0x12: {  	s1 =	sld [smem:$0x3F9A];
	s0 =	simm.s32 @p0 $0x1  }
0x13: {  	[smem:$0x3FB5] =	sst s0;
	s0 =	simm.s32 @!p1 $0x0  }
0x14: {  	s2 =	sld [smem:$0x3F99];
	s0 =	simm.s32 @p1 $0x1  }
0x15: {  	[smem:$0x3FB6] =	sst s0;
	s0 =	simm.s32 @!p2 $0x0  }
0x16: {  	s3 =	sld [smem:$0x3FDB];
	s0 =	simm.s32 @p2 $0x1  }
0x17: {  	s4 =	simm.s32 $0x1BF5;
	[smem:$0x3FB8] =	sst s0  }
0x18: {  	s0 =	sld [smem:$0x3F9B];
	_ =	swait.ge [sflag:s4], $0x0  }
0x19: {  	s7 =	sld [smem:$0x3F9C]  }
0x1a: {  	s8 =	sadd.s32 $0xFFFFE003, lr  }
0x1b: {  	s9 =	sadd.s32 $0xFFFFFEF7, lr;
	s5 =	simm.s32 $0xFFFFFFFF;
	p2 =	slt.u32 s8, $0xFFFFF086  }
0x1c: {  	p1 =	slt.u32 s9, $0xF7A;
	s5 =	simm.s32 @!p2 $0x0  }
0x1d: {  	s5 =	simm.s32 @p1 $0x1;
	p0 =	seq.s32 s7, s2  }
0x1e: {  	s7 =	smul.u32 @!p0 $0xF7A, s2;
	p2 =	seq.s32 @!p0 s5, $0x0  }
0x1f: {  	s9 =	smul.u32 $0xF7A, s1;
	s8 =	simm.s32 @!p0 $0x1BF5;
	p2 =	por !p2, p0  }
0x20: {  	[sflag:s8] =	ssyncset.s32 @!p0 $0xFFFFF086;
	s6 =	sadd.s32 @!p0 s3, s7;
	s7 =	simm.s32 @!p0 $0x108  }
0x21: {  	s3 =	sadd.s32 s3, s9;
	s6 =	sadd.s32 @!p0 $0x88, s6;
	s7 =	simm.s32 @p2 $0x1082  }
0x22: {  	[simem:s7], [sflag:s8] =	dma.local @!p0 [hbm:s6], $0xF7A  }
0x23: {  	s9 =	sor.u32 $0xD0000000, s2;
	s6 =	simm.s32 $0x108;
	_ =	swait.ge @!p0 [sflag:s8], $0x0  }
0x24: {  	s3 =	sadd.s32 $0x88, s3;
	s6 =	simm.s32 @!p1 $0x1082;
	[sflag:s4] =	ssyncset.s32 $0xFFFFF086  }
0x25: {  	[simem:s6], [sflag:s4] =	dma.local [hbm:s3], $0xF7A  }
0x26: {  	[smem:$0x3F9C] =	sst s1;
	(tag) =	ssettag s2;
	_ =	strace s9  }
0x27: {  	s1 =	sld [smem:$0x3FAC]  }
0x28: {  	s2 =	sld [smem:$0x3FAD]  }
0x29: {  	s4 =	sld [smem:$0x3FAF]  }
0x2a: {  	p0 =	seq.s32 s5, $0x0;
	s5 =	sld [smem:$0x3FB0]  }
0x2b: {  	s6 =	sld [smem:$0x3FB1]  }
0x2c: {  	s7 =	sld [smem:$0x3FB2]  }
0x2d: {  	s3 =	simm.s32 $0x108;
	s8 =	sld [smem:$0x3FB3]  }
0x2e: {  	s3 =	simm.s32 @!p0 $0x1082;
	s9 =	sld [smem:$0x3FB4]  }
0x2f: {  	lr =	sadd.s32 s0, s3;
	s0 =	sld [smem:$0x3FAB]  }
0x30: {  	s3 =	sld [smem:$0x3FAE]  }
0x31: {  	[smem:$0x3FB7] =	sst s10  }
0x32: {  	s10 =	sld [smem:$0x3FB5];
	_ =	sdelay $0x3  }
0x33: {  	p0 =	seq.s32 s10, $0x1;
	s10 =	sld [smem:$0x3FB7];
	_ =	sdelay $0x3  }
0x34: {  	[smem:$0x3FB7] =	sst s10  }
0x35: {  	s10 =	sld [smem:$0x3FB6];
	_ =	sdelay $0x3  }
0x36: {  	p1 =	seq.s32 s10, $0x1;
	s10 =	sld [smem:$0x3FB7];
	_ =	sdelay $0x3  }
0x37: {  	[smem:$0x3FB7] =	sst s10  }
0x38: {  	s10 =	sld [smem:$0x3FB8]  }
0x39: {  	_ = 	snop;
	(pc) =	sbr.ind lr, $3  }
0x3a: {  	_ = 	snop  }
0x3b: {  	_ = 	snop  }
0x3c: {  	p2 =	seq.s32 s10, $0x1;
	s10 =	sld [smem:$0x3FB7]  }
0x3d: {  	_ =	shalt  }
0x3e: {  	_ =	shalt  }
0x3f: {  	_ =	shalt  }
0x40: {  	_ =	shalt  }
0x41: {  	_ =	shalt  }
0x42: {  	_ =	shalt  }
0x43: {  	_ =	shalt  }
0x44: {  	_ =	shalt  }
0x45: {  	_ =	shalt  }
0x46: {  	_ =	shalt  }
0x47: {  	_ =	shalt  }
0x48: {  	_ =	shalt  }
0x49: {  	_ =	shalt  }
0x4a: {  	_ =	shalt  }
0x4b: {  	_ =	shalt  }
0x4c: {  	_ =	shalt  }
0x4d: {  	_ =	shalt  }
0x4e: {  	_ =	shalt  }
0x4f: {  	_ =	shalt  }
0x50: {  	_ =	shalt  }
0x51: {  	_ =	shalt  }
0x52: {  	_ =	shalt  }
0x53: {  	_ =	shalt  }
0x54: {  	_ =	shalt  }
0x55: {  	_ =	shalt  }
0x56: {  	_ =	shalt  }
0x57: {  	_ =	shalt  }
0x58: {  	_ =	shalt  }
0x59: {  	_ =	shalt  }
0x5a: {  	_ =	shalt  }
0x5b: {  	_ =	shalt  }
0x5c: {  	_ =	shalt  }
0x5d: {  	_ =	shalt  }
0x5e: {  	_ =	shalt  }
0x5f: {  	_ =	shalt  }
0x60: {  	_ =	shalt  }
0x61: {  	_ =	shalt  }
0x62: {  	_ =	shalt  }
0x63: {  	_ =	shalt  }
0x64: {  	_ =	shalt  }
0x65: {  	_ =	shalt  }
0x66: {  	_ =	shalt  }
0x67: {  	_ =	shalt  }
0x68: {  	_ =	shalt  }
0x69: {  	_ =	shalt  }
0x6a: {  	_ =	shalt  }
0x6b: {  	_ =	shalt  }
0x6c: {  	_ =	shalt  }
0x6d: {  	_ =	shalt  }
0x6e: {  	_ =	shalt  }
0x6f: {  	_ =	shalt  }
0x70: {  	_ =	shalt  }
0x71: {  	_ =	shalt  }
0x72: {  	_ =	shalt  }
0x73: {  	_ =	shalt  }
0x74: {  	_ =	shalt  }
0x75: {  	_ =	shalt  }
0x76: {  	_ =	shalt  }
0x77: {  	_ =	shalt  }
0x78: {  	_ =	shalt  }
0x79: {  	_ =	shalt  }
0x7a: {  	_ =	shalt  }
0x7b: {  	_ =	shalt  }
0x7c: {  	_ =	shalt  }
0x7d: {  	_ =	shalt  }
0x7e: {  	_ =	shalt  }
0x7f: {  	_ =	shalt  }
0x80: {  	_ =	shalt  }
0x81: {  	_ =	shalt  }
0x82: {  	_ =	shalt  }
0x83: {  	_ =	shalt  }
0x84: {  	_ =	shalt  }
0x85: {  	_ =	shalt  }
0x86: {  	_ =	shalt  }
0x87: {  	_ =	shalt  }
.Lfunc_end0:
.L_simem_size_0:
called_computation_lowered:
.L_overlay_start_0:
0x88: {  	s2 =	sld [smem:$0x3FD9]  }
0x89: {  	s3 =	sld [smem:$0x3FFE];
	_ =	sdelay $0x1  }
0x8a: {  	s1 =	srdreg.scid  }
0x8b: {  	s0 =	sand.u32 $0x1, s1  }
0x8c: {  	s16 =	sshll.u32 s0, $0xA;
	s2 =	sadd.s32 s3, s2  }
0x8d: {  	s2 =	sadd.s32 s2, s16  }
0x8e: {  	[smem:$0x3FC3] =	sst s2  }
0x8f: {  	_ = 	snop  }
0x90: {  	(tm) =	ssettm $0x1  }
0x91: {  	s17 =	sld [smem:$0x3FFB];
	_ =	sdelay $0x3  }
0x92: {  	_ =	strace s17  }
0x93: {  	s2 =	sld [smem:$0x3FFC];
	_ =	sdelay $0x3  }
0x94: {  	_ =	strace s2  }
0x95: {  	s2 =	sld [smem:$0x3FFD];
	_ =	sdelay $0x3  }
0x96: {  	_ =	strace s2  }
0x97: {  	_ =	strace $0x8FFFFFFF  }
0x98: {  	s18 =	sld [smem:$0x3FDB];
	_ =	sdelay $0x1  }
0x99: {  	s19 =	simm.s32 $_scs_section_size  }
0x9a: {  	s4 =	simm.s32 $_size__tile_overlayer_lowered;
	s5 =	simm.s32 $_tile_overlayer_lowered  }
0x9b: {  	s22 =	simm.s32 $0x1BFF;
	s21 =	sshll.u32 s5, $0x1;
	s2 =	sadd.s32 s19, s18  }
0x9c: {  	s6 =	simm.s32 $0x0;
	s20 =	sshll.u32 s4, $0x1;
	s4 =	sadd.s32 s21, s2  }
0x9d: {  	[timem:s6], [sflag:s22] =	dma.local [hbm:s4], s20  }
0x9e: {  	_ =	swait.ge [sflag:s22], s20  }
0x9f: {  	s3 =	ssub.s32 $0x0, s20;
	[sflag:s22] =	ssyncset.done $0x0  }
0xa0: {  	[sflag:s22] =	ssyncadd.s32 s3;
	_ =	sdelay $0x1  }
0xa1: {  	s23 =	simm.s32 $0x1B8B  }
0xa2: {  	_ =	swait.ge [sflag:s23], $0x1  }
0xa3: {  	[sflag:s23] =	ssyncset.done $0x0  }
0xa4: {  	s25 =	simm.s32 $0x1B8E;
	s24 =	sld [smem:$0x3FFE];
	[sflag:s23] =	ssyncadd.s32 $0xFFFFFFFF  }
0xa5: {  	s26 =	simm.s32 $execute0_lowered;
	[smem:$0x3FD2] =	sst s25  }
0xa6: {  	s4 =	sshll.u32 s26, $0x1;
	_ =	strace $0x80000046;
	[dreg:$0x1] =	wrdreg $0xFFFFFFFF  }
0xa7: {  	s28 =	simm.s32 $_size_execute0_lowered;
	s2 =	sadd.s32 s2, s4;
	[dreg:$0x0] =	wrdreg $0x0  }
0xa8: {  	s4 =	sshll.u32 s28, $0x1;
	[dreg:$0x2] =	wrdreg s2  }
0xa9: {  	[dreg:$0x3] =	wrdreg s4  }
0xaa: {  	[dreg:$0x4] =	wrdreg $0xC0  }
0xab: {  	_ =	task [dreg:s6], $0x5FFFF  }
0xac: {  	[dreg:$0x1] =	wrdreg $0xFFFFFFFF  }
0xad: {  	[dreg:$0x0] =	wrdreg $0x60  }
0xae: {  	[dreg:$0x2] =	wrdreg s24  }
0xaf: {  	[dreg:$0x3] =	wrdreg $0x9  }
0xb0: {  	_ =	task.clear_ibuf [dreg:s6], $0x4FFFF;
	_ =	strace $0x90000046  }
0xb1: {  	s29 =	simm.s32 $0x9;
	_ =	strace $0x80000048  }
0xb2: {  	_ =	swait.ge [sflag:s29], $0x1  }
0xb3: {  	[sflag:s29] =	ssyncadd.s32 $0xFFFFFFFF  }
0xb4: {  	_ =	strace $0x90000048  }
0xb5: {  	_ =	sfence  }
0xb6: {  	s30 =	sld [smem:$0x0];
	_ =	sdelay $0x2  }
0xb7: {  	s31 =	sshll.u32 s1, $0xD;
	s1 =	sshrl.u32 s1, $0x2  }
0xb8: {  	s3 =	sand.u32 $0x4000, s31;
	s1 =	sadd.s32 s1, s30  }
0xb9: {  	s0 =	sor.u32 s3, s0;
	s1 =	sshll.u32 s1, $0x11  }
0xba: {  	s0 =	sor.u32 s1, s0  }
0xbb: {  	s0 =	sadd.s32 $0x8F2B, s0  }
0xbc: {  	[sflag:s0] =	ssyncadd.remote.s32 $0x1  }
0xbd: {  	_ =	sfence.sel $0xFFFF  }
0xbe: {  	[dreg:$0x0] =	wrdreg $0xFFFFFFFF;
	(pc) =	sbr.abs _section_cstart, $3  }
0xbf: {  	[dreg:$0x1] =	wrdreg $0xFFFFFFFF  }
0xc0: {  	_ =	task.clear_ibuf [dreg:s6], $0x2FFFF;
	_ =	strace $0x9FFFFFFF  }
0xc1: {  	(tm) =	ssettm $0x7FFFFFFF  }
tec
execute0_lowered:
.L_overlay_start_1:
0x0: {  	(tag) =	ssettag $0x1  }
0x1: {  	s0 =	rddreg [dreg:$0x0]  }
0x2: {  	s1 =	srdreg.scid;
	s13 =	stileid.u32;
	s2 =	simm.s32 $0x0  }
0x3: {  	s31 =	simm.s32 $0x5;
	s1 =	sand.u32 $0x1, s1;
	s3 =	smul.u32 $0x2800, s13  }
0x4: {  	[smem:$0x7FF] =	sst s2;
	s4 =	sadd.s32 $0x5C00, s0;
	s5 =	sadd.s32 $0xC00, s0  }
0x5: {  	s21 =	sadd.s32 $0xAC00, s0;
	s22 =	ssub.s32 $0x2, s1;
	p0 =	sne.s32 s1, $0x0  }
0x6: {  	s1 =	simm.s32 $0x1400;
	s6 =	sshrl.u32 s22, $0x1;
	s7 =	sadd.s32 $0x1E00, s3  }
0x7: {  	s2 =	sadd.s32 $0x2300, s3;
	s25 =	sshrl.u32 s3, $0x3;
	s10 =	sor.u32 $0x500, s3  }
0x8: {  	s17 =	sadd.s32 $0x1400, s3;
	s6 =	ssub.s32 s22, s6;
	s8 =	sshrl.u32 s7, $0x3  }
0x9: {  	s23 =	sshrl.u32 s2, $0x3;
	s26 =	sadd.s32 s4, s25;
	s11 =	sshrl.u32 s10, $0x3  }
0xa: {  	s22 =	sadd.s32 $0xFC00, s0;
	s9 =	sadd.s32 s4, s8;
	[dreg:$0x6] =	wrdreg s26  }
0xb: {  	s0 =	simm.s32 $0x500;
	s8 =	sadd.s32 s5, s8;
	[dreg:$0x2] =	wrdreg s9  }
0xc: {  	s24 =	sadd.s32 s4, s23;
	s12 =	sadd.s32 s4, s11;
	[dreg:$0x3] =	wrdreg s8  }
0xd: {  	s30 =	smax.u32 s6, $0x1;
	s6 =	simm.s32 $0x10400;
	[dreg:$0x4] =	wrdreg s24  }
0xe: {  	s8 =	sadd.s32 s5, s23;
	s9 =	sadd.s32 s5, s25;
	[dreg:$0x8] =	wrdreg s12  }
0xf: {  	s25 =	sshrl.u32 s17, $0x3;
	s17 =	sshll.u32 s17, $0x1;
	[dreg:$0x5] =	wrdreg s8  }
0x10: {  	[dreg:$0x7] =	wrdreg s9;
	s9 =	sadd.s32 $0xA00, s3;
	s8 =	sadd.s32 s5, s11  }
0x11: {  	s11 =	sadd.s32 $0xF00, s3;
	s18 =	sadd.s32 s5, s25;
	s14 =	sshrl.u32 s9, $0x3  }
0x12: {  	s29 =	sadd.s32 s22, s17;
	[dreg:$0x9] =	wrdreg s8;
	s12 =	sadd.s32 s4, s14  }
0x13: {  	s15 =	sshrl.u32 s11, $0x3;
	s8 =	sadd.s32 s5, s14;
	[dreg:$0xa] =	wrdreg s12  }
0x14: {  	s16 =	sadd.s32 s4, s15;
	s14 =	sadd.s32 $0x1900, s3;
	[dreg:$0xb] =	wrdreg s8  }
0x15: {  	s24 =	sadd.s32 s5, s15;
	s15 =	sadd.s32 s4, s25;
	[dreg:$0xc] =	wrdreg s16  }
0x16: {  	s3 =	simm.s32 $0xB400;
	[dreg:$0xd] =	wrdreg s24;
	s26 =	sshrl.u32 s14, $0x3  }
0x17: {  	[dreg:$0xe] =	wrdreg s15;
	s8 =	sshll.u32 s7, $0x1;
	s15 =	sshll.u32 s9, $0x1  }
0x18: {  	s16 =	sshll.u32 s11, $0x1;
	s7 =	simm.s32 $0x1;
	s9 =	simm.s32 $0x15400  }
0x19: {  	s11 =	simm.s32 $0x4;
	s12 =	simm.s32 $0x0;
	s19 =	sadd.s32 s4, s26  }
.Ltmp0:
0x1a: {  	s20 =	sadd.s32 s5, s26;
	_ =	strace $0x80000047;
	(pc) =	sbr.rel .LBB2_1-.Ltmp0, $4  }
0x1b: {  	s5 =	smul.u32 $0x5000, s13;
	s13 =	sshll.u32 s10, $0x1;
	s23 =	sadd.s32 s22, s8  }
0x1c: {  	s26 =	sadd.s32 s22, s15;
	s28 =	sadd.s32 s22, s16;
	s16 =	simm.s32 $0xA00  }
0x1d: {  	s4 =	simm.s32 $0xF00;
	s8 =	simm.s32 $0x2;
	s10 =	simm.s32 $0x3  }
0x1e: {  	s25 =	sadd.s32 s22, s13;
	s24 =	sadd.s32 s22, s5;
	s5 =	simm.s32 $0x6400  }
.LBB2_19:
0x1f: {  	v6 =	vld [tilespmem:s15+$0x10470];
	[tilespmem:s13+$0x15440] =	vst v5  }
0x20: {  	v1 =	vmax.f32 v1, v3;
	v5 =	vld [tilespmem:s15+$0x6400]  }
0x21: {  	v51 =	vld [tilespmem:s15+$0x10400];
	[tilespmem:s13+$0x15450] =	vst v1  }
0x22: {  	v2 =	vmax.f32 v2, v4;
	v1 =	vld [tilespmem:s15+$0x6410]  }
0x23: {  	v52 =	vld [tilespmem:s15+$0x10410];
	[tilespmem:s13+$0x15460] =	vst v2  }
0x24: {  	v2 =	vld [tilespmem:s15+$0x6420]  }
0x25: {  	v53 =	vld [tilespmem:s15+$0x10420]  }
0x26: {  	v55 =	vld [tilespmem:s15+$0x6430]  }
0x27: {  	v56 =	vld [tilespmem:s15+$0x10430]  }
0x28: {  	v57 =	vld [tilespmem:s15+$0x6440]  }
0x29: {  	v58 =	vld [tilespmem:s15+$0x10440]  }
0x2a: {  	v59 =	vld [tilespmem:s15+$0x6450]  }
0x2b: {  	v60 =	vld [tilespmem:s15+$0x10450];
	v0 =	vmax.f32 v0, v6  }
0x2c: {  	v61 =	vld [tilespmem:s15+$0x6460];
	[tilespmem:s15+$0x15470] =	vst v0;
	v54 =	vmax.f32 v5, v51  }
0x2d: {  	v62 =	vld [tilespmem:s15+$0x10460];
	[tilespmem:s15+$0x15400] =	vst v54;
	v1 =	vmax.f32 v1, v52  }
0x2e: {  	[tilespmem:s15+$0x15410] =	vst v1;
	v2 =	vmax.f32 v2, v53  }
0x2f: {  	v0 =	vmax.f32 v55, v56;
	[tilespmem:s15+$0x15420] =	vst v2  }
0x30: {  	v1 =	vmax.f32 v57, v58;
	[tilespmem:s15+$0x15430] =	vst v0  }
0x31: {  	v63 =	vmax.f32 v59, v60;
	[tilespmem:s15+$0x15440] =	vst v1  }
0x32: {  	[tilespmem:s15+$0x15450] =	vst v63;
	v0 =	vmax.f32 v61, v62  }
0x33: {  	s13 =	smov.u32 s2;
	[tilespmem:s15+$0x15460] =	vst v0  }
.LBB2_20:
0x34: {  	s12 =	sadd.s32 $0x1, s12  }
0x35: {  	s13 =	sshll.u32 s13, $0x1;
	p1 =	sne.s32 s12, s30  }
.Ltmp1:
0x36: {  	s15 =	simm.s32 $0x0;
	s13 =	sadd.s32 s22, s13;
	(pc) =	sbr.rel @!p1 .LBB2_21-.Ltmp1, $4  }
0x37: {  	[hbm4b:s13+s15] =	stream.linear.scatter [tilespmem:s9], [sflag:$0x5], $0x5000, $0x38;
	[tilespmem:$0x1A400] =	vst v63  }
0x38: {  	_ =	swait.ge [sflag:s31], $0x5000  }
0x39: {  	[sflag:s31] =	ssyncset.done $0x0  }
0x3a: {  	[sflag:s31] =	ssyncadd.s32 $0xFFFFB000  }
.LBB2_1:
.Ltmp2:
0x3b: {  	(pc) =	sbr.rel @p0 .LBB2_15-.Ltmp2, $2  }
0x3c: {  	_ =	sdelay $0x2  }
0x3d: {  	s13 =	simm.s32 $0x0  }
0x3e: {  	s15 =	rddreg [dreg:$0x6]  }
0x3f: {  	[tilespmem:s13], [sflag:$0x5] =	stream.linear.gather [hbm4b:s15+s13], $0x500, $0x38;
	[tilespmem:$0x1A400] =	vst v63  }
0x40: {  	_ =	swait.ge [sflag:s31], $0x500  }
0x41: {  	[sflag:s31] =	ssyncset.done $0x0  }
0x42: {  	s17 =	rddreg [dreg:$0x7];
	[sflag:s31] =	ssyncadd.s32 $0xFFFFFB00  }
0x43: {  	[tilespmem:s16], [sflag:$0x5] =	stream.linear.gather [hbm4b:s17+s13], $0x500, $0x38;
	[tilespmem:$0x1A400] =	vst v63  }
0x44: {  	_ =	swait.ge [sflag:s31], $0x500  }
0x45: {  	[sflag:s31] =	ssyncset.done $0x0  }
0x46: {  	[sflag:s31] =	ssyncadd.s32 $0xFFFFFB00  }
0x47: {  	[tilespmem:s1], [sflag:$0x1] =	stream.indirect.gather [hbm4b:s21+s0], $0x10, s13, s0, $0xb8;
	[tilespmem:$0x1A400] =	vst v63  }
0x48: {  	_ = 	snop  }
0x49: {  	[tilespmem:s3], [sflag:$0x2] =	stream.indirect.gather [hbm4b:s21+s0], $0x10, s16, s0, $0xb8;
	[tilespmem:$0x1A400] =	vst v63  }
0x4a: {  	s17 =	rddreg [dreg:$0x8]  }
0x4b: {  	[tilespmem:s0], [sflag:$0x5] =	stream.linear.gather [hbm4b:s17+s13], $0x500, $0x38;
	[tilespmem:$0x1A400] =	vst v63  }
0x4c: {  	_ =	swait.ge [sflag:s31], $0x500  }
0x4d: {  	[sflag:s31] =	ssyncset.done $0x0  }
0x4e: {  	s17 =	rddreg [dreg:$0x9];
	[sflag:s31] =	ssyncadd.s32 $0xFFFFFB00  }
0x4f: {  	[tilespmem:s4], [sflag:$0x5] =	stream.linear.gather [hbm4b:s17+s13], $0x500, $0x38;
	[tilespmem:$0x1A400] =	vst v63  }
0x50: {  	_ =	swait.ge [sflag:s31], $0x500  }
0x51: {  	[sflag:s31] =	ssyncset.done $0x0  }
0x52: {  	[sflag:s31] =	ssyncadd.s32 $0xFFFFFB00  }
0x53: {  	[tilespmem:s5], [sflag:$0x3] =	stream.indirect.gather [hbm4b:s21+s0], $0x10, s0, s0, $0xb8;
	[tilespmem:$0x1A400] =	vst v63  }
0x54: {  	_ = 	snop  }
0x55: {  	[tilespmem:s6], [sflag:$0x4] =	stream.indirect.gather [hbm4b:s21+s0], $0x10, s4, s0, $0xb8;
	[tilespmem:$0x1A400] =	vst v63  }
0x56: {  	_ =	swait.ge [sflag:s7], $0x5000  }
0x57: {  	[sflag:s7] =	ssyncset.done $0x0  }
0x58: {  	[sflag:s7] =	ssyncadd.s32 $0xFFFFB000  }
0x59: {  	_ =	swait.ge [sflag:s8], $0x5000  }
0x5a: {  	[sflag:s8] =	ssyncset.done $0x0  }
0x5b: {  	s13 =	simm.s32 $0x0;
	[sflag:s8] =	ssyncadd.s32 $0xFFFFB000  }
0x5c: {  	v0 =	vld [tilespmem:s13+$0x1470]  }
0x5d: {  	v1 =	vld [tilespmem:s13+$0xB470]  }
0x5e: {  	v2 =	vld [tilespmem:s13+$0x1400]  }
0x5f: {  	v3 =	vld [tilespmem:s13+$0xB400]  }
0x60: {  	v4 =	vld [tilespmem:s13+$0x1410]  }
0x61: {  	v5 =	vld [tilespmem:s13+$0xB410]  }
0x62: {  	v6 =	vld [tilespmem:s13+$0x1420]  }
0x63: {  	v0 =	vmax.f32 v0, v1;
	v1 =	vld [tilespmem:s13+$0xB420]  }
0x64: {  	[tilespmem:s13+$0x15470] =	vst v0;
	v0 =	vmax.f32 v2, v3;
	v2 =	vld [tilespmem:s13+$0x1430]  }
0x65: {  	[tilespmem:s13+$0x15400] =	vst v0;
	v0 =	vld [tilespmem:s13+$0xB430]  }
0x66: {  	v7 =	vld [tilespmem:s13+$0xB440]  }
0x67: {  	v3 =	vmax.f32 v4, v5;
	v5 =	vld [tilespmem:s13+$0x1440]  }
0x68: {  	[tilespmem:s13+$0x15410] =	vst v3;
	v3 =	vmax.f32 v6, v1;
	v1 =	vld [tilespmem:s13+$0x1450]  }
0x69: {  	[tilespmem:s13+$0x15420] =	vst v3;
	v3 =	vld [tilespmem:s13+$0xB450]  }
0x6a: {  	v4 =	vld [tilespmem:s13+$0xB460];
	v0 =	vmax.f32 v2, v0  }
0x6b: {  	s15 =	simm.s32 $0x80;
	v2 =	vld [tilespmem:s13+$0x1460];
	[tilespmem:s13+$0x15430] =	vst v0  }
0x6c: {  	s17 =	simm.s32 $0x400;
	v5 =	vmax.f32 v5, v7;
	v0 =	vld [tilespmem:s15+$0x1470]  }
.LBB2_3:
0x6d: {  	p1 =	sne.s32 s17, $0x13E00;
	v6 =	vld [tilespmem:s15+$0xB470];
	[tilespmem:s13+$0x15440] =	vst v5  }
0x6e: {  	v5 =	vld [tilespmem:s15+$0x1400];
	v1 =	vmax.f32 v1, v3  }
0x6f: {  	v3 =	vld [tilespmem:s15+$0xB400];
	[tilespmem:s13+$0x15450] =	vst v1  }
0x70: {  	v1 =	vld [tilespmem:s15+$0x1410];
	v2 =	vmax.f32 v2, v4  }
0x71: {  	v4 =	vld [tilespmem:s15+$0xB410];
	[tilespmem:s13+$0x15460] =	vst v2;
	s13 =	smov.u32 s15  }
0x72: {  	v2 =	vld [tilespmem:s13+$0x1420];
	v0 =	vmax.f32 v0, v6  }
0x73: {  	v6 =	vld [tilespmem:s13+$0xB420];
	[tilespmem:s13+$0x15470] =	vst v0  }
0x74: {  	v0 =	vmax.f32 v5, v3;
	v5 =	vld [tilespmem:s13+$0x1430]  }
0x75: {  	[tilespmem:s13+$0x15400] =	vst v0;
	v0 =	vld [tilespmem:s13+$0xB430]  }
0x76: {  	v1 =	vmax.f32 v1, v4;
	v7 =	vld [tilespmem:s13+$0x1440]  }
0x77: {  	[tilespmem:s13+$0x15410] =	vst v1;
	v8 =	vld [tilespmem:s13+$0xB440]  }
.Ltmp3:
0x78: {  	v2 =	vmax.f32 v2, v6;
	v1 =	vld [tilespmem:s13+$0x1450];
	(pc) =	sbr.rel @p1 .LBB2_3-.Ltmp3, $4  }
0x79: {  	[tilespmem:s13+$0x15420] =	vst v2;
	v3 =	vld [tilespmem:s13+$0xB450]  }
0x7a: {  	v0 =	vmax.f32 v5, v0;
	v2 =	vld [tilespmem:s13+$0x1460]  }
0x7b: {  	s15 =	sshra.s32 s17, $0x2;
	[tilespmem:s13+$0x15430] =	vst v0;
	v4 =	vld [tilespmem:s13+$0xB460]  }
0x7c: {  	s17 =	sadd.s32 $0x200, s17;
	v0 =	vld [tilespmem:s15+$0x1470];
	v5 =	vmax.f32 v7, v8  }
0x7d: {  	v6 =	vld [tilespmem:s15+$0xB470];
	[tilespmem:s13+$0x15440] =	vst v5  }
0x7e: {  	v5 =	vld [tilespmem:s15+$0x1400];
	v1 =	vmax.f32 v1, v3  }
0x7f: {  	v3 =	vld [tilespmem:s15+$0xB400];
	[tilespmem:s13+$0x15450] =	vst v1  }
0x80: {  	v1 =	vld [tilespmem:s15+$0x1410];
	v2 =	vmax.f32 v2, v4  }
0x81: {  	v4 =	vld [tilespmem:s15+$0xB410];
	[tilespmem:s13+$0x15460] =	vst v2  }
0x82: {  	v2 =	vld [tilespmem:s15+$0x1420]  }
0x83: {  	v0 =	vmax.f32 v0, v6;
	v6 =	vld [tilespmem:s15+$0xB420]  }
0x84: {  	[tilespmem:s15+$0x15470] =	vst v0;
	v0 =	vmax.f32 v5, v3;
	v3 =	vld [tilespmem:s15+$0x1430]  }
0x85: {  	[tilespmem:s15+$0x15400] =	vst v0;
	v0 =	vld [tilespmem:s15+$0xB430]  }
0x86: {  	v5 =	vld [tilespmem:s15+$0x1450]  }
0x87: {  	v1 =	vmax.f32 v1, v4;
	v4 =	vld [tilespmem:s15+$0x1440]  }
0x88: {  	[tilespmem:s15+$0x15410] =	vst v1;
	v1 =	vld [tilespmem:s15+$0xB440];
	v2 =	vmax.f32 v2, v6  }
0x89: {  	[tilespmem:s15+$0x15420] =	vst v2;
	v2 =	vld [tilespmem:s15+$0xB450]  }
0x8a: {  	v0 =	vmax.f32 v3, v0;
	v3 =	vld [tilespmem:s15+$0x1460]  }
0x8b: {  	[tilespmem:s15+$0x15430] =	vst v0;
	v0 =	vld [tilespmem:s15+$0xB460];
	_ =	sdelay $0x2  }
0x8c: {  	v1 =	vmax.f32 v4, v1  }
0x8d: {  	[tilespmem:s15+$0x15440] =	vst v1;
	v1 =	vmax.f32 v5, v2  }
0x8e: {  	[tilespmem:s15+$0x15450] =	vst v1;
	v0 =	vmax.f32 v3, v0  }
0x8f: {  	s13 =	simm.s32 $0x0;
	[tilespmem:s15+$0x15460] =	vst v0  }
0x90: {  	[hbm4b:s24+s13] =	stream.linear.scatter [tilespmem:s9], [sflag:$0x5], $0x5000, $0x38;
	[tilespmem:$0x1A400] =	vst v63  }
0x91: {  	_ =	swait.ge [sflag:s31], $0x5000  }
0x92: {  	[sflag:s31] =	ssyncset.done $0x0  }
0x93: {  	s17 =	rddreg [dreg:$0xa];
	[sflag:s31] =	ssyncadd.s32 $0xFFFFB000  }
0x94: {  	[tilespmem:s13], [sflag:$0x5] =	stream.linear.gather [hbm4b:s17+s13], $0x500, $0x38;
	[tilespmem:$0x1A400] =	vst v63  }
0x95: {  	_ =	swait.ge [sflag:s31], $0x500  }
0x96: {  	[sflag:s31] =	ssyncset.done $0x0  }
0x97: {  	s17 =	rddreg [dreg:$0xb];
	[sflag:s31] =	ssyncadd.s32 $0xFFFFFB00  }
0x98: {  	[tilespmem:s16], [sflag:$0x5] =	stream.linear.gather [hbm4b:s17+s13], $0x500, $0x38;
	[tilespmem:$0x1A400] =	vst v63  }
0x99: {  	_ =	swait.ge [sflag:s31], $0x500  }
0x9a: {  	[sflag:s31] =	ssyncset.done $0x0  }
0x9b: {  	[sflag:s31] =	ssyncadd.s32 $0xFFFFFB00  }
0x9c: {  	[tilespmem:s1], [sflag:$0x1] =	stream.indirect.gather [hbm4b:s21+s0], $0x10, s13, s0, $0xb8;
	[tilespmem:$0x1A400] =	vst v63  }
0x9d: {  	_ = 	snop  }
0x9e: {  	[tilespmem:s3], [sflag:$0x2] =	stream.indirect.gather [hbm4b:s21+s0], $0x10, s16, s0, $0xb8;
	[tilespmem:$0x1A400] =	vst v63  }
0x9f: {  	_ =	swait.ge [sflag:s10], $0x5000  }
0xa0: {  	[sflag:s10] =	ssyncset.done $0x0  }
0xa1: {  	[sflag:s10] =	ssyncadd.s32 $0xFFFFB000  }
0xa2: {  	_ =	swait.ge [sflag:s11], $0x5000  }
0xa3: {  	[sflag:s11] =	ssyncset.done $0x0  }
0xa4: {  	s13 =	simm.s32 $0x0;
	[sflag:s11] =	ssyncadd.s32 $0xFFFFB000  }
0xa5: {  	v0 =	vld [tilespmem:s13+$0x6470]  }
0xa6: {  	v1 =	vld [tilespmem:s13+$0x10470]  }
0xa7: {  	v2 =	vld [tilespmem:s13+$0x6400]  }
0xa8: {  	v3 =	vld [tilespmem:s13+$0x10400]  }
0xa9: {  	v4 =	vld [tilespmem:s13+$0x6410]  }
0xaa: {  	v5 =	vld [tilespmem:s13+$0x10410]  }
0xab: {  	v6 =	vld [tilespmem:s13+$0x6420]  }
0xac: {  	v0 =	vmax.f32 v0, v1;
	v1 =	vld [tilespmem:s13+$0x10420]  }
0xad: {  	[tilespmem:s13+$0x15470] =	vst v0;
	v0 =	vmax.f32 v2, v3;
	v2 =	vld [tilespmem:s13+$0x6430]  }
0xae: {  	[tilespmem:s13+$0x15400] =	vst v0;
	v0 =	vld [tilespmem:s13+$0x10430]  }
0xaf: {  	v7 =	vld [tilespmem:s13+$0x10440]  }
0xb0: {  	v3 =	vmax.f32 v4, v5;
	v5 =	vld [tilespmem:s13+$0x6440]  }
0xb1: {  	[tilespmem:s13+$0x15410] =	vst v3;
	v3 =	vmax.f32 v6, v1;
	v1 =	vld [tilespmem:s13+$0x6450]  }
0xb2: {  	[tilespmem:s13+$0x15420] =	vst v3;
	v3 =	vld [tilespmem:s13+$0x10450]  }
0xb3: {  	v4 =	vld [tilespmem:s13+$0x10460];
	v0 =	vmax.f32 v2, v0  }
0xb4: {  	s15 =	simm.s32 $0x80;
	v2 =	vld [tilespmem:s13+$0x6460];
	[tilespmem:s13+$0x15430] =	vst v0  }
0xb5: {  	s17 =	simm.s32 $0x400;
	v5 =	vmax.f32 v5, v7;
	v0 =	vld [tilespmem:s15+$0x6470]  }
.LBB2_5:
0xb6: {  	p1 =	sne.s32 s17, $0x13E00;
	v6 =	vld [tilespmem:s15+$0x10470];
	[tilespmem:s13+$0x15440] =	vst v5  }
0xb7: {  	v5 =	vld [tilespmem:s15+$0x6400];
	v1 =	vmax.f32 v1, v3  }
0xb8: {  	v3 =	vld [tilespmem:s15+$0x10400];
	[tilespmem:s13+$0x15450] =	vst v1  }
0xb9: {  	v1 =	vld [tilespmem:s15+$0x6410];
	v2 =	vmax.f32 v2, v4  }
0xba: {  	v4 =	vld [tilespmem:s15+$0x10410];
	[tilespmem:s13+$0x15460] =	vst v2;
	s13 =	smov.u32 s15  }
0xbb: {  	v2 =	vld [tilespmem:s13+$0x6420];
	v0 =	vmax.f32 v0, v6  }
0xbc: {  	v6 =	vld [tilespmem:s13+$0x10420];
	[tilespmem:s13+$0x15470] =	vst v0  }
0xbd: {  	v0 =	vmax.f32 v5, v3;
	v5 =	vld [tilespmem:s13+$0x6430]  }
0xbe: {  	[tilespmem:s13+$0x15400] =	vst v0;
	v0 =	vld [tilespmem:s13+$0x10430]  }
0xbf: {  	v1 =	vmax.f32 v1, v4;
	v7 =	vld [tilespmem:s13+$0x6440]  }
0xc0: {  	[tilespmem:s13+$0x15410] =	vst v1;
	v8 =	vld [tilespmem:s13+$0x10440]  }
.Ltmp4:
0xc1: {  	v2 =	vmax.f32 v2, v6;
	v1 =	vld [tilespmem:s13+$0x6450];
	(pc) =	sbr.rel @p1 .LBB2_5-.Ltmp4, $4  }
0xc2: {  	[tilespmem:s13+$0x15420] =	vst v2;
	v3 =	vld [tilespmem:s13+$0x10450]  }
0xc3: {  	v0 =	vmax.f32 v5, v0;
	v2 =	vld [tilespmem:s13+$0x6460]  }
0xc4: {  	s15 =	sshra.s32 s17, $0x2;
	[tilespmem:s13+$0x15430] =	vst v0;
	v4 =	vld [tilespmem:s13+$0x10460]  }
0xc5: {  	s17 =	sadd.s32 $0x200, s17;
	v0 =	vld [tilespmem:s15+$0x6470];
	v5 =	vmax.f32 v7, v8  }
0xc6: {  	v6 =	vld [tilespmem:s15+$0x10470];
	[tilespmem:s13+$0x15440] =	vst v5  }
0xc7: {  	v5 =	vld [tilespmem:s15+$0x6400];
	v1 =	vmax.f32 v1, v3  }
0xc8: {  	v3 =	vld [tilespmem:s15+$0x10400];
	[tilespmem:s13+$0x15450] =	vst v1  }
0xc9: {  	v1 =	vld [tilespmem:s15+$0x6410];
	v2 =	vmax.f32 v2, v4  }
0xca: {  	v4 =	vld [tilespmem:s15+$0x10410];
	[tilespmem:s13+$0x15460] =	vst v2  }
0xcb: {  	v2 =	vld [tilespmem:s15+$0x6420]  }
0xcc: {  	v0 =	vmax.f32 v0, v6;
	v6 =	vld [tilespmem:s15+$0x10420]  }
0xcd: {  	[tilespmem:s15+$0x15470] =	vst v0;
	v0 =	vmax.f32 v5, v3;
	v3 =	vld [tilespmem:s15+$0x6430]  }
0xce: {  	[tilespmem:s15+$0x15400] =	vst v0;
	v0 =	vld [tilespmem:s15+$0x10430]  }
0xcf: {  	v5 =	vld [tilespmem:s15+$0x6450]  }
0xd0: {  	v1 =	vmax.f32 v1, v4;
	v4 =	vld [tilespmem:s15+$0x6440]  }
0xd1: {  	[tilespmem:s15+$0x15410] =	vst v1;
	v1 =	vld [tilespmem:s15+$0x10440];
	v2 =	vmax.f32 v2, v6  }
0xd2: {  	[tilespmem:s15+$0x15420] =	vst v2;
	v2 =	vld [tilespmem:s15+$0x10450]  }
0xd3: {  	v0 =	vmax.f32 v3, v0;
	v3 =	vld [tilespmem:s15+$0x6460]  }
0xd4: {  	[tilespmem:s15+$0x15430] =	vst v0;
	v0 =	vld [tilespmem:s15+$0x10460];
	_ =	sdelay $0x2  }
0xd5: {  	v1 =	vmax.f32 v4, v1  }
0xd6: {  	[tilespmem:s15+$0x15440] =	vst v1;
	v1 =	vmax.f32 v5, v2  }
0xd7: {  	[tilespmem:s15+$0x15450] =	vst v1;
	v0 =	vmax.f32 v3, v0  }
0xd8: {  	s13 =	simm.s32 $0x0;
	[tilespmem:s15+$0x15460] =	vst v0  }
0xd9: {  	[hbm4b:s25+s13] =	stream.linear.scatter [tilespmem:s9], [sflag:$0x5], $0x5000, $0x38;
	[tilespmem:$0x1A400] =	vst v63  }
0xda: {  	_ =	swait.ge [sflag:s31], $0x5000  }
0xdb: {  	[sflag:s31] =	ssyncset.done $0x0  }
0xdc: {  	s17 =	rddreg [dreg:$0xc];
	[sflag:s31] =	ssyncadd.s32 $0xFFFFB000  }
0xdd: {  	[tilespmem:s0], [sflag:$0x5] =	stream.linear.gather [hbm4b:s17+s13], $0x500, $0x38;
	[tilespmem:$0x1A400] =	vst v63  }
0xde: {  	_ =	swait.ge [sflag:s31], $0x500  }
0xdf: {  	[sflag:s31] =	ssyncset.done $0x0  }
0xe0: {  	s17 =	rddreg [dreg:$0xd];
	[sflag:s31] =	ssyncadd.s32 $0xFFFFFB00  }
0xe1: {  	[tilespmem:s4], [sflag:$0x5] =	stream.linear.gather [hbm4b:s17+s13], $0x500, $0x38;
	[tilespmem:$0x1A400] =	vst v63  }
0xe2: {  	_ =	swait.ge [sflag:s31], $0x500  }
0xe3: {  	[sflag:s31] =	ssyncset.done $0x0  }
0xe4: {  	[sflag:s31] =	ssyncadd.s32 $0xFFFFFB00  }
0xe5: {  	[tilespmem:s5], [sflag:$0x3] =	stream.indirect.gather [hbm4b:s21+s0], $0x10, s0, s0, $0xb8;
	[tilespmem:$0x1A400] =	vst v63  }
0xe6: {  	_ = 	snop  }
0xe7: {  	[tilespmem:s6], [sflag:$0x4] =	stream.indirect.gather [hbm4b:s21+s0], $0x10, s4, s0, $0xb8;
	[tilespmem:$0x1A400] =	vst v63  }
0xe8: {  	_ =	swait.ge [sflag:s7], $0x5000  }
0xe9: {  	[sflag:s7] =	ssyncset.done $0x0  }
0xea: {  	[sflag:s7] =	ssyncadd.s32 $0xFFFFB000  }
0xeb: {  	_ =	swait.ge [sflag:s8], $0x5000  }
0xec: {  	[sflag:s8] =	ssyncset.done $0x0  }
0xed: {  	s13 =	simm.s32 $0x0;
	[sflag:s8] =	ssyncadd.s32 $0xFFFFB000  }
0xee: {  	v0 =	vld [tilespmem:s13+$0x1470]  }
0xef: {  	v1 =	vld [tilespmem:s13+$0xB470]  }
0xf0: {  	v2 =	vld [tilespmem:s13+$0x1400]  }
0xf1: {  	v3 =	vld [tilespmem:s13+$0xB400]  }
0xf2: {  	v4 =	vld [tilespmem:s13+$0x1410]  }
0xf3: {  	v5 =	vld [tilespmem:s13+$0xB410]  }
0xf4: {  	v6 =	vld [tilespmem:s13+$0x1420]  }
0xf5: {  	v0 =	vmax.f32 v0, v1;
	v1 =	vld [tilespmem:s13+$0xB420]  }
0xf6: {  	[tilespmem:s13+$0x15470] =	vst v0;
	v0 =	vmax.f32 v2, v3;
	v2 =	vld [tilespmem:s13+$0x1430]  }
0xf7: {  	[tilespmem:s13+$0x15400] =	vst v0;
	v0 =	vld [tilespmem:s13+$0xB430]  }
0xf8: {  	v7 =	vld [tilespmem:s13+$0xB440]  }
0xf9: {  	v3 =	vmax.f32 v4, v5;
	v5 =	vld [tilespmem:s13+$0x1440]  }
0xfa: {  	[tilespmem:s13+$0x15410] =	vst v3;
	v3 =	vmax.f32 v6, v1;
	v1 =	vld [tilespmem:s13+$0x1450]  }
0xfb: {  	[tilespmem:s13+$0x15420] =	vst v3;
	v3 =	vld [tilespmem:s13+$0xB450]  }
0xfc: {  	v4 =	vld [tilespmem:s13+$0xB460];
	v0 =	vmax.f32 v2, v0  }
0xfd: {  	s15 =	simm.s32 $0x80;
	v2 =	vld [tilespmem:s13+$0x1460];
	[tilespmem:s13+$0x15430] =	vst v0  }
0xfe: {  	s17 =	simm.s32 $0x400;
	v5 =	vmax.f32 v5, v7;
	v0 =	vld [tilespmem:s15+$0x1470]  }
.LBB2_7:
0xff: {  	p1 =	sne.s32 s17, $0x13E00;
	v6 =	vld [tilespmem:s15+$0xB470];
	[tilespmem:s13+$0x15440] =	vst v5  }
0x100: {  	v5 =	vld [tilespmem:s15+$0x1400];
	v1 =	vmax.f32 v1, v3  }
0x101: {  	v3 =	vld [tilespmem:s15+$0xB400];
	[tilespmem:s13+$0x15450] =	vst v1  }
0x102: {  	v1 =	vld [tilespmem:s15+$0x1410];
	v2 =	vmax.f32 v2, v4  }
0x103: {  	v4 =	vld [tilespmem:s15+$0xB410];
	[tilespmem:s13+$0x15460] =	vst v2;
	s13 =	smov.u32 s15  }
0x104: {  	v2 =	vld [tilespmem:s13+$0x1420];
	v0 =	vmax.f32 v0, v6  }
0x105: {  	v6 =	vld [tilespmem:s13+$0xB420];
	[tilespmem:s13+$0x15470] =	vst v0  }
0x106: {  	v0 =	vmax.f32 v5, v3;
	v5 =	vld [tilespmem:s13+$0x1430]  }
0x107: {  	[tilespmem:s13+$0x15400] =	vst v0;
	v0 =	vld [tilespmem:s13+$0xB430]  }
0x108: {  	v1 =	vmax.f32 v1, v4;
	v7 =	vld [tilespmem:s13+$0x1440]  }
0x109: {  	[tilespmem:s13+$0x15410] =	vst v1;
	v8 =	vld [tilespmem:s13+$0xB440]  }
.Ltmp5:
0x10a: {  	v2 =	vmax.f32 v2, v6;
	v1 =	vld [tilespmem:s13+$0x1450];
	(pc) =	sbr.rel @p1 .LBB2_7-.Ltmp5, $4  }
0x10b: {  	[tilespmem:s13+$0x15420] =	vst v2;
	v3 =	vld [tilespmem:s13+$0xB450]  }
0x10c: {  	v0 =	vmax.f32 v5, v0;
	v2 =	vld [tilespmem:s13+$0x1460]  }
0x10d: {  	s15 =	sshra.s32 s17, $0x2;
	[tilespmem:s13+$0x15430] =	vst v0;
	v4 =	vld [tilespmem:s13+$0xB460]  }
0x10e: {  	s17 =	sadd.s32 $0x200, s17;
	v0 =	vld [tilespmem:s15+$0x1470];
	v5 =	vmax.f32 v7, v8  }
0x10f: {  	v6 =	vld [tilespmem:s15+$0xB470];
	[tilespmem:s13+$0x15440] =	vst v5  }
0x110: {  	v5 =	vld [tilespmem:s15+$0x1400];
	v1 =	vmax.f32 v1, v3  }
0x111: {  	v3 =	vld [tilespmem:s15+$0xB400];
	[tilespmem:s13+$0x15450] =	vst v1  }
0x112: {  	v1 =	vld [tilespmem:s15+$0x1410];
	v2 =	vmax.f32 v2, v4  }
0x113: {  	v4 =	vld [tilespmem:s15+$0xB410];
	[tilespmem:s13+$0x15460] =	vst v2  }
0x114: {  	v2 =	vld [tilespmem:s15+$0x1420]  }
0x115: {  	v0 =	vmax.f32 v0, v6;
	v6 =	vld [tilespmem:s15+$0xB420]  }
0x116: {  	[tilespmem:s15+$0x15470] =	vst v0;
	v0 =	vmax.f32 v5, v3;
	v3 =	vld [tilespmem:s15+$0x1430]  }
0x117: {  	[tilespmem:s15+$0x15400] =	vst v0;
	v0 =	vld [tilespmem:s15+$0xB430]  }
0x118: {  	v5 =	vld [tilespmem:s15+$0x1450]  }
0x119: {  	v1 =	vmax.f32 v1, v4;
	v4 =	vld [tilespmem:s15+$0x1440]  }
0x11a: {  	[tilespmem:s15+$0x15410] =	vst v1;
	v1 =	vld [tilespmem:s15+$0xB440];
	v2 =	vmax.f32 v2, v6  }
0x11b: {  	[tilespmem:s15+$0x15420] =	vst v2;
	v2 =	vld [tilespmem:s15+$0xB450]  }
0x11c: {  	v0 =	vmax.f32 v3, v0;
	v3 =	vld [tilespmem:s15+$0x1460]  }
0x11d: {  	[tilespmem:s15+$0x15430] =	vst v0;
	v0 =	vld [tilespmem:s15+$0xB460];
	_ =	sdelay $0x2  }
0x11e: {  	v1 =	vmax.f32 v4, v1  }
0x11f: {  	[tilespmem:s15+$0x15440] =	vst v1;
	v1 =	vmax.f32 v5, v2  }
0x120: {  	[tilespmem:s15+$0x15450] =	vst v1;
	v0 =	vmax.f32 v3, v0  }
0x121: {  	s13 =	simm.s32 $0x0;
	[tilespmem:s15+$0x15460] =	vst v0  }
0x122: {  	[hbm4b:s26+s13] =	stream.linear.scatter [tilespmem:s9], [sflag:$0x5], $0x5000, $0x38;
	[tilespmem:$0x1A400] =	vst v63  }
0x123: {  	_ =	swait.ge [sflag:s31], $0x5000  }
0x124: {  	[sflag:s31] =	ssyncset.done $0x0  }
0x125: {  	s17 =	rddreg [dreg:$0xe];
	[sflag:s31] =	ssyncadd.s32 $0xFFFFB000  }
0x126: {  	[tilespmem:s13], [sflag:$0x5] =	stream.linear.gather [hbm4b:s17+s13], $0x500, $0x38;
	[tilespmem:$0x1A400] =	vst v63  }
0x127: {  	_ =	swait.ge [sflag:s31], $0x500  }
0x128: {  	[sflag:s31] =	ssyncset.done $0x0  }
0x129: {  	[sflag:s31] =	ssyncadd.s32 $0xFFFFFB00  }
0x12a: {  	[tilespmem:s16], [sflag:$0x5] =	stream.linear.gather [hbm4b:s18+s13], $0x500, $0x38;
	[tilespmem:$0x1A400] =	vst v63  }
0x12b: {  	_ =	swait.ge [sflag:s31], $0x500  }
0x12c: {  	[sflag:s31] =	ssyncset.done $0x0  }
0x12d: {  	[sflag:s31] =	ssyncadd.s32 $0xFFFFFB00  }
0x12e: {  	[tilespmem:s1], [sflag:$0x1] =	stream.indirect.gather [hbm4b:s21+s0], $0x10, s13, s0, $0xb8;
	[tilespmem:$0x1A400] =	vst v63  }
0x12f: {  	_ = 	snop  }
0x130: {  	[tilespmem:s3], [sflag:$0x2] =	stream.indirect.gather [hbm4b:s21+s0], $0x10, s16, s0, $0xb8;
	[tilespmem:$0x1A400] =	vst v63  }
0x131: {  	_ =	swait.ge [sflag:s10], $0x5000  }
0x132: {  	[sflag:s10] =	ssyncset.done $0x0  }
0x133: {  	[sflag:s10] =	ssyncadd.s32 $0xFFFFB000  }
0x134: {  	_ =	swait.ge [sflag:s11], $0x5000  }
0x135: {  	[sflag:s11] =	ssyncset.done $0x0  }
0x136: {  	s13 =	simm.s32 $0x0;
	[sflag:s11] =	ssyncadd.s32 $0xFFFFB000  }
0x137: {  	v0 =	vld [tilespmem:s13+$0x6470]  }
0x138: {  	v1 =	vld [tilespmem:s13+$0x10470]  }
0x139: {  	v2 =	vld [tilespmem:s13+$0x6400]  }
0x13a: {  	v3 =	vld [tilespmem:s13+$0x10400]  }
0x13b: {  	v4 =	vld [tilespmem:s13+$0x6410]  }
0x13c: {  	v5 =	vld [tilespmem:s13+$0x10410]  }
0x13d: {  	v6 =	vld [tilespmem:s13+$0x6420]  }
0x13e: {  	v0 =	vmax.f32 v0, v1;
	v1 =	vld [tilespmem:s13+$0x10420]  }
0x13f: {  	[tilespmem:s13+$0x15470] =	vst v0;
	v0 =	vmax.f32 v2, v3;
	v2 =	vld [tilespmem:s13+$0x6430]  }
0x140: {  	[tilespmem:s13+$0x15400] =	vst v0;
	v0 =	vld [tilespmem:s13+$0x10430]  }
0x141: {  	v7 =	vld [tilespmem:s13+$0x10440]  }
0x142: {  	v3 =	vmax.f32 v4, v5;
	v5 =	vld [tilespmem:s13+$0x6440]  }
0x143: {  	[tilespmem:s13+$0x15410] =	vst v3;
	v3 =	vmax.f32 v6, v1;
	v1 =	vld [tilespmem:s13+$0x6450]  }
0x144: {  	[tilespmem:s13+$0x15420] =	vst v3;
	v3 =	vld [tilespmem:s13+$0x10450]  }
0x145: {  	v4 =	vld [tilespmem:s13+$0x10460];
	v0 =	vmax.f32 v2, v0  }
0x146: {  	s15 =	simm.s32 $0x80;
	v2 =	vld [tilespmem:s13+$0x6460];
	[tilespmem:s13+$0x15430] =	vst v0  }
0x147: {  	s17 =	simm.s32 $0x400;
	v5 =	vmax.f32 v5, v7;
	v0 =	vld [tilespmem:s15+$0x6470]  }
.LBB2_9:
0x148: {  	p1 =	sne.s32 s17, $0x13E00;
	v6 =	vld [tilespmem:s15+$0x10470];
	[tilespmem:s13+$0x15440] =	vst v5  }
0x149: {  	v5 =	vld [tilespmem:s15+$0x6400];
	v1 =	vmax.f32 v1, v3  }
0x14a: {  	v3 =	vld [tilespmem:s15+$0x10400];
	[tilespmem:s13+$0x15450] =	vst v1  }
0x14b: {  	v1 =	vld [tilespmem:s15+$0x6410];
	v2 =	vmax.f32 v2, v4  }
0x14c: {  	v4 =	vld [tilespmem:s15+$0x10410];
	[tilespmem:s13+$0x15460] =	vst v2;
	s13 =	smov.u32 s15  }
0x14d: {  	v2 =	vld [tilespmem:s13+$0x6420];
	v0 =	vmax.f32 v0, v6  }
0x14e: {  	v6 =	vld [tilespmem:s13+$0x10420];
	[tilespmem:s13+$0x15470] =	vst v0  }
0x14f: {  	v0 =	vmax.f32 v5, v3;
	v5 =	vld [tilespmem:s13+$0x6430]  }
0x150: {  	[tilespmem:s13+$0x15400] =	vst v0;
	v0 =	vld [tilespmem:s13+$0x10430]  }
0x151: {  	v1 =	vmax.f32 v1, v4;
	v7 =	vld [tilespmem:s13+$0x6440]  }
0x152: {  	[tilespmem:s13+$0x15410] =	vst v1;
	v8 =	vld [tilespmem:s13+$0x10440]  }
.Ltmp6:
0x153: {  	v2 =	vmax.f32 v2, v6;
	v1 =	vld [tilespmem:s13+$0x6450];
	(pc) =	sbr.rel @p1 .LBB2_9-.Ltmp6, $4  }
0x154: {  	[tilespmem:s13+$0x15420] =	vst v2;
	v3 =	vld [tilespmem:s13+$0x10450]  }
0x155: {  	v0 =	vmax.f32 v5, v0;
	v2 =	vld [tilespmem:s13+$0x6460]  }
0x156: {  	s15 =	sshra.s32 s17, $0x2;
	[tilespmem:s13+$0x15430] =	vst v0;
	v4 =	vld [tilespmem:s13+$0x10460]  }
0x157: {  	s17 =	sadd.s32 $0x200, s17;
	v0 =	vld [tilespmem:s15+$0x6470];
	v5 =	vmax.f32 v7, v8  }
0x158: {  	v6 =	vld [tilespmem:s15+$0x10470];
	[tilespmem:s13+$0x15440] =	vst v5  }
0x159: {  	v5 =	vld [tilespmem:s15+$0x6400];
	v1 =	vmax.f32 v1, v3  }
0x15a: {  	v3 =	vld [tilespmem:s15+$0x10400];
	[tilespmem:s13+$0x15450] =	vst v1  }
0x15b: {  	v1 =	vld [tilespmem:s15+$0x6410];
	v2 =	vmax.f32 v2, v4  }
0x15c: {  	v4 =	vld [tilespmem:s15+$0x10410];
	[tilespmem:s13+$0x15460] =	vst v2  }
0x15d: {  	v2 =	vld [tilespmem:s15+$0x6420]  }
0x15e: {  	v0 =	vmax.f32 v0, v6;
	v6 =	vld [tilespmem:s15+$0x10420]  }
0x15f: {  	[tilespmem:s15+$0x15470] =	vst v0;
	v0 =	vmax.f32 v5, v3;
	v3 =	vld [tilespmem:s15+$0x6430]  }
0x160: {  	[tilespmem:s15+$0x15400] =	vst v0;
	v0 =	vld [tilespmem:s15+$0x10430]  }
0x161: {  	v5 =	vld [tilespmem:s15+$0x6450]  }
0x162: {  	v1 =	vmax.f32 v1, v4;
	v4 =	vld [tilespmem:s15+$0x6440]  }
0x163: {  	[tilespmem:s15+$0x15410] =	vst v1;
	v1 =	vld [tilespmem:s15+$0x10440];
	v2 =	vmax.f32 v2, v6  }
0x164: {  	[tilespmem:s15+$0x15420] =	vst v2;
	v2 =	vld [tilespmem:s15+$0x10450]  }
0x165: {  	v0 =	vmax.f32 v3, v0;
	v3 =	vld [tilespmem:s15+$0x6460]  }
0x166: {  	[tilespmem:s15+$0x15430] =	vst v0;
	v0 =	vld [tilespmem:s15+$0x10460];
	_ =	sdelay $0x2  }
0x167: {  	v1 =	vmax.f32 v4, v1  }
0x168: {  	[tilespmem:s15+$0x15440] =	vst v1;
	v1 =	vmax.f32 v5, v2  }
0x169: {  	[tilespmem:s15+$0x15450] =	vst v1;
	v0 =	vmax.f32 v3, v0  }
0x16a: {  	s17 =	simm.s32 $0x0;
	[tilespmem:s15+$0x15460] =	vst v0  }
0x16b: {  	[hbm4b:s28+s17] =	stream.linear.scatter [tilespmem:s9], [sflag:$0x5], $0x5000, $0x38;
	[tilespmem:$0x1A400] =	vst v63  }
0x16c: {  	_ =	swait.ge [sflag:s31], $0x5000  }
0x16d: {  	[sflag:s31] =	ssyncset.done $0x0  }
0x16e: {  	[sflag:s31] =	ssyncadd.s32 $0xFFFFB000  }
0x16f: {  	[tilespmem:s0], [sflag:$0x5] =	stream.linear.gather [hbm4b:s19+s17], $0x500, $0x38;
	[tilespmem:$0x1A400] =	vst v63  }
0x170: {  	_ =	swait.ge [sflag:s31], $0x500  }
0x171: {  	[sflag:s31] =	ssyncset.done $0x0  }
0x172: {  	[sflag:s31] =	ssyncadd.s32 $0xFFFFFB00  }
0x173: {  	[tilespmem:s4], [sflag:$0x5] =	stream.linear.gather [hbm4b:s20+s17], $0x500, $0x38;
	[tilespmem:$0x1A400] =	vst v63  }
0x174: {  	_ =	swait.ge [sflag:s31], $0x500  }
0x175: {  	[sflag:s31] =	ssyncset.done $0x0  }
0x176: {  	[sflag:s31] =	ssyncadd.s32 $0xFFFFFB00  }
0x177: {  	[tilespmem:s5], [sflag:$0x3] =	stream.indirect.gather [hbm4b:s21+s0], $0x10, s0, s0, $0xb8;
	[tilespmem:$0x1A400] =	vst v63  }
0x178: {  	_ = 	snop  }
0x179: {  	[tilespmem:s6], [sflag:$0x4] =	stream.indirect.gather [hbm4b:s21+s0], $0x10, s4, s0, $0xb8;
	[tilespmem:$0x1A400] =	vst v63  }
0x17a: {  	_ =	swait.ge [sflag:s7], $0x5000  }
0x17b: {  	[sflag:s7] =	ssyncset.done $0x0  }
0x17c: {  	[sflag:s7] =	ssyncadd.s32 $0xFFFFB000  }
0x17d: {  	_ =	swait.ge [sflag:s8], $0x5000  }
0x17e: {  	[sflag:s8] =	ssyncset.done $0x0  }
0x17f: {  	s13 =	simm.s32 $0x0;
	[sflag:s8] =	ssyncadd.s32 $0xFFFFB000  }
0x180: {  	v0 =	vld [tilespmem:s13+$0x1470]  }
0x181: {  	v1 =	vld [tilespmem:s13+$0xB470]  }
0x182: {  	v2 =	vld [tilespmem:s13+$0x1400]  }
0x183: {  	v3 =	vld [tilespmem:s13+$0xB400]  }
0x184: {  	v4 =	vld [tilespmem:s13+$0x1410]  }
0x185: {  	v5 =	vld [tilespmem:s13+$0xB410]  }
0x186: {  	v6 =	vld [tilespmem:s13+$0x1420]  }
0x187: {  	v0 =	vmax.f32 v0, v1;
	v1 =	vld [tilespmem:s13+$0xB420]  }
0x188: {  	[tilespmem:s13+$0x15470] =	vst v0;
	v0 =	vmax.f32 v2, v3;
	v2 =	vld [tilespmem:s13+$0x1430]  }
0x189: {  	[tilespmem:s13+$0x15400] =	vst v0;
	v0 =	vld [tilespmem:s13+$0xB430]  }
0x18a: {  	v7 =	vld [tilespmem:s13+$0xB440]  }
0x18b: {  	v3 =	vmax.f32 v4, v5;
	v5 =	vld [tilespmem:s13+$0x1440]  }
0x18c: {  	[tilespmem:s13+$0x15410] =	vst v3;
	v3 =	vmax.f32 v6, v1;
	v1 =	vld [tilespmem:s13+$0x1450]  }
0x18d: {  	[tilespmem:s13+$0x15420] =	vst v3;
	v3 =	vld [tilespmem:s13+$0xB450]  }
0x18e: {  	v4 =	vld [tilespmem:s13+$0xB460];
	v0 =	vmax.f32 v2, v0  }
0x18f: {  	s15 =	simm.s32 $0x80;
	v2 =	vld [tilespmem:s13+$0x1460];
	[tilespmem:s13+$0x15430] =	vst v0  }
0x190: {  	s17 =	simm.s32 $0x400;
	v5 =	vmax.f32 v5, v7;
	v0 =	vld [tilespmem:s15+$0x1470]  }
.LBB2_11:
0x191: {  	p1 =	sne.s32 s17, $0x13E00;
	v6 =	vld [tilespmem:s15+$0xB470];
	[tilespmem:s13+$0x15440] =	vst v5  }
0x192: {  	v5 =	vld [tilespmem:s15+$0x1400];
	v1 =	vmax.f32 v1, v3  }
0x193: {  	v3 =	vld [tilespmem:s15+$0xB400];
	[tilespmem:s13+$0x15450] =	vst v1  }
0x194: {  	v1 =	vld [tilespmem:s15+$0x1410];
	v2 =	vmax.f32 v2, v4  }
0x195: {  	v4 =	vld [tilespmem:s15+$0xB410];
	[tilespmem:s13+$0x15460] =	vst v2;
	s13 =	smov.u32 s15  }
0x196: {  	v2 =	vld [tilespmem:s13+$0x1420];
	v0 =	vmax.f32 v0, v6  }
0x197: {  	v6 =	vld [tilespmem:s13+$0xB420];
	[tilespmem:s13+$0x15470] =	vst v0  }
0x198: {  	v0 =	vmax.f32 v5, v3;
	v5 =	vld [tilespmem:s13+$0x1430]  }
0x199: {  	[tilespmem:s13+$0x15400] =	vst v0;
	v0 =	vld [tilespmem:s13+$0xB430]  }
0x19a: {  	v1 =	vmax.f32 v1, v4;
	v7 =	vld [tilespmem:s13+$0x1440]  }
0x19b: {  	[tilespmem:s13+$0x15410] =	vst v1;
	v8 =	vld [tilespmem:s13+$0xB440]  }
.Ltmp7:
0x19c: {  	v2 =	vmax.f32 v2, v6;
	v1 =	vld [tilespmem:s13+$0x1450];
	(pc) =	sbr.rel @p1 .LBB2_11-.Ltmp7, $4  }
0x19d: {  	[tilespmem:s13+$0x15420] =	vst v2;
	v3 =	vld [tilespmem:s13+$0xB450]  }
0x19e: {  	v0 =	vmax.f32 v5, v0;
	v2 =	vld [tilespmem:s13+$0x1460]  }
0x19f: {  	s15 =	sshra.s32 s17, $0x2;
	[tilespmem:s13+$0x15430] =	vst v0;
	v4 =	vld [tilespmem:s13+$0xB460]  }
0x1a0: {  	s17 =	sadd.s32 $0x200, s17;
	v0 =	vld [tilespmem:s15+$0x1470];
	v5 =	vmax.f32 v7, v8  }
0x1a1: {  	v6 =	vld [tilespmem:s15+$0xB470];
	[tilespmem:s13+$0x15440] =	vst v5  }
0x1a2: {  	v5 =	vld [tilespmem:s15+$0x1400];
	v1 =	vmax.f32 v1, v3  }
0x1a3: {  	v3 =	vld [tilespmem:s15+$0xB400];
	[tilespmem:s13+$0x15450] =	vst v1  }
0x1a4: {  	v1 =	vld [tilespmem:s15+$0x1410];
	v2 =	vmax.f32 v2, v4  }
0x1a5: {  	v4 =	vld [tilespmem:s15+$0xB410];
	[tilespmem:s13+$0x15460] =	vst v2  }
0x1a6: {  	v2 =	vld [tilespmem:s15+$0x1420]  }
0x1a7: {  	v0 =	vmax.f32 v0, v6;
	v6 =	vld [tilespmem:s15+$0xB420]  }
0x1a8: {  	[tilespmem:s15+$0x15470] =	vst v0;
	v0 =	vmax.f32 v5, v3;
	v3 =	vld [tilespmem:s15+$0x1430]  }
0x1a9: {  	[tilespmem:s15+$0x15400] =	vst v0;
	v0 =	vld [tilespmem:s15+$0xB430]  }
0x1aa: {  	v5 =	vld [tilespmem:s15+$0x1450]  }
0x1ab: {  	v1 =	vmax.f32 v1, v4;
	v4 =	vld [tilespmem:s15+$0x1440]  }
0x1ac: {  	[tilespmem:s15+$0x15410] =	vst v1;
	v1 =	vld [tilespmem:s15+$0xB440];
	v2 =	vmax.f32 v2, v6  }
0x1ad: {  	[tilespmem:s15+$0x15420] =	vst v2;
	v2 =	vld [tilespmem:s15+$0xB450]  }
0x1ae: {  	v0 =	vmax.f32 v3, v0;
	v3 =	vld [tilespmem:s15+$0x1460]  }
0x1af: {  	[tilespmem:s15+$0x15430] =	vst v0;
	v0 =	vld [tilespmem:s15+$0xB460];
	_ =	sdelay $0x2  }
0x1b0: {  	v1 =	vmax.f32 v4, v1  }
0x1b1: {  	[tilespmem:s15+$0x15440] =	vst v1;
	v1 =	vmax.f32 v5, v2  }
0x1b2: {  	[tilespmem:s15+$0x15450] =	vst v1;
	v0 =	vmax.f32 v3, v0  }
0x1b3: {  	s17 =	simm.s32 $0x0;
	[tilespmem:s15+$0x15460] =	vst v0  }
0x1b4: {  	[hbm4b:s29+s17] =	stream.linear.scatter [tilespmem:s9], [sflag:$0x5], $0x5000, $0x38;
	[tilespmem:$0x1A400] =	vst v63  }
0x1b5: {  	_ =	swait.ge [sflag:s31], $0x5000  }
0x1b6: {  	[sflag:s31] =	ssyncset.done $0x0  }
0x1b7: {  	[sflag:s31] =	ssyncadd.s32 $0xFFFFB000  }
0x1b8: {  	_ =	swait.ge [sflag:s10], $0x5000  }
0x1b9: {  	[sflag:s10] =	ssyncset.done $0x0  }
0x1ba: {  	[sflag:s10] =	ssyncadd.s32 $0xFFFFB000  }
0x1bb: {  	_ =	swait.ge [sflag:s11], $0x5000  }
0x1bc: {  	[sflag:s11] =	ssyncset.done $0x0  }
0x1bd: {  	s13 =	simm.s32 $0x0;
	[sflag:s11] =	ssyncadd.s32 $0xFFFFB000  }
0x1be: {  	v0 =	vld [tilespmem:s13+$0x6470]  }
0x1bf: {  	v1 =	vld [tilespmem:s13+$0x10470]  }
0x1c0: {  	v2 =	vld [tilespmem:s13+$0x6400]  }
0x1c1: {  	v3 =	vld [tilespmem:s13+$0x10400]  }
0x1c2: {  	v4 =	vld [tilespmem:s13+$0x6410]  }
0x1c3: {  	v5 =	vld [tilespmem:s13+$0x10410]  }
0x1c4: {  	v6 =	vld [tilespmem:s13+$0x6420]  }
0x1c5: {  	v0 =	vmax.f32 v0, v1;
	v1 =	vld [tilespmem:s13+$0x10420]  }
0x1c6: {  	[tilespmem:s13+$0x15470] =	vst v0;
	v0 =	vmax.f32 v2, v3;
	v2 =	vld [tilespmem:s13+$0x6430]  }
0x1c7: {  	[tilespmem:s13+$0x15400] =	vst v0;
	v0 =	vld [tilespmem:s13+$0x10430]  }
0x1c8: {  	v7 =	vld [tilespmem:s13+$0x10440]  }
0x1c9: {  	v3 =	vmax.f32 v4, v5;
	v5 =	vld [tilespmem:s13+$0x6440]  }
0x1ca: {  	[tilespmem:s13+$0x15410] =	vst v3;
	v3 =	vmax.f32 v6, v1;
	v1 =	vld [tilespmem:s13+$0x6450]  }
0x1cb: {  	[tilespmem:s13+$0x15420] =	vst v3;
	v3 =	vld [tilespmem:s13+$0x10450]  }
0x1cc: {  	v4 =	vld [tilespmem:s13+$0x10460];
	v0 =	vmax.f32 v2, v0  }
0x1cd: {  	s15 =	simm.s32 $0x80;
	v2 =	vld [tilespmem:s13+$0x6460];
	[tilespmem:s13+$0x15430] =	vst v0  }
0x1ce: {  	s17 =	simm.s32 $0x400;
	v5 =	vmax.f32 v5, v7;
	v0 =	vld [tilespmem:s15+$0x6470]  }
.LBB2_13:
0x1cf: {  	p1 =	seq.s32 s17, $0x13E00;
	v6 =	vld [tilespmem:s15+$0x10470];
	[tilespmem:s13+$0x15440] =	vst v5  }
0x1d0: {  	v5 =	vld [tilespmem:s15+$0x6400];
	v1 =	vmax.f32 v1, v3  }
0x1d1: {  	v3 =	vld [tilespmem:s15+$0x10400];
	[tilespmem:s13+$0x15450] =	vst v1  }
0x1d2: {  	v1 =	vld [tilespmem:s15+$0x6410];
	v2 =	vmax.f32 v2, v4  }
0x1d3: {  	v4 =	vld [tilespmem:s15+$0x10410];
	[tilespmem:s13+$0x15460] =	vst v2;
	s13 =	smov.u32 s15  }
0x1d4: {  	v2 =	vld [tilespmem:s13+$0x6420];
	v0 =	vmax.f32 v0, v6  }
0x1d5: {  	v6 =	vld [tilespmem:s13+$0x10420];
	[tilespmem:s13+$0x15470] =	vst v0  }
0x1d6: {  	v0 =	vmax.f32 v5, v3;
	v5 =	vld [tilespmem:s13+$0x6430]  }
0x1d7: {  	[tilespmem:s13+$0x15400] =	vst v0;
	v0 =	vld [tilespmem:s13+$0x10430]  }
0x1d8: {  	v1 =	vmax.f32 v1, v4;
	v7 =	vld [tilespmem:s13+$0x6440]  }
0x1d9: {  	[tilespmem:s13+$0x15410] =	vst v1;
	v8 =	vld [tilespmem:s13+$0x10440]  }
.Ltmp8:
0x1da: {  	v2 =	vmax.f32 v2, v6;
	v1 =	vld [tilespmem:s13+$0x6450];
	(pc) =	sbr.rel @!p1 .LBB2_13-.Ltmp8, $4  }
0x1db: {  	[tilespmem:s13+$0x15420] =	vst v2;
	v3 =	vld [tilespmem:s13+$0x10450]  }
0x1dc: {  	v0 =	vmax.f32 v5, v0;
	v2 =	vld [tilespmem:s13+$0x6460]  }
0x1dd: {  	s15 =	sshra.s32 s17, $0x2;
	[tilespmem:s13+$0x15430] =	vst v0;
	v4 =	vld [tilespmem:s13+$0x10460]  }
0x1de: {  	s17 =	sadd.s32 $0x200, s17;
	v0 =	vld [tilespmem:s15+$0x6470];
	v5 =	vmax.f32 v7, v8  }
0x1df: {  	v6 =	vld [tilespmem:s15+$0x10470];
	[tilespmem:s13+$0x15440] =	vst v5  }
0x1e0: {  	v5 =	vld [tilespmem:s15+$0x6400];
	v1 =	vmax.f32 v1, v3  }
0x1e1: {  	v51 =	vld [tilespmem:s15+$0x10400];
	[tilespmem:s13+$0x15450] =	vst v1  }
0x1e2: {  	v1 =	vld [tilespmem:s15+$0x6410];
	v2 =	vmax.f32 v2, v4  }
0x1e3: {  	v52 =	vld [tilespmem:s15+$0x10410];
	[tilespmem:s13+$0x15460] =	vst v2  }
0x1e4: {  	v2 =	vld [tilespmem:s15+$0x6420]  }
0x1e5: {  	v53 =	vld [tilespmem:s15+$0x10420]  }
0x1e6: {  	v55 =	vld [tilespmem:s15+$0x6430]  }
0x1e7: {  	v56 =	vld [tilespmem:s15+$0x10430]  }
0x1e8: {  	v57 =	vld [tilespmem:s15+$0x6440]  }
0x1e9: {  	v58 =	vld [tilespmem:s15+$0x10440]  }
0x1ea: {  	v59 =	vld [tilespmem:s15+$0x6450]  }
0x1eb: {  	v0 =	vmax.f32 v0, v6;
	v60 =	vld [tilespmem:s15+$0x10450]  }
0x1ec: {  	v61 =	vld [tilespmem:s15+$0x6460];
	[tilespmem:s15+$0x15470] =	vst v0;
	v54 =	vmax.f32 v5, v51  }
0x1ed: {  	v62 =	vld [tilespmem:s15+$0x10460];
	[tilespmem:s15+$0x15400] =	vst v54;
	v1 =	vmax.f32 v1, v52  }
0x1ee: {  	[tilespmem:s15+$0x15410] =	vst v1;
	v2 =	vmax.f32 v2, v53  }
.Ltmp9:
0x1ef: {  	v0 =	vmax.f32 v55, v56;
	[tilespmem:s15+$0x15420] =	vst v2;
	(pc) =	sbr.rel .LBB2_20-.Ltmp9, $4  }
0x1f0: {  	v1 =	vmax.f32 v57, v58;
	[tilespmem:s15+$0x15430] =	vst v0  }
0x1f1: {  	v63 =	vmax.f32 v59, v60;
	[tilespmem:s15+$0x15440] =	vst v1  }
0x1f2: {  	[tilespmem:s15+$0x15450] =	vst v63;
	v0 =	vmax.f32 v61, v62  }
0x1f3: {  	s13 =	smov.u32 s14;
	[tilespmem:s15+$0x15460] =	vst v0  }
.LBB2_15:
0x1f4: {  	s15 =	rddreg [dreg:$0x2]  }
0x1f5: {  	[tilespmem:s13], [sflag:$0x5] =	stream.linear.gather [hbm4b:s15+s13], $0x500, $0x38;
	[tilespmem:$0x1A400] =	vst v63  }
0x1f6: {  	_ =	swait.ge [sflag:s31], $0x500  }
0x1f7: {  	[sflag:s31] =	ssyncset.done $0x0  }
0x1f8: {  	s17 =	rddreg [dreg:$0x3];
	[sflag:s31] =	ssyncadd.s32 $0xFFFFFB00  }
0x1f9: {  	[tilespmem:s16], [sflag:$0x5] =	stream.linear.gather [hbm4b:s17+s13], $0x500, $0x38;
	[tilespmem:$0x1A400] =	vst v63  }
0x1fa: {  	_ =	swait.ge [sflag:s31], $0x500  }
0x1fb: {  	[sflag:s31] =	ssyncset.done $0x0  }
0x1fc: {  	[sflag:s31] =	ssyncadd.s32 $0xFFFFFB00  }
0x1fd: {  	[tilespmem:s1], [sflag:$0x1] =	stream.indirect.gather [hbm4b:s21+s0], $0x10, s13, s0, $0xb8;
	[tilespmem:$0x1A400] =	vst v63  }
0x1fe: {  	_ = 	snop  }
0x1ff: {  	[tilespmem:s3], [sflag:$0x2] =	stream.indirect.gather [hbm4b:s21+s0], $0x10, s16, s0, $0xb8;
	[tilespmem:$0x1A400] =	vst v63  }
0x200: {  	s17 =	rddreg [dreg:$0x4]  }
0x201: {  	[tilespmem:s0], [sflag:$0x5] =	stream.linear.gather [hbm4b:s17+s13], $0x500, $0x38;
	[tilespmem:$0x1A400] =	vst v63  }
0x202: {  	_ =	swait.ge [sflag:s31], $0x500  }
0x203: {  	[sflag:s31] =	ssyncset.done $0x0  }
0x204: {  	s17 =	rddreg [dreg:$0x5];
	[sflag:s31] =	ssyncadd.s32 $0xFFFFFB00  }
0x205: {  	[tilespmem:s4], [sflag:$0x5] =	stream.linear.gather [hbm4b:s17+s13], $0x500, $0x38;
	[tilespmem:$0x1A400] =	vst v63  }
0x206: {  	_ =	swait.ge [sflag:s31], $0x500  }
0x207: {  	[sflag:s31] =	ssyncset.done $0x0  }
0x208: {  	[sflag:s31] =	ssyncadd.s32 $0xFFFFFB00  }
0x209: {  	[tilespmem:s5], [sflag:$0x3] =	stream.indirect.gather [hbm4b:s21+s0], $0x10, s0, s0, $0xb8;
	[tilespmem:$0x1A400] =	vst v63  }
0x20a: {  	_ = 	snop  }
0x20b: {  	[tilespmem:s6], [sflag:$0x4] =	stream.indirect.gather [hbm4b:s21+s0], $0x10, s4, s0, $0xb8;
	[tilespmem:$0x1A400] =	vst v63  }
0x20c: {  	_ =	swait.ge [sflag:s7], $0x5000  }
0x20d: {  	[sflag:s7] =	ssyncset.done $0x0  }
0x20e: {  	[sflag:s7] =	ssyncadd.s32 $0xFFFFB000  }
0x20f: {  	_ =	swait.ge [sflag:s8], $0x5000  }
0x210: {  	[sflag:s8] =	ssyncset.done $0x0  }
0x211: {  	s13 =	simm.s32 $0x0;
	[sflag:s8] =	ssyncadd.s32 $0xFFFFB000  }
0x212: {  	v0 =	vld [tilespmem:s13+$0x1470]  }
0x213: {  	v1 =	vld [tilespmem:s13+$0xB470]  }
0x214: {  	v2 =	vld [tilespmem:s13+$0x1400]  }
0x215: {  	v3 =	vld [tilespmem:s13+$0xB400]  }
0x216: {  	v4 =	vld [tilespmem:s13+$0x1410]  }
0x217: {  	v5 =	vld [tilespmem:s13+$0xB410]  }
0x218: {  	v6 =	vld [tilespmem:s13+$0x1420]  }
0x219: {  	v0 =	vmax.f32 v0, v1;
	v1 =	vld [tilespmem:s13+$0xB420]  }
0x21a: {  	[tilespmem:s13+$0x15470] =	vst v0;
	v0 =	vmax.f32 v2, v3;
	v2 =	vld [tilespmem:s13+$0x1430]  }
0x21b: {  	[tilespmem:s13+$0x15400] =	vst v0;
	v0 =	vld [tilespmem:s13+$0xB430]  }
0x21c: {  	v7 =	vld [tilespmem:s13+$0xB440]  }
0x21d: {  	v3 =	vmax.f32 v4, v5;
	v5 =	vld [tilespmem:s13+$0x1440]  }
0x21e: {  	[tilespmem:s13+$0x15410] =	vst v3;
	v3 =	vmax.f32 v6, v1;
	v1 =	vld [tilespmem:s13+$0x1450]  }
0x21f: {  	[tilespmem:s13+$0x15420] =	vst v3;
	v3 =	vld [tilespmem:s13+$0xB450]  }
0x220: {  	v4 =	vld [tilespmem:s13+$0xB460];
	v0 =	vmax.f32 v2, v0  }
0x221: {  	s15 =	simm.s32 $0x80;
	v2 =	vld [tilespmem:s13+$0x1460];
	[tilespmem:s13+$0x15430] =	vst v0  }
0x222: {  	s17 =	simm.s32 $0x400;
	v5 =	vmax.f32 v5, v7;
	v0 =	vld [tilespmem:s15+$0x1470]  }
.LBB2_16:
0x223: {  	p1 =	sne.s32 s17, $0x13E00;
	v6 =	vld [tilespmem:s15+$0xB470];
	[tilespmem:s13+$0x15440] =	vst v5  }
0x224: {  	v5 =	vld [tilespmem:s15+$0x1400];
	v1 =	vmax.f32 v1, v3  }
0x225: {  	v3 =	vld [tilespmem:s15+$0xB400];
	[tilespmem:s13+$0x15450] =	vst v1  }
0x226: {  	v1 =	vld [tilespmem:s15+$0x1410];
	v2 =	vmax.f32 v2, v4  }
0x227: {  	v4 =	vld [tilespmem:s15+$0xB410];
	[tilespmem:s13+$0x15460] =	vst v2;
	s13 =	smov.u32 s15  }
0x228: {  	v2 =	vld [tilespmem:s13+$0x1420];
	v0 =	vmax.f32 v0, v6  }
0x229: {  	v6 =	vld [tilespmem:s13+$0xB420];
	[tilespmem:s13+$0x15470] =	vst v0  }
0x22a: {  	v0 =	vmax.f32 v5, v3;
	v5 =	vld [tilespmem:s13+$0x1430]  }
0x22b: {  	[tilespmem:s13+$0x15400] =	vst v0;
	v0 =	vld [tilespmem:s13+$0xB430]  }
0x22c: {  	v1 =	vmax.f32 v1, v4;
	v7 =	vld [tilespmem:s13+$0x1440]  }
0x22d: {  	[tilespmem:s13+$0x15410] =	vst v1;
	v8 =	vld [tilespmem:s13+$0xB440]  }
.Ltmp10:
0x22e: {  	v2 =	vmax.f32 v2, v6;
	v1 =	vld [tilespmem:s13+$0x1450];
	(pc) =	sbr.rel @p1 .LBB2_16-.Ltmp10, $4  }
0x22f: {  	[tilespmem:s13+$0x15420] =	vst v2;
	v3 =	vld [tilespmem:s13+$0xB450]  }
0x230: {  	v0 =	vmax.f32 v5, v0;
	v2 =	vld [tilespmem:s13+$0x1460]  }
0x231: {  	s15 =	sshra.s32 s17, $0x2;
	[tilespmem:s13+$0x15430] =	vst v0;
	v4 =	vld [tilespmem:s13+$0xB460]  }
0x232: {  	s17 =	sadd.s32 $0x200, s17;
	v0 =	vld [tilespmem:s15+$0x1470];
	v5 =	vmax.f32 v7, v8  }
0x233: {  	v6 =	vld [tilespmem:s15+$0xB470];
	[tilespmem:s13+$0x15440] =	vst v5  }
0x234: {  	v5 =	vld [tilespmem:s15+$0x1400];
	v1 =	vmax.f32 v1, v3  }
0x235: {  	v3 =	vld [tilespmem:s15+$0xB400];
	[tilespmem:s13+$0x15450] =	vst v1  }
0x236: {  	v1 =	vld [tilespmem:s15+$0x1410];
	v2 =	vmax.f32 v2, v4  }
0x237: {  	v4 =	vld [tilespmem:s15+$0xB410];
	[tilespmem:s13+$0x15460] =	vst v2  }
0x238: {  	v2 =	vld [tilespmem:s15+$0x1420]  }
0x239: {  	v0 =	vmax.f32 v0, v6;
	v6 =	vld [tilespmem:s15+$0xB420]  }
0x23a: {  	[tilespmem:s15+$0x15470] =	vst v0;
	v0 =	vmax.f32 v5, v3;
	v3 =	vld [tilespmem:s15+$0x1430]  }
0x23b: {  	[tilespmem:s15+$0x15400] =	vst v0;
	v0 =	vld [tilespmem:s15+$0xB430]  }
0x23c: {  	v5 =	vld [tilespmem:s15+$0x1450]  }
0x23d: {  	v1 =	vmax.f32 v1, v4;
	v4 =	vld [tilespmem:s15+$0x1440]  }
0x23e: {  	[tilespmem:s15+$0x15410] =	vst v1;
	v1 =	vld [tilespmem:s15+$0xB440];
	v2 =	vmax.f32 v2, v6  }
0x23f: {  	[tilespmem:s15+$0x15420] =	vst v2;
	v2 =	vld [tilespmem:s15+$0xB450]  }
0x240: {  	v0 =	vmax.f32 v3, v0;
	v3 =	vld [tilespmem:s15+$0x1460]  }
0x241: {  	[tilespmem:s15+$0x15430] =	vst v0;
	v0 =	vld [tilespmem:s15+$0xB460];
	_ =	sdelay $0x2  }
0x242: {  	v1 =	vmax.f32 v4, v1  }
0x243: {  	[tilespmem:s15+$0x15440] =	vst v1;
	v1 =	vmax.f32 v5, v2  }
0x244: {  	[tilespmem:s15+$0x15450] =	vst v1;
	v0 =	vmax.f32 v3, v0  }
0x245: {  	s17 =	simm.s32 $0x0;
	[tilespmem:s15+$0x15460] =	vst v0  }
0x246: {  	[hbm4b:s23+s17] =	stream.linear.scatter [tilespmem:s9], [sflag:$0x5], $0x5000, $0x38;
	[tilespmem:$0x1A400] =	vst v63  }
0x247: {  	_ =	swait.ge [sflag:s31], $0x5000  }
0x248: {  	[sflag:s31] =	ssyncset.done $0x0  }
0x249: {  	[sflag:s31] =	ssyncadd.s32 $0xFFFFB000  }
0x24a: {  	_ =	swait.ge [sflag:s10], $0x5000  }
0x24b: {  	[sflag:s10] =	ssyncset.done $0x0  }
0x24c: {  	[sflag:s10] =	ssyncadd.s32 $0xFFFFB000  }
0x24d: {  	_ =	swait.ge [sflag:s11], $0x5000  }
0x24e: {  	[sflag:s11] =	ssyncset.done $0x0  }
0x24f: {  	s13 =	simm.s32 $0x0;
	[sflag:s11] =	ssyncadd.s32 $0xFFFFB000  }
0x250: {  	v0 =	vld [tilespmem:s13+$0x6470]  }
0x251: {  	v1 =	vld [tilespmem:s13+$0x10470]  }
0x252: {  	v2 =	vld [tilespmem:s13+$0x6400]  }
0x253: {  	v3 =	vld [tilespmem:s13+$0x10400]  }
0x254: {  	v4 =	vld [tilespmem:s13+$0x6410]  }
0x255: {  	v5 =	vld [tilespmem:s13+$0x10410]  }
0x256: {  	v6 =	vld [tilespmem:s13+$0x6420]  }
0x257: {  	v0 =	vmax.f32 v0, v1;
	v1 =	vld [tilespmem:s13+$0x10420]  }
0x258: {  	[tilespmem:s13+$0x15470] =	vst v0;
	v0 =	vmax.f32 v2, v3;
	v2 =	vld [tilespmem:s13+$0x6430]  }
0x259: {  	[tilespmem:s13+$0x15400] =	vst v0;
	v0 =	vld [tilespmem:s13+$0x10430]  }
0x25a: {  	v7 =	vld [tilespmem:s13+$0x10440]  }
0x25b: {  	v3 =	vmax.f32 v4, v5;
	v5 =	vld [tilespmem:s13+$0x6440]  }
0x25c: {  	[tilespmem:s13+$0x15410] =	vst v3;
	v3 =	vmax.f32 v6, v1;
	v1 =	vld [tilespmem:s13+$0x6450]  }
0x25d: {  	[tilespmem:s13+$0x15420] =	vst v3;
	v3 =	vld [tilespmem:s13+$0x10450]  }
0x25e: {  	v4 =	vld [tilespmem:s13+$0x10460];
	v0 =	vmax.f32 v2, v0  }
0x25f: {  	s15 =	simm.s32 $0x80;
	v2 =	vld [tilespmem:s13+$0x6460];
	[tilespmem:s13+$0x15430] =	vst v0  }
0x260: {  	s17 =	simm.s32 $0x400;
	v5 =	vmax.f32 v5, v7;
	v0 =	vld [tilespmem:s15+$0x6470]  }
.LBB2_18:
0x261: {  	p1 =	sne.s32 s17, $0x13E00;
	v6 =	vld [tilespmem:s15+$0x10470];
	[tilespmem:s13+$0x15440] =	vst v5  }
0x262: {  	v1 =	vmax.f32 v1, v3;
	v5 =	vld [tilespmem:s15+$0x6400]  }
0x263: {  	v3 =	vld [tilespmem:s15+$0x10400];
	[tilespmem:s13+$0x15450] =	vst v1  }
0x264: {  	v2 =	vmax.f32 v2, v4;
	v1 =	vld [tilespmem:s15+$0x6410]  }
0x265: {  	v4 =	vld [tilespmem:s15+$0x10410];
	[tilespmem:s13+$0x15460] =	vst v2;
	s13 =	smov.u32 s15  }
0x266: {  	v2 =	vld [tilespmem:s13+$0x6420];
	v0 =	vmax.f32 v0, v6  }
0x267: {  	v6 =	vld [tilespmem:s13+$0x10420];
	[tilespmem:s13+$0x15470] =	vst v0  }
0x268: {  	v0 =	vmax.f32 v5, v3;
	v5 =	vld [tilespmem:s13+$0x6430]  }
0x269: {  	[tilespmem:s13+$0x15400] =	vst v0;
	v0 =	vld [tilespmem:s13+$0x10430]  }
0x26a: {  	v1 =	vmax.f32 v1, v4;
	v7 =	vld [tilespmem:s13+$0x6440]  }
0x26b: {  	[tilespmem:s13+$0x15410] =	vst v1;
	v8 =	vld [tilespmem:s13+$0x10440]  }
.Ltmp11:
0x26c: {  	v2 =	vmax.f32 v2, v6;
	v1 =	vld [tilespmem:s13+$0x6450];
	(pc) =	sbr.rel @p1 .LBB2_18-.Ltmp11, $4  }
0x26d: {  	[tilespmem:s13+$0x15420] =	vst v2;
	v3 =	vld [tilespmem:s13+$0x10450]  }
0x26e: {  	v0 =	vmax.f32 v5, v0;
	v2 =	vld [tilespmem:s13+$0x6460]  }
0x26f: {  	s15 =	sshra.s32 s17, $0x2;
	[tilespmem:s13+$0x15430] =	vst v0;
	v4 =	vld [tilespmem:s13+$0x10460]  }
0x270: {  	s17 =	sadd.s32 $0x200, s17;
	v0 =	vld [tilespmem:s15+$0x6470];
	v5 =	vmax.f32 v7, v8  }
.Ltmp12:
0x271: {  	_ = 	snop;
	(pc) =	sbr.rel .LBB2_19-.Ltmp12, $1  }
0x272: {  	_ =	sdelay $0x3  }
.LBB2_21:
0x273: {  	_ =	sfence.sel $0x180000  }
0x274: {  	[bflag:$0x0] =	sbarrier.arrive $0xFFFF  }
0x275: {  	_ =	strace $0x90000047  }
0x276: {  	s0 =	stileid.u32;
	[bflag:$0x2] =	sbarrier.arrive $0xFFFF  }
0x277: {  	p0 =	sne.s32 s0, $0x0;
	s0 =	rddreg [dreg:$0x1]  }
0x278: {  	s0 =	sadd.s32 @!p0 $0x100000, s0  }
0x279: {  	[sflag:s0] =	ssyncadd.tile.s32 @!p0 $0x1;
	_ =	shalt  }
.Lfunc_end2:
_tile_overlayer_lowered:
.L_overlay_start_2:
0x27a: {  	(tag) =	ssettag $0x2  }
0x27b: {  	s0 =	rddreg [dreg:$0x0];
	s2 =	stileid.u32  }
0x27c: {  	s1 =	rddreg [dreg:$0x1];
	p0 =	sne.s32 s2, $0x0  }
0x27d: {  	s3 =	rddreg [dreg:$0x2];
	[bflag:$0x3] =	sbarrier.arrive $0xFFFF;
	s2 =	simm.s32 @!p0 $0x1C05  }
0x27e: {  	[timem:s3], [sflag:s2] =	dma.local @!p0 [hbm:s0], s1  }
0x27f: {  	s0 =	simm.s32 @!p0 $0x5  }
0x280: {  	_ =	swait.ge @!p0 [sflag:s0], s1  }
0x281: {  	s1 =	ssub.s32 @!p0 $0x0, s1;
	[sflag:s0] =	ssyncset.done @!p0 $0x0  }
0x282: {  	[sflag:s0] =	ssyncadd.s32 @!p0 s1  }
0x283: {  	[bflag:$0x3] =	sbarrier.arrive $0xFFFF  }
0x284: {  	_ =	shalt  }

</sc_bundles>
